<compile_context>
chip_gen: v7x
topology: tpu7x:2x2x1
jax: 0.10.2.dev20260603
libtpu: 0.0.44.dev20260713+nightly
codegen_flags: <defaults>
</compile_context>

<pallas_src>
import functools

import jax
import jax.numpy as jnp
import numpy as np
from jax import lax
from jax.experimental import pallas as pl
from jax.experimental.pallas import tpu as pltpu
from jax.experimental.pallas import tpu_sc as plsc

NN = 10000
EE = 320000
NSEG = 64
NC = 2
NS = 16
NW = NC * NS
CHUNK = 128
EPAD = 327680
NCH_E = EPAD // NW // CHUNK
NCH_F = EPAD // NS // CHUNK
SUP = 8
NSUP_E = NCH_E // SUP
NSUP_F = NCH_F // SUP
NPAD = 10240
ZR = NPAD // NS
ZCP = ZR // CHUNK
NB = 1000
GRID = NN // NB
FW = 128


def _make_deg():
    mesh = plsc.VectorSubcoreMesh(core_axis_name="c", subcore_axis_name="s")

    @functools.partial(
        pl.kernel,
        out_type=jax.ShapeDtypeStruct((NC, NPAD, FW), jnp.float32),
        mesh=mesh,
        scratch_types=[
            pltpu.VMEM((NCH_E, CHUNK), jnp.int32),
            pltpu.VMEM((CHUNK, FW), jnp.float32),
            pltpu.VMEM_SHARED((NPAD, FW), jnp.float32),
        ],
    )
    def degk(dstw, ones_h, zeros_h, out, didx, ones_v, acc):
        c = lax.axis_index("c")
        s = lax.axis_index("s")
        w = c * NS + s
        pltpu.sync_copy(dstw.at[w], didx)
        pltpu.sync_copy(ones_h, ones_v)
        for z in range(ZCP):
            pltpu.sync_copy(zeros_h, acc.at[pl.ds(s * ZR + z * CHUNK, CHUNK)])
        plsc.subcore_barrier()

        def body(j, carry):
            pltpu.sync_copy(ones_v, acc.at[didx.at[j]], add=True)
            return carry

        lax.fori_loop(0, NCH_E, body, 0)
        plsc.subcore_barrier()
        pltpu.sync_copy(acc.at[pl.ds(s * ZR, ZR)], out.at[c, pl.ds(s * ZR, ZR)])

    return degk


def _make_scatter(nsup, feature_split):
    mesh = plsc.VectorSubcoreMesh(core_axis_name="c", subcore_axis_name="s")

    @functools.partial(
        pl.kernel,
        out_type=jax.ShapeDtypeStruct((NC, NPAD, FW), jnp.float32),
        mesh=mesh,
        scratch_types=[
            pltpu.VMEM((2, SUP, CHUNK), jnp.int32),
            pltpu.VMEM((2, SUP, CHUNK), jnp.int32),
            pltpu.VMEM((CHUNK, FW), jnp.float32),
            pltpu.VMEM((CHUNK, FW), jnp.float32),
            pltpu.VMEM_SHARED((NPAD, FW), jnp.float32),
            pltpu.SemaphoreType.DMA,
            pltpu.SemaphoreType.DMA,
        ],
    )
    def sck(gtab0, gtab1, srcw, dstw, zeros_h, out,
            sidxb, didxb, rowa, rowb, acc, sa, sb):
        c = lax.axis_index("c")
        s = lax.axis_index("s")
        w = s if feature_split else c * NS + s

        def gather(p, k, row, sem):
            idx = sidxb.at[p, k]
            if feature_split:
                @pl.when(c == 0)
                def _g0():
                    pltpu.async_copy(gtab0.at[idx], row, sem)

                @pl.when(c == 1)
                def _g1():
                    pltpu.async_copy(gtab1.at[idx], row, sem)
            else:
                pltpu.async_copy(gtab0.at[idx], row, sem)

        pltpu.sync_copy(srcw.at[w, 0], sidxb.at[0])
        pltpu.sync_copy(dstw.at[w, 0], didxb.at[0])
        for z in range(ZCP):
            pltpu.sync_copy(zeros_h, acc.at[pl.ds(s * ZR + z * CHUNK, CHUNK)])
        plsc.subcore_barrier()

        gather(0, 0, rowa, sa)
        gather(0, 1, rowb, sb)
        pltpu.sync_copy(srcw.at[w, 1], sidxb.at[1])
        pltpu.sync_copy(dstw.at[w, 1], didxb.at[1])

        def outer(sc, carry):
            p = lax.rem(sc, 2)
            pn = 1 - p
            for k in range(SUP):
                row, sem = (rowa, sa) if k % 2 == 0 else (rowb, sb)
                pltpu.make_async_copy(gtab0.at[sidxb.at[p, k]], row, sem).wait()
                pltpu.sync_copy(row, acc.at[didxb.at[p, k]], add=True)
                if k < SUP - 2:
                    gather(p, k + 2, row, sem)
                else:
                    @pl.when(sc < nsup - 1)
                    def _pf(row=row, sem=sem, k=k):
                        gather(pn, k + 2 - SUP, row, sem)

            @pl.when(sc < nsup - 2)
            def _pidx():
                pltpu.sync_copy(srcw.at[w, sc + 2], sidxb.at[p])
                pltpu.sync_copy(dstw.at[w, sc + 2], didxb.at[p])

            return carry

        lax.fori_loop(0, nsup, outer, 0)
        plsc.subcore_barrier()
        pltpu.sync_copy(acc.at[pl.ds(s * ZR, ZR)], out.at[c, pl.ds(s * ZR, ZR)])

    return sck


_DEG = _make_deg()
_SCAT_E = _make_scatter(NSUP_E, False)
_SCAT_F = _make_scatter(NSUP_F, True)


def _pre_body(x_ref, w1_ref, deg_ref, g_ref, dinv_ref):
    deg = (deg_ref[0] + deg_ref[1])[:, :1] + 1.0
    dinv = lax.rsqrt(deg)
    h = jnp.dot(x_ref[...], w1_ref[...], preferred_element_type=jnp.float32)
    g_ref[...] = jnp.concatenate(
        [h * dinv, jnp.zeros((NB, 64), jnp.float32)], axis=1)
    dinv_ref[...] = dinv


def _pre_call(x, W1, degraw):
    return pl.pallas_call(
        _pre_body,
        grid=(GRID,),
        in_specs=[
            pl.BlockSpec((NB, 128), lambda i: (i, 0)),
            pl.BlockSpec((128, 64), lambda i: (0, 0)),
            pl.BlockSpec((NC, NB, FW), lambda i: (0, i, 0)),
        ],
        out_specs=[
            pl.BlockSpec((NB, FW), lambda i: (i, 0)),
            pl.BlockSpec((NB, 1), lambda i: (i, 0)),
        ],
        out_shape=[
            jax.ShapeDtypeStruct((NN, FW), jnp.float32),
            jax.ShapeDtypeStruct((NN, 1), jnp.float32),
        ],
    )(x, W1, degraw)


def _mid1_body(acc_ref, g_ref, dinv_ref, b_ref, w_ref, out_ref):
    dinv = dinv_ref[...]
    a = (acc_ref[0] + acc_ref[1] + g_ref[...])[:, :64]
    a = jnp.maximum(dinv * a + b_ref[...], 0.0)
    h = jnp.dot(a, w_ref[...], preferred_element_type=jnp.float32)
    out_ref[...] = h * dinv


def _mid1_call(acc, g, dinv, b, W):
    return pl.pallas_call(
        _mid1_body,
        grid=(GRID,),
        in_specs=[
            pl.BlockSpec((NC, NB, FW), lambda i: (0, i, 0)),
            pl.BlockSpec((NB, FW), lambda i: (i, 0)),
            pl.BlockSpec((NB, 1), lambda i: (i, 0)),
            pl.BlockSpec((1, 64), lambda i: (0, 0)),
            pl.BlockSpec((64, 128), lambda i: (0, 0)),
        ],
        out_specs=pl.BlockSpec((NB, FW), lambda i: (i, 0)),
        out_shape=jax.ShapeDtypeStruct((NN, FW), jnp.float32),
    )(acc, g, dinv, b, W)


def _mid2_body(acc_ref, g_ref, dinv_ref, b_ref, w_ref, outa_ref, outb_ref):
    dinv = dinv_ref[...]
    a = acc_ref[0] + acc_ref[1] + g_ref[...]
    a = jnp.maximum(dinv * a + b_ref[...], 0.0)
    h = jnp.dot(a, w_ref[...], preferred_element_type=jnp.float32)
    gn = h * dinv
    outa_ref[...] = gn[:, :FW]
    outb_ref[...] = gn[:, FW:]


def _mid2_call(acc, g, dinv, b, W):
    return pl.pallas_call(
        _mid2_body,
        grid=(GRID,),
        in_specs=[
            pl.BlockSpec((NC, NB, FW), lambda i: (0, i, 0)),
            pl.BlockSpec((NB, FW), lambda i: (i, 0)),
            pl.BlockSpec((NB, 1), lambda i: (i, 0)),
            pl.BlockSpec((1, 128), lambda i: (0, 0)),
            pl.BlockSpec((128, 256), lambda i: (0, 0)),
        ],
        out_specs=[
            pl.BlockSpec((NB, FW), lambda i: (i, 0)),
            pl.BlockSpec((NB, FW), lambda i: (i, 0)),
        ],
        out_shape=[
            jax.ShapeDtypeStruct((NN, FW), jnp.float32),
            jax.ShapeDtypeStruct((NN, FW), jnp.float32),
        ],
    )(acc, g, dinv, b, W)


def _post_body(acc_ref, ga_ref, gb_ref, dinv_ref, b_ref, bat_ref, lw1_ref,
               lb1_ref, gam_ref, bet_ref, lw2_ref, lb2_ref, out_ref, pool_ref):
    i = pl.program_id(0)

    @pl.when(i == 0)
    def _init():
        pool_ref[...] = jnp.full((NSEG, 256), -jnp.inf, jnp.float32)

    dinv = dinv_ref[...]
    a = jnp.concatenate(
        [acc_ref[0] + ga_ref[...], acc_ref[1] + gb_ref[...]], axis=1)
    a = jnp.maximum(dinv * a + b_ref[...], 0.0)
    bb = bat_ref[...]
    lo = jnp.min(bb)
    hi = jnp.max(bb)

    def seg_body(gid, carry):
        m = jnp.max(jnp.where(bb == gid, a, -jnp.inf), axis=0)
        cur = pool_ref[pl.ds(gid, 1), :]
        pool_ref[pl.ds(gid, 1), :] = jnp.maximum(cur, m[None, :])
        return carry

    lax.fori_loop(lo, hi + 1, seg_body, 0)

    @pl.when(i == pl.num_programs(0) - 1)
    def _fin():
        pooled = pool_ref[...]
        pooled = jnp.where(pooled > -3e38, pooled, 0.0)
        z = jnp.dot(pooled, lw1_ref[...], preferred_element_type=jnp.float32)
        z = jnp.maximum(z + lb1_ref[...], 0.0)
        z = gam_ref[...] * (z * np.float32(1.0 / np.sqrt(1.0 + 1e-5))) + bet_ref[...]
        out_ref[...] = jnp.dot(z, lw2_ref[...], preferred_element_type=jnp.float32) + lb2_ref[...]


def _post_call(acc, ga, gb, dinv, b3, batch2, lw1, lb1, gamma, beta, lw2, lb2):
    return pl.pallas_call(
        _post_body,
        grid=(GRID,),
        in_specs=[
            pl.BlockSpec((NC, NB, FW), lambda i: (0, i, 0)),
            pl.BlockSpec((NB, FW), lambda i: (i, 0)),
            pl.BlockSpec((NB, FW), lambda i: (i, 0)),
            pl.BlockSpec((NB, 1), lambda i: (i, 0)),
            pl.BlockSpec((1, 256), lambda i: (0, 0)),
            pl.BlockSpec((NB, 1), lambda i: (i, 0)),
            pl.BlockSpec((256, 128), lambda i: (0, 0)),
            pl.BlockSpec((1, 128), lambda i: (0, 0)),
            pl.BlockSpec((1, 128), lambda i: (0, 0)),
            pl.BlockSpec((1, 128), lambda i: (0, 0)),
            pl.BlockSpec((128, 1), lambda i: (0, 0)),
            pl.BlockSpec((1, 1), lambda i: (0, 0)),
        ],
        out_specs=pl.BlockSpec((NSEG, 1), lambda i: (0, 0)),
        out_shape=jax.ShapeDtypeStruct((NSEG, 1), jnp.float32),
        scratch_shapes=[pltpu.VMEM((NSEG, 256), jnp.float32)],
        compiler_params=pltpu.CompilerParams(
            dimension_semantics=("arbitrary",)),
    )(acc, ga, gb, dinv, b3, batch2, lw1, lb1, gamma, beta, lw2, lb2)


def kernel(x, edge_index, batch, W1, b1, W2, b2, W3, b3,
           lw1, lb1, gamma, beta, lw2, lb2):
    src = edge_index[0].astype(jnp.int32)
    dst = edge_index[1].astype(jnp.int32)
    npad = EPAD - EE
    s_pad = jnp.concatenate([src, jnp.zeros((npad,), jnp.int32)])
    d_pad = jnp.concatenate([dst, jnp.full((npad,), NN, jnp.int32)])
    srcw_e = s_pad.reshape(NW, NSUP_E, SUP, CHUNK)
    dstw_e = d_pad.reshape(NW, NSUP_E, SUP, CHUNK)
    srcw_f = s_pad.reshape(NS, NSUP_F, SUP, CHUNK)
    dstw_f = d_pad.reshape(NS, NSUP_F, SUP, CHUNK)
    zer = jnp.zeros((CHUNK, FW), jnp.float32)
    ones = jnp.ones((CHUNK, FW), jnp.float32)

    degraw = _DEG(d_pad.reshape(NW, NCH_E, CHUNK), ones, zer)
    g1, dinv = _pre_call(x, W1, degraw)

    acc1 = _SCAT_E(g1, g1, srcw_e, dstw_e, zer)
    g2 = _mid1_call(acc1, g1, dinv, b1.reshape(1, 64), W2)

    acc2 = _SCAT_E(g2, g2, srcw_e, dstw_e, zer)
    g3a, g3b = _mid2_call(acc2, g2, dinv, b2.reshape(1, 128), W3)

    acc3 = _SCAT_F(g3a, g3b, srcw_f, dstw_f, zer)

    out = _post_call(acc3, g3a, g3b, dinv, b3.reshape(1, 256),
                     batch.reshape(NN, 1).astype(jnp.int32),
                     lw1, lb1.reshape(1, 128),
                     gamma.reshape(1, 128), beta.reshape(1, 128),
                     lw2, lb2.reshape(1, 1))
    return out.reshape(-1)

# --- scband reference (transcript-rebuilt; emitter-appended) ---
"""Pipeline reference for scband-graph-net-75479755260068 (READ-ONLY COPY).

The authoritative reference and input builder live on the scoring server;
editing this copy changes nothing except your own understanding.
"""

import jax, jax.numpy as jnp
import numpy as np

N = 10000
E = 320000
NF = 128
NG = 64


def gcn_conv(x, src, dst, W, b, num_nodes):
    # PyG GCNConv with normalize=True, add_self_loops=True:
    # out = D^{-1/2} (A + I) D^{-1/2} (X W) + b
    h = x @ W
    loop = jnp.arange(num_nodes, dtype=src.dtype)
    s = jnp.concatenate([src, loop])
    d = jnp.concatenate([dst, loop])
    deg = jnp.zeros((num_nodes,), h.dtype).at[d].add(1.0)
    dinv = jnp.where(deg > 0, 1.0 / jnp.sqrt(deg), 0.0)
    norm = dinv[s] * dinv[d]
    msg = h[s] * norm[:, None]
    out = jnp.zeros((num_nodes, h.shape[1]), h.dtype).at[d].add(msg)
    return out + b


def setup_inputs(seed: int = 0) -> dict:
    key = jax.random.key(seed)
    ks = jax.random.split(key, 16)
    x = jax.random.normal(ks[0], (N, NF), dtype=jnp.float32)
    edge_index = jax.random.randint(ks[1], (2, E), 0, N)
    batch = jnp.sort(jax.random.randint(ks[2], (N,), 0, NG))
    def glorot(k, shape):
        lim = float(np.sqrt(6.0 / (shape[0] + shape[1])))
        return jax.random.uniform(k, shape, jnp.float32, -lim, lim)
    W1 = glorot(ks[3], (NF, 64)); b1 = jnp.zeros((64,), jnp.float32)
    W2 = glorot(ks[4], (64, 128)); b2 = jnp.zeros((128,), jnp.float32)
    W3 = glorot(ks[5], (128, 256)); b3 = jnp.zeros((256,), jnp.float32)
    lw1 = glorot(ks[6], (256, 128)); lb1 = jnp.zeros((128,), jnp.float32)
    gamma = jnp.ones((128,), jnp.float32); beta = jnp.zeros((128,), jnp.float32)
    lw2 = glorot(ks[7], (128, 1)); lb2 = jnp.zeros((1,), jnp.float32)
    return {"x": x, "edge_index": edge_index, "batch": batch,
            "W1": W1, "b1": b1, "W2": W2, "b2": b2, "W3": W3, "b3": b3,
            "lw1": lw1, "lb1": lb1, "gamma": gamma, "beta": beta,
            "lw2": lw2, "lb2": lb2}


def reference(x, edge_index, batch, W1, b1, W2, b2, W3, b3, lw1, lb1, gamma, beta, lw2, lb2):
    src, dst = edge_index[0], edge_index[1]
    h = jax.nn.relu(gcn_conv(x, src, dst, W1, b1, N))
    # F.dropout in eval mode -> identity
    h = jax.nn.relu(gcn_conv(h, src, dst, W2, b2, N))
    h = jax.nn.relu(gcn_conv(h, src, dst, W3, b3, N))
    pooled = jax.ops.segment_max(h, batch, num_segments=NG)
    pooled = jnp.where(jnp.isfinite(pooled), pooled, 0.0)  # guard empty segments
    z = jax.nn.relu(pooled @ lw1 + lb1)
    # BatchNorm1d in eval mode: running_mean=0, running_var=1
    z = gamma * (z / jnp.sqrt(1.0 + 1e-5)) + beta
    out = z @ lw2 + lb2
    return out.reshape(-1)

if __name__ == "__main__":
    import jax
    _d = setup_inputs()
    print(jax.jit(kernel)(*tuple(_d.values())))

</pallas_src>

<mosaic_0001>
#map = affine_map<(d0, d1) -> (0, 0)>
#map1 = affine_map<(d0, d1) -> (0, 0, 0, 0)>
#map2 = affine_map<(d0, d1) -> (0, 0, 0)>
module attributes {stable_mosaic.version = 14 : i64} {
  func.func @sck(%arg0: i32, %arg1: i32, %arg2: memref<10000x128xf32, #tpu.memory_space<hbm>>, %arg3: memref<10000x128xf32, #tpu.memory_space<hbm>>, %arg4: memref<16x20x8x128xi32, #tpu.memory_space<hbm>>, %arg5: memref<16x20x8x128xi32, #tpu.memory_space<hbm>>, %arg6: memref<128x128xf32, #tpu.memory_space<hbm>>, %arg7: memref<2x10240x128xf32, #tpu.memory_space<hbm>>, %arg8: memref<2x8x128xi32, #tpu.memory_space<vmem>>, %arg9: memref<2x8x128xi32, #tpu.memory_space<vmem>>, %arg10: memref<128x128xf32, #tpu.memory_space<vmem>>, %arg11: memref<128x128xf32, #tpu.memory_space<vmem>>, %arg12: memref<10240x128xf32, #tpu.memory_space<vmem_shared>>, %arg13: memref<!tpu.dma_semaphore, #tpu.memory_space<semaphore_mem>>, %arg14: memref<!tpu.dma_semaphore, #tpu.memory_space<semaphore_mem>>) attributes {dimension_semantics = [#tpu.dimension_semantics<core_parallel>, #tpu.dimension_semantics<subcore_parallel>], iteration_bounds = array<i64: 2, 16>, scalar_prefetch = 0 : i64, scratch_operands = 7 : i64, tpu.core_type = #tpu.core_type<sc_vector_subcore>, window_params = [{transform_indices = #map}, {transform_indices = #map}, {transform_indices = #map1}, {transform_indices = #map1}, {transform_indices = #map}, {transform_indices = #map2}]} {
    %run_scoped3A = arith.constant 0 : i32
    %run_scoped3A_0 = arith.constant 0 : i32
    "tpu.region"() ({
      %run_scoped3A_60 = tpu.sem_alloc : memref<!tpu.dma_semaphore, #tpu.memory_space<semaphore_mem>>
      %dma_start3A = arith.constant 0 : i32
      %dma_start3A_61 = arith.constant 0 : i32
      %dma_start3A_62 = tpu.memref_slice %arg8[%run_scoped3A_0, %dma_start3A, %dma_start3A_61] : memref<2x8x128xi32, #tpu.memory_space<vmem>> -> memref<1x8x128xi32, #tpu.memory_space<vmem>>
      %dma_start3A_63 = tpu.memref_squeeze %dma_start3A_62 : memref<1x8x128xi32, #tpu.memory_space<vmem>> -> memref<8x128xi32, #tpu.memory_space<vmem>>
      %dma_start3A_64 = arith.constant 0 : i32
      %dma_start3A_65 = arith.constant 0 : i32
      %dma_start3A_66 = tpu.memref_slice %arg4[%arg1, %run_scoped3A, %dma_start3A_64, %dma_start3A_65] : memref<16x20x8x128xi32, #tpu.memory_space<hbm>> -> memref<1x1x8x128xi32, #tpu.memory_space<hbm>>
      %dma_start3A_67 = tpu.memref_squeeze %dma_start3A_66 : memref<1x1x8x128xi32, #tpu.memory_space<hbm>> -> memref<8x128xi32, #tpu.memory_space<hbm>>
      %dma_start3A_68 = arith.constant 0 : i32
      %dma_start3A_69 = arith.constant 0 : i32
      %dma_start3A_70 = tpu.memref_slice %arg8[%run_scoped3A_0, %dma_start3A_68, %dma_start3A_69] : memref<2x8x128xi32, #tpu.memory_space<vmem>> -> memref<1x8x128xi32, #tpu.memory_space<vmem>>
      %dma_start3A_71 = tpu.memref_squeeze %dma_start3A_70 : memref<1x8x128xi32, #tpu.memory_space<vmem>> -> memref<8x128xi32, #tpu.memory_space<vmem>>
      %dma_start3A_72 = arith.constant 0 : i32
      %dma_start3A_73 = arith.constant 0 : i32
      %dma_start3A_74 = tpu.memref_slice %arg4[%arg1, %run_scoped3A, %dma_start3A_72, %dma_start3A_73] : memref<16x20x8x128xi32, #tpu.memory_space<hbm>> -> memref<1x1x8x128xi32, #tpu.memory_space<hbm>>
      %dma_start3A_75 = tpu.memref_squeeze %dma_start3A_74 : memref<1x1x8x128xi32, #tpu.memory_space<hbm>> -> memref<8x128xi32, #tpu.memory_space<hbm>>
      tpu.enqueue_dma source(%dma_start3A_75 : memref<8x128xi32, #tpu.memory_space<hbm>>) target(%dma_start3A_71 : memref<8x128xi32, #tpu.memory_space<vmem>>) target_semaphore(%run_scoped3A_60 : memref<!tpu.dma_semaphore, #tpu.memory_space<semaphore_mem>>)
      %dma_wait3A = arith.constant 0 : i32
      %dma_wait3A_76 = arith.constant 0 : i32
      %dma_wait3A_77 = tpu.memref_slice %arg8[%run_scoped3A_0, %dma_wait3A, %dma_wait3A_76] : memref<2x8x128xi32, #tpu.memory_space<vmem>> -> memref<1x8x128xi32, #tpu.memory_space<vmem>>
      %dma_wait3A_78 = tpu.memref_squeeze %dma_wait3A_77 : memref<1x8x128xi32, #tpu.memory_space<vmem>> -> memref<8x128xi32, #tpu.memory_space<vmem>>
      %dma_wait3A_79 = arith.constant 0 : i32
      %dma_wait3A_80 = arith.constant 0 : i32
      %dma_wait3A_81 = tpu.memref_slice %arg4[%arg1, %run_scoped3A, %dma_wait3A_79, %dma_wait3A_80] : memref<16x20x8x128xi32, #tpu.memory_space<hbm>> -> memref<1x1x8x128xi32, #tpu.memory_space<hbm>>
      %dma_wait3A_82 = tpu.memref_squeeze %dma_wait3A_81 : memref<1x1x8x128xi32, #tpu.memory_space<hbm>> -> memref<8x128xi32, #tpu.memory_space<hbm>>
      %dma_wait3A_83 = arith.constant 0 : i32
      %dma_wait3A_84 = arith.constant 0 : i32
      %dma_wait3A_85 = tpu.memref_slice %arg8[%run_scoped3A_0, %dma_wait3A_83, %dma_wait3A_84] : memref<2x8x128xi32, #tpu.memory_space<vmem>> -> memref<1x8x128xi32, #tpu.memory_space<vmem>>
      %dma_wait3A_86 = tpu.memref_squeeze %dma_wait3A_85 : memref<1x8x128xi32, #tpu.memory_space<vmem>> -> memref<8x128xi32, #tpu.memory_space<vmem>>
      %dma_wait3A_87 = arith.constant 0 : i32
      %dma_wait3A_88 = arith.constant 0 : i32
      %dma_wait3A_89 = tpu.memref_slice %arg4[%arg1, %run_scoped3A, %dma_wait3A_87, %dma_wait3A_88] : memref<16x20x8x128xi32, #tpu.memory_space<hbm>> -> memref<1x1x8x128xi32, #tpu.memory_space<hbm>>
      %dma_wait3A_90 = tpu.memref_squeeze %dma_wait3A_89 : memref<1x1x8x128xi32, #tpu.memory_space<hbm>> -> memref<8x128xi32, #tpu.memory_space<hbm>>
      tpu.wait_dma2 semaphore(%run_scoped3A_60 : memref<!tpu.dma_semaphore, #tpu.memory_space<semaphore_mem>>) src(%dma_wait3A_90 : memref<8x128xi32, #tpu.memory_space<hbm>>) dst(%dma_wait3A_86 : memref<8x128xi32, #tpu.memory_space<vmem>>)
      tpu.yield
    }) : () -> ()
    %run_scoped3A_1 = arith.constant 0 : i32
    %run_scoped3A_2 = arith.constant 0 : i32
    "tpu.region"() ({
      %run_scoped3A_60 = tpu.sem_alloc : memref<!tpu.dma_semaphore, #tpu.memory_space<semaphore_mem>>
      %dma_start3A = arith.constant 0 : i32
      %dma_start3A_61 = arith.constant 0 : i32
      %dma_start3A_62 = tpu.memref_slice %arg9[%run_scoped3A_2, %dma_start3A, %dma_start3A_61] : memref<2x8x128xi32, #tpu.memory_space<vmem>> -> memref<1x8x128xi32, #tpu.memory_space<vmem>>
      %dma_start3A_63 = tpu.memref_squeeze %dma_start3A_62 : memref<1x8x128xi32, #tpu.memory_space<vmem>> -> memref<8x128xi32, #tpu.memory_space<vmem>>
      %dma_start3A_64 = arith.constant 0 : i32
      %dma_start3A_65 = arith.constant 0 : i32
      %dma_start3A_66 = tpu.memref_slice %arg5[%arg1, %run_scoped3A_1, %dma_start3A_64, %dma_start3A_65] : memref<16x20x8x128xi32, #tpu.memory_space<hbm>> -> memref<1x1x8x128xi32, #tpu.memory_space<hbm>>
      %dma_start3A_67 = tpu.memref_squeeze %dma_start3A_66 : memref<1x1x8x128xi32, #tpu.memory_space<hbm>> -> memref<8x128xi32, #tpu.memory_space<hbm>>
      %dma_start3A_68 = arith.constant 0 : i32
      %dma_start3A_69 = arith.constant 0 : i32
      %dma_start3A_70 = tpu.memref_slice %arg9[%run_scoped3A_2, %dma_start3A_68, %dma_start3A_69] : memref<2x8x128xi32, #tpu.memory_space<vmem>> -> memref<1x8x128xi32, #tpu.memory_space<vmem>>
      %dma_start3A_71 = tpu.memref_squeeze %dma_start3A_70 : memref<1x8x128xi32, #tpu.memory_space<vmem>> -> memref<8x128xi32, #tpu.memory_space<vmem>>
      %dma_start3A_72 = arith.constant 0 : i32
      %dma_start3A_73 = arith.constant 0 : i32
      %dma_start3A_74 = tpu.memref_slice %arg5[%arg1, %run_scoped3A_1, %dma_start3A_72, %dma_start3A_73] : memref<16x20x8x128xi32, #tpu.memory_space<hbm>> -> memref<1x1x8x128xi32, #tpu.memory_space<hbm>>
      %dma_start3A_75 = tpu.memref_squeeze %dma_start3A_74 : memref<1x1x8x128xi32, #tpu.memory_space<hbm>> -> memref<8x128xi32, #tpu.memory_space<hbm>>
      tpu.enqueue_dma source(%dma_start3A_75 : memref<8x128xi32, #tpu.memory_space<hbm>>) target(%dma_start3A_71 : memref<8x128xi32, #tpu.memory_space<vmem>>) target_semaphore(%run_scoped3A_60 : memref<!tpu.dma_semaphore, #tpu.memory_space<semaphore_mem>>)
      %dma_wait3A = arith.constant 0 : i32
      %dma_wait3A_76 = arith.constant 0 : i32
      %dma_wait3A_77 = tpu.memref_slice %arg9[%run_scoped3A_2, %dma_wait3A, %dma_wait3A_76] : memref<2x8x128xi32, #tpu.memory_space<vmem>> -> memref<1x8x128xi32, #tpu.memory_space<vmem>>
      %dma_wait3A_78 = tpu.memref_squeeze %dma_wait3A_77 : memref<1x8x128xi32, #tpu.memory_space<vmem>> -> memref<8x128xi32, #tpu.memory_space<vmem>>
      %dma_wait3A_79 = arith.constant 0 : i32
      %dma_wait3A_80 = arith.constant 0 : i32
      %dma_wait3A_81 = tpu.memref_slice %arg5[%arg1, %run_scoped3A_1, %dma_wait3A_79, %dma_wait3A_80] : memref<16x20x8x128xi32, #tpu.memory_space<hbm>> -> memref<1x1x8x128xi32, #tpu.memory_space<hbm>>
      %dma_wait3A_82 = tpu.memref_squeeze %dma_wait3A_81 : memref<1x1x8x128xi32, #tpu.memory_space<hbm>> -> memref<8x128xi32, #tpu.memory_space<hbm>>
      %dma_wait3A_83 = arith.constant 0 : i32
      %dma_wait3A_84 = arith.constant 0 : i32
      %dma_wait3A_85 = tpu.memref_slice %arg9[%run_scoped3A_2, %dma_wait3A_83, %dma_wait3A_84] : memref<2x8x128xi32, #tpu.memory_space<vmem>> -> memref<1x8x128xi32, #tpu.memory_space<vmem>>
      %dma_wait3A_86 = tpu.memref_squeeze %dma_wait3A_85 : memref<1x8x128xi32, #tpu.memory_space<vmem>> -> memref<8x128xi32, #tpu.memory_space<vmem>>
      %dma_wait3A_87 = arith.constant 0 : i32
      %dma_wait3A_88 = arith.constant 0 : i32
      %dma_wait3A_89 = tpu.memref_slice %arg5[%arg1, %run_scoped3A_1, %dma_wait3A_87, %dma_wait3A_88] : memref<16x20x8x128xi32, #tpu.memory_space<hbm>> -> memref<1x1x8x128xi32, #tpu.memory_space<hbm>>
      %dma_wait3A_90 = tpu.memref_squeeze %dma_wait3A_89 : memref<1x1x8x128xi32, #tpu.memory_space<hbm>> -> memref<8x128xi32, #tpu.memory_space<hbm>>
      tpu.wait_dma2 semaphore(%run_scoped3A_60 : memref<!tpu.dma_semaphore, #tpu.memory_space<semaphore_mem>>) src(%dma_wait3A_90 : memref<8x128xi32, #tpu.memory_space<hbm>>) dst(%dma_wait3A_86 : memref<8x128xi32, #tpu.memory_space<vmem>>)
      tpu.yield
    }) : () -> ()
    %mul3A = arith.constant 640 : i32
    %mul3A_3 = arith.muli %arg1, %mul3A : i32
    %add3A = arith.constant 0 : i32
    %add3A_4 = arith.addi %mul3A_3, %add3A : i32
    "tpu.region"() ({
      %run_scoped3A_60 = tpu.sem_alloc : memref<!tpu.dma_semaphore, #tpu.memory_space<semaphore_mem>>
      %dma_start3A = arith.constant 0 : i32
      %dma_start3A_61 = tpu.memref_slice %arg12[%add3A_4, %dma_start3A] : memref<10240x128xf32, #tpu.memory_space<vmem_shared>> -> memref<128x128xf32, #tpu.memory_space<vmem_shared>>
      tpu.enqueue_dma source(%arg6 : memref<128x128xf32, #tpu.memory_space<hbm>>) target(%dma_start3A_61 : memref<128x128xf32, #tpu.memory_space<vmem_shared>>) target_semaphore(%run_scoped3A_60 : memref<!tpu.dma_semaphore, #tpu.memory_space<semaphore_mem>>)
      %dma_wait3A = arith.constant 0 : i32
      %dma_wait3A_62 = tpu.memref_slice %arg12[%add3A_4, %dma_wait3A] : memref<10240x128xf32, #tpu.memory_space<vmem_shared>> -> memref<128x128xf32, #tpu.memory_space<vmem_shared>>
      tpu.wait_dma2 semaphore(%run_scoped3A_60 : memref<!tpu.dma_semaphore, #tpu.memory_space<semaphore_mem>>) src(%arg6 : memref<128x128xf32, #tpu.memory_space<hbm>>) dst(%dma_wait3A_62 : memref<128x128xf32, #tpu.memory_space<vmem_shared>>)
      tpu.yield
    }) : () -> ()
    %mul3A_5 = arith.constant 640 : i32
    %mul3A_6 = arith.muli %arg1, %mul3A_5 : i32
    %add3A_7 = arith.constant 128 : i32
    %add3A_8 = arith.addi %mul3A_6, %add3A_7 : i32
    "tpu.region"() ({
      %run_scoped3A_60 = tpu.sem_alloc : memref<!tpu.dma_semaphore, #tpu.memory_space<semaphore_mem>>
      %dma_start3A = arith.constant 0 : i32
      %dma_start3A_61 = tpu.memref_slice %arg12[%add3A_8, %dma_start3A] : memref<10240x128xf32, #tpu.memory_space<vmem_shared>> -> memref<128x128xf32, #tpu.memory_space<vmem_shared>>
      tpu.enqueue_dma source(%arg6 : memref<128x128xf32, #tpu.memory_space<hbm>>) target(%dma_start3A_61 : memref<128x128xf32, #tpu.memory_space<vmem_shared>>) target_semaphore(%run_scoped3A_60 : memref<!tpu.dma_semaphore, #tpu.memory_space<semaphore_mem>>)
      %dma_wait3A = arith.constant 0 : i32
      %dma_wait3A_62 = tpu.memref_slice %arg12[%add3A_8, %dma_wait3A] : memref<10240x128xf32, #tpu.memory_space<vmem_shared>> -> memref<128x128xf32, #tpu.memory_space<vmem_shared>>
      tpu.wait_dma2 semaphore(%run_scoped3A_60 : memref<!tpu.dma_semaphore, #tpu.memory_space<semaphore_mem>>) src(%arg6 : memref<128x128xf32, #tpu.memory_space<hbm>>) dst(%dma_wait3A_62 : memref<128x128xf32, #tpu.memory_space<vmem_shared>>)
      tpu.yield
    }) : () -> ()
    %mul3A_9 = arith.constant 640 : i32
    %mul3A_10 = arith.muli %arg1, %mul3A_9 : i32
    %add3A_11 = arith.constant 256 : i32
    %add3A_12 = arith.addi %mul3A_10, %add3A_11 : i32
    "tpu.region"() ({
      %run_scoped3A_60 = tpu.sem_alloc : memref<!tpu.dma_semaphore, #tpu.memory_space<semaphore_mem>>
      %dma_start3A = arith.constant 0 : i32
      %dma_start3A_61 = tpu.memref_slice %arg12[%add3A_12, %dma_start3A] : memref<10240x128xf32, #tpu.memory_space<vmem_shared>> -> memref<128x128xf32, #tpu.memory_space<vmem_shared>>
      tpu.enqueue_dma source(%arg6 : memref<128x128xf32, #tpu.memory_space<hbm>>) target(%dma_start3A_61 : memref<128x128xf32, #tpu.memory_space<vmem_shared>>) target_semaphore(%run_scoped3A_60 : memref<!tpu.dma_semaphore, #tpu.memory_space<semaphore_mem>>)
      %dma_wait3A = arith.constant 0 : i32
      %dma_wait3A_62 = tpu.memref_slice %arg12[%add3A_12, %dma_wait3A] : memref<10240x128xf32, #tpu.memory_space<vmem_shared>> -> memref<128x128xf32, #tpu.memory_space<vmem_shared>>
      tpu.wait_dma2 semaphore(%run_scoped3A_60 : memref<!tpu.dma_semaphore, #tpu.memory_space<semaphore_mem>>) src(%arg6 : memref<128x128xf32, #tpu.memory_space<hbm>>) dst(%dma_wait3A_62 : memref<128x128xf32, #tpu.memory_space<vmem_shared>>)
      tpu.yield
    }) : () -> ()
    %mul3A_13 = arith.constant 640 : i32
    %mul3A_14 = arith.muli %arg1, %mul3A_13 : i32
    %add3A_15 = arith.constant 384 : i32
    %add3A_16 = arith.addi %mul3A_14, %add3A_15 : i32
    "tpu.region"() ({
      %run_scoped3A_60 = tpu.sem_alloc : memref<!tpu.dma_semaphore, #tpu.memory_space<semaphore_mem>>
      %dma_start3A = arith.constant 0 : i32
      %dma_start3A_61 = tpu.memref_slice %arg12[%add3A_16, %dma_start3A] : memref<10240x128xf32, #tpu.memory_space<vmem_shared>> -> memref<128x128xf32, #tpu.memory_space<vmem_shared>>
      tpu.enqueue_dma source(%arg6 : memref<128x128xf32, #tpu.memory_space<hbm>>) target(%dma_start3A_61 : memref<128x128xf32, #tpu.memory_space<vmem_shared>>) target_semaphore(%run_scoped3A_60 : memref<!tpu.dma_semaphore, #tpu.memory_space<semaphore_mem>>)
      %dma_wait3A = arith.constant 0 : i32
      %dma_wait3A_62 = tpu.memref_slice %arg12[%add3A_16, %dma_wait3A] : memref<10240x128xf32, #tpu.memory_space<vmem_shared>> -> memref<128x128xf32, #tpu.memory_space<vmem_shared>>
      tpu.wait_dma2 semaphore(%run_scoped3A_60 : memref<!tpu.dma_semaphore, #tpu.memory_space<semaphore_mem>>) src(%arg6 : memref<128x128xf32, #tpu.memory_space<hbm>>) dst(%dma_wait3A_62 : memref<128x128xf32, #tpu.memory_space<vmem_shared>>)
      tpu.yield
    }) : () -> ()
    %mul3A_17 = arith.constant 640 : i32
    %mul3A_18 = arith.muli %arg1, %mul3A_17 : i32
    %add3A_19 = arith.constant 512 : i32
    %add3A_20 = arith.addi %mul3A_18, %add3A_19 : i32
    "tpu.region"() ({
      %run_scoped3A_60 = tpu.sem_alloc : memref<!tpu.dma_semaphore, #tpu.memory_space<semaphore_mem>>
      %dma_start3A = arith.constant 0 : i32
      %dma_start3A_61 = tpu.memref_slice %arg12[%add3A_20, %dma_start3A] : memref<10240x128xf32, #tpu.memory_space<vmem_shared>> -> memref<128x128xf32, #tpu.memory_space<vmem_shared>>
      tpu.enqueue_dma source(%arg6 : memref<128x128xf32, #tpu.memory_space<hbm>>) target(%dma_start3A_61 : memref<128x128xf32, #tpu.memory_space<vmem_shared>>) target_semaphore(%run_scoped3A_60 : memref<!tpu.dma_semaphore, #tpu.memory_space<semaphore_mem>>)
      %dma_wait3A = arith.constant 0 : i32
      %dma_wait3A_62 = tpu.memref_slice %arg12[%add3A_20, %dma_wait3A] : memref<10240x128xf32, #tpu.memory_space<vmem_shared>> -> memref<128x128xf32, #tpu.memory_space<vmem_shared>>
      tpu.wait_dma2 semaphore(%run_scoped3A_60 : memref<!tpu.dma_semaphore, #tpu.memory_space<semaphore_mem>>) src(%arg6 : memref<128x128xf32, #tpu.memory_space<hbm>>) dst(%dma_wait3A_62 : memref<128x128xf32, #tpu.memory_space<vmem_shared>>)
      tpu.yield
    }) : () -> ()
    %barrier3A = arith.constant 0 : index
    tpu.barrier barrier_id(%barrier3A)
    %eq3A = arith.constant 0 : i32
    %eq3A_21 = arith.cmpi eq, %arg0, %eq3A : i32
    %convert_element_type3A = arith.extui %eq3A_21 : i1 to i32
    %cond3A = arith.constant 0 : i32
    %cond3A_22 = arith.constant 0 : i32
    %cond3A_23 = arith.constant 0 : i32
    %cond3A_24 = arith.cmpi ne, %convert_element_type3A, %cond3A_23 : i32
    scf.if %cond3A_24 {
      %dma_start3A = arith.constant 0 : i32
      %dma_start3A_60 = tpu.memref_slice %arg8[%cond3A, %cond3A_22, %dma_start3A] : memref<2x8x128xi32, #tpu.memory_space<vmem>> -> memref<1x1x128xi32, #tpu.memory_space<vmem>>
      %dma_start3A_61 = tpu.memref_squeeze %dma_start3A_60 : memref<1x1x128xi32, #tpu.memory_space<vmem>> -> memref<128xi32, #tpu.memory_space<vmem>>
      %dma_start3A_62 = arith.constant 0 : i32
      %dma_start3A_63 = arith.constant 0 : i32
      %dma_start3A_64 = tpu.memref_slice %arg2[%dma_start3A_62, %dma_start3A_63] : memref<10000x128xf32, #tpu.memory_space<hbm>> -> memref<10000x128xf32, #tpu.memory_space<hbm>>
      tpu.enqueue_indirect_dma source(%dma_start3A_64 : memref<10000x128xf32, #tpu.memory_space<hbm>>) target(%arg10 : memref<128x128xf32, #tpu.memory_space<vmem>>) offsets(%dma_start3A_61 : memref<128xi32, #tpu.memory_space<vmem>>) semaphore(%arg13 : memref<!tpu.dma_semaphore, #tpu.memory_space<semaphore_mem>>)
    } else {
    }
    %eq3A_25 = arith.constant 1 : i32
    %eq3A_26 = arith.cmpi eq, %arg0, %eq3A_25 : i32
    %convert_element_type3A_27 = arith.extui %eq3A_26 : i1 to i32
    %cond3A_28 = arith.constant 0 : i32
    %cond3A_29 = arith.constant 0 : i32
    %cond3A_30 = arith.constant 0 : i32
    %cond3A_31 = arith.cmpi ne, %convert_element_type3A_27, %cond3A_30 : i32
    scf.if %cond3A_31 {
      %dma_start3A = arith.constant 0 : i32
      %dma_start3A_60 = tpu.memref_slice %arg8[%cond3A_28, %cond3A_29, %dma_start3A] : memref<2x8x128xi32, #tpu.memory_space<vmem>> -> memref<1x1x128xi32, #tpu.memory_space<vmem>>
      %dma_start3A_61 = tpu.memref_squeeze %dma_start3A_60 : memref<1x1x128xi32, #tpu.memory_space<vmem>> -> memref<128xi32, #tpu.memory_space<vmem>>
      %dma_start3A_62 = arith.constant 0 : i32
      %dma_start3A_63 = arith.constant 0 : i32
      %dma_start3A_64 = tpu.memref_slice %arg3[%dma_start3A_62, %dma_start3A_63] : memref<10000x128xf32, #tpu.memory_space<hbm>> -> memref<10000x128xf32, #tpu.memory_space<hbm>>
      tpu.enqueue_indirect_dma source(%dma_start3A_64 : memref<10000x128xf32, #tpu.memory_space<hbm>>) target(%arg10 : memref<128x128xf32, #tpu.memory_space<vmem>>) offsets(%dma_start3A_61 : memref<128xi32, #tpu.memory_space<vmem>>) semaphore(%arg13 : memref<!tpu.dma_semaphore, #tpu.memory_space<semaphore_mem>>)
    } else {
    }
    %eq3A_32 = arith.constant 0 : i32
    %eq3A_33 = arith.cmpi eq, %arg0, %eq3A_32 : i32
    %convert_element_type3A_34 = arith.extui %eq3A_33 : i1 to i32
    %cond3A_35 = arith.constant 0 : i32
    %cond3A_36 = arith.constant 1 : i32
    %cond3A_37 = arith.constant 0 : i32
    %cond3A_38 = arith.cmpi ne, %convert_element_type3A_34, %cond3A_37 : i32
    scf.if %cond3A_38 {
      %dma_start3A = arith.constant 0 : i32
      %dma_start3A_60 = tpu.memref_slice %arg8[%cond3A_35, %cond3A_36, %dma_start3A] : memref<2x8x128xi32, #tpu.memory_space<vmem>> -> memref<1x1x128xi32, #tpu.memory_space<vmem>>
      %dma_start3A_61 = tpu.memref_squeeze %dma_start3A_60 : memref<1x1x128xi32, #tpu.memory_space<vmem>> -> memref<128xi32, #tpu.memory_space<vmem>>
      %dma_start3A_62 = arith.constant 0 : i32
      %dma_start3A_63 = arith.constant 0 : i32
      %dma_start3A_64 = tpu.memref_slice %arg2[%dma_start3A_62, %dma_start3A_63] : memref<10000x128xf32, #tpu.memory_space<hbm>> -> memref<10000x128xf32, #tpu.memory_space<hbm>>
      tpu.enqueue_indirect_dma source(%dma_start3A_64 : memref<10000x128xf32, #tpu.memory_space<hbm>>) target(%arg11 : memref<128x128xf32, #tpu.memory_space<vmem>>) offsets(%dma_start3A_61 : memref<128xi32, #tpu.memory_space<vmem>>) semaphore(%arg14 : memref<!tpu.dma_semaphore, #tpu.memory_space<semaphore_mem>>)
    } else {
    }
    %eq3A_39 = arith.constant 1 : i32
    %eq3A_40 = arith.cmpi eq, %arg0, %eq3A_39 : i32
    %convert_element_type3A_41 = arith.extui %eq3A_40 : i1 to i32
    %cond3A_42 = arith.constant 0 : i32
    %cond3A_43 = arith.constant 1 : i32
    %cond3A_44 = arith.constant 0 : i32
    %cond3A_45 = arith.cmpi ne, %convert_element_type3A_41, %cond3A_44 : i32
    scf.if %cond3A_45 {
      %dma_start3A = arith.constant 0 : i32
      %dma_start3A_60 = tpu.memref_slice %arg8[%cond3A_42, %cond3A_43, %dma_start3A] : memref<2x8x128xi32, #tpu.memory_space<vmem>> -> memref<1x1x128xi32, #tpu.memory_space<vmem>>
      %dma_start3A_61 = tpu.memref_squeeze %dma_start3A_60 : memref<1x1x128xi32, #tpu.memory_space<vmem>> -> memref<128xi32, #tpu.memory_space<vmem>>
      %dma_start3A_62 = arith.constant 0 : i32
      %dma_start3A_63 = arith.constant 0 : i32
      %dma_start3A_64 = tpu.memref_slice %arg3[%dma_start3A_62, %dma_start3A_63] : memref<10000x128xf32, #tpu.memory_space<hbm>> -> memref<10000x128xf32, #tpu.memory_space<hbm>>
      tpu.enqueue_indirect_dma source(%dma_start3A_64 : memref<10000x128xf32, #tpu.memory_space<hbm>>) target(%arg11 : memref<128x128xf32, #tpu.memory_space<vmem>>) offsets(%dma_start3A_61 : memref<128xi32, #tpu.memory_space<vmem>>) semaphore(%arg14 : memref<!tpu.dma_semaphore, #tpu.memory_space<semaphore_mem>>)
    } else {
    }
    %run_scoped3A_46 = arith.constant 1 : i32
    %run_scoped3A_47 = arith.constant 1 : i32
    "tpu.region"() ({
      %run_scoped3A_60 = tpu.sem_alloc : memref<!tpu.dma_semaphore, #tpu.memory_space<semaphore_mem>>
      %dma_start3A = arith.constant 0 : i32
      %dma_start3A_61 = arith.constant 0 : i32
      %dma_start3A_62 = tpu.memref_slice %arg8[%run_scoped3A_47, %dma_start3A, %dma_start3A_61] : memref<2x8x128xi32, #tpu.memory_space<vmem>> -> memref<1x8x128xi32, #tpu.memory_space<vmem>>
      %dma_start3A_63 = tpu.memref_squeeze %dma_start3A_62 : memref<1x8x128xi32, #tpu.memory_space<vmem>> -> memref<8x128xi32, #tpu.memory_space<vmem>>
      %dma_start3A_64 = arith.constant 0 : i32
      %dma_start3A_65 = arith.constant 0 : i32
      %dma_start3A_66 = tpu.memref_slice %arg4[%arg1, %run_scoped3A_46, %dma_start3A_64, %dma_start3A_65] : memref<16x20x8x128xi32, #tpu.memory_space<hbm>> -> memref<1x1x8x128xi32, #tpu.memory_space<hbm>>
      %dma_start3A_67 = tpu.memref_squeeze %dma_start3A_66 : memref<1x1x8x128xi32, #tpu.memory_space<hbm>> -> memref<8x128xi32, #tpu.memory_space<hbm>>
      %dma_start3A_68 = arith.constant 0 : i32
      %dma_start3A_69 = arith.constant 0 : i32
      %dma_start3A_70 = tpu.memref_slice %arg8[%run_scoped3A_47, %dma_start3A_68, %dma_start3A_69] : memref<2x8x128xi32, #tpu.memory_space<vmem>> -> memref<1x8x128xi32, #tpu.memory_space<vmem>>
      %dma_start3A_71 = tpu.memref_squeeze %dma_start3A_70 : memref<1x8x128xi32, #tpu.memory_space<vmem>> -> memref<8x128xi32, #tpu.memory_space<vmem>>
      %dma_start3A_72 = arith.constant 0 : i32
      %dma_start3A_73 = arith.constant 0 : i32
      %dma_start3A_74 = tpu.memref_slice %arg4[%arg1, %run_scoped3A_46, %dma_start3A_72, %dma_start3A_73] : memref<16x20x8x128xi32, #tpu.memory_space<hbm>> -> memref<1x1x8x128xi32, #tpu.memory_space<hbm>>
      %dma_start3A_75 = tpu.memref_squeeze %dma_start3A_74 : memref<1x1x8x128xi32, #tpu.memory_space<hbm>> -> memref<8x128xi32, #tpu.memory_space<hbm>>
      tpu.enqueue_dma source(%dma_start3A_75 : memref<8x128xi32, #tpu.memory_space<hbm>>) target(%dma_start3A_71 : memref<8x128xi32, #tpu.memory_space<vmem>>) target_semaphore(%run_scoped3A_60 : memref<!tpu.dma_semaphore, #tpu.memory_space<semaphore_mem>>)
      %dma_wait3A = arith.constant 0 : i32
      %dma_wait3A_76 = arith.constant 0 : i32
      %dma_wait3A_77 = tpu.memref_slice %arg8[%run_scoped3A_47, %dma_wait3A, %dma_wait3A_76] : memref<2x8x128xi32, #tpu.memory_space<vmem>> -> memref<1x8x128xi32, #tpu.memory_space<vmem>>
      %dma_wait3A_78 = tpu.memref_squeeze %dma_wait3A_77 : memref<1x8x128xi32, #tpu.memory_space<vmem>> -> memref<8x128xi32, #tpu.memory_space<vmem>>
      %dma_wait3A_79 = arith.constant 0 : i32
      %dma_wait3A_80 = arith.constant 0 : i32
      %dma_wait3A_81 = tpu.memref_slice %arg4[%arg1, %run_scoped3A_46, %dma_wait3A_79, %dma_wait3A_80] : memref<16x20x8x128xi32, #tpu.memory_space<hbm>> -> memref<1x1x8x128xi32, #tpu.memory_space<hbm>>
      %dma_wait3A_82 = tpu.memref_squeeze %dma_wait3A_81 : memref<1x1x8x128xi32, #tpu.memory_space<hbm>> -> memref<8x128xi32, #tpu.memory_space<hbm>>
      %dma_wait3A_83 = arith.constant 0 : i32
      %dma_wait3A_84 = arith.constant 0 : i32
      %dma_wait3A_85 = tpu.memref_slice %arg8[%run_scoped3A_47, %dma_wait3A_83, %dma_wait3A_84] : memref<2x8x128xi32, #tpu.memory_space<vmem>> -> memref<1x8x128xi32, #tpu.memory_space<vmem>>
      %dma_wait3A_86 = tpu.memref_squeeze %dma_wait3A_85 : memref<1x8x128xi32, #tpu.memory_space<vmem>> -> memref<8x128xi32, #tpu.memory_space<vmem>>
      %dma_wait3A_87 = arith.constant 0 : i32
      %dma_wait3A_88 = arith.constant 0 : i32
      %dma_wait3A_89 = tpu.memref_slice %arg4[%arg1, %run_scoped3A_46, %dma_wait3A_87, %dma_wait3A_88] : memref<16x20x8x128xi32, #tpu.memory_space<hbm>> -> memref<1x1x8x128xi32, #tpu.memory_space<hbm>>
      %dma_wait3A_90 = tpu.memref_squeeze %dma_wait3A_89 : memref<1x1x8x128xi32, #tpu.memory_space<hbm>> -> memref<8x128xi32, #tpu.memory_space<hbm>>
      tpu.wait_dma2 semaphore(%run_scoped3A_60 : memref<!tpu.dma_semaphore, #tpu.memory_space<semaphore_mem>>) src(%dma_wait3A_90 : memref<8x128xi32, #tpu.memory_space<hbm>>) dst(%dma_wait3A_86 : memref<8x128xi32, #tpu.memory_space<vmem>>)
      tpu.yield
    }) : () -> ()
    %run_scoped3A_48 = arith.constant 1 : i32
    %run_scoped3A_49 = arith.constant 1 : i32
    "tpu.region"() ({
      %run_scoped3A_60 = tpu.sem_alloc : memref<!tpu.dma_semaphore, #tpu.memory_space<semaphore_mem>>
      %dma_start3A = arith.constant 0 : i32
      %dma_start3A_61 = arith.constant 0 : i32
      %dma_start3A_62 = tpu.memref_slice %arg9[%run_scoped3A_49, %dma_start3A, %dma_start3A_61] : memref<2x8x128xi32, #tpu.memory_space<vmem>> -> memref<1x8x128xi32, #tpu.memory_space<vmem>>
      %dma_start3A_63 = tpu.memref_squeeze %dma_start3A_62 : memref<1x8x128xi32, #tpu.memory_space<vmem>> -> memref<8x128xi32, #tpu.memory_space<vmem>>
      %dma_start3A_64 = arith.constant 0 : i32
      %dma_start3A_65 = arith.constant 0 : i32
      %dma_start3A_66 = tpu.memref_slice %arg5[%arg1, %run_scoped3A_48, %dma_start3A_64, %dma_start3A_65] : memref<16x20x8x128xi32, #tpu.memory_space<hbm>> -> memref<1x1x8x128xi32, #tpu.memory_space<hbm>>
      %dma_start3A_67 = tpu.memref_squeeze %dma_start3A_66 : memref<1x1x8x128xi32, #tpu.memory_space<hbm>> -> memref<8x128xi32, #tpu.memory_space<hbm>>
      %dma_start3A_68 = arith.constant 0 : i32
      %dma_start3A_69 = arith.constant 0 : i32
      %dma_start3A_70 = tpu.memref_slice %arg9[%run_scoped3A_49, %dma_start3A_68, %dma_start3A_69] : memref<2x8x128xi32, #tpu.memory_space<vmem>> -> memref<1x8x128xi32, #tpu.memory_space<vmem>>
      %dma_start3A_71 = tpu.memref_squeeze %dma_start3A_70 : memref<1x8x128xi32, #tpu.memory_space<vmem>> -> memref<8x128xi32, #tpu.memory_space<vmem>>
      %dma_start3A_72 = arith.constant 0 : i32
      %dma_start3A_73 = arith.constant 0 : i32
      %dma_start3A_74 = tpu.memref_slice %arg5[%arg1, %run_scoped3A_48, %dma_start3A_72, %dma_start3A_73] : memref<16x20x8x128xi32, #tpu.memory_space<hbm>> -> memref<1x1x8x128xi32, #tpu.memory_space<hbm>>
      %dma_start3A_75 = tpu.memref_squeeze %dma_start3A_74 : memref<1x1x8x128xi32, #tpu.memory_space<hbm>> -> memref<8x128xi32, #tpu.memory_space<hbm>>
      tpu.enqueue_dma source(%dma_start3A_75 : memref<8x128xi32, #tpu.memory_space<hbm>>) target(%dma_start3A_71 : memref<8x128xi32, #tpu.memory_space<vmem>>) target_semaphore(%run_scoped3A_60 : memref<!tpu.dma_semaphore, #tpu.memory_space<semaphore_mem>>)
      %dma_wait3A = arith.constant 0 : i32
      %dma_wait3A_76 = arith.constant 0 : i32
      %dma_wait3A_77 = tpu.memref_slice %arg9[%run_scoped3A_49, %dma_wait3A, %dma_wait3A_76] : memref<2x8x128xi32, #tpu.memory_space<vmem>> -> memref<1x8x128xi32, #tpu.memory_space<vmem>>
      %dma_wait3A_78 = tpu.memref_squeeze %dma_wait3A_77 : memref<1x8x128xi32, #tpu.memory_space<vmem>> -> memref<8x128xi32, #tpu.memory_space<vmem>>
      %dma_wait3A_79 = arith.constant 0 : i32
      %dma_wait3A_80 = arith.constant 0 : i32
      %dma_wait3A_81 = tpu.memref_slice %arg5[%arg1, %run_scoped3A_48, %dma_wait3A_79, %dma_wait3A_80] : memref<16x20x8x128xi32, #tpu.memory_space<hbm>> -> memref<1x1x8x128xi32, #tpu.memory_space<hbm>>
      %dma_wait3A_82 = tpu.memref_squeeze %dma_wait3A_81 : memref<1x1x8x128xi32, #tpu.memory_space<hbm>> -> memref<8x128xi32, #tpu.memory_space<hbm>>
      %dma_wait3A_83 = arith.constant 0 : i32
      %dma_wait3A_84 = arith.constant 0 : i32
      %dma_wait3A_85 = tpu.memref_slice %arg9[%run_scoped3A_49, %dma_wait3A_83, %dma_wait3A_84] : memref<2x8x128xi32, #tpu.memory_space<vmem>> -> memref<1x8x128xi32, #tpu.memory_space<vmem>>
      %dma_wait3A_86 = tpu.memref_squeeze %dma_wait3A_85 : memref<1x8x128xi32, #tpu.memory_space<vmem>> -> memref<8x128xi32, #tpu.memory_space<vmem>>
      %dma_wait3A_87 = arith.constant 0 : i32
      %dma_wait3A_88 = arith.constant 0 : i32
      %dma_wait3A_89 = tpu.memref_slice %arg5[%arg1, %run_scoped3A_48, %dma_wait3A_87, %dma_wait3A_88] : memref<16x20x8x128xi32, #tpu.memory_space<hbm>> -> memref<1x1x8x128xi32, #tpu.memory_space<hbm>>
      %dma_wait3A_90 = tpu.memref_squeeze %dma_wait3A_89 : memref<1x1x8x128xi32, #tpu.memory_space<hbm>> -> memref<8x128xi32, #tpu.memory_space<hbm>>
      tpu.wait_dma2 semaphore(%run_scoped3A_60 : memref<!tpu.dma_semaphore, #tpu.memory_space<semaphore_mem>>) src(%dma_wait3A_90 : memref<8x128xi32, #tpu.memory_space<hbm>>) dst(%dma_wait3A_86 : memref<8x128xi32, #tpu.memory_space<vmem>>)
      tpu.yield
    }) : () -> ()
    %scan3A = arith.constant 0 : i32
    %scan3A_50 = arith.constant 0 : i32
    %scan3A_51 = arith.constant 20 : i32
    %scan3A_52 = arith.addi %scan3A_50, %scan3A_51 : i32
    %scan3A_53 = arith.constant 1 : i32
    scf.for %scan3A_60 = %scan3A_50 to %scan3A_52 step %scan3A_53  : i32 {
      %rem3A = arith.constant 2 : i32
      %rem3A_61 = arith.remsi %scan3A_60, %rem3A : i32
      %sub3A = arith.constant 1 : i32
      %sub3A_62 = arith.subi %sub3A, %rem3A_61 : i32
      %dma_wait3A = arith.constant 0 : i32
      %dma_wait3A_63 = arith.constant 0 : i32
      %dma_wait3A_64 = tpu.memref_slice %arg8[%rem3A_61, %dma_wait3A, %dma_wait3A_63] : memref<2x8x128xi32, #tpu.memory_space<vmem>> -> memref<1x1x128xi32, #tpu.memory_space<vmem>>
      %dma_wait3A_65 = tpu.memref_squeeze %dma_wait3A_64 : memref<1x1x128xi32, #tpu.memory_space<vmem>> -> memref<128xi32, #tpu.memory_space<vmem>>
      %dma_wait3A_66 = arith.constant 0 : i32
      %dma_wait3A_67 = arith.constant 0 : i32
      %dma_wait3A_68 = tpu.memref_slice %arg2[%dma_wait3A_66, %dma_wait3A_67] : memref<10000x128xf32, #tpu.memory_space<hbm>> -> memref<10000x128xf32, #tpu.memory_space<hbm>>
      tpu.wait_indirect_dma semaphore(%arg13 : memref<!tpu.dma_semaphore, #tpu.memory_space<semaphore_mem>>) src(%dma_wait3A_68 : memref<10000x128xf32, #tpu.memory_space<hbm>>) dst(%arg10 : memref<128x128xf32, #tpu.memory_space<vmem>>)
      %run_scoped3A_69 = arith.constant 0 : i32
      "tpu.region"() ({
        %run_scoped3A_212 = tpu.sem_alloc : memref<!tpu.dma_semaphore, #tpu.memory_space<semaphore_mem>>
        %dma_start3A = arith.constant 0 : i32
        %dma_start3A_213 = tpu.memref_slice %arg9[%rem3A_61, %run_scoped3A_69, %dma_start3A] : memref<2x8x128xi32, #tpu.memory_space<vmem>> -> memref<1x1x128xi32, #tpu.memory_space<vmem>>
        %dma_start3A_214 = tpu.memref_squeeze %dma_start3A_213 : memref<1x1x128xi32, #tpu.memory_space<vmem>> -> memref<128xi32, #tpu.memory_space<vmem>>
        %dma_start3A_215 = arith.constant 0 : i32
        %dma_start3A_216 = arith.constant 0 : i32
        %dma_start3A_217 = tpu.memref_slice %arg12[%dma_start3A_215, %dma_start3A_216] : memref<10240x128xf32, #tpu.memory_space<vmem_shared>> -> memref<10240x128xf32, #tpu.memory_space<vmem_shared>>
        tpu.enqueue_indirect_dma source(%arg10 : memref<128x128xf32, #tpu.memory_space<vmem>>) target(%dma_start3A_217 : memref<10240x128xf32, #tpu.memory_space<vmem_shared>>) offsets(%dma_start3A_214 : memref<128xi32, #tpu.memory_space<vmem>>) semaphore(%run_scoped3A_212 : memref<!tpu.dma_semaphore, #tpu.memory_space<semaphore_mem>>) {add = true}
        %dma_wait3A_218 = arith.constant 0 : i32
        %dma_wait3A_219 = tpu.memref_slice %arg9[%rem3A_61, %run_scoped3A_69, %dma_wait3A_218] : memref<2x8x128xi32, #tpu.memory_space<vmem>> -> memref<1x1x128xi32, #tpu.memory_space<vmem>>
        %dma_wait3A_220 = tpu.memref_squeeze %dma_wait3A_219 : memref<1x1x128xi32, #tpu.memory_space<vmem>> -> memref<128xi32, #tpu.memory_space<vmem>>
        %dma_wait3A_221 = arith.constant 0 : i32
        %dma_wait3A_222 = arith.constant 0 : i32
        %dma_wait3A_223 = tpu.memref_slice %arg12[%dma_wait3A_221, %dma_wait3A_222] : memref<10240x128xf32, #tpu.memory_space<vmem_shared>> -> memref<10240x128xf32, #tpu.memory_space<vmem_shared>>
        tpu.wait_indirect_dma semaphore(%run_scoped3A_212 : memref<!tpu.dma_semaphore, #tpu.memory_space<semaphore_mem>>) src(%arg10 : memref<128x128xf32, #tpu.memory_space<vmem>>) dst(%dma_wait3A_223 : memref<10240x128xf32, #tpu.memory_space<vmem_shared>>)
        tpu.yield
      }) : () -> ()
      %eq3A_70 = arith.constant 0 : i32
      %eq3A_71 = arith.cmpi eq, %arg0, %eq3A_70 : i32
      %convert_element_type3A_72 = arith.extui %eq3A_71 : i1 to i32
      %cond3A_73 = arith.constant 2 : i32
      %cond3A_74 = arith.constant 0 : i32
      %cond3A_75 = arith.cmpi ne, %convert_element_type3A_72, %cond3A_74 : i32
      scf.if %cond3A_75 {
        %dma_start3A = arith.constant 0 : i32
        %dma_start3A_212 = tpu.memref_slice %arg8[%rem3A_61, %cond3A_73, %dma_start3A] : memref<2x8x128xi32, #tpu.memory_space<vmem>> -> memref<1x1x128xi32, #tpu.memory_space<vmem>>
        %dma_start3A_213 = tpu.memref_squeeze %dma_start3A_212 : memref<1x1x128xi32, #tpu.memory_space<vmem>> -> memref<128xi32, #tpu.memory_space<vmem>>
        %dma_start3A_214 = arith.constant 0 : i32
        %dma_start3A_215 = arith.constant 0 : i32
        %dma_start3A_216 = tpu.memref_slice %arg2[%dma_start3A_214, %dma_start3A_215] : memref<10000x128xf32, #tpu.memory_space<hbm>> -> memref<10000x128xf32, #tpu.memory_space<hbm>>
        tpu.enqueue_indirect_dma source(%dma_start3A_216 : memref<10000x128xf32, #tpu.memory_space<hbm>>) target(%arg10 : memref<128x128xf32, #tpu.memory_space<vmem>>) offsets(%dma_start3A_213 : memref<128xi32, #tpu.memory_space<vmem>>) semaphore(%arg13 : memref<!tpu.dma_semaphore, #tpu.memory_space<semaphore_mem>>)
      } else {
      }
      %eq3A_76 = arith.constant 1 : i32
      %eq3A_77 = arith.cmpi eq, %arg0, %eq3A_76 : i32
      %convert_element_type3A_78 = arith.extui %eq3A_77 : i1 to i32
      %cond3A_79 = arith.constant 2 : i32
      %cond3A_80 = arith.constant 0 : i32
      %cond3A_81 = arith.cmpi ne, %convert_element_type3A_78, %cond3A_80 : i32
      scf.if %cond3A_81 {
        %dma_start3A = arith.constant 0 : i32
        %dma_start3A_212 = tpu.memref_slice %arg8[%rem3A_61, %cond3A_79, %dma_start3A] : memref<2x8x128xi32, #tpu.memory_space<vmem>> -> memref<1x1x128xi32, #tpu.memory_space<vmem>>
        %dma_start3A_213 = tpu.memref_squeeze %dma_start3A_212 : memref<1x1x128xi32, #tpu.memory_space<vmem>> -> memref<128xi32, #tpu.memory_space<vmem>>
        %dma_start3A_214 = arith.constant 0 : i32
        %dma_start3A_215 = arith.constant 0 : i32
        %dma_start3A_216 = tpu.memref_slice %arg3[%dma_start3A_214, %dma_start3A_215] : memref<10000x128xf32, #tpu.memory_space<hbm>> -> memref<10000x128xf32, #tpu.memory_space<hbm>>
        tpu.enqueue_indirect_dma source(%dma_start3A_216 : memref<10000x128xf32, #tpu.memory_space<hbm>>) target(%arg10 : memref<128x128xf32, #tpu.memory_space<vmem>>) offsets(%dma_start3A_213 : memref<128xi32, #tpu.memory_space<vmem>>) semaphore(%arg13 : memref<!tpu.dma_semaphore, #tpu.memory_space<semaphore_mem>>)
      } else {
      }
      %dma_wait3A_82 = arith.constant 1 : i32
      %dma_wait3A_83 = arith.constant 0 : i32
      %dma_wait3A_84 = tpu.memref_slice %arg8[%rem3A_61, %dma_wait3A_82, %dma_wait3A_83] : memref<2x8x128xi32, #tpu.memory_space<vmem>> -> memref<1x1x128xi32, #tpu.memory_space<vmem>>
      %dma_wait3A_85 = tpu.memref_squeeze %dma_wait3A_84 : memref<1x1x128xi32, #tpu.memory_space<vmem>> -> memref<128xi32, #tpu.memory_space<vmem>>
      %dma_wait3A_86 = arith.constant 0 : i32
      %dma_wait3A_87 = arith.constant 0 : i32
      %dma_wait3A_88 = tpu.memref_slice %arg2[%dma_wait3A_86, %dma_wait3A_87] : memref<10000x128xf32, #tpu.memory_space<hbm>> -> memref<10000x128xf32, #tpu.memory_space<hbm>>
      tpu.wait_indirect_dma semaphore(%arg14 : memref<!tpu.dma_semaphore, #tpu.memory_space<semaphore_mem>>) src(%dma_wait3A_88 : memref<10000x128xf32, #tpu.memory_space<hbm>>) dst(%arg11 : memref<128x128xf32, #tpu.memory_space<vmem>>)
      %run_scoped3A_89 = arith.constant 1 : i32
      "tpu.region"() ({
        %run_scoped3A_212 = tpu.sem_alloc : memref<!tpu.dma_semaphore, #tpu.memory_space<semaphore_mem>>
        %dma_start3A = arith.constant 0 : i32
        %dma_start3A_213 = tpu.memref_slice %arg9[%rem3A_61, %run_scoped3A_89, %dma_start3A] : memref<2x8x128xi32, #tpu.memory_space<vmem>> -> memref<1x1x128xi32, #tpu.memory_space<vmem>>
        %dma_start3A_214 = tpu.memref_squeeze %dma_start3A_213 : memref<1x1x128xi32, #tpu.memory_space<vmem>> -> memref<128xi32, #tpu.memory_space<vmem>>
        %dma_start3A_215 = arith.constant 0 : i32
        %dma_start3A_216 = arith.constant 0 : i32
        %dma_start3A_217 = tpu.memref_slice %arg12[%dma_start3A_215, %dma_start3A_216] : memref<10240x128xf32, #tpu.memory_space<vmem_shared>> -> memref<10240x128xf32, #tpu.memory_space<vmem_shared>>
        tpu.enqueue_indirect_dma source(%arg11 : memref<128x128xf32, #tpu.memory_space<vmem>>) target(%dma_start3A_217 : memref<10240x128xf32, #tpu.memory_space<vmem_shared>>) offsets(%dma_start3A_214 : memref<128xi32, #tpu.memory_space<vmem>>) semaphore(%run_scoped3A_212 : memref<!tpu.dma_semaphore, #tpu.memory_space<semaphore_mem>>) {add = true}
        %dma_wait3A_218 = arith.constant 0 : i32
        %dma_wait3A_219 = tpu.memref_slice %arg9[%rem3A_61, %run_scoped3A_89, %dma_wait3A_218] : memref<2x8x128xi32, #tpu.memory_space<vmem>> -> memref<1x1x128xi32, #tpu.memory_space<vmem>>
        %dma_wait3A_220 = tpu.memref_squeeze %dma_wait3A_219 : memref<1x1x128xi32, #tpu.memory_space<vmem>> -> memref<128xi32, #tpu.memory_space<vmem>>
        %dma_wait3A_221 = arith.constant 0 : i32
        %dma_wait3A_222 = arith.constant 0 : i32
        %dma_wait3A_223 = tpu.memref_slice %arg12[%dma_wait3A_221, %dma_wait3A_222] : memref<10240x128xf32, #tpu.memory_space<vmem_shared>> -> memref<10240x128xf32, #tpu.memory_space<vmem_shared>>
        tpu.wait_indirect_dma semaphore(%run_scoped3A_212 : memref<!tpu.dma_semaphore, #tpu.memory_space<semaphore_mem>>) src(%arg11 : memref<128x128xf32, #tpu.memory_space<vmem>>) dst(%dma_wait3A_223 : memref<10240x128xf32, #tpu.memory_space<vmem_shared>>)
        tpu.yield
      }) : () -> ()
      %eq3A_90 = arith.constant 0 : i32
      %eq3A_91 = arith.cmpi eq, %arg0, %eq3A_90 : i32
      %convert_element_type3A_92 = arith.extui %eq3A_91 : i1 to i32
      %cond3A_93 = arith.constant 3 : i32
      %cond3A_94 = arith.constant 0 : i32
      %cond3A_95 = arith.cmpi ne, %convert_element_type3A_92, %cond3A_94 : i32
      scf.if %cond3A_95 {
        %dma_start3A = arith.constant 0 : i32
        %dma_start3A_212 = tpu.memref_slice %arg8[%rem3A_61, %cond3A_93, %dma_start3A] : memref<2x8x128xi32, #tpu.memory_space<vmem>> -> memref<1x1x128xi32, #tpu.memory_space<vmem>>
        %dma_start3A_213 = tpu.memref_squeeze %dma_start3A_212 : memref<1x1x128xi32, #tpu.memory_space<vmem>> -> memref<128xi32, #tpu.memory_space<vmem>>
        %dma_start3A_214 = arith.constant 0 : i32
        %dma_start3A_215 = arith.constant 0 : i32
        %dma_start3A_216 = tpu.memref_slice %arg2[%dma_start3A_214, %dma_start3A_215] : memref<10000x128xf32, #tpu.memory_space<hbm>> -> memref<10000x128xf32, #tpu.memory_space<hbm>>
        tpu.enqueue_indirect_dma source(%dma_start3A_216 : memref<10000x128xf32, #tpu.memory_space<hbm>>) target(%arg11 : memref<128x128xf32, #tpu.memory_space<vmem>>) offsets(%dma_start3A_213 : memref<128xi32, #tpu.memory_space<vmem>>) semaphore(%arg14 : memref<!tpu.dma_semaphore, #tpu.memory_space<semaphore_mem>>)
      } else {
      }
      %eq3A_96 = arith.constant 1 : i32
      %eq3A_97 = arith.cmpi eq, %arg0, %eq3A_96 : i32
      %convert_element_type3A_98 = arith.extui %eq3A_97 : i1 to i32
      %cond3A_99 = arith.constant 3 : i32
      %cond3A_100 = arith.constant 0 : i32
      %cond3A_101 = arith.cmpi ne, %convert_element_type3A_98, %cond3A_100 : i32
      scf.if %cond3A_101 {
        %dma_start3A = arith.constant 0 : i32
        %dma_start3A_212 = tpu.memref_slice %arg8[%rem3A_61, %cond3A_99, %dma_start3A] : memref<2x8x128xi32, #tpu.memory_space<vmem>> -> memref<1x1x128xi32, #tpu.memory_space<vmem>>
        %dma_start3A_213 = tpu.memref_squeeze %dma_start3A_212 : memref<1x1x128xi32, #tpu.memory_space<vmem>> -> memref<128xi32, #tpu.memory_space<vmem>>
        %dma_start3A_214 = arith.constant 0 : i32
        %dma_start3A_215 = arith.constant 0 : i32
        %dma_start3A_216 = tpu.memref_slice %arg3[%dma_start3A_214, %dma_start3A_215] : memref<10000x128xf32, #tpu.memory_space<hbm>> -> memref<10000x128xf32, #tpu.memory_space<hbm>>
        tpu.enqueue_indirect_dma source(%dma_start3A_216 : memref<10000x128xf32, #tpu.memory_space<hbm>>) target(%arg11 : memref<128x128xf32, #tpu.memory_space<vmem>>) offsets(%dma_start3A_213 : memref<128xi32, #tpu.memory_space<vmem>>) semaphore(%arg14 : memref<!tpu.dma_semaphore, #tpu.memory_space<semaphore_mem>>)
      } else {
      }
      %dma_wait3A_102 = arith.constant 2 : i32
      %dma_wait3A_103 = arith.constant 0 : i32
      %dma_wait3A_104 = tpu.memref_slice %arg8[%rem3A_61, %dma_wait3A_102, %dma_wait3A_103] : memref<2x8x128xi32, #tpu.memory_space<vmem>> -> memref<1x1x128xi32, #tpu.memory_space<vmem>>
      %dma_wait3A_105 = tpu.memref_squeeze %dma_wait3A_104 : memref<1x1x128xi32, #tpu.memory_space<vmem>> -> memref<128xi32, #tpu.memory_space<vmem>>
      %dma_wait3A_106 = arith.constant 0 : i32
      %dma_wait3A_107 = arith.constant 0 : i32
      %dma_wait3A_108 = tpu.memref_slice %arg2[%dma_wait3A_106, %dma_wait3A_107] : memref<10000x128xf32, #tpu.memory_space<hbm>> -> memref<10000x128xf32, #tpu.memory_space<hbm>>
      tpu.wait_indirect_dma semaphore(%arg13 : memref<!tpu.dma_semaphore, #tpu.memory_space<semaphore_mem>>) src(%dma_wait3A_108 : memref<10000x128xf32, #tpu.memory_space<hbm>>) dst(%arg10 : memref<128x128xf32, #tpu.memory_space<vmem>>)
      %run_scoped3A_109 = arith.constant 2 : i32
      "tpu.region"() ({
        %run_scoped3A_212 = tpu.sem_alloc : memref<!tpu.dma_semaphore, #tpu.memory_space<semaphore_mem>>
        %dma_start3A = arith.constant 0 : i32
        %dma_start3A_213 = tpu.memref_slice %arg9[%rem3A_61, %run_scoped3A_109, %dma_start3A] : memref<2x8x128xi32, #tpu.memory_space<vmem>> -> memref<1x1x128xi32, #tpu.memory_space<vmem>>
        %dma_start3A_214 = tpu.memref_squeeze %dma_start3A_213 : memref<1x1x128xi32, #tpu.memory_space<vmem>> -> memref<128xi32, #tpu.memory_space<vmem>>
        %dma_start3A_215 = arith.constant 0 : i32
        %dma_start3A_216 = arith.constant 0 : i32
        %dma_start3A_217 = tpu.memref_slice %arg12[%dma_start3A_215, %dma_start3A_216] : memref<10240x128xf32, #tpu.memory_space<vmem_shared>> -> memref<10240x128xf32, #tpu.memory_space<vmem_shared>>
        tpu.enqueue_indirect_dma source(%arg10 : memref<128x128xf32, #tpu.memory_space<vmem>>) target(%dma_start3A_217 : memref<10240x128xf32, #tpu.memory_space<vmem_shared>>) offsets(%dma_start3A_214 : memref<128xi32, #tpu.memory_space<vmem>>) semaphore(%run_scoped3A_212 : memref<!tpu.dma_semaphore, #tpu.memory_space<semaphore_mem>>) {add = true}
        %dma_wait3A_218 = arith.constant 0 : i32
        %dma_wait3A_219 = tpu.memref_slice %arg9[%rem3A_61, %run_scoped3A_109, %dma_wait3A_218] : memref<2x8x128xi32, #tpu.memory_space<vmem>> -> memref<1x1x128xi32, #tpu.memory_space<vmem>>
        %dma_wait3A_220 = tpu.memref_squeeze %dma_wait3A_219 : memref<1x1x128xi32, #tpu.memory_space<vmem>> -> memref<128xi32, #tpu.memory_space<vmem>>
        %dma_wait3A_221 = arith.constant 0 : i32
        %dma_wait3A_222 = arith.constant 0 : i32
        %dma_wait3A_223 = tpu.memref_slice %arg12[%dma_wait3A_221, %dma_wait3A_222] : memref<10240x128xf32, #tpu.memory_space<vmem_shared>> -> memref<10240x128xf32, #tpu.memory_space<vmem_shared>>
        tpu.wait_indirect_dma semaphore(%run_scoped3A_212 : memref<!tpu.dma_semaphore, #tpu.memory_space<semaphore_mem>>) src(%arg10 : memref<128x128xf32, #tpu.memory_space<vmem>>) dst(%dma_wait3A_223 : memref<10240x128xf32, #tpu.memory_space<vmem_shared>>)
        tpu.yield
      }) : () -> ()
      %eq3A_110 = arith.constant 0 : i32
      %eq3A_111 = arith.cmpi eq, %arg0, %eq3A_110 : i32
      %convert_element_type3A_112 = arith.extui %eq3A_111 : i1 to i32
      %cond3A_113 = arith.constant 4 : i32
      %cond3A_114 = arith.constant 0 : i32
      %cond3A_115 = arith.cmpi ne, %convert_element_type3A_112, %cond3A_114 : i32
      scf.if %cond3A_115 {
        %dma_start3A = arith.constant 0 : i32
        %dma_start3A_212 = tpu.memref_slice %arg8[%rem3A_61, %cond3A_113, %dma_start3A] : memref<2x8x128xi32, #tpu.memory_space<vmem>> -> memref<1x1x128xi32, #tpu.memory_space<vmem>>
        %dma_start3A_213 = tpu.memref_squeeze %dma_start3A_212 : memref<1x1x128xi32, #tpu.memory_space<vmem>> -> memref<128xi32, #tpu.memory_space<vmem>>
        %dma_start3A_214 = arith.constant 0 : i32
        %dma_start3A_215 = arith.constant 0 : i32
        %dma_start3A_216 = tpu.memref_slice %arg2[%dma_start3A_214, %dma_start3A_215] : memref<10000x128xf32, #tpu.memory_space<hbm>> -> memref<10000x128xf32, #tpu.memory_space<hbm>>
        tpu.enqueue_indirect_dma source(%dma_start3A_216 : memref<10000x128xf32, #tpu.memory_space<hbm>>) target(%arg10 : memref<128x128xf32, #tpu.memory_space<vmem>>) offsets(%dma_start3A_213 : memref<128xi32, #tpu.memory_space<vmem>>) semaphore(%arg13 : memref<!tpu.dma_semaphore, #tpu.memory_space<semaphore_mem>>)
      } else {
      }
      %eq3A_116 = arith.constant 1 : i32
      %eq3A_117 = arith.cmpi eq, %arg0, %eq3A_116 : i32
      %convert_element_type3A_118 = arith.extui %eq3A_117 : i1 to i32
      %cond3A_119 = arith.constant 4 : i32
      %cond3A_120 = arith.constant 0 : i32
      %cond3A_121 = arith.cmpi ne, %convert_element_type3A_118, %cond3A_120 : i32
      scf.if %cond3A_121 {
        %dma_start3A = arith.constant 0 : i32
        %dma_start3A_212 = tpu.memref_slice %arg8[%rem3A_61, %cond3A_119, %dma_start3A] : memref<2x8x128xi32, #tpu.memory_space<vmem>> -> memref<1x1x128xi32, #tpu.memory_space<vmem>>
        %dma_start3A_213 = tpu.memref_squeeze %dma_start3A_212 : memref<1x1x128xi32, #tpu.memory_space<vmem>> -> memref<128xi32, #tpu.memory_space<vmem>>
        %dma_start3A_214 = arith.constant 0 : i32
        %dma_start3A_215 = arith.constant 0 : i32
        %dma_start3A_216 = tpu.memref_slice %arg3[%dma_start3A_214, %dma_start3A_215] : memref<10000x128xf32, #tpu.memory_space<hbm>> -> memref<10000x128xf32, #tpu.memory_space<hbm>>
        tpu.enqueue_indirect_dma source(%dma_start3A_216 : memref<10000x128xf32, #tpu.memory_space<hbm>>) target(%arg10 : memref<128x128xf32, #tpu.memory_space<vmem>>) offsets(%dma_start3A_213 : memref<128xi32, #tpu.memory_space<vmem>>) semaphore(%arg13 : memref<!tpu.dma_semaphore, #tpu.memory_space<semaphore_mem>>)
      } else {
      }
      %dma_wait3A_122 = arith.constant 3 : i32
      %dma_wait3A_123 = arith.constant 0 : i32
      %dma_wait3A_124 = tpu.memref_slice %arg8[%rem3A_61, %dma_wait3A_122, %dma_wait3A_123] : memref<2x8x128xi32, #tpu.memory_space<vmem>> -> memref<1x1x128xi32, #tpu.memory_space<vmem>>
      %dma_wait3A_125 = tpu.memref_squeeze %dma_wait3A_124 : memref<1x1x128xi32, #tpu.memory_space<vmem>> -> memref<128xi32, #tpu.memory_space<vmem>>
      %dma_wait3A_126 = arith.constant 0 : i32
      %dma_wait3A_127 = arith.constant 0 : i32
      %dma_wait3A_128 = tpu.memref_slice %arg2[%dma_wait3A_126, %dma_wait3A_127] : memref<10000x128xf32, #tpu.memory_space<hbm>> -> memref<10000x128xf32, #tpu.memory_space<hbm>>
      tpu.wait_indirect_dma semaphore(%arg14 : memref<!tpu.dma_semaphore, #tpu.memory_space<semaphore_mem>>) src(%dma_wait3A_128 : memref<10000x128xf32, #tpu.memory_space<hbm>>) dst(%arg11 : memref<128x128xf32, #tpu.memory_space<vmem>>)
      %run_scoped3A_129 = arith.constant 3 : i32
      "tpu.region"() ({
        %run_scoped3A_212 = tpu.sem_alloc : memref<!tpu.dma_semaphore, #tpu.memory_space<semaphore_mem>>
        %dma_start3A = arith.constant 0 : i32
        %dma_start3A_213 = tpu.memref_slice %arg9[%rem3A_61, %run_scoped3A_129, %dma_start3A] : memref<2x8x128xi32, #tpu.memory_space<vmem>> -> memref<1x1x128xi32, #tpu.memory_space<vmem>>
        %dma_start3A_214 = tpu.memref_squeeze %dma_start3A_213 : memref<1x1x128xi32, #tpu.memory_space<vmem>> -> memref<128xi32, #tpu.memory_space<vmem>>
        %dma_start3A_215 = arith.constant 0 : i32
        %dma_start3A_216 = arith.constant 0 : i32
        %dma_start3A_217 = tpu.memref_slice %arg12[%dma_start3A_215, %dma_start3A_216] : memref<10240x128xf32, #tpu.memory_space<vmem_shared>> -> memref<10240x128xf32, #tpu.memory_space<vmem_shared>>
        tpu.enqueue_indirect_dma source(%arg11 : memref<128x128xf32, #tpu.memory_space<vmem>>) target(%dma_start3A_217 : memref<10240x128xf32, #tpu.memory_space<vmem_shared>>) offsets(%dma_start3A_214 : memref<128xi32, #tpu.memory_space<vmem>>) semaphore(%run_scoped3A_212 : memref<!tpu.dma_semaphore, #tpu.memory_space<semaphore_mem>>) {add = true}
        %dma_wait3A_218 = arith.constant 0 : i32
        %dma_wait3A_219 = tpu.memref_slice %arg9[%rem3A_61, %run_scoped3A_129, %dma_wait3A_218] : memref<2x8x128xi32, #tpu.memory_space<vmem>> -> memref<1x1x128xi32, #tpu.memory_space<vmem>>
        %dma_wait3A_220 = tpu.memref_squeeze %dma_wait3A_219 : memref<1x1x128xi32, #tpu.memory_space<vmem>> -> memref<128xi32, #tpu.memory_space<vmem>>
        %dma_wait3A_221 = arith.constant 0 : i32
        %dma_wait3A_222 = arith.constant 0 : i32
        %dma_wait3A_223 = tpu.memref_slice %arg12[%dma_wait3A_221, %dma_wait3A_222] : memref<10240x128xf32, #tpu.memory_space<vmem_shared>> -> memref<10240x128xf32, #tpu.memory_space<vmem_shared>>
        tpu.wait_indirect_dma semaphore(%run_scoped3A_212 : memref<!tpu.dma_semaphore, #tpu.memory_space<semaphore_mem>>) src(%arg11 : memref<128x128xf32, #tpu.memory_space<vmem>>) dst(%dma_wait3A_223 : memref<10240x128xf32, #tpu.memory_space<vmem_shared>>)
        tpu.yield
      }) : () -> ()
      %eq3A_130 = arith.constant 0 : i32
      %eq3A_131 = arith.cmpi eq, %arg0, %eq3A_130 : i32
      %convert_element_type3A_132 = arith.extui %eq3A_131 : i1 to i32
      %cond3A_133 = arith.constant 5 : i32
      %cond3A_134 = arith.constant 0 : i32
      %cond3A_135 = arith.cmpi ne, %convert_element_type3A_132, %cond3A_134 : i32
      scf.if %cond3A_135 {
        %dma_start3A = arith.constant 0 : i32
        %dma_start3A_212 = tpu.memref_slice %arg8[%rem3A_61, %cond3A_133, %dma_start3A] : memref<2x8x128xi32, #tpu.memory_space<vmem>> -> memref<1x1x128xi32, #tpu.memory_space<vmem>>
        %dma_start3A_213 = tpu.memref_squeeze %dma_start3A_212 : memref<1x1x128xi32, #tpu.memory_space<vmem>> -> memref<128xi32, #tpu.memory_space<vmem>>
        %dma_start3A_214 = arith.constant 0 : i32
        %dma_start3A_215 = arith.constant 0 : i32
        %dma_start3A_216 = tpu.memref_slice %arg2[%dma_start3A_214, %dma_start3A_215] : memref<10000x128xf32, #tpu.memory_space<hbm>> -> memref<10000x128xf32, #tpu.memory_space<hbm>>
        tpu.enqueue_indirect_dma source(%dma_start3A_216 : memref<10000x128xf32, #tpu.memory_space<hbm>>) target(%arg11 : memref<128x128xf32, #tpu.memory_space<vmem>>) offsets(%dma_start3A_213 : memref<128xi32, #tpu.memory_space<vmem>>) semaphore(%arg14 : memref<!tpu.dma_semaphore, #tpu.memory_space<semaphore_mem>>)
      } else {
      }
      %eq3A_136 = arith.constant 1 : i32
      %eq3A_137 = arith.cmpi eq, %arg0, %eq3A_136 : i32
      %convert_element_type3A_138 = arith.extui %eq3A_137 : i1 to i32
      %cond3A_139 = arith.constant 5 : i32
      %cond3A_140 = arith.constant 0 : i32
      %cond3A_141 = arith.cmpi ne, %convert_element_type3A_138, %cond3A_140 : i32
      scf.if %cond3A_141 {
        %dma_start3A = arith.constant 0 : i32
        %dma_start3A_212 = tpu.memref_slice %arg8[%rem3A_61, %cond3A_139, %dma_start3A] : memref<2x8x128xi32, #tpu.memory_space<vmem>> -> memref<1x1x128xi32, #tpu.memory_space<vmem>>
        %dma_start3A_213 = tpu.memref_squeeze %dma_start3A_212 : memref<1x1x128xi32, #tpu.memory_space<vmem>> -> memref<128xi32, #tpu.memory_space<vmem>>
        %dma_start3A_214 = arith.constant 0 : i32
        %dma_start3A_215 = arith.constant 0 : i32
        %dma_start3A_216 = tpu.memref_slice %arg3[%dma_start3A_214, %dma_start3A_215] : memref<10000x128xf32, #tpu.memory_space<hbm>> -> memref<10000x128xf32, #tpu.memory_space<hbm>>
        tpu.enqueue_indirect_dma source(%dma_start3A_216 : memref<10000x128xf32, #tpu.memory_space<hbm>>) target(%arg11 : memref<128x128xf32, #tpu.memory_space<vmem>>) offsets(%dma_start3A_213 : memref<128xi32, #tpu.memory_space<vmem>>) semaphore(%arg14 : memref<!tpu.dma_semaphore, #tpu.memory_space<semaphore_mem>>)
      } else {
      }
      %dma_wait3A_142 = arith.constant 4 : i32
      %dma_wait3A_143 = arith.constant 0 : i32
      %dma_wait3A_144 = tpu.memref_slice %arg8[%rem3A_61, %dma_wait3A_142, %dma_wait3A_143] : memref<2x8x128xi32, #tpu.memory_space<vmem>> -> memref<1x1x128xi32, #tpu.memory_space<vmem>>
      %dma_wait3A_145 = tpu.memref_squeeze %dma_wait3A_144 : memref<1x1x128xi32, #tpu.memory_space<vmem>> -> memref<128xi32, #tpu.memory_space<vmem>>
      %dma_wait3A_146 = arith.constant 0 : i32
      %dma_wait3A_147 = arith.constant 0 : i32
      %dma_wait3A_148 = tpu.memref_slice %arg2[%dma_wait3A_146, %dma_wait3A_147] : memref<10000x128xf32, #tpu.memory_space<hbm>> -> memref<10000x128xf32, #tpu.memory_space<hbm>>
      tpu.wait_indirect_dma semaphore(%arg13 : memref<!tpu.dma_semaphore, #tpu.memory_space<semaphore_mem>>) src(%dma_wait3A_148 : memref<10000x128xf32, #tpu.memory_space<hbm>>) dst(%arg10 : memref<128x128xf32, #tpu.memory_space<vmem>>)
      %run_scoped3A_149 = arith.constant 4 : i32
      "tpu.region"() ({
        %run_scoped3A_212 = tpu.sem_alloc : memref<!tpu.dma_semaphore, #tpu.memory_space<semaphore_mem>>
        %dma_start3A = arith.constant 0 : i32
        %dma_start3A_213 = tpu.memref_slice %arg9[%rem3A_61, %run_scoped3A_149, %dma_start3A] : memref<2x8x128xi32, #tpu.memory_space<vmem>> -> memref<1x1x128xi32, #tpu.memory_space<vmem>>
        %dma_start3A_214 = tpu.memref_squeeze %dma_start3A_213 : memref<1x1x128xi32, #tpu.memory_space<vmem>> -> memref<128xi32, #tpu.memory_space<vmem>>
        %dma_start3A_215 = arith.constant 0 : i32
        %dma_start3A_216 = arith.constant 0 : i32
        %dma_start3A_217 = tpu.memref_slice %arg12[%dma_start3A_215, %dma_start3A_216] : memref<10240x128xf32, #tpu.memory_space<vmem_shared>> -> memref<10240x128xf32, #tpu.memory_space<vmem_shared>>
        tpu.enqueue_indirect_dma source(%arg10 : memref<128x128xf32, #tpu.memory_space<vmem>>) target(%dma_start3A_217 : memref<10240x128xf32, #tpu.memory_space<vmem_shared>>) offsets(%dma_start3A_214 : memref<128xi32, #tpu.memory_space<vmem>>) semaphore(%run_scoped3A_212 : memref<!tpu.dma_semaphore, #tpu.memory_space<semaphore_mem>>) {add = true}
        %dma_wait3A_218 = arith.constant 0 : i32
        %dma_wait3A_219 = tpu.memref_slice %arg9[%rem3A_61, %run_scoped3A_149, %dma_wait3A_218] : memref<2x8x128xi32, #tpu.memory_space<vmem>> -> memref<1x1x128xi32, #tpu.memory_space<vmem>>
        %dma_wait3A_220 = tpu.memref_squeeze %dma_wait3A_219 : memref<1x1x128xi32, #tpu.memory_space<vmem>> -> memref<128xi32, #tpu.memory_space<vmem>>
        %dma_wait3A_221 = arith.constant 0 : i32
        %dma_wait3A_222 = arith.constant 0 : i32
        %dma_wait3A_223 = tpu.memref_slice %arg12[%dma_wait3A_221, %dma_wait3A_222] : memref<10240x128xf32, #tpu.memory_space<vmem_shared>> -> memref<10240x128xf32, #tpu.memory_space<vmem_shared>>
        tpu.wait_indirect_dma semaphore(%run_scoped3A_212 : memref<!tpu.dma_semaphore, #tpu.memory_space<semaphore_mem>>) src(%arg10 : memref<128x128xf32, #tpu.memory_space<vmem>>) dst(%dma_wait3A_223 : memref<10240x128xf32, #tpu.memory_space<vmem_shared>>)
        tpu.yield
      }) : () -> ()
      %eq3A_150 = arith.constant 0 : i32
      %eq3A_151 = arith.cmpi eq, %arg0, %eq3A_150 : i32
      %convert_element_type3A_152 = arith.extui %eq3A_151 : i1 to i32
      %cond3A_153 = arith.constant 6 : i32
      %cond3A_154 = arith.constant 0 : i32
      %cond3A_155 = arith.cmpi ne, %convert_element_type3A_152, %cond3A_154 : i32
      scf.if %cond3A_155 {
        %dma_start3A = arith.constant 0 : i32
        %dma_start3A_212 = tpu.memref_slice %arg8[%rem3A_61, %cond3A_153, %dma_start3A] : memref<2x8x128xi32, #tpu.memory_space<vmem>> -> memref<1x1x128xi32, #tpu.memory_space<vmem>>
        %dma_start3A_213 = tpu.memref_squeeze %dma_start3A_212 : memref<1x1x128xi32, #tpu.memory_space<vmem>> -> memref<128xi32, #tpu.memory_space<vmem>>
        %dma_start3A_214 = arith.constant 0 : i32
        %dma_start3A_215 = arith.constant 0 : i32
        %dma_start3A_216 = tpu.memref_slice %arg2[%dma_start3A_214, %dma_start3A_215] : memref<10000x128xf32, #tpu.memory_space<hbm>> -> memref<10000x128xf32, #tpu.memory_space<hbm>>
        tpu.enqueue_indirect_dma source(%dma_start3A_216 : memref<10000x128xf32, #tpu.memory_space<hbm>>) target(%arg10 : memref<128x128xf32, #tpu.memory_space<vmem>>) offsets(%dma_start3A_213 : memref<128xi32, #tpu.memory_space<vmem>>) semaphore(%arg13 : memref<!tpu.dma_semaphore, #tpu.memory_space<semaphore_mem>>)
      } else {
      }
      %eq3A_156 = arith.constant 1 : i32
      %eq3A_157 = arith.cmpi eq, %arg0, %eq3A_156 : i32
      %convert_element_type3A_158 = arith.extui %eq3A_157 : i1 to i32
      %cond3A_159 = arith.constant 6 : i32
      %cond3A_160 = arith.constant 0 : i32
      %cond3A_161 = arith.cmpi ne, %convert_element_type3A_158, %cond3A_160 : i32
      scf.if %cond3A_161 {
        %dma_start3A = arith.constant 0 : i32
        %dma_start3A_212 = tpu.memref_slice %arg8[%rem3A_61, %cond3A_159, %dma_start3A] : memref<2x8x128xi32, #tpu.memory_space<vmem>> -> memref<1x1x128xi32, #tpu.memory_space<vmem>>
        %dma_start3A_213 = tpu.memref_squeeze %dma_start3A_212 : memref<1x1x128xi32, #tpu.memory_space<vmem>> -> memref<128xi32, #tpu.memory_space<vmem>>
        %dma_start3A_214 = arith.constant 0 : i32
        %dma_start3A_215 = arith.constant 0 : i32
        %dma_start3A_216 = tpu.memref_slice %arg3[%dma_start3A_214, %dma_start3A_215] : memref<10000x128xf32, #tpu.memory_space<hbm>> -> memref<10000x128xf32, #tpu.memory_space<hbm>>
        tpu.enqueue_indirect_dma source(%dma_start3A_216 : memref<10000x128xf32, #tpu.memory_space<hbm>>) target(%arg10 : memref<128x128xf32, #tpu.memory_space<vmem>>) offsets(%dma_start3A_213 : memref<128xi32, #tpu.memory_space<vmem>>) semaphore(%arg13 : memref<!tpu.dma_semaphore, #tpu.memory_space<semaphore_mem>>)
      } else {
      }
      %dma_wait3A_162 = arith.constant 5 : i32
      %dma_wait3A_163 = arith.constant 0 : i32
      %dma_wait3A_164 = tpu.memref_slice %arg8[%rem3A_61, %dma_wait3A_162, %dma_wait3A_163] : memref<2x8x128xi32, #tpu.memory_space<vmem>> -> memref<1x1x128xi32, #tpu.memory_space<vmem>>
      %dma_wait3A_165 = tpu.memref_squeeze %dma_wait3A_164 : memref<1x1x128xi32, #tpu.memory_space<vmem>> -> memref<128xi32, #tpu.memory_space<vmem>>
      %dma_wait3A_166 = arith.constant 0 : i32
      %dma_wait3A_167 = arith.constant 0 : i32
      %dma_wait3A_168 = tpu.memref_slice %arg2[%dma_wait3A_166, %dma_wait3A_167] : memref<10000x128xf32, #tpu.memory_space<hbm>> -> memref<10000x128xf32, #tpu.memory_space<hbm>>
      tpu.wait_indirect_dma semaphore(%arg14 : memref<!tpu.dma_semaphore, #tpu.memory_space<semaphore_mem>>) src(%dma_wait3A_168 : memref<10000x128xf32, #tpu.memory_space<hbm>>) dst(%arg11 : memref<128x128xf32, #tpu.memory_space<vmem>>)
      %run_scoped3A_169 = arith.constant 5 : i32
      "tpu.region"() ({
        %run_scoped3A_212 = tpu.sem_alloc : memref<!tpu.dma_semaphore, #tpu.memory_space<semaphore_mem>>
        %dma_start3A = arith.constant 0 : i32
        %dma_start3A_213 = tpu.memref_slice %arg9[%rem3A_61, %run_scoped3A_169, %dma_start3A] : memref<2x8x128xi32, #tpu.memory_space<vmem>> -> memref<1x1x128xi32, #tpu.memory_space<vmem>>
        %dma_start3A_214 = tpu.memref_squeeze %dma_start3A_213 : memref<1x1x128xi32, #tpu.memory_space<vmem>> -> memref<128xi32, #tpu.memory_space<vmem>>
        %dma_start3A_215 = arith.constant 0 : i32
        %dma_start3A_216 = arith.constant 0 : i32
        %dma_start3A_217 = tpu.memref_slice %arg12[%dma_start3A_215, %dma_start3A_216] : memref<10240x128xf32, #tpu.memory_space<vmem_shared>> -> memref<10240x128xf32, #tpu.memory_space<vmem_shared>>
        tpu.enqueue_indirect_dma source(%arg11 : memref<128x128xf32, #tpu.memory_space<vmem>>) target(%dma_start3A_217 : memref<10240x128xf32, #tpu.memory_space<vmem_shared>>) offsets(%dma_start3A_214 : memref<128xi32, #tpu.memory_space<vmem>>) semaphore(%run_scoped3A_212 : memref<!tpu.dma_semaphore, #tpu.memory_space<semaphore_mem>>) {add = true}
        %dma_wait3A_218 = arith.constant 0 : i32
        %dma_wait3A_219 = tpu.memref_slice %arg9[%rem3A_61, %run_scoped3A_169, %dma_wait3A_218] : memref<2x8x128xi32, #tpu.memory_space<vmem>> -> memref<1x1x128xi32, #tpu.memory_space<vmem>>
        %dma_wait3A_220 = tpu.memref_squeeze %dma_wait3A_219 : memref<1x1x128xi32, #tpu.memory_space<vmem>> -> memref<128xi32, #tpu.memory_space<vmem>>
        %dma_wait3A_221 = arith.constant 0 : i32
        %dma_wait3A_222 = arith.constant 0 : i32
        %dma_wait3A_223 = tpu.memref_slice %arg12[%dma_wait3A_221, %dma_wait3A_222] : memref<10240x128xf32, #tpu.memory_space<vmem_shared>> -> memref<10240x128xf32, #tpu.memory_space<vmem_shared>>
        tpu.wait_indirect_dma semaphore(%run_scoped3A_212 : memref<!tpu.dma_semaphore, #tpu.memory_space<semaphore_mem>>) src(%arg11 : memref<128x128xf32, #tpu.memory_space<vmem>>) dst(%dma_wait3A_223 : memref<10240x128xf32, #tpu.memory_space<vmem_shared>>)
        tpu.yield
      }) : () -> ()
      %eq3A_170 = arith.constant 0 : i32
      %eq3A_171 = arith.cmpi eq, %arg0, %eq3A_170 : i32
      %convert_element_type3A_172 = arith.extui %eq3A_171 : i1 to i32
      %cond3A_173 = arith.constant 7 : i32
      %cond3A_174 = arith.constant 0 : i32
      %cond3A_175 = arith.cmpi ne, %convert_element_type3A_172, %cond3A_174 : i32
      scf.if %cond3A_175 {
        %dma_start3A = arith.constant 0 : i32
        %dma_start3A_212 = tpu.memref_slice %arg8[%rem3A_61, %cond3A_173, %dma_start3A] : memref<2x8x128xi32, #tpu.memory_space<vmem>> -> memref<1x1x128xi32, #tpu.memory_space<vmem>>
        %dma_start3A_213 = tpu.memref_squeeze %dma_start3A_212 : memref<1x1x128xi32, #tpu.memory_space<vmem>> -> memref<128xi32, #tpu.memory_space<vmem>>
        %dma_start3A_214 = arith.constant 0 : i32
        %dma_start3A_215 = arith.constant 0 : i32
        %dma_start3A_216 = tpu.memref_slice %arg2[%dma_start3A_214, %dma_start3A_215] : memref<10000x128xf32, #tpu.memory_space<hbm>> -> memref<10000x128xf32, #tpu.memory_space<hbm>>
        tpu.enqueue_indirect_dma source(%dma_start3A_216 : memref<10000x128xf32, #tpu.memory_space<hbm>>) target(%arg11 : memref<128x128xf32, #tpu.memory_space<vmem>>) offsets(%dma_start3A_213 : memref<128xi32, #tpu.memory_space<vmem>>) semaphore(%arg14 : memref<!tpu.dma_semaphore, #tpu.memory_space<semaphore_mem>>)
      } else {
      }
      %eq3A_176 = arith.constant 1 : i32
      %eq3A_177 = arith.cmpi eq, %arg0, %eq3A_176 : i32
      %convert_element_type3A_178 = arith.extui %eq3A_177 : i1 to i32
      %cond3A_179 = arith.constant 7 : i32
      %cond3A_180 = arith.constant 0 : i32
      %cond3A_181 = arith.cmpi ne, %convert_element_type3A_178, %cond3A_180 : i32
      scf.if %cond3A_181 {
        %dma_start3A = arith.constant 0 : i32
        %dma_start3A_212 = tpu.memref_slice %arg8[%rem3A_61, %cond3A_179, %dma_start3A] : memref<2x8x128xi32, #tpu.memory_space<vmem>> -> memref<1x1x128xi32, #tpu.memory_space<vmem>>
        %dma_start3A_213 = tpu.memref_squeeze %dma_start3A_212 : memref<1x1x128xi32, #tpu.memory_space<vmem>> -> memref<128xi32, #tpu.memory_space<vmem>>
        %dma_start3A_214 = arith.constant 0 : i32
        %dma_start3A_215 = arith.constant 0 : i32
        %dma_start3A_216 = tpu.memref_slice %arg3[%dma_start3A_214, %dma_start3A_215] : memref<10000x128xf32, #tpu.memory_space<hbm>> -> memref<10000x128xf32, #tpu.memory_space<hbm>>
        tpu.enqueue_indirect_dma source(%dma_start3A_216 : memref<10000x128xf32, #tpu.memory_space<hbm>>) target(%arg11 : memref<128x128xf32, #tpu.memory_space<vmem>>) offsets(%dma_start3A_213 : memref<128xi32, #tpu.memory_space<vmem>>) semaphore(%arg14 : memref<!tpu.dma_semaphore, #tpu.memory_space<semaphore_mem>>)
      } else {
      }
      %dma_wait3A_182 = arith.constant 6 : i32
      %dma_wait3A_183 = arith.constant 0 : i32
      %dma_wait3A_184 = tpu.memref_slice %arg8[%rem3A_61, %dma_wait3A_182, %dma_wait3A_183] : memref<2x8x128xi32, #tpu.memory_space<vmem>> -> memref<1x1x128xi32, #tpu.memory_space<vmem>>
      %dma_wait3A_185 = tpu.memref_squeeze %dma_wait3A_184 : memref<1x1x128xi32, #tpu.memory_space<vmem>> -> memref<128xi32, #tpu.memory_space<vmem>>
      %dma_wait3A_186 = arith.constant 0 : i32
      %dma_wait3A_187 = arith.constant 0 : i32
      %dma_wait3A_188 = tpu.memref_slice %arg2[%dma_wait3A_186, %dma_wait3A_187] : memref<10000x128xf32, #tpu.memory_space<hbm>> -> memref<10000x128xf32, #tpu.memory_space<hbm>>
      tpu.wait_indirect_dma semaphore(%arg13 : memref<!tpu.dma_semaphore, #tpu.memory_space<semaphore_mem>>) src(%dma_wait3A_188 : memref<10000x128xf32, #tpu.memory_space<hbm>>) dst(%arg10 : memref<128x128xf32, #tpu.memory_space<vmem>>)
      %run_scoped3A_189 = arith.constant 6 : i32
      "tpu.region"() ({
        %run_scoped3A_212 = tpu.sem_alloc : memref<!tpu.dma_semaphore, #tpu.memory_space<semaphore_mem>>
        %dma_start3A = arith.constant 0 : i32
        %dma_start3A_213 = tpu.memref_slice %arg9[%rem3A_61, %run_scoped3A_189, %dma_start3A] : memref<2x8x128xi32, #tpu.memory_space<vmem>> -> memref<1x1x128xi32, #tpu.memory_space<vmem>>
        %dma_start3A_214 = tpu.memref_squeeze %dma_start3A_213 : memref<1x1x128xi32, #tpu.memory_space<vmem>> -> memref<128xi32, #tpu.memory_space<vmem>>
        %dma_start3A_215 = arith.constant 0 : i32
        %dma_start3A_216 = arith.constant 0 : i32
        %dma_start3A_217 = tpu.memref_slice %arg12[%dma_start3A_215, %dma_start3A_216] : memref<10240x128xf32, #tpu.memory_space<vmem_shared>> -> memref<10240x128xf32, #tpu.memory_space<vmem_shared>>
        tpu.enqueue_indirect_dma source(%arg10 : memref<128x128xf32, #tpu.memory_space<vmem>>) target(%dma_start3A_217 : memref<10240x128xf32, #tpu.memory_space<vmem_shared>>) offsets(%dma_start3A_214 : memref<128xi32, #tpu.memory_space<vmem>>) semaphore(%run_scoped3A_212 : memref<!tpu.dma_semaphore, #tpu.memory_space<semaphore_mem>>) {add = true}
        %dma_wait3A_218 = arith.constant 0 : i32
        %dma_wait3A_219 = tpu.memref_slice %arg9[%rem3A_61, %run_scoped3A_189, %dma_wait3A_218] : memref<2x8x128xi32, #tpu.memory_space<vmem>> -> memref<1x1x128xi32, #tpu.memory_space<vmem>>
        %dma_wait3A_220 = tpu.memref_squeeze %dma_wait3A_219 : memref<1x1x128xi32, #tpu.memory_space<vmem>> -> memref<128xi32, #tpu.memory_space<vmem>>
        %dma_wait3A_221 = arith.constant 0 : i32
        %dma_wait3A_222 = arith.constant 0 : i32
        %dma_wait3A_223 = tpu.memref_slice %arg12[%dma_wait3A_221, %dma_wait3A_222] : memref<10240x128xf32, #tpu.memory_space<vmem_shared>> -> memref<10240x128xf32, #tpu.memory_space<vmem_shared>>
        tpu.wait_indirect_dma semaphore(%run_scoped3A_212 : memref<!tpu.dma_semaphore, #tpu.memory_space<semaphore_mem>>) src(%arg10 : memref<128x128xf32, #tpu.memory_space<vmem>>) dst(%dma_wait3A_223 : memref<10240x128xf32, #tpu.memory_space<vmem_shared>>)
        tpu.yield
      }) : () -> ()
      %lt3A = arith.constant 19 : i32
      %lt3A_190 = arith.cmpi slt, %scan3A_60, %lt3A : i32
      %convert_element_type3A_191 = arith.extui %lt3A_190 : i1 to i32
      %cond3A_192 = arith.constant 0 : i32
      %cond3A_193 = arith.cmpi ne, %convert_element_type3A_191, %cond3A_192 : i32
      scf.if %cond3A_193 {
        %eq3A_212 = arith.constant 0 : i32
        %eq3A_213 = arith.cmpi eq, %arg0, %eq3A_212 : i32
        %convert_element_type3A_214 = arith.extui %eq3A_213 : i1 to i32
        %cond3A_215 = arith.constant 0 : i32
        %cond3A_216 = arith.constant 0 : i32
        %cond3A_217 = arith.cmpi ne, %convert_element_type3A_214, %cond3A_216 : i32
        scf.if %cond3A_217 {
          %dma_start3A = arith.constant 0 : i32
          %dma_start3A_224 = tpu.memref_slice %arg8[%sub3A_62, %cond3A_215, %dma_start3A] : memref<2x8x128xi32, #tpu.memory_space<vmem>> -> memref<1x1x128xi32, #tpu.memory_space<vmem>>
          %dma_start3A_225 = tpu.memref_squeeze %dma_start3A_224 : memref<1x1x128xi32, #tpu.memory_space<vmem>> -> memref<128xi32, #tpu.memory_space<vmem>>
          %dma_start3A_226 = arith.constant 0 : i32
          %dma_start3A_227 = arith.constant 0 : i32
          %dma_start3A_228 = tpu.memref_slice %arg2[%dma_start3A_226, %dma_start3A_227] : memref<10000x128xf32, #tpu.memory_space<hbm>> -> memref<10000x128xf32, #tpu.memory_space<hbm>>
          tpu.enqueue_indirect_dma source(%dma_start3A_228 : memref<10000x128xf32, #tpu.memory_space<hbm>>) target(%arg10 : memref<128x128xf32, #tpu.memory_space<vmem>>) offsets(%dma_start3A_225 : memref<128xi32, #tpu.memory_space<vmem>>) semaphore(%arg13 : memref<!tpu.dma_semaphore, #tpu.memory_space<semaphore_mem>>)
        } else {
        }
        %eq3A_218 = arith.constant 1 : i32
        %eq3A_219 = arith.cmpi eq, %arg0, %eq3A_218 : i32
        %convert_element_type3A_220 = arith.extui %eq3A_219 : i1 to i32
        %cond3A_221 = arith.constant 0 : i32
        %cond3A_222 = arith.constant 0 : i32
        %cond3A_223 = arith.cmpi ne, %convert_element_type3A_220, %cond3A_222 : i32
        scf.if %cond3A_223 {
          %dma_start3A = arith.constant 0 : i32
          %dma_start3A_224 = tpu.memref_slice %arg8[%sub3A_62, %cond3A_221, %dma_start3A] : memref<2x8x128xi32, #tpu.memory_space<vmem>> -> memref<1x1x128xi32, #tpu.memory_space<vmem>>
          %dma_start3A_225 = tpu.memref_squeeze %dma_start3A_224 : memref<1x1x128xi32, #tpu.memory_space<vmem>> -> memref<128xi32, #tpu.memory_space<vmem>>
          %dma_start3A_226 = arith.constant 0 : i32
          %dma_start3A_227 = arith.constant 0 : i32
          %dma_start3A_228 = tpu.memref_slice %arg3[%dma_start3A_226, %dma_start3A_227] : memref<10000x128xf32, #tpu.memory_space<hbm>> -> memref<10000x128xf32, #tpu.memory_space<hbm>>
          tpu.enqueue_indirect_dma source(%dma_start3A_228 : memref<10000x128xf32, #tpu.memory_space<hbm>>) target(%arg10 : memref<128x128xf32, #tpu.memory_space<vmem>>) offsets(%dma_start3A_225 : memref<128xi32, #tpu.memory_space<vmem>>) semaphore(%arg13 : memref<!tpu.dma_semaphore, #tpu.memory_space<semaphore_mem>>)
        } else {
        }
      } else {
      }
      %dma_wait3A_194 = arith.constant 7 : i32
      %dma_wait3A_195 = arith.constant 0 : i32
      %dma_wait3A_196 = tpu.memref_slice %arg8[%rem3A_61, %dma_wait3A_194, %dma_wait3A_195] : memref<2x8x128xi32, #tpu.memory_space<vmem>> -> memref<1x1x128xi32, #tpu.memory_space<vmem>>
      %dma_wait3A_197 = tpu.memref_squeeze %dma_wait3A_196 : memref<1x1x128xi32, #tpu.memory_space<vmem>> -> memref<128xi32, #tpu.memory_space<vmem>>
      %dma_wait3A_198 = arith.constant 0 : i32
      %dma_wait3A_199 = arith.constant 0 : i32
      %dma_wait3A_200 = tpu.memref_slice %arg2[%dma_wait3A_198, %dma_wait3A_199] : memref<10000x128xf32, #tpu.memory_space<hbm>> -> memref<10000x128xf32, #tpu.memory_space<hbm>>
      tpu.wait_indirect_dma semaphore(%arg14 : memref<!tpu.dma_semaphore, #tpu.memory_space<semaphore_mem>>) src(%dma_wait3A_200 : memref<10000x128xf32, #tpu.memory_space<hbm>>) dst(%arg11 : memref<128x128xf32, #tpu.memory_space<vmem>>)
      %run_scoped3A_201 = arith.constant 7 : i32
      "tpu.region"() ({
        %run_scoped3A_212 = tpu.sem_alloc : memref<!tpu.dma_semaphore, #tpu.memory_space<semaphore_mem>>
        %dma_start3A = arith.constant 0 : i32
        %dma_start3A_213 = tpu.memref_slice %arg9[%rem3A_61, %run_scoped3A_201, %dma_start3A] : memref<2x8x128xi32, #tpu.memory_space<vmem>> -> memref<1x1x128xi32, #tpu.memory_space<vmem>>
        %dma_start3A_214 = tpu.memref_squeeze %dma_start3A_213 : memref<1x1x128xi32, #tpu.memory_space<vmem>> -> memref<128xi32, #tpu.memory_space<vmem>>
        %dma_start3A_215 = arith.constant 0 : i32
        %dma_start3A_216 = arith.constant 0 : i32
        %dma_start3A_217 = tpu.memref_slice %arg12[%dma_start3A_215, %dma_start3A_216] : memref<10240x128xf32, #tpu.memory_space<vmem_shared>> -> memref<10240x128xf32, #tpu.memory_space<vmem_shared>>
        tpu.enqueue_indirect_dma source(%arg11 : memref<128x128xf32, #tpu.memory_space<vmem>>) target(%dma_start3A_217 : memref<10240x128xf32, #tpu.memory_space<vmem_shared>>) offsets(%dma_start3A_214 : memref<128xi32, #tpu.memory_space<vmem>>) semaphore(%run_scoped3A_212 : memref<!tpu.dma_semaphore, #tpu.memory_space<semaphore_mem>>) {add = true}
        %dma_wait3A_218 = arith.constant 0 : i32
        %dma_wait3A_219 = tpu.memref_slice %arg9[%rem3A_61, %run_scoped3A_201, %dma_wait3A_218] : memref<2x8x128xi32, #tpu.memory_space<vmem>> -> memref<1x1x128xi32, #tpu.memory_space<vmem>>
        %dma_wait3A_220 = tpu.memref_squeeze %dma_wait3A_219 : memref<1x1x128xi32, #tpu.memory_space<vmem>> -> memref<128xi32, #tpu.memory_space<vmem>>
        %dma_wait3A_221 = arith.constant 0 : i32
        %dma_wait3A_222 = arith.constant 0 : i32
        %dma_wait3A_223 = tpu.memref_slice %arg12[%dma_wait3A_221, %dma_wait3A_222] : memref<10240x128xf32, #tpu.memory_space<vmem_shared>> -> memref<10240x128xf32, #tpu.memory_space<vmem_shared>>
        tpu.wait_indirect_dma semaphore(%run_scoped3A_212 : memref<!tpu.dma_semaphore, #tpu.memory_space<semaphore_mem>>) src(%arg11 : memref<128x128xf32, #tpu.memory_space<vmem>>) dst(%dma_wait3A_223 : memref<10240x128xf32, #tpu.memory_space<vmem_shared>>)
        tpu.yield
      }) : () -> ()
      %lt3A_202 = arith.constant 19 : i32
      %lt3A_203 = arith.cmpi slt, %scan3A_60, %lt3A_202 : i32
      %convert_element_type3A_204 = arith.extui %lt3A_203 : i1 to i32
      %cond3A_205 = arith.constant 0 : i32
      %cond3A_206 = arith.cmpi ne, %convert_element_type3A_204, %cond3A_205 : i32
      scf.if %cond3A_206 {
        %eq3A_212 = arith.constant 0 : i32
        %eq3A_213 = arith.cmpi eq, %arg0, %eq3A_212 : i32
        %convert_element_type3A_214 = arith.extui %eq3A_213 : i1 to i32
        %cond3A_215 = arith.constant 1 : i32
        %cond3A_216 = arith.constant 0 : i32
        %cond3A_217 = arith.cmpi ne, %convert_element_type3A_214, %cond3A_216 : i32
        scf.if %cond3A_217 {
          %dma_start3A = arith.constant 0 : i32
          %dma_start3A_224 = tpu.memref_slice %arg8[%sub3A_62, %cond3A_215, %dma_start3A] : memref<2x8x128xi32, #tpu.memory_space<vmem>> -> memref<1x1x128xi32, #tpu.memory_space<vmem>>
          %dma_start3A_225 = tpu.memref_squeeze %dma_start3A_224 : memref<1x1x128xi32, #tpu.memory_space<vmem>> -> memref<128xi32, #tpu.memory_space<vmem>>
          %dma_start3A_226 = arith.constant 0 : i32
          %dma_start3A_227 = arith.constant 0 : i32
          %dma_start3A_228 = tpu.memref_slice %arg2[%dma_start3A_226, %dma_start3A_227] : memref<10000x128xf32, #tpu.memory_space<hbm>> -> memref<10000x128xf32, #tpu.memory_space<hbm>>
          tpu.enqueue_indirect_dma source(%dma_start3A_228 : memref<10000x128xf32, #tpu.memory_space<hbm>>) target(%arg11 : memref<128x128xf32, #tpu.memory_space<vmem>>) offsets(%dma_start3A_225 : memref<128xi32, #tpu.memory_space<vmem>>) semaphore(%arg14 : memref<!tpu.dma_semaphore, #tpu.memory_space<semaphore_mem>>)
        } else {
        }
        %eq3A_218 = arith.constant 1 : i32
        %eq3A_219 = arith.cmpi eq, %arg0, %eq3A_218 : i32
        %convert_element_type3A_220 = arith.extui %eq3A_219 : i1 to i32
        %cond3A_221 = arith.constant 1 : i32
        %cond3A_222 = arith.constant 0 : i32
        %cond3A_223 = arith.cmpi ne, %convert_element_type3A_220, %cond3A_222 : i32
        scf.if %cond3A_223 {
          %dma_start3A = arith.constant 0 : i32
          %dma_start3A_224 = tpu.memref_slice %arg8[%sub3A_62, %cond3A_221, %dma_start3A] : memref<2x8x128xi32, #tpu.memory_space<vmem>> -> memref<1x1x128xi32, #tpu.memory_space<vmem>>
          %dma_start3A_225 = tpu.memref_squeeze %dma_start3A_224 : memref<1x1x128xi32, #tpu.memory_space<vmem>> -> memref<128xi32, #tpu.memory_space<vmem>>
          %dma_start3A_226 = arith.constant 0 : i32
          %dma_start3A_227 = arith.constant 0 : i32
          %dma_start3A_228 = tpu.memref_slice %arg3[%dma_start3A_226, %dma_start3A_227] : memref<10000x128xf32, #tpu.memory_space<hbm>> -> memref<10000x128xf32, #tpu.memory_space<hbm>>
          tpu.enqueue_indirect_dma source(%dma_start3A_228 : memref<10000x128xf32, #tpu.memory_space<hbm>>) target(%arg11 : memref<128x128xf32, #tpu.memory_space<vmem>>) offsets(%dma_start3A_225 : memref<128xi32, #tpu.memory_space<vmem>>) semaphore(%arg14 : memref<!tpu.dma_semaphore, #tpu.memory_space<semaphore_mem>>)
        } else {
        }
      } else {
      }
      %lt3A_207 = arith.constant 18 : i32
      %lt3A_208 = arith.cmpi slt, %scan3A_60, %lt3A_207 : i32
      %convert_element_type3A_209 = arith.extui %lt3A_208 : i1 to i32
      %cond3A_210 = arith.constant 0 : i32
      %cond3A_211 = arith.cmpi ne, %convert_element_type3A_209, %cond3A_210 : i32
      scf.if %cond3A_211 {
        %add3A_212 = arith.constant 2 : i32
        %add3A_213 = arith.addi %scan3A_60, %add3A_212 : i32
        "tpu.region"() ({
          %run_scoped3A_216 = tpu.sem_alloc : memref<!tpu.dma_semaphore, #tpu.memory_space<semaphore_mem>>
          %dma_start3A = arith.constant 0 : i32
          %dma_start3A_217 = arith.constant 0 : i32
          %dma_start3A_218 = tpu.memref_slice %arg8[%rem3A_61, %dma_start3A, %dma_start3A_217] : memref<2x8x128xi32, #tpu.memory_space<vmem>> -> memref<1x8x128xi32, #tpu.memory_space<vmem>>
          %dma_start3A_219 = tpu.memref_squeeze %dma_start3A_218 : memref<1x8x128xi32, #tpu.memory_space<vmem>> -> memref<8x128xi32, #tpu.memory_space<vmem>>
          %dma_start3A_220 = arith.constant 0 : i32
          %dma_start3A_221 = arith.constant 0 : i32
          %dma_start3A_222 = tpu.memref_slice %arg4[%arg1, %add3A_213, %dma_start3A_220, %dma_start3A_221] : memref<16x20x8x128xi32, #tpu.memory_space<hbm>> -> memref<1x1x8x128xi32, #tpu.memory_space<hbm>>
          %dma_start3A_223 = tpu.memref_squeeze %dma_start3A_222 : memref<1x1x8x128xi32, #tpu.memory_space<hbm>> -> memref<8x128xi32, #tpu.memory_space<hbm>>
          %dma_start3A_224 = arith.constant 0 : i32
          %dma_start3A_225 = arith.constant 0 : i32
          %dma_start3A_226 = tpu.memref_slice %arg8[%rem3A_61, %dma_start3A_224, %dma_start3A_225] : memref<2x8x128xi32, #tpu.memory_space<vmem>> -> memref<1x8x128xi32, #tpu.memory_space<vmem>>
          %dma_start3A_227 = tpu.memref_squeeze %dma_start3A_226 : memref<1x8x128xi32, #tpu.memory_space<vmem>> -> memref<8x128xi32, #tpu.memory_space<vmem>>
          %dma_start3A_228 = arith.constant 0 : i32
          %dma_start3A_229 = arith.constant 0 : i32
          %dma_start3A_230 = tpu.memref_slice %arg4[%arg1, %add3A_213, %dma_start3A_228, %dma_start3A_229] : memref<16x20x8x128xi32, #tpu.memory_space<hbm>> -> memref<1x1x8x128xi32, #tpu.memory_space<hbm>>
          %dma_start3A_231 = tpu.memref_squeeze %dma_start3A_230 : memref<1x1x8x128xi32, #tpu.memory_space<hbm>> -> memref<8x128xi32, #tpu.memory_space<hbm>>
          tpu.enqueue_dma source(%dma_start3A_231 : memref<8x128xi32, #tpu.memory_space<hbm>>) target(%dma_start3A_227 : memref<8x128xi32, #tpu.memory_space<vmem>>) target_semaphore(%run_scoped3A_216 : memref<!tpu.dma_semaphore, #tpu.memory_space<semaphore_mem>>)
          %dma_wait3A_232 = arith.constant 0 : i32
          %dma_wait3A_233 = arith.constant 0 : i32
          %dma_wait3A_234 = tpu.memref_slice %arg8[%rem3A_61, %dma_wait3A_232, %dma_wait3A_233] : memref<2x8x128xi32, #tpu.memory_space<vmem>> -> memref<1x8x128xi32, #tpu.memory_space<vmem>>
          %dma_wait3A_235 = tpu.memref_squeeze %dma_wait3A_234 : memref<1x8x128xi32, #tpu.memory_space<vmem>> -> memref<8x128xi32, #tpu.memory_space<vmem>>
          %dma_wait3A_236 = arith.constant 0 : i32
          %dma_wait3A_237 = arith.constant 0 : i32
          %dma_wait3A_238 = tpu.memref_slice %arg4[%arg1, %add3A_213, %dma_wait3A_236, %dma_wait3A_237] : memref<16x20x8x128xi32, #tpu.memory_space<hbm>> -> memref<1x1x8x128xi32, #tpu.memory_space<hbm>>
          %dma_wait3A_239 = tpu.memref_squeeze %dma_wait3A_238 : memref<1x1x8x128xi32, #tpu.memory_space<hbm>> -> memref<8x128xi32, #tpu.memory_space<hbm>>
          %dma_wait3A_240 = arith.constant 0 : i32
          %dma_wait3A_241 = arith.constant 0 : i32
          %dma_wait3A_242 = tpu.memref_slice %arg8[%rem3A_61, %dma_wait3A_240, %dma_wait3A_241] : memref<2x8x128xi32, #tpu.memory_space<vmem>> -> memref<1x8x128xi32, #tpu.memory_space<vmem>>
          %dma_wait3A_243 = tpu.memref_squeeze %dma_wait3A_242 : memref<1x8x128xi32, #tpu.memory_space<vmem>> -> memref<8x128xi32, #tpu.memory_space<vmem>>
          %dma_wait3A_244 = arith.constant 0 : i32
          %dma_wait3A_245 = arith.constant 0 : i32
          %dma_wait3A_246 = tpu.memref_slice %arg4[%arg1, %add3A_213, %dma_wait3A_244, %dma_wait3A_245] : memref<16x20x8x128xi32, #tpu.memory_space<hbm>> -> memref<1x1x8x128xi32, #tpu.memory_space<hbm>>
          %dma_wait3A_247 = tpu.memref_squeeze %dma_wait3A_246 : memref<1x1x8x128xi32, #tpu.memory_space<hbm>> -> memref<8x128xi32, #tpu.memory_space<hbm>>
          tpu.wait_dma2 semaphore(%run_scoped3A_216 : memref<!tpu.dma_semaphore, #tpu.memory_space<semaphore_mem>>) src(%dma_wait3A_247 : memref<8x128xi32, #tpu.memory_space<hbm>>) dst(%dma_wait3A_243 : memref<8x128xi32, #tpu.memory_space<vmem>>)
          tpu.yield
        }) : () -> ()
        %add3A_214 = arith.constant 2 : i32
        %add3A_215 = arith.addi %scan3A_60, %add3A_214 : i32
        "tpu.region"() ({
          %run_scoped3A_216 = tpu.sem_alloc : memref<!tpu.dma_semaphore, #tpu.memory_space<semaphore_mem>>
          %dma_start3A = arith.constant 0 : i32
          %dma_start3A_217 = arith.constant 0 : i32
          %dma_start3A_218 = tpu.memref_slice %arg9[%rem3A_61, %dma_start3A, %dma_start3A_217] : memref<2x8x128xi32, #tpu.memory_space<vmem>> -> memref<1x8x128xi32, #tpu.memory_space<vmem>>
          %dma_start3A_219 = tpu.memref_squeeze %dma_start3A_218 : memref<1x8x128xi32, #tpu.memory_space<vmem>> -> memref<8x128xi32, #tpu.memory_space<vmem>>
          %dma_start3A_220 = arith.constant 0 : i32
          %dma_start3A_221 = arith.constant 0 : i32
          %dma_start3A_222 = tpu.memref_slice %arg5[%arg1, %add3A_215, %dma_start3A_220, %dma_start3A_221] : memref<16x20x8x128xi32, #tpu.memory_space<hbm>> -> memref<1x1x8x128xi32, #tpu.memory_space<hbm>>
          %dma_start3A_223 = tpu.memref_squeeze %dma_start3A_222 : memref<1x1x8x128xi32, #tpu.memory_space<hbm>> -> memref<8x128xi32, #tpu.memory_space<hbm>>
          %dma_start3A_224 = arith.constant 0 : i32
          %dma_start3A_225 = arith.constant 0 : i32
          %dma_start3A_226 = tpu.memref_slice %arg9[%rem3A_61, %dma_start3A_224, %dma_start3A_225] : memref<2x8x128xi32, #tpu.memory_space<vmem>> -> memref<1x8x128xi32, #tpu.memory_space<vmem>>
          %dma_start3A_227 = tpu.memref_squeeze %dma_start3A_226 : memref<1x8x128xi32, #tpu.memory_space<vmem>> -> memref<8x128xi32, #tpu.memory_space<vmem>>
          %dma_start3A_228 = arith.constant 0 : i32
          %dma_start3A_229 = arith.constant 0 : i32
          %dma_start3A_230 = tpu.memref_slice %arg5[%arg1, %add3A_215, %dma_start3A_228, %dma_start3A_229] : memref<16x20x8x128xi32, #tpu.memory_space<hbm>> -> memref<1x1x8x128xi32, #tpu.memory_space<hbm>>
          %dma_start3A_231 = tpu.memref_squeeze %dma_start3A_230 : memref<1x1x8x128xi32, #tpu.memory_space<hbm>> -> memref<8x128xi32, #tpu.memory_space<hbm>>
          tpu.enqueue_dma source(%dma_start3A_231 : memref<8x128xi32, #tpu.memory_space<hbm>>) target(%dma_start3A_227 : memref<8x128xi32, #tpu.memory_space<vmem>>) target_semaphore(%run_scoped3A_216 : memref<!tpu.dma_semaphore, #tpu.memory_space<semaphore_mem>>)
          %dma_wait3A_232 = arith.constant 0 : i32
          %dma_wait3A_233 = arith.constant 0 : i32
          %dma_wait3A_234 = tpu.memref_slice %arg9[%rem3A_61, %dma_wait3A_232, %dma_wait3A_233] : memref<2x8x128xi32, #tpu.memory_space<vmem>> -> memref<1x8x128xi32, #tpu.memory_space<vmem>>
          %dma_wait3A_235 = tpu.memref_squeeze %dma_wait3A_234 : memref<1x8x128xi32, #tpu.memory_space<vmem>> -> memref<8x128xi32, #tpu.memory_space<vmem>>
          %dma_wait3A_236 = arith.constant 0 : i32
          %dma_wait3A_237 = arith.constant 0 : i32
          %dma_wait3A_238 = tpu.memref_slice %arg5[%arg1, %add3A_215, %dma_wait3A_236, %dma_wait3A_237] : memref<16x20x8x128xi32, #tpu.memory_space<hbm>> -> memref<1x1x8x128xi32, #tpu.memory_space<hbm>>
          %dma_wait3A_239 = tpu.memref_squeeze %dma_wait3A_238 : memref<1x1x8x128xi32, #tpu.memory_space<hbm>> -> memref<8x128xi32, #tpu.memory_space<hbm>>
          %dma_wait3A_240 = arith.constant 0 : i32
          %dma_wait3A_241 = arith.constant 0 : i32
          %dma_wait3A_242 = tpu.memref_slice %arg9[%rem3A_61, %dma_wait3A_240, %dma_wait3A_241] : memref<2x8x128xi32, #tpu.memory_space<vmem>> -> memref<1x8x128xi32, #tpu.memory_space<vmem>>
          %dma_wait3A_243 = tpu.memref_squeeze %dma_wait3A_242 : memref<1x8x128xi32, #tpu.memory_space<vmem>> -> memref<8x128xi32, #tpu.memory_space<vmem>>
          %dma_wait3A_244 = arith.constant 0 : i32
          %dma_wait3A_245 = arith.constant 0 : i32
          %dma_wait3A_246 = tpu.memref_slice %arg5[%arg1, %add3A_215, %dma_wait3A_244, %dma_wait3A_245] : memref<16x20x8x128xi32, #tpu.memory_space<hbm>> -> memref<1x1x8x128xi32, #tpu.memory_space<hbm>>
          %dma_wait3A_247 = tpu.memref_squeeze %dma_wait3A_246 : memref<1x1x8x128xi32, #tpu.memory_space<hbm>> -> memref<8x128xi32, #tpu.memory_space<hbm>>
          tpu.wait_dma2 semaphore(%run_scoped3A_216 : memref<!tpu.dma_semaphore, #tpu.memory_space<semaphore_mem>>) src(%dma_wait3A_247 : memref<8x128xi32, #tpu.memory_space<hbm>>) dst(%dma_wait3A_243 : memref<8x128xi32, #tpu.memory_space<vmem>>)
          tpu.yield
        }) : () -> ()
      } else {
      }
    }
    %scan3A_54 = arith.constant 20 : i32
    %barrier3A_55 = arith.constant 0 : index
    tpu.barrier barrier_id(%barrier3A_55)
    %mul3A_56 = arith.constant 640 : i32
    %mul3A_57 = arith.muli %arg1, %mul3A_56 : i32
    %mul3A_58 = arith.constant 640 : i32
    %mul3A_59 = arith.muli %arg1, %mul3A_58 : i32
    "tpu.region"() ({
      %run_scoped3A_60 = tpu.sem_alloc : memref<!tpu.dma_semaphore, #tpu.memory_space<semaphore_mem>>
      %dma_start3A = arith.constant 0 : i32
      %dma_start3A_61 = tpu.memref_slice %arg7[%arg0, %mul3A_59, %dma_start3A] : memref<2x10240x128xf32, #tpu.memory_space<hbm>> -> memref<1x640x128xf32, #tpu.memory_space<hbm>>
      %dma_start3A_62 = tpu.memref_squeeze %dma_start3A_61 : memref<1x640x128xf32, #tpu.memory_space<hbm>> -> memref<640x128xf32, #tpu.memory_space<hbm>>
      %dma_start3A_63 = arith.constant 0 : i32
      %dma_start3A_64 = tpu.memref_slice %arg12[%mul3A_57, %dma_start3A_63] : memref<10240x128xf32, #tpu.memory_space<vmem_shared>> -> memref<640x128xf32, #tpu.memory_space<vmem_shared>>
      tpu.enqueue_dma source(%dma_start3A_64 : memref<640x128xf32, #tpu.memory_space<vmem_shared>>) target(%dma_start3A_62 : memref<640x128xf32, #tpu.memory_space<hbm>>) target_semaphore(%run_scoped3A_60 : memref<!tpu.dma_semaphore, #tpu.memory_space<semaphore_mem>>)
      %dma_wait3A = arith.constant 0 : i32
      %dma_wait3A_65 = tpu.memref_slice %arg7[%arg0, %mul3A_59, %dma_wait3A] : memref<2x10240x128xf32, #tpu.memory_space<hbm>> -> memref<1x640x128xf32, #tpu.memory_space<hbm>>
      %dma_wait3A_66 = tpu.memref_squeeze %dma_wait3A_65 : memref<1x640x128xf32, #tpu.memory_space<hbm>> -> memref<640x128xf32, #tpu.memory_space<hbm>>
      %dma_wait3A_67 = arith.constant 0 : i32
      %dma_wait3A_68 = tpu.memref_slice %arg12[%mul3A_57, %dma_wait3A_67] : memref<10240x128xf32, #tpu.memory_space<vmem_shared>> -> memref<640x128xf32, #tpu.memory_space<vmem_shared>>
      tpu.wait_dma2 semaphore(%run_scoped3A_60 : memref<!tpu.dma_semaphore, #tpu.memory_space<semaphore_mem>>) src(%dma_wait3A_68 : memref<640x128xf32, #tpu.memory_space<vmem_shared>>) dst(%dma_wait3A_66 : memref<640x128xf32, #tpu.memory_space<hbm>>)
      tpu.yield
    }) : () -> ()
    return
  }
}

#map = affine_map<(d0, d1) -> (0, 0)>
#map1 = affine_map<(d0, d1) -> (0, 0, 0, 0)>
#map2 = affine_map<(d0, d1) -> (0, 0, 0)>
module attributes {stable_mosaic.version = 14 : i64} {
  func.func @sck(%arg0: i32, %arg1: i32, %arg2: memref<10000x128xf32, #tpu.memory_space<hbm>>, %arg3: memref<10000x128xf32, #tpu.memory_space<hbm>>, %arg4: memref<32x10x8x128xi32, #tpu.memory_space<hbm>>, %arg5: memref<32x10x8x128xi32, #tpu.memory_space<hbm>>, %arg6: memref<128x128xf32, #tpu.memory_space<hbm>>, %arg7: memref<2x10240x128xf32, #tpu.memory_space<hbm>>, %arg8: memref<2x8x128xi32, #tpu.memory_space<vmem>>, %arg9: memref<2x8x128xi32, #tpu.memory_space<vmem>>, %arg10: memref<128x128xf32, #tpu.memory_space<vmem>>, %arg11: memref<128x128xf32, #tpu.memory_space<vmem>>, %arg12: memref<10240x128xf32, #tpu.memory_space<vmem_shared>>, %arg13: memref<!tpu.dma_semaphore, #tpu.memory_space<semaphore_mem>>, %arg14: memref<!tpu.dma_semaphore, #tpu.memory_space<semaphore_mem>>) attributes {dimension_semantics = [#tpu.dimension_semantics<core_parallel>, #tpu.dimension_semantics<subcore_parallel>], iteration_bounds = array<i64: 2, 16>, scalar_prefetch = 0 : i64, scratch_operands = 7 : i64, tpu.core_type = #tpu.core_type<sc_vector_subcore>, window_params = [{transform_indices = #map}, {transform_indices = #map}, {transform_indices = #map1}, {transform_indices = #map1}, {transform_indices = #map}, {transform_indices = #map2}]} {
    %mul3A = arith.constant 16 : i32
    %mul3A_0 = arith.muli %arg0, %mul3A : i32
    %add3A = arith.addi %mul3A_0, %arg1 : i32
    %run_scoped3A = arith.constant 0 : i32
    %run_scoped3A_1 = arith.constant 0 : i32
    "tpu.region"() ({
      %run_scoped3A_53 = tpu.sem_alloc : memref<!tpu.dma_semaphore, #tpu.memory_space<semaphore_mem>>
      %dma_start3A_54 = arith.constant 0 : i32
      %dma_start3A_55 = arith.constant 0 : i32
      %dma_start3A_56 = tpu.memref_slice %arg8[%run_scoped3A_1, %dma_start3A_54, %dma_start3A_55] : memref<2x8x128xi32, #tpu.memory_space<vmem>> -> memref<1x8x128xi32, #tpu.memory_space<vmem>>
      %dma_start3A_57 = tpu.memref_squeeze %dma_start3A_56 : memref<1x8x128xi32, #tpu.memory_space<vmem>> -> memref<8x128xi32, #tpu.memory_space<vmem>>
      %dma_start3A_58 = arith.constant 0 : i32
      %dma_start3A_59 = arith.constant 0 : i32
      %dma_start3A_60 = tpu.memref_slice %arg4[%add3A, %run_scoped3A, %dma_start3A_58, %dma_start3A_59] : memref<32x10x8x128xi32, #tpu.memory_space<hbm>> -> memref<1x1x8x128xi32, #tpu.memory_space<hbm>>
      %dma_start3A_61 = tpu.memref_squeeze %dma_start3A_60 : memref<1x1x8x128xi32, #tpu.memory_space<hbm>> -> memref<8x128xi32, #tpu.memory_space<hbm>>
      %dma_start3A_62 = arith.constant 0 : i32
      %dma_start3A_63 = arith.constant 0 : i32
      %dma_start3A_64 = tpu.memref_slice %arg8[%run_scoped3A_1, %dma_start3A_62, %dma_start3A_63] : memref<2x8x128xi32, #tpu.memory_space<vmem>> -> memref<1x8x128xi32, #tpu.memory_space<vmem>>
      %dma_start3A_65 = tpu.memref_squeeze %dma_start3A_64 : memref<1x8x128xi32, #tpu.memory_space<vmem>> -> memref<8x128xi32, #tpu.memory_space<vmem>>
      %dma_start3A_66 = arith.constant 0 : i32
      %dma_start3A_67 = arith.constant 0 : i32
      %dma_start3A_68 = tpu.memref_slice %arg4[%add3A, %run_scoped3A, %dma_start3A_66, %dma_start3A_67] : memref<32x10x8x128xi32, #tpu.memory_space<hbm>> -> memref<1x1x8x128xi32, #tpu.memory_space<hbm>>
      %dma_start3A_69 = tpu.memref_squeeze %dma_start3A_68 : memref<1x1x8x128xi32, #tpu.memory_space<hbm>> -> memref<8x128xi32, #tpu.memory_space<hbm>>
      tpu.enqueue_dma source(%dma_start3A_69 : memref<8x128xi32, #tpu.memory_space<hbm>>) target(%dma_start3A_65 : memref<8x128xi32, #tpu.memory_space<vmem>>) target_semaphore(%run_scoped3A_53 : memref<!tpu.dma_semaphore, #tpu.memory_space<semaphore_mem>>)
      %dma_wait3A = arith.constant 0 : i32
      %dma_wait3A_70 = arith.constant 0 : i32
      %dma_wait3A_71 = tpu.memref_slice %arg8[%run_scoped3A_1, %dma_wait3A, %dma_wait3A_70] : memref<2x8x128xi32, #tpu.memory_space<vmem>> -> memref<1x8x128xi32, #tpu.memory_space<vmem>>
      %dma_wait3A_72 = tpu.memref_squeeze %dma_wait3A_71 : memref<1x8x128xi32, #tpu.memory_space<vmem>> -> memref<8x128xi32, #tpu.memory_space<vmem>>
      %dma_wait3A_73 = arith.constant 0 : i32
      %dma_wait3A_74 = arith.constant 0 : i32
      %dma_wait3A_75 = tpu.memref_slice %arg4[%add3A, %run_scoped3A, %dma_wait3A_73, %dma_wait3A_74] : memref<32x10x8x128xi32, #tpu.memory_space<hbm>> -> memref<1x1x8x128xi32, #tpu.memory_space<hbm>>
      %dma_wait3A_76 = tpu.memref_squeeze %dma_wait3A_75 : memref<1x1x8x128xi32, #tpu.memory_space<hbm>> -> memref<8x128xi32, #tpu.memory_space<hbm>>
      %dma_wait3A_77 = arith.constant 0 : i32
      %dma_wait3A_78 = arith.constant 0 : i32
      %dma_wait3A_79 = tpu.memref_slice %arg8[%run_scoped3A_1, %dma_wait3A_77, %dma_wait3A_78] : memref<2x8x128xi32, #tpu.memory_space<vmem>> -> memref<1x8x128xi32, #tpu.memory_space<vmem>>
      %dma_wait3A_80 = tpu.memref_squeeze %dma_wait3A_79 : memref<1x8x128xi32, #tpu.memory_space<vmem>> -> memref<8x128xi32, #tpu.memory_space<vmem>>
      %dma_wait3A_81 = arith.constant 0 : i32
      %dma_wait3A_82 = arith.constant 0 : i32
      %dma_wait3A_83 = tpu.memref_slice %arg4[%add3A, %run_scoped3A, %dma_wait3A_81, %dma_wait3A_82] : memref<32x10x8x128xi32, #tpu.memory_space<hbm>> -> memref<1x1x8x128xi32, #tpu.memory_space<hbm>>
      %dma_wait3A_84 = tpu.memref_squeeze %dma_wait3A_83 : memref<1x1x8x128xi32, #tpu.memory_space<hbm>> -> memref<8x128xi32, #tpu.memory_space<hbm>>
      tpu.wait_dma2 semaphore(%run_scoped3A_53 : memref<!tpu.dma_semaphore, #tpu.memory_space<semaphore_mem>>) src(%dma_wait3A_84 : memref<8x128xi32, #tpu.memory_space<hbm>>) dst(%dma_wait3A_80 : memref<8x128xi32, #tpu.memory_space<vmem>>)
      tpu.yield
    }) : () -> ()
    %run_scoped3A_2 = arith.constant 0 : i32
    %run_scoped3A_3 = arith.constant 0 : i32
    "tpu.region"() ({
      %run_scoped3A_53 = tpu.sem_alloc : memref<!tpu.dma_semaphore, #tpu.memory_space<semaphore_mem>>
      %dma_start3A_54 = arith.constant 0 : i32
      %dma_start3A_55 = arith.constant 0 : i32
      %dma_start3A_56 = tpu.memref_slice %arg9[%run_scoped3A_3, %dma_start3A_54, %dma_start3A_55] : memref<2x8x128xi32, #tpu.memory_space<vmem>> -> memref<1x8x128xi32, #tpu.memory_space<vmem>>
      %dma_start3A_57 = tpu.memref_squeeze %dma_start3A_56 : memref<1x8x128xi32, #tpu.memory_space<vmem>> -> memref<8x128xi32, #tpu.memory_space<vmem>>
      %dma_start3A_58 = arith.constant 0 : i32
      %dma_start3A_59 = arith.constant 0 : i32
      %dma_start3A_60 = tpu.memref_slice %arg5[%add3A, %run_scoped3A_2, %dma_start3A_58, %dma_start3A_59] : memref<32x10x8x128xi32, #tpu.memory_space<hbm>> -> memref<1x1x8x128xi32, #tpu.memory_space<hbm>>
      %dma_start3A_61 = tpu.memref_squeeze %dma_start3A_60 : memref<1x1x8x128xi32, #tpu.memory_space<hbm>> -> memref<8x128xi32, #tpu.memory_space<hbm>>
      %dma_start3A_62 = arith.constant 0 : i32
      %dma_start3A_63 = arith.constant 0 : i32
      %dma_start3A_64 = tpu.memref_slice %arg9[%run_scoped3A_3, %dma_start3A_62, %dma_start3A_63] : memref<2x8x128xi32, #tpu.memory_space<vmem>> -> memref<1x8x128xi32, #tpu.memory_space<vmem>>
      %dma_start3A_65 = tpu.memref_squeeze %dma_start3A_64 : memref<1x8x128xi32, #tpu.memory_space<vmem>> -> memref<8x128xi32, #tpu.memory_space<vmem>>
      %dma_start3A_66 = arith.constant 0 : i32
      %dma_start3A_67 = arith.constant 0 : i32
      %dma_start3A_68 = tpu.memref_slice %arg5[%add3A, %run_scoped3A_2, %dma_start3A_66, %dma_start3A_67] : memref<32x10x8x128xi32, #tpu.memory_space<hbm>> -> memref<1x1x8x128xi32, #tpu.memory_space<hbm>>
      %dma_start3A_69 = tpu.memref_squeeze %dma_start3A_68 : memref<1x1x8x128xi32, #tpu.memory_space<hbm>> -> memref<8x128xi32, #tpu.memory_space<hbm>>
      tpu.enqueue_dma source(%dma_start3A_69 : memref<8x128xi32, #tpu.memory_space<hbm>>) target(%dma_start3A_65 : memref<8x128xi32, #tpu.memory_space<vmem>>) target_semaphore(%run_scoped3A_53 : memref<!tpu.dma_semaphore, #tpu.memory_space<semaphore_mem>>)
      %dma_wait3A = arith.constant 0 : i32
      %dma_wait3A_70 = arith.constant 0 : i32
      %dma_wait3A_71 = tpu.memref_slice %arg9[%run_scoped3A_3, %dma_wait3A, %dma_wait3A_70] : memref<2x8x128xi32, #tpu.memory_space<vmem>> -> memref<1x8x128xi32, #tpu.memory_space<vmem>>
      %dma_wait3A_72 = tpu.memref_squeeze %dma_wait3A_71 : memref<1x8x128xi32, #tpu.memory_space<vmem>> -> memref<8x128xi32, #tpu.memory_space<vmem>>
      %dma_wait3A_73 = arith.constant 0 : i32
      %dma_wait3A_74 = arith.constant 0 : i32
      %dma_wait3A_75 = tpu.memref_slice %arg5[%add3A, %run_scoped3A_2, %dma_wait3A_73, %dma_wait3A_74] : memref<32x10x8x128xi32, #tpu.memory_space<hbm>> -> memref<1x1x8x128xi32, #tpu.memory_space<hbm>>
      %dma_wait3A_76 = tpu.memref_squeeze %dma_wait3A_75 : memref<1x1x8x128xi32, #tpu.memory_space<hbm>> -> memref<8x128xi32, #tpu.memory_space<hbm>>
      %dma_wait3A_77 = arith.constant 0 : i32
      %dma_wait3A_78 = arith.constant 0 : i32
      %dma_wait3A_79 = tpu.memref_slice %arg9[%run_scoped3A_3, %dma_wait3A_77, %dma_wait3A_78] : memref<2x8x128xi32, #tpu.memory_space<vmem>> -> memref<1x8x128xi32, #tpu.memory_space<vmem>>
      %dma_wait3A_80 = tpu.memref_squeeze %dma_wait3A_79 : memref<1x8x128xi32, #tpu.memory_space<vmem>> -> memref<8x128xi32, #tpu.memory_space<vmem>>
      %dma_wait3A_81 = arith.constant 0 : i32
      %dma_wait3A_82 = arith.constant 0 : i32
      %dma_wait3A_83 = tpu.memref_slice %arg5[%add3A, %run_scoped3A_2, %dma_wait3A_81, %dma_wait3A_82] : memref<32x10x8x128xi32, #tpu.memory_space<hbm>> -> memref<1x1x8x128xi32, #tpu.memory_space<hbm>>
      %dma_wait3A_84 = tpu.memref_squeeze %dma_wait3A_83 : memref<1x1x8x128xi32, #tpu.memory_space<hbm>> -> memref<8x128xi32, #tpu.memory_space<hbm>>
      tpu.wait_dma2 semaphore(%run_scoped3A_53 : memref<!tpu.dma_semaphore, #tpu.memory_space<semaphore_mem>>) src(%dma_wait3A_84 : memref<8x128xi32, #tpu.memory_space<hbm>>) dst(%dma_wait3A_80 : memref<8x128xi32, #tpu.memory_space<vmem>>)
      tpu.yield
    }) : () -> ()
    %mul3A_4 = arith.constant 640 : i32
    %mul3A_5 = arith.muli %arg1, %mul3A_4 : i32
    %add3A_6 = arith.constant 0 : i32
    %add3A_7 = arith.addi %mul3A_5, %add3A_6 : i32
    "tpu.region"() ({
      %run_scoped3A_53 = tpu.sem_alloc : memref<!tpu.dma_semaphore, #tpu.memory_space<semaphore_mem>>
      %dma_start3A_54 = arith.constant 0 : i32
      %dma_start3A_55 = tpu.memref_slice %arg12[%add3A_7, %dma_start3A_54] : memref<10240x128xf32, #tpu.memory_space<vmem_shared>> -> memref<128x128xf32, #tpu.memory_space<vmem_shared>>
      tpu.enqueue_dma source(%arg6 : memref<128x128xf32, #tpu.memory_space<hbm>>) target(%dma_start3A_55 : memref<128x128xf32, #tpu.memory_space<vmem_shared>>) target_semaphore(%run_scoped3A_53 : memref<!tpu.dma_semaphore, #tpu.memory_space<semaphore_mem>>)
      %dma_wait3A = arith.constant 0 : i32
      %dma_wait3A_56 = tpu.memref_slice %arg12[%add3A_7, %dma_wait3A] : memref<10240x128xf32, #tpu.memory_space<vmem_shared>> -> memref<128x128xf32, #tpu.memory_space<vmem_shared>>
      tpu.wait_dma2 semaphore(%run_scoped3A_53 : memref<!tpu.dma_semaphore, #tpu.memory_space<semaphore_mem>>) src(%arg6 : memref<128x128xf32, #tpu.memory_space<hbm>>) dst(%dma_wait3A_56 : memref<128x128xf32, #tpu.memory_space<vmem_shared>>)
      tpu.yield
    }) : () -> ()
    %mul3A_8 = arith.constant 640 : i32
    %mul3A_9 = arith.muli %arg1, %mul3A_8 : i32
    %add3A_10 = arith.constant 128 : i32
    %add3A_11 = arith.addi %mul3A_9, %add3A_10 : i32
    "tpu.region"() ({
      %run_scoped3A_53 = tpu.sem_alloc : memref<!tpu.dma_semaphore, #tpu.memory_space<semaphore_mem>>
      %dma_start3A_54 = arith.constant 0 : i32
      %dma_start3A_55 = tpu.memref_slice %arg12[%add3A_11, %dma_start3A_54] : memref<10240x128xf32, #tpu.memory_space<vmem_shared>> -> memref<128x128xf32, #tpu.memory_space<vmem_shared>>
      tpu.enqueue_dma source(%arg6 : memref<128x128xf32, #tpu.memory_space<hbm>>) target(%dma_start3A_55 : memref<128x128xf32, #tpu.memory_space<vmem_shared>>) target_semaphore(%run_scoped3A_53 : memref<!tpu.dma_semaphore, #tpu.memory_space<semaphore_mem>>)
      %dma_wait3A = arith.constant 0 : i32
      %dma_wait3A_56 = tpu.memref_slice %arg12[%add3A_11, %dma_wait3A] : memref<10240x128xf32, #tpu.memory_space<vmem_shared>> -> memref<128x128xf32, #tpu.memory_space<vmem_shared>>
      tpu.wait_dma2 semaphore(%run_scoped3A_53 : memref<!tpu.dma_semaphore, #tpu.memory_space<semaphore_mem>>) src(%arg6 : memref<128x128xf32, #tpu.memory_space<hbm>>) dst(%dma_wait3A_56 : memref<128x128xf32, #tpu.memory_space<vmem_shared>>)
      tpu.yield
    }) : () -> ()
    %mul3A_12 = arith.constant 640 : i32
    %mul3A_13 = arith.muli %arg1, %mul3A_12 : i32
    %add3A_14 = arith.constant 256 : i32
    %add3A_15 = arith.addi %mul3A_13, %add3A_14 : i32
    "tpu.region"() ({
      %run_scoped3A_53 = tpu.sem_alloc : memref<!tpu.dma_semaphore, #tpu.memory_space<semaphore_mem>>
      %dma_start3A_54 = arith.constant 0 : i32
      %dma_start3A_55 = tpu.memref_slice %arg12[%add3A_15, %dma_start3A_54] : memref<10240x128xf32, #tpu.memory_space<vmem_shared>> -> memref<128x128xf32, #tpu.memory_space<vmem_shared>>
      tpu.enqueue_dma source(%arg6 : memref<128x128xf32, #tpu.memory_space<hbm>>) target(%dma_start3A_55 : memref<128x128xf32, #tpu.memory_space<vmem_shared>>) target_semaphore(%run_scoped3A_53 : memref<!tpu.dma_semaphore, #tpu.memory_space<semaphore_mem>>)
      %dma_wait3A = arith.constant 0 : i32
      %dma_wait3A_56 = tpu.memref_slice %arg12[%add3A_15, %dma_wait3A] : memref<10240x128xf32, #tpu.memory_space<vmem_shared>> -> memref<128x128xf32, #tpu.memory_space<vmem_shared>>
      tpu.wait_dma2 semaphore(%run_scoped3A_53 : memref<!tpu.dma_semaphore, #tpu.memory_space<semaphore_mem>>) src(%arg6 : memref<128x128xf32, #tpu.memory_space<hbm>>) dst(%dma_wait3A_56 : memref<128x128xf32, #tpu.memory_space<vmem_shared>>)
      tpu.yield
    }) : () -> ()
    %mul3A_16 = arith.constant 640 : i32
    %mul3A_17 = arith.muli %arg1, %mul3A_16 : i32
    %add3A_18 = arith.constant 384 : i32
    %add3A_19 = arith.addi %mul3A_17, %add3A_18 : i32
    "tpu.region"() ({
      %run_scoped3A_53 = tpu.sem_alloc : memref<!tpu.dma_semaphore, #tpu.memory_space<semaphore_mem>>
      %dma_start3A_54 = arith.constant 0 : i32
      %dma_start3A_55 = tpu.memref_slice %arg12[%add3A_19, %dma_start3A_54] : memref<10240x128xf32, #tpu.memory_space<vmem_shared>> -> memref<128x128xf32, #tpu.memory_space<vmem_shared>>
      tpu.enqueue_dma source(%arg6 : memref<128x128xf32, #tpu.memory_space<hbm>>) target(%dma_start3A_55 : memref<128x128xf32, #tpu.memory_space<vmem_shared>>) target_semaphore(%run_scoped3A_53 : memref<!tpu.dma_semaphore, #tpu.memory_space<semaphore_mem>>)
      %dma_wait3A = arith.constant 0 : i32
      %dma_wait3A_56 = tpu.memref_slice %arg12[%add3A_19, %dma_wait3A] : memref<10240x128xf32, #tpu.memory_space<vmem_shared>> -> memref<128x128xf32, #tpu.memory_space<vmem_shared>>
      tpu.wait_dma2 semaphore(%run_scoped3A_53 : memref<!tpu.dma_semaphore, #tpu.memory_space<semaphore_mem>>) src(%arg6 : memref<128x128xf32, #tpu.memory_space<hbm>>) dst(%dma_wait3A_56 : memref<128x128xf32, #tpu.memory_space<vmem_shared>>)
      tpu.yield
    }) : () -> ()
    %mul3A_20 = arith.constant 640 : i32
    %mul3A_21 = arith.muli %arg1, %mul3A_20 : i32
    %add3A_22 = arith.constant 512 : i32
    %add3A_23 = arith.addi %mul3A_21, %add3A_22 : i32
    "tpu.region"() ({
      %run_scoped3A_53 = tpu.sem_alloc : memref<!tpu.dma_semaphore, #tpu.memory_space<semaphore_mem>>
      %dma_start3A_54 = arith.constant 0 : i32
      %dma_start3A_55 = tpu.memref_slice %arg12[%add3A_23, %dma_start3A_54] : memref<10240x128xf32, #tpu.memory_space<vmem_shared>> -> memref<128x128xf32, #tpu.memory_space<vmem_shared>>
      tpu.enqueue_dma source(%arg6 : memref<128x128xf32, #tpu.memory_space<hbm>>) target(%dma_start3A_55 : memref<128x128xf32, #tpu.memory_space<vmem_shared>>) target_semaphore(%run_scoped3A_53 : memref<!tpu.dma_semaphore, #tpu.memory_space<semaphore_mem>>)
      %dma_wait3A = arith.constant 0 : i32
      %dma_wait3A_56 = tpu.memref_slice %arg12[%add3A_23, %dma_wait3A] : memref<10240x128xf32, #tpu.memory_space<vmem_shared>> -> memref<128x128xf32, #tpu.memory_space<vmem_shared>>
      tpu.wait_dma2 semaphore(%run_scoped3A_53 : memref<!tpu.dma_semaphore, #tpu.memory_space<semaphore_mem>>) src(%arg6 : memref<128x128xf32, #tpu.memory_space<hbm>>) dst(%dma_wait3A_56 : memref<128x128xf32, #tpu.memory_space<vmem_shared>>)
      tpu.yield
    }) : () -> ()
    %barrier3A = arith.constant 0 : index
    tpu.barrier barrier_id(%barrier3A)
    %dma_start3A = arith.constant 0 : i32
    %dma_start3A_24 = arith.constant 0 : i32
    %dma_start3A_25 = arith.constant 0 : i32
    %dma_start3A_26 = tpu.memref_slice %arg8[%dma_start3A, %dma_start3A_24, %dma_start3A_25] : memref<2x8x128xi32, #tpu.memory_space<vmem>> -> memref<1x1x128xi32, #tpu.memory_space<vmem>>
    %dma_start3A_27 = tpu.memref_squeeze %dma_start3A_26 : memref<1x1x128xi32, #tpu.memory_space<vmem>> -> memref<128xi32, #tpu.memory_space<vmem>>
    %dma_start3A_28 = arith.constant 0 : i32
    %dma_start3A_29 = arith.constant 0 : i32
    %dma_start3A_30 = tpu.memref_slice %arg2[%dma_start3A_28, %dma_start3A_29] : memref<10000x128xf32, #tpu.memory_space<hbm>> -> memref<10000x128xf32, #tpu.memory_space<hbm>>
    tpu.enqueue_indirect_dma source(%dma_start3A_30 : memref<10000x128xf32, #tpu.memory_space<hbm>>) target(%arg10 : memref<128x128xf32, #tpu.memory_space<vmem>>) offsets(%dma_start3A_27 : memref<128xi32, #tpu.memory_space<vmem>>) semaphore(%arg13 : memref<!tpu.dma_semaphore, #tpu.memory_space<semaphore_mem>>)
    %dma_start3A_31 = arith.constant 0 : i32
    %dma_start3A_32 = arith.constant 1 : i32
    %dma_start3A_33 = arith.constant 0 : i32
    %dma_start3A_34 = tpu.memref_slice %arg8[%dma_start3A_31, %dma_start3A_32, %dma_start3A_33] : memref<2x8x128xi32, #tpu.memory_space<vmem>> -> memref<1x1x128xi32, #tpu.memory_space<vmem>>
    %dma_start3A_35 = tpu.memref_squeeze %dma_start3A_34 : memref<1x1x128xi32, #tpu.memory_space<vmem>> -> memref<128xi32, #tpu.memory_space<vmem>>
    %dma_start3A_36 = arith.constant 0 : i32
    %dma_start3A_37 = arith.constant 0 : i32
    %dma_start3A_38 = tpu.memref_slice %arg2[%dma_start3A_36, %dma_start3A_37] : memref<10000x128xf32, #tpu.memory_space<hbm>> -> memref<10000x128xf32, #tpu.memory_space<hbm>>
    tpu.enqueue_indirect_dma source(%dma_start3A_38 : memref<10000x128xf32, #tpu.memory_space<hbm>>) target(%arg11 : memref<128x128xf32, #tpu.memory_space<vmem>>) offsets(%dma_start3A_35 : memref<128xi32, #tpu.memory_space<vmem>>) semaphore(%arg14 : memref<!tpu.dma_semaphore, #tpu.memory_space<semaphore_mem>>)
    %run_scoped3A_39 = arith.constant 1 : i32
    %run_scoped3A_40 = arith.constant 1 : i32
    "tpu.region"() ({
      %run_scoped3A_53 = tpu.sem_alloc : memref<!tpu.dma_semaphore, #tpu.memory_space<semaphore_mem>>
      %dma_start3A_54 = arith.constant 0 : i32
      %dma_start3A_55 = arith.constant 0 : i32
      %dma_start3A_56 = tpu.memref_slice %arg8[%run_scoped3A_40, %dma_start3A_54, %dma_start3A_55] : memref<2x8x128xi32, #tpu.memory_space<vmem>> -> memref<1x8x128xi32, #tpu.memory_space<vmem>>
      %dma_start3A_57 = tpu.memref_squeeze %dma_start3A_56 : memref<1x8x128xi32, #tpu.memory_space<vmem>> -> memref<8x128xi32, #tpu.memory_space<vmem>>
      %dma_start3A_58 = arith.constant 0 : i32
      %dma_start3A_59 = arith.constant 0 : i32
      %dma_start3A_60 = tpu.memref_slice %arg4[%add3A, %run_scoped3A_39, %dma_start3A_58, %dma_start3A_59] : memref<32x10x8x128xi32, #tpu.memory_space<hbm>> -> memref<1x1x8x128xi32, #tpu.memory_space<hbm>>
      %dma_start3A_61 = tpu.memref_squeeze %dma_start3A_60 : memref<1x1x8x128xi32, #tpu.memory_space<hbm>> -> memref<8x128xi32, #tpu.memory_space<hbm>>
      %dma_start3A_62 = arith.constant 0 : i32
      %dma_start3A_63 = arith.constant 0 : i32
      %dma_start3A_64 = tpu.memref_slice %arg8[%run_scoped3A_40, %dma_start3A_62, %dma_start3A_63] : memref<2x8x128xi32, #tpu.memory_space<vmem>> -> memref<1x8x128xi32, #tpu.memory_space<vmem>>
      %dma_start3A_65 = tpu.memref_squeeze %dma_start3A_64 : memref<1x8x128xi32, #tpu.memory_space<vmem>> -> memref<8x128xi32, #tpu.memory_space<vmem>>
      %dma_start3A_66 = arith.constant 0 : i32
      %dma_start3A_67 = arith.constant 0 : i32
      %dma_start3A_68 = tpu.memref_slice %arg4[%add3A, %run_scoped3A_39, %dma_start3A_66, %dma_start3A_67] : memref<32x10x8x128xi32, #tpu.memory_space<hbm>> -> memref<1x1x8x128xi32, #tpu.memory_space<hbm>>
      %dma_start3A_69 = tpu.memref_squeeze %dma_start3A_68 : memref<1x1x8x128xi32, #tpu.memory_space<hbm>> -> memref<8x128xi32, #tpu.memory_space<hbm>>
      tpu.enqueue_dma source(%dma_start3A_69 : memref<8x128xi32, #tpu.memory_space<hbm>>) target(%dma_start3A_65 : memref<8x128xi32, #tpu.memory_space<vmem>>) target_semaphore(%run_scoped3A_53 : memref<!tpu.dma_semaphore, #tpu.memory_space<semaphore_mem>>)
      %dma_wait3A = arith.constant 0 : i32
      %dma_wait3A_70 = arith.constant 0 : i32
      %dma_wait3A_71 = tpu.memref_slice %arg8[%run_scoped3A_40, %dma_wait3A, %dma_wait3A_70] : memref<2x8x128xi32, #tpu.memory_space<vmem>> -> memref<1x8x128xi32, #tpu.memory_space<vmem>>
      %dma_wait3A_72 = tpu.memref_squeeze %dma_wait3A_71 : memref<1x8x128xi32, #tpu.memory_space<vmem>> -> memref<8x128xi32, #tpu.memory_space<vmem>>
      %dma_wait3A_73 = arith.constant 0 : i32
      %dma_wait3A_74 = arith.constant 0 : i32
      %dma_wait3A_75 = tpu.memref_slice %arg4[%add3A, %run_scoped3A_39, %dma_wait3A_73, %dma_wait3A_74] : memref<32x10x8x128xi32, #tpu.memory_space<hbm>> -> memref<1x1x8x128xi32, #tpu.memory_space<hbm>>
      %dma_wait3A_76 = tpu.memref_squeeze %dma_wait3A_75 : memref<1x1x8x128xi32, #tpu.memory_space<hbm>> -> memref<8x128xi32, #tpu.memory_space<hbm>>
      %dma_wait3A_77 = arith.constant 0 : i32
      %dma_wait3A_78 = arith.constant 0 : i32
      %dma_wait3A_79 = tpu.memref_slice %arg8[%run_scoped3A_40, %dma_wait3A_77, %dma_wait3A_78] : memref<2x8x128xi32, #tpu.memory_space<vmem>> -> memref<1x8x128xi32, #tpu.memory_space<vmem>>
      %dma_wait3A_80 = tpu.memref_squeeze %dma_wait3A_79 : memref<1x8x128xi32, #tpu.memory_space<vmem>> -> memref<8x128xi32, #tpu.memory_space<vmem>>
      %dma_wait3A_81 = arith.constant 0 : i32
      %dma_wait3A_82 = arith.constant 0 : i32
      %dma_wait3A_83 = tpu.memref_slice %arg4[%add3A, %run_scoped3A_39, %dma_wait3A_81, %dma_wait3A_82] : memref<32x10x8x128xi32, #tpu.memory_space<hbm>> -> memref<1x1x8x128xi32, #tpu.memory_space<hbm>>
      %dma_wait3A_84 = tpu.memref_squeeze %dma_wait3A_83 : memref<1x1x8x128xi32, #tpu.memory_space<hbm>> -> memref<8x128xi32, #tpu.memory_space<hbm>>
      tpu.wait_dma2 semaphore(%run_scoped3A_53 : memref<!tpu.dma_semaphore, #tpu.memory_space<semaphore_mem>>) src(%dma_wait3A_84 : memref<8x128xi32, #tpu.memory_space<hbm>>) dst(%dma_wait3A_80 : memref<8x128xi32, #tpu.memory_space<vmem>>)
      tpu.yield
    }) : () -> ()
    %run_scoped3A_41 = arith.constant 1 : i32
    %run_scoped3A_42 = arith.constant 1 : i32
    "tpu.region"() ({
      %run_scoped3A_53 = tpu.sem_alloc : memref<!tpu.dma_semaphore, #tpu.memory_space<semaphore_mem>>
      %dma_start3A_54 = arith.constant 0 : i32
      %dma_start3A_55 = arith.constant 0 : i32
      %dma_start3A_56 = tpu.memref_slice %arg9[%run_scoped3A_42, %dma_start3A_54, %dma_start3A_55] : memref<2x8x128xi32, #tpu.memory_space<vmem>> -> memref<1x8x128xi32, #tpu.memory_space<vmem>>
      %dma_start3A_57 = tpu.memref_squeeze %dma_start3A_56 : memref<1x8x128xi32, #tpu.memory_space<vmem>> -> memref<8x128xi32, #tpu.memory_space<vmem>>
      %dma_start3A_58 = arith.constant 0 : i32
      %dma_start3A_59 = arith.constant 0 : i32
      %dma_start3A_60 = tpu.memref_slice %arg5[%add3A, %run_scoped3A_41, %dma_start3A_58, %dma_start3A_59] : memref<32x10x8x128xi32, #tpu.memory_space<hbm>> -> memref<1x1x8x128xi32, #tpu.memory_space<hbm>>
      %dma_start3A_61 = tpu.memref_squeeze %dma_start3A_60 : memref<1x1x8x128xi32, #tpu.memory_space<hbm>> -> memref<8x128xi32, #tpu.memory_space<hbm>>
      %dma_start3A_62 = arith.constant 0 : i32
      %dma_start3A_63 = arith.constant 0 : i32
      %dma_start3A_64 = tpu.memref_slice %arg9[%run_scoped3A_42, %dma_start3A_62, %dma_start3A_63] : memref<2x8x128xi32, #tpu.memory_space<vmem>> -> memref<1x8x128xi32, #tpu.memory_space<vmem>>
      %dma_start3A_65 = tpu.memref_squeeze %dma_start3A_64 : memref<1x8x128xi32, #tpu.memory_space<vmem>> -> memref<8x128xi32, #tpu.memory_space<vmem>>
      %dma_start3A_66 = arith.constant 0 : i32
      %dma_start3A_67 = arith.constant 0 : i32
      %dma_start3A_68 = tpu.memref_slice %arg5[%add3A, %run_scoped3A_41, %dma_start3A_66, %dma_start3A_67] : memref<32x10x8x128xi32, #tpu.memory_space<hbm>> -> memref<1x1x8x128xi32, #tpu.memory_space<hbm>>
      %dma_start3A_69 = tpu.memref_squeeze %dma_start3A_68 : memref<1x1x8x128xi32, #tpu.memory_space<hbm>> -> memref<8x128xi32, #tpu.memory_space<hbm>>
      tpu.enqueue_dma source(%dma_start3A_69 : memref<8x128xi32, #tpu.memory_space<hbm>>) target(%dma_start3A_65 : memref<8x128xi32, #tpu.memory_space<vmem>>) target_semaphore(%run_scoped3A_53 : memref<!tpu.dma_semaphore, #tpu.memory_space<semaphore_mem>>)
      %dma_wait3A = arith.constant 0 : i32
      %dma_wait3A_70 = arith.constant 0 : i32
      %dma_wait3A_71 = tpu.memref_slice %arg9[%run_scoped3A_42, %dma_wait3A, %dma_wait3A_70] : memref<2x8x128xi32, #tpu.memory_space<vmem>> -> memref<1x8x128xi32, #tpu.memory_space<vmem>>
      %dma_wait3A_72 = tpu.memref_squeeze %dma_wait3A_71 : memref<1x8x128xi32, #tpu.memory_space<vmem>> -> memref<8x128xi32, #tpu.memory_space<vmem>>
      %dma_wait3A_73 = arith.constant 0 : i32
      %dma_wait3A_74 = arith.constant 0 : i32
      %dma_wait3A_75 = tpu.memref_slice %arg5[%add3A, %run_scoped3A_41, %dma_wait3A_73, %dma_wait3A_74] : memref<32x10x8x128xi32, #tpu.memory_space<hbm>> -> memref<1x1x8x128xi32, #tpu.memory_space<hbm>>
      %dma_wait3A_76 = tpu.memref_squeeze %dma_wait3A_75 : memref<1x1x8x128xi32, #tpu.memory_space<hbm>> -> memref<8x128xi32, #tpu.memory_space<hbm>>
      %dma_wait3A_77 = arith.constant 0 : i32
      %dma_wait3A_78 = arith.constant 0 : i32
      %dma_wait3A_79 = tpu.memref_slice %arg9[%run_scoped3A_42, %dma_wait3A_77, %dma_wait3A_78] : memref<2x8x128xi32, #tpu.memory_space<vmem>> -> memref<1x8x128xi32, #tpu.memory_space<vmem>>
      %dma_wait3A_80 = tpu.memref_squeeze %dma_wait3A_79 : memref<1x8x128xi32, #tpu.memory_space<vmem>> -> memref<8x128xi32, #tpu.memory_space<vmem>>
      %dma_wait3A_81 = arith.constant 0 : i32
      %dma_wait3A_82 = arith.constant 0 : i32
      %dma_wait3A_83 = tpu.memref_slice %arg5[%add3A, %run_scoped3A_41, %dma_wait3A_81, %dma_wait3A_82] : memref<32x10x8x128xi32, #tpu.memory_space<hbm>> -> memref<1x1x8x128xi32, #tpu.memory_space<hbm>>
      %dma_wait3A_84 = tpu.memref_squeeze %dma_wait3A_83 : memref<1x1x8x128xi32, #tpu.memory_space<hbm>> -> memref<8x128xi32, #tpu.memory_space<hbm>>
      tpu.wait_dma2 semaphore(%run_scoped3A_53 : memref<!tpu.dma_semaphore, #tpu.memory_space<semaphore_mem>>) src(%dma_wait3A_84 : memref<8x128xi32, #tpu.memory_space<hbm>>) dst(%dma_wait3A_80 : memref<8x128xi32, #tpu.memory_space<vmem>>)
      tpu.yield
    }) : () -> ()
    %scan3A = arith.constant 0 : i32
    %scan3A_43 = arith.constant 0 : i32
    %scan3A_44 = arith.constant 10 : i32
    %scan3A_45 = arith.addi %scan3A_43, %scan3A_44 : i32
    %scan3A_46 = arith.constant 1 : i32
    scf.for %scan3A_53 = %scan3A_43 to %scan3A_45 step %scan3A_46  : i32 {
      %rem3A = arith.constant 2 : i32
      %rem3A_54 = arith.remsi %scan3A_53, %rem3A : i32
      %sub3A = arith.constant 1 : i32
      %sub3A_55 = arith.subi %sub3A, %rem3A_54 : i32
      %dma_wait3A = arith.constant 0 : i32
      %dma_wait3A_56 = arith.constant 0 : i32
      %dma_wait3A_57 = tpu.memref_slice %arg8[%rem3A_54, %dma_wait3A, %dma_wait3A_56] : memref<2x8x128xi32, #tpu.memory_space<vmem>> -> memref<1x1x128xi32, #tpu.memory_space<vmem>>
      %dma_wait3A_58 = tpu.memref_squeeze %dma_wait3A_57 : memref<1x1x128xi32, #tpu.memory_space<vmem>> -> memref<128xi32, #tpu.memory_space<vmem>>
      %dma_wait3A_59 = arith.constant 0 : i32
      %dma_wait3A_60 = arith.constant 0 : i32
      %dma_wait3A_61 = tpu.memref_slice %arg2[%dma_wait3A_59, %dma_wait3A_60] : memref<10000x128xf32, #tpu.memory_space<hbm>> -> memref<10000x128xf32, #tpu.memory_space<hbm>>
      tpu.wait_indirect_dma semaphore(%arg13 : memref<!tpu.dma_semaphore, #tpu.memory_space<semaphore_mem>>) src(%dma_wait3A_61 : memref<10000x128xf32, #tpu.memory_space<hbm>>) dst(%arg10 : memref<128x128xf32, #tpu.memory_space<vmem>>)
      %run_scoped3A_62 = arith.constant 0 : i32
      "tpu.region"() ({
        %run_scoped3A_173 = tpu.sem_alloc : memref<!tpu.dma_semaphore, #tpu.memory_space<semaphore_mem>>
        %dma_start3A_174 = arith.constant 0 : i32
        %dma_start3A_175 = tpu.memref_slice %arg9[%rem3A_54, %run_scoped3A_62, %dma_start3A_174] : memref<2x8x128xi32, #tpu.memory_space<vmem>> -> memref<1x1x128xi32, #tpu.memory_space<vmem>>
        %dma_start3A_176 = tpu.memref_squeeze %dma_start3A_175 : memref<1x1x128xi32, #tpu.memory_space<vmem>> -> memref<128xi32, #tpu.memory_space<vmem>>
        %dma_start3A_177 = arith.constant 0 : i32
        %dma_start3A_178 = arith.constant 0 : i32
        %dma_start3A_179 = tpu.memref_slice %arg12[%dma_start3A_177, %dma_start3A_178] : memref<10240x128xf32, #tpu.memory_space<vmem_shared>> -> memref<10240x128xf32, #tpu.memory_space<vmem_shared>>
        tpu.enqueue_indirect_dma source(%arg10 : memref<128x128xf32, #tpu.memory_space<vmem>>) target(%dma_start3A_179 : memref<10240x128xf32, #tpu.memory_space<vmem_shared>>) offsets(%dma_start3A_176 : memref<128xi32, #tpu.memory_space<vmem>>) semaphore(%run_scoped3A_173 : memref<!tpu.dma_semaphore, #tpu.memory_space<semaphore_mem>>) {add = true}
        %dma_wait3A_180 = arith.constant 0 : i32
        %dma_wait3A_181 = tpu.memref_slice %arg9[%rem3A_54, %run_scoped3A_62, %dma_wait3A_180] : memref<2x8x128xi32, #tpu.memory_space<vmem>> -> memref<1x1x128xi32, #tpu.memory_space<vmem>>
        %dma_wait3A_182 = tpu.memref_squeeze %dma_wait3A_181 : memref<1x1x128xi32, #tpu.memory_space<vmem>> -> memref<128xi32, #tpu.memory_space<vmem>>
        %dma_wait3A_183 = arith.constant 0 : i32
        %dma_wait3A_184 = arith.constant 0 : i32
        %dma_wait3A_185 = tpu.memref_slice %arg12[%dma_wait3A_183, %dma_wait3A_184] : memref<10240x128xf32, #tpu.memory_space<vmem_shared>> -> memref<10240x128xf32, #tpu.memory_space<vmem_shared>>
        tpu.wait_indirect_dma semaphore(%run_scoped3A_173 : memref<!tpu.dma_semaphore, #tpu.memory_space<semaphore_mem>>) src(%arg10 : memref<128x128xf32, #tpu.memory_space<vmem>>) dst(%dma_wait3A_185 : memref<10240x128xf32, #tpu.memory_space<vmem_shared>>)
        tpu.yield
      }) : () -> ()
      %dma_start3A_63 = arith.constant 2 : i32
      %dma_start3A_64 = arith.constant 0 : i32
      %dma_start3A_65 = tpu.memref_slice %arg8[%rem3A_54, %dma_start3A_63, %dma_start3A_64] : memref<2x8x128xi32, #tpu.memory_space<vmem>> -> memref<1x1x128xi32, #tpu.memory_space<vmem>>
      %dma_start3A_66 = tpu.memref_squeeze %dma_start3A_65 : memref<1x1x128xi32, #tpu.memory_space<vmem>> -> memref<128xi32, #tpu.memory_space<vmem>>
      %dma_start3A_67 = arith.constant 0 : i32
      %dma_start3A_68 = arith.constant 0 : i32
      %dma_start3A_69 = tpu.memref_slice %arg2[%dma_start3A_67, %dma_start3A_68] : memref<10000x128xf32, #tpu.memory_space<hbm>> -> memref<10000x128xf32, #tpu.memory_space<hbm>>
      tpu.enqueue_indirect_dma source(%dma_start3A_69 : memref<10000x128xf32, #tpu.memory_space<hbm>>) target(%arg10 : memref<128x128xf32, #tpu.memory_space<vmem>>) offsets(%dma_start3A_66 : memref<128xi32, #tpu.memory_space<vmem>>) semaphore(%arg13 : memref<!tpu.dma_semaphore, #tpu.memory_space<semaphore_mem>>)
      %dma_wait3A_70 = arith.constant 1 : i32
      %dma_wait3A_71 = arith.constant 0 : i32
      %dma_wait3A_72 = tpu.memref_slice %arg8[%rem3A_54, %dma_wait3A_70, %dma_wait3A_71] : memref<2x8x128xi32, #tpu.memory_space<vmem>> -> memref<1x1x128xi32, #tpu.memory_space<vmem>>
      %dma_wait3A_73 = tpu.memref_squeeze %dma_wait3A_72 : memref<1x1x128xi32, #tpu.memory_space<vmem>> -> memref<128xi32, #tpu.memory_space<vmem>>
      %dma_wait3A_74 = arith.constant 0 : i32
      %dma_wait3A_75 = arith.constant 0 : i32
      %dma_wait3A_76 = tpu.memref_slice %arg2[%dma_wait3A_74, %dma_wait3A_75] : memref<10000x128xf32, #tpu.memory_space<hbm>> -> memref<10000x128xf32, #tpu.memory_space<hbm>>
      tpu.wait_indirect_dma semaphore(%arg14 : memref<!tpu.dma_semaphore, #tpu.memory_space<semaphore_mem>>) src(%dma_wait3A_76 : memref<10000x128xf32, #tpu.memory_space<hbm>>) dst(%arg11 : memref<128x128xf32, #tpu.memory_space<vmem>>)
      %run_scoped3A_77 = arith.constant 1 : i32
      "tpu.region"() ({
        %run_scoped3A_173 = tpu.sem_alloc : memref<!tpu.dma_semaphore, #tpu.memory_space<semaphore_mem>>
        %dma_start3A_174 = arith.constant 0 : i32
        %dma_start3A_175 = tpu.memref_slice %arg9[%rem3A_54, %run_scoped3A_77, %dma_start3A_174] : memref<2x8x128xi32, #tpu.memory_space<vmem>> -> memref<1x1x128xi32, #tpu.memory_space<vmem>>
        %dma_start3A_176 = tpu.memref_squeeze %dma_start3A_175 : memref<1x1x128xi32, #tpu.memory_space<vmem>> -> memref<128xi32, #tpu.memory_space<vmem>>
        %dma_start3A_177 = arith.constant 0 : i32
        %dma_start3A_178 = arith.constant 0 : i32
        %dma_start3A_179 = tpu.memref_slice %arg12[%dma_start3A_177, %dma_start3A_178] : memref<10240x128xf32, #tpu.memory_space<vmem_shared>> -> memref<10240x128xf32, #tpu.memory_space<vmem_shared>>
        tpu.enqueue_indirect_dma source(%arg11 : memref<128x128xf32, #tpu.memory_space<vmem>>) target(%dma_start3A_179 : memref<10240x128xf32, #tpu.memory_space<vmem_shared>>) offsets(%dma_start3A_176 : memref<128xi32, #tpu.memory_space<vmem>>) semaphore(%run_scoped3A_173 : memref<!tpu.dma_semaphore, #tpu.memory_space<semaphore_mem>>) {add = true}
        %dma_wait3A_180 = arith.constant 0 : i32
        %dma_wait3A_181 = tpu.memref_slice %arg9[%rem3A_54, %run_scoped3A_77, %dma_wait3A_180] : memref<2x8x128xi32, #tpu.memory_space<vmem>> -> memref<1x1x128xi32, #tpu.memory_space<vmem>>
        %dma_wait3A_182 = tpu.memref_squeeze %dma_wait3A_181 : memref<1x1x128xi32, #tpu.memory_space<vmem>> -> memref<128xi32, #tpu.memory_space<vmem>>
        %dma_wait3A_183 = arith.constant 0 : i32
        %dma_wait3A_184 = arith.constant 0 : i32
        %dma_wait3A_185 = tpu.memref_slice %arg12[%dma_wait3A_183, %dma_wait3A_184] : memref<10240x128xf32, #tpu.memory_space<vmem_shared>> -> memref<10240x128xf32, #tpu.memory_space<vmem_shared>>
        tpu.wait_indirect_dma semaphore(%run_scoped3A_173 : memref<!tpu.dma_semaphore, #tpu.memory_space<semaphore_mem>>) src(%arg11 : memref<128x128xf32, #tpu.memory_space<vmem>>) dst(%dma_wait3A_185 : memref<10240x128xf32, #tpu.memory_space<vmem_shared>>)
        tpu.yield
      }) : () -> ()
      %dma_start3A_78 = arith.constant 3 : i32
      %dma_start3A_79 = arith.constant 0 : i32
      %dma_start3A_80 = tpu.memref_slice %arg8[%rem3A_54, %dma_start3A_78, %dma_start3A_79] : memref<2x8x128xi32, #tpu.memory_space<vmem>> -> memref<1x1x128xi32, #tpu.memory_space<vmem>>
      %dma_start3A_81 = tpu.memref_squeeze %dma_start3A_80 : memref<1x1x128xi32, #tpu.memory_space<vmem>> -> memref<128xi32, #tpu.memory_space<vmem>>
      %dma_start3A_82 = arith.constant 0 : i32
      %dma_start3A_83 = arith.constant 0 : i32
      %dma_start3A_84 = tpu.memref_slice %arg2[%dma_start3A_82, %dma_start3A_83] : memref<10000x128xf32, #tpu.memory_space<hbm>> -> memref<10000x128xf32, #tpu.memory_space<hbm>>
      tpu.enqueue_indirect_dma source(%dma_start3A_84 : memref<10000x128xf32, #tpu.memory_space<hbm>>) target(%arg11 : memref<128x128xf32, #tpu.memory_space<vmem>>) offsets(%dma_start3A_81 : memref<128xi32, #tpu.memory_space<vmem>>) semaphore(%arg14 : memref<!tpu.dma_semaphore, #tpu.memory_space<semaphore_mem>>)
      %dma_wait3A_85 = arith.constant 2 : i32
      %dma_wait3A_86 = arith.constant 0 : i32
      %dma_wait3A_87 = tpu.memref_slice %arg8[%rem3A_54, %dma_wait3A_85, %dma_wait3A_86] : memref<2x8x128xi32, #tpu.memory_space<vmem>> -> memref<1x1x128xi32, #tpu.memory_space<vmem>>
      %dma_wait3A_88 = tpu.memref_squeeze %dma_wait3A_87 : memref<1x1x128xi32, #tpu.memory_space<vmem>> -> memref<128xi32, #tpu.memory_space<vmem>>
      %dma_wait3A_89 = arith.constant 0 : i32
      %dma_wait3A_90 = arith.constant 0 : i32
      %dma_wait3A_91 = tpu.memref_slice %arg2[%dma_wait3A_89, %dma_wait3A_90] : memref<10000x128xf32, #tpu.memory_space<hbm>> -> memref<10000x128xf32, #tpu.memory_space<hbm>>
      tpu.wait_indirect_dma semaphore(%arg13 : memref<!tpu.dma_semaphore, #tpu.memory_space<semaphore_mem>>) src(%dma_wait3A_91 : memref<10000x128xf32, #tpu.memory_space<hbm>>) dst(%arg10 : memref<128x128xf32, #tpu.memory_space<vmem>>)
      %run_scoped3A_92 = arith.constant 2 : i32
      "tpu.region"() ({
        %run_scoped3A_173 = tpu.sem_alloc : memref<!tpu.dma_semaphore, #tpu.memory_space<semaphore_mem>>
        %dma_start3A_174 = arith.constant 0 : i32
        %dma_start3A_175 = tpu.memref_slice %arg9[%rem3A_54, %run_scoped3A_92, %dma_start3A_174] : memref<2x8x128xi32, #tpu.memory_space<vmem>> -> memref<1x1x128xi32, #tpu.memory_space<vmem>>
        %dma_start3A_176 = tpu.memref_squeeze %dma_start3A_175 : memref<1x1x128xi32, #tpu.memory_space<vmem>> -> memref<128xi32, #tpu.memory_space<vmem>>
        %dma_start3A_177 = arith.constant 0 : i32
        %dma_start3A_178 = arith.constant 0 : i32
        %dma_start3A_179 = tpu.memref_slice %arg12[%dma_start3A_177, %dma_start3A_178] : memref<10240x128xf32, #tpu.memory_space<vmem_shared>> -> memref<10240x128xf32, #tpu.memory_space<vmem_shared>>
        tpu.enqueue_indirect_dma source(%arg10 : memref<128x128xf32, #tpu.memory_space<vmem>>) target(%dma_start3A_179 : memref<10240x128xf32, #tpu.memory_space<vmem_shared>>) offsets(%dma_start3A_176 : memref<128xi32, #tpu.memory_space<vmem>>) semaphore(%run_scoped3A_173 : memref<!tpu.dma_semaphore, #tpu.memory_space<semaphore_mem>>) {add = true}
        %dma_wait3A_180 = arith.constant 0 : i32
        %dma_wait3A_181 = tpu.memref_slice %arg9[%rem3A_54, %run_scoped3A_92, %dma_wait3A_180] : memref<2x8x128xi32, #tpu.memory_space<vmem>> -> memref<1x1x128xi32, #tpu.memory_space<vmem>>
        %dma_wait3A_182 = tpu.memref_squeeze %dma_wait3A_181 : memref<1x1x128xi32, #tpu.memory_space<vmem>> -> memref<128xi32, #tpu.memory_space<vmem>>
        %dma_wait3A_183 = arith.constant 0 : i32
        %dma_wait3A_184 = arith.constant 0 : i32
        %dma_wait3A_185 = tpu.memref_slice %arg12[%dma_wait3A_183, %dma_wait3A_184] : memref<10240x128xf32, #tpu.memory_space<vmem_shared>> -> memref<10240x128xf32, #tpu.memory_space<vmem_shared>>
        tpu.wait_indirect_dma semaphore(%run_scoped3A_173 : memref<!tpu.dma_semaphore, #tpu.memory_space<semaphore_mem>>) src(%arg10 : memref<128x128xf32, #tpu.memory_space<vmem>>) dst(%dma_wait3A_185 : memref<10240x128xf32, #tpu.memory_space<vmem_shared>>)
        tpu.yield
      }) : () -> ()
      %dma_start3A_93 = arith.constant 4 : i32
      %dma_start3A_94 = arith.constant 0 : i32
      %dma_start3A_95 = tpu.memref_slice %arg8[%rem3A_54, %dma_start3A_93, %dma_start3A_94] : memref<2x8x128xi32, #tpu.memory_space<vmem>> -> memref<1x1x128xi32, #tpu.memory_space<vmem>>
      %dma_start3A_96 = tpu.memref_squeeze %dma_start3A_95 : memref<1x1x128xi32, #tpu.memory_space<vmem>> -> memref<128xi32, #tpu.memory_space<vmem>>
      %dma_start3A_97 = arith.constant 0 : i32
      %dma_start3A_98 = arith.constant 0 : i32
      %dma_start3A_99 = tpu.memref_slice %arg2[%dma_start3A_97, %dma_start3A_98] : memref<10000x128xf32, #tpu.memory_space<hbm>> -> memref<10000x128xf32, #tpu.memory_space<hbm>>
      tpu.enqueue_indirect_dma source(%dma_start3A_99 : memref<10000x128xf32, #tpu.memory_space<hbm>>) target(%arg10 : memref<128x128xf32, #tpu.memory_space<vmem>>) offsets(%dma_start3A_96 : memref<128xi32, #tpu.memory_space<vmem>>) semaphore(%arg13 : memref<!tpu.dma_semaphore, #tpu.memory_space<semaphore_mem>>)
      %dma_wait3A_100 = arith.constant 3 : i32
      %dma_wait3A_101 = arith.constant 0 : i32
      %dma_wait3A_102 = tpu.memref_slice %arg8[%rem3A_54, %dma_wait3A_100, %dma_wait3A_101] : memref<2x8x128xi32, #tpu.memory_space<vmem>> -> memref<1x1x128xi32, #tpu.memory_space<vmem>>
      %dma_wait3A_103 = tpu.memref_squeeze %dma_wait3A_102 : memref<1x1x128xi32, #tpu.memory_space<vmem>> -> memref<128xi32, #tpu.memory_space<vmem>>
      %dma_wait3A_104 = arith.constant 0 : i32
      %dma_wait3A_105 = arith.constant 0 : i32
      %dma_wait3A_106 = tpu.memref_slice %arg2[%dma_wait3A_104, %dma_wait3A_105] : memref<10000x128xf32, #tpu.memory_space<hbm>> -> memref<10000x128xf32, #tpu.memory_space<hbm>>
      tpu.wait_indirect_dma semaphore(%arg14 : memref<!tpu.dma_semaphore, #tpu.memory_space<semaphore_mem>>) src(%dma_wait3A_106 : memref<10000x128xf32, #tpu.memory_space<hbm>>) dst(%arg11 : memref<128x128xf32, #tpu.memory_space<vmem>>)
      %run_scoped3A_107 = arith.constant 3 : i32
      "tpu.region"() ({
        %run_scoped3A_173 = tpu.sem_alloc : memref<!tpu.dma_semaphore, #tpu.memory_space<semaphore_mem>>
        %dma_start3A_174 = arith.constant 0 : i32
        %dma_start3A_175 = tpu.memref_slice %arg9[%rem3A_54, %run_scoped3A_107, %dma_start3A_174] : memref<2x8x128xi32, #tpu.memory_space<vmem>> -> memref<1x1x128xi32, #tpu.memory_space<vmem>>
        %dma_start3A_176 = tpu.memref_squeeze %dma_start3A_175 : memref<1x1x128xi32, #tpu.memory_space<vmem>> -> memref<128xi32, #tpu.memory_space<vmem>>
        %dma_start3A_177 = arith.constant 0 : i32
        %dma_start3A_178 = arith.constant 0 : i32
        %dma_start3A_179 = tpu.memref_slice %arg12[%dma_start3A_177, %dma_start3A_178] : memref<10240x128xf32, #tpu.memory_space<vmem_shared>> -> memref<10240x128xf32, #tpu.memory_space<vmem_shared>>
        tpu.enqueue_indirect_dma source(%arg11 : memref<128x128xf32, #tpu.memory_space<vmem>>) target(%dma_start3A_179 : memref<10240x128xf32, #tpu.memory_space<vmem_shared>>) offsets(%dma_start3A_176 : memref<128xi32, #tpu.memory_space<vmem>>) semaphore(%run_scoped3A_173 : memref<!tpu.dma_semaphore, #tpu.memory_space<semaphore_mem>>) {add = true}
        %dma_wait3A_180 = arith.constant 0 : i32
        %dma_wait3A_181 = tpu.memref_slice %arg9[%rem3A_54, %run_scoped3A_107, %dma_wait3A_180] : memref<2x8x128xi32, #tpu.memory_space<vmem>> -> memref<1x1x128xi32, #tpu.memory_space<vmem>>
        %dma_wait3A_182 = tpu.memref_squeeze %dma_wait3A_181 : memref<1x1x128xi32, #tpu.memory_space<vmem>> -> memref<128xi32, #tpu.memory_space<vmem>>
        %dma_wait3A_183 = arith.constant 0 : i32
        %dma_wait3A_184 = arith.constant 0 : i32
        %dma_wait3A_185 = tpu.memref_slice %arg12[%dma_wait3A_183, %dma_wait3A_184] : memref<10240x128xf32, #tpu.memory_space<vmem_shared>> -> memref<10240x128xf32, #tpu.memory_space<vmem_shared>>
        tpu.wait_indirect_dma semaphore(%run_scoped3A_173 : memref<!tpu.dma_semaphore, #tpu.memory_space<semaphore_mem>>) src(%arg11 : memref<128x128xf32, #tpu.memory_space<vmem>>) dst(%dma_wait3A_185 : memref<10240x128xf32, #tpu.memory_space<vmem_shared>>)
        tpu.yield
      }) : () -> ()
      %dma_start3A_108 = arith.constant 5 : i32
      %dma_start3A_109 = arith.constant 0 : i32
      %dma_start3A_110 = tpu.memref_slice %arg8[%rem3A_54, %dma_start3A_108, %dma_start3A_109] : memref<2x8x128xi32, #tpu.memory_space<vmem>> -> memref<1x1x128xi32, #tpu.memory_space<vmem>>
      %dma_start3A_111 = tpu.memref_squeeze %dma_start3A_110 : memref<1x1x128xi32, #tpu.memory_space<vmem>> -> memref<128xi32, #tpu.memory_space<vmem>>
      %dma_start3A_112 = arith.constant 0 : i32
      %dma_start3A_113 = arith.constant 0 : i32
      %dma_start3A_114 = tpu.memref_slice %arg2[%dma_start3A_112, %dma_start3A_113] : memref<10000x128xf32, #tpu.memory_space<hbm>> -> memref<10000x128xf32, #tpu.memory_space<hbm>>
      tpu.enqueue_indirect_dma source(%dma_start3A_114 : memref<10000x128xf32, #tpu.memory_space<hbm>>) target(%arg11 : memref<128x128xf32, #tpu.memory_space<vmem>>) offsets(%dma_start3A_111 : memref<128xi32, #tpu.memory_space<vmem>>) semaphore(%arg14 : memref<!tpu.dma_semaphore, #tpu.memory_space<semaphore_mem>>)
      %dma_wait3A_115 = arith.constant 4 : i32
      %dma_wait3A_116 = arith.constant 0 : i32
      %dma_wait3A_117 = tpu.memref_slice %arg8[%rem3A_54, %dma_wait3A_115, %dma_wait3A_116] : memref<2x8x128xi32, #tpu.memory_space<vmem>> -> memref<1x1x128xi32, #tpu.memory_space<vmem>>
      %dma_wait3A_118 = tpu.memref_squeeze %dma_wait3A_117 : memref<1x1x128xi32, #tpu.memory_space<vmem>> -> memref<128xi32, #tpu.memory_space<vmem>>
      %dma_wait3A_119 = arith.constant 0 : i32
      %dma_wait3A_120 = arith.constant 0 : i32
      %dma_wait3A_121 = tpu.memref_slice %arg2[%dma_wait3A_119, %dma_wait3A_120] : memref<10000x128xf32, #tpu.memory_space<hbm>> -> memref<10000x128xf32, #tpu.memory_space<hbm>>
      tpu.wait_indirect_dma semaphore(%arg13 : memref<!tpu.dma_semaphore, #tpu.memory_space<semaphore_mem>>) src(%dma_wait3A_121 : memref<10000x128xf32, #tpu.memory_space<hbm>>) dst(%arg10 : memref<128x128xf32, #tpu.memory_space<vmem>>)
      %run_scoped3A_122 = arith.constant 4 : i32
      "tpu.region"() ({
        %run_scoped3A_173 = tpu.sem_alloc : memref<!tpu.dma_semaphore, #tpu.memory_space<semaphore_mem>>
        %dma_start3A_174 = arith.constant 0 : i32
        %dma_start3A_175 = tpu.memref_slice %arg9[%rem3A_54, %run_scoped3A_122, %dma_start3A_174] : memref<2x8x128xi32, #tpu.memory_space<vmem>> -> memref<1x1x128xi32, #tpu.memory_space<vmem>>
        %dma_start3A_176 = tpu.memref_squeeze %dma_start3A_175 : memref<1x1x128xi32, #tpu.memory_space<vmem>> -> memref<128xi32, #tpu.memory_space<vmem>>
        %dma_start3A_177 = arith.constant 0 : i32
        %dma_start3A_178 = arith.constant 0 : i32
        %dma_start3A_179 = tpu.memref_slice %arg12[%dma_start3A_177, %dma_start3A_178] : memref<10240x128xf32, #tpu.memory_space<vmem_shared>> -> memref<10240x128xf32, #tpu.memory_space<vmem_shared>>
        tpu.enqueue_indirect_dma source(%arg10 : memref<128x128xf32, #tpu.memory_space<vmem>>) target(%dma_start3A_179 : memref<10240x128xf32, #tpu.memory_space<vmem_shared>>) offsets(%dma_start3A_176 : memref<128xi32, #tpu.memory_space<vmem>>) semaphore(%run_scoped3A_173 : memref<!tpu.dma_semaphore, #tpu.memory_space<semaphore_mem>>) {add = true}
        %dma_wait3A_180 = arith.constant 0 : i32
        %dma_wait3A_181 = tpu.memref_slice %arg9[%rem3A_54, %run_scoped3A_122, %dma_wait3A_180] : memref<2x8x128xi32, #tpu.memory_space<vmem>> -> memref<1x1x128xi32, #tpu.memory_space<vmem>>
        %dma_wait3A_182 = tpu.memref_squeeze %dma_wait3A_181 : memref<1x1x128xi32, #tpu.memory_space<vmem>> -> memref<128xi32, #tpu.memory_space<vmem>>
        %dma_wait3A_183 = arith.constant 0 : i32
        %dma_wait3A_184 = arith.constant 0 : i32
        %dma_wait3A_185 = tpu.memref_slice %arg12[%dma_wait3A_183, %dma_wait3A_184] : memref<10240x128xf32, #tpu.memory_space<vmem_shared>> -> memref<10240x128xf32, #tpu.memory_space<vmem_shared>>
        tpu.wait_indirect_dma semaphore(%run_scoped3A_173 : memref<!tpu.dma_semaphore, #tpu.memory_space<semaphore_mem>>) src(%arg10 : memref<128x128xf32, #tpu.memory_space<vmem>>) dst(%dma_wait3A_185 : memref<10240x128xf32, #tpu.memory_space<vmem_shared>>)
        tpu.yield
      }) : () -> ()
      %dma_start3A_123 = arith.constant 6 : i32
      %dma_start3A_124 = arith.constant 0 : i32
      %dma_start3A_125 = tpu.memref_slice %arg8[%rem3A_54, %dma_start3A_123, %dma_start3A_124] : memref<2x8x128xi32, #tpu.memory_space<vmem>> -> memref<1x1x128xi32, #tpu.memory_space<vmem>>
      %dma_start3A_126 = tpu.memref_squeeze %dma_start3A_125 : memref<1x1x128xi32, #tpu.memory_space<vmem>> -> memref<128xi32, #tpu.memory_space<vmem>>
      %dma_start3A_127 = arith.constant 0 : i32
      %dma_start3A_128 = arith.constant 0 : i32
      %dma_start3A_129 = tpu.memref_slice %arg2[%dma_start3A_127, %dma_start3A_128] : memref<10000x128xf32, #tpu.memory_space<hbm>> -> memref<10000x128xf32, #tpu.memory_space<hbm>>
      tpu.enqueue_indirect_dma source(%dma_start3A_129 : memref<10000x128xf32, #tpu.memory_space<hbm>>) target(%arg10 : memref<128x128xf32, #tpu.memory_space<vmem>>) offsets(%dma_start3A_126 : memref<128xi32, #tpu.memory_space<vmem>>) semaphore(%arg13 : memref<!tpu.dma_semaphore, #tpu.memory_space<semaphore_mem>>)
      %dma_wait3A_130 = arith.constant 5 : i32
      %dma_wait3A_131 = arith.constant 0 : i32
      %dma_wait3A_132 = tpu.memref_slice %arg8[%rem3A_54, %dma_wait3A_130, %dma_wait3A_131] : memref<2x8x128xi32, #tpu.memory_space<vmem>> -> memref<1x1x128xi32, #tpu.memory_space<vmem>>
      %dma_wait3A_133 = tpu.memref_squeeze %dma_wait3A_132 : memref<1x1x128xi32, #tpu.memory_space<vmem>> -> memref<128xi32, #tpu.memory_space<vmem>>
      %dma_wait3A_134 = arith.constant 0 : i32
      %dma_wait3A_135 = arith.constant 0 : i32
      %dma_wait3A_136 = tpu.memref_slice %arg2[%dma_wait3A_134, %dma_wait3A_135] : memref<10000x128xf32, #tpu.memory_space<hbm>> -> memref<10000x128xf32, #tpu.memory_space<hbm>>
      tpu.wait_indirect_dma semaphore(%arg14 : memref<!tpu.dma_semaphore, #tpu.memory_space<semaphore_mem>>) src(%dma_wait3A_136 : memref<10000x128xf32, #tpu.memory_space<hbm>>) dst(%arg11 : memref<128x128xf32, #tpu.memory_space<vmem>>)
      %run_scoped3A_137 = arith.constant 5 : i32
      "tpu.region"() ({
        %run_scoped3A_173 = tpu.sem_alloc : memref<!tpu.dma_semaphore, #tpu.memory_space<semaphore_mem>>
        %dma_start3A_174 = arith.constant 0 : i32
        %dma_start3A_175 = tpu.memref_slice %arg9[%rem3A_54, %run_scoped3A_137, %dma_start3A_174] : memref<2x8x128xi32, #tpu.memory_space<vmem>> -> memref<1x1x128xi32, #tpu.memory_space<vmem>>
        %dma_start3A_176 = tpu.memref_squeeze %dma_start3A_175 : memref<1x1x128xi32, #tpu.memory_space<vmem>> -> memref<128xi32, #tpu.memory_space<vmem>>
        %dma_start3A_177 = arith.constant 0 : i32
        %dma_start3A_178 = arith.constant 0 : i32
        %dma_start3A_179 = tpu.memref_slice %arg12[%dma_start3A_177, %dma_start3A_178] : memref<10240x128xf32, #tpu.memory_space<vmem_shared>> -> memref<10240x128xf32, #tpu.memory_space<vmem_shared>>
        tpu.enqueue_indirect_dma source(%arg11 : memref<128x128xf32, #tpu.memory_space<vmem>>) target(%dma_start3A_179 : memref<10240x128xf32, #tpu.memory_space<vmem_shared>>) offsets(%dma_start3A_176 : memref<128xi32, #tpu.memory_space<vmem>>) semaphore(%run_scoped3A_173 : memref<!tpu.dma_semaphore, #tpu.memory_space<semaphore_mem>>) {add = true}
        %dma_wait3A_180 = arith.constant 0 : i32
        %dma_wait3A_181 = tpu.memref_slice %arg9[%rem3A_54, %run_scoped3A_137, %dma_wait3A_180] : memref<2x8x128xi32, #tpu.memory_space<vmem>> -> memref<1x1x128xi32, #tpu.memory_space<vmem>>
        %dma_wait3A_182 = tpu.memref_squeeze %dma_wait3A_181 : memref<1x1x128xi32, #tpu.memory_space<vmem>> -> memref<128xi32, #tpu.memory_space<vmem>>
        %dma_wait3A_183 = arith.constant 0 : i32
        %dma_wait3A_184 = arith.constant 0 : i32
        %dma_wait3A_185 = tpu.memref_slice %arg12[%dma_wait3A_183, %dma_wait3A_184] : memref<10240x128xf32, #tpu.memory_space<vmem_shared>> -> memref<10240x128xf32, #tpu.memory_space<vmem_shared>>
        tpu.wait_indirect_dma semaphore(%run_scoped3A_173 : memref<!tpu.dma_semaphore, #tpu.memory_space<semaphore_mem>>) src(%arg11 : memref<128x128xf32, #tpu.memory_space<vmem>>) dst(%dma_wait3A_185 : memref<10240x128xf32, #tpu.memory_space<vmem_shared>>)
        tpu.yield
      }) : () -> ()
      %dma_start3A_138 = arith.constant 7 : i32
      %dma_start3A_139 = arith.constant 0 : i32
      %dma_start3A_140 = tpu.memref_slice %arg8[%rem3A_54, %dma_start3A_138, %dma_start3A_139] : memref<2x8x128xi32, #tpu.memory_space<vmem>> -> memref<1x1x128xi32, #tpu.memory_space<vmem>>
      %dma_start3A_141 = tpu.memref_squeeze %dma_start3A_140 : memref<1x1x128xi32, #tpu.memory_space<vmem>> -> memref<128xi32, #tpu.memory_space<vmem>>
      %dma_start3A_142 = arith.constant 0 : i32
      %dma_start3A_143 = arith.constant 0 : i32
      %dma_start3A_144 = tpu.memref_slice %arg2[%dma_start3A_142, %dma_start3A_143] : memref<10000x128xf32, #tpu.memory_space<hbm>> -> memref<10000x128xf32, #tpu.memory_space<hbm>>
      tpu.enqueue_indirect_dma source(%dma_start3A_144 : memref<10000x128xf32, #tpu.memory_space<hbm>>) target(%arg11 : memref<128x128xf32, #tpu.memory_space<vmem>>) offsets(%dma_start3A_141 : memref<128xi32, #tpu.memory_space<vmem>>) semaphore(%arg14 : memref<!tpu.dma_semaphore, #tpu.memory_space<semaphore_mem>>)
      %dma_wait3A_145 = arith.constant 6 : i32
      %dma_wait3A_146 = arith.constant 0 : i32
      %dma_wait3A_147 = tpu.memref_slice %arg8[%rem3A_54, %dma_wait3A_145, %dma_wait3A_146] : memref<2x8x128xi32, #tpu.memory_space<vmem>> -> memref<1x1x128xi32, #tpu.memory_space<vmem>>
      %dma_wait3A_148 = tpu.memref_squeeze %dma_wait3A_147 : memref<1x1x128xi32, #tpu.memory_space<vmem>> -> memref<128xi32, #tpu.memory_space<vmem>>
      %dma_wait3A_149 = arith.constant 0 : i32
      %dma_wait3A_150 = arith.constant 0 : i32
      %dma_wait3A_151 = tpu.memref_slice %arg2[%dma_wait3A_149, %dma_wait3A_150] : memref<10000x128xf32, #tpu.memory_space<hbm>> -> memref<10000x128xf32, #tpu.memory_space<hbm>>
      tpu.wait_indirect_dma semaphore(%arg13 : memref<!tpu.dma_semaphore, #tpu.memory_space<semaphore_mem>>) src(%dma_wait3A_151 : memref<10000x128xf32, #tpu.memory_space<hbm>>) dst(%arg10 : memref<128x128xf32, #tpu.memory_space<vmem>>)
      %run_scoped3A_152 = arith.constant 6 : i32
      "tpu.region"() ({
        %run_scoped3A_173 = tpu.sem_alloc : memref<!tpu.dma_semaphore, #tpu.memory_space<semaphore_mem>>
        %dma_start3A_174 = arith.constant 0 : i32
        %dma_start3A_175 = tpu.memref_slice %arg9[%rem3A_54, %run_scoped3A_152, %dma_start3A_174] : memref<2x8x128xi32, #tpu.memory_space<vmem>> -> memref<1x1x128xi32, #tpu.memory_space<vmem>>
        %dma_start3A_176 = tpu.memref_squeeze %dma_start3A_175 : memref<1x1x128xi32, #tpu.memory_space<vmem>> -> memref<128xi32, #tpu.memory_space<vmem>>
        %dma_start3A_177 = arith.constant 0 : i32
        %dma_start3A_178 = arith.constant 0 : i32
        %dma_start3A_179 = tpu.memref_slice %arg12[%dma_start3A_177, %dma_start3A_178] : memref<10240x128xf32, #tpu.memory_space<vmem_shared>> -> memref<10240x128xf32, #tpu.memory_space<vmem_shared>>
        tpu.enqueue_indirect_dma source(%arg10 : memref<128x128xf32, #tpu.memory_space<vmem>>) target(%dma_start3A_179 : memref<10240x128xf32, #tpu.memory_space<vmem_shared>>) offsets(%dma_start3A_176 : memref<128xi32, #tpu.memory_space<vmem>>) semaphore(%run_scoped3A_173 : memref<!tpu.dma_semaphore, #tpu.memory_space<semaphore_mem>>) {add = true}
        %dma_wait3A_180 = arith.constant 0 : i32
        %dma_wait3A_181 = tpu.memref_slice %arg9[%rem3A_54, %run_scoped3A_152, %dma_wait3A_180] : memref<2x8x128xi32, #tpu.memory_space<vmem>> -> memref<1x1x128xi32, #tpu.memory_space<vmem>>
        %dma_wait3A_182 = tpu.memref_squeeze %dma_wait3A_181 : memref<1x1x128xi32, #tpu.memory_space<vmem>> -> memref<128xi32, #tpu.memory_space<vmem>>
        %dma_wait3A_183 = arith.constant 0 : i32
        %dma_wait3A_184 = arith.constant 0 : i32
        %dma_wait3A_185 = tpu.memref_slice %arg12[%dma_wait3A_183, %dma_wait3A_184] : memref<10240x128xf32, #tpu.memory_space<vmem_shared>> -> memref<10240x128xf32, #tpu.memory_space<vmem_shared>>
        tpu.wait_indirect_dma semaphore(%run_scoped3A_173 : memref<!tpu.dma_semaphore, #tpu.memory_space<semaphore_mem>>) src(%arg10 : memref<128x128xf32, #tpu.memory_space<vmem>>) dst(%dma_wait3A_185 : memref<10240x128xf32, #tpu.memory_space<vmem_shared>>)
        tpu.yield
      }) : () -> ()
      %lt3A = arith.constant 9 : i32
      %lt3A_153 = arith.cmpi slt, %scan3A_53, %lt3A : i32
      %convert_element_type3A = arith.extui %lt3A_153 : i1 to i32
      %cond3A = arith.constant 0 : i32
      %cond3A_154 = arith.cmpi ne, %convert_element_type3A, %cond3A : i32
      scf.if %cond3A_154 {
        %dma_start3A_173 = arith.constant 0 : i32
        %dma_start3A_174 = arith.constant 0 : i32
        %dma_start3A_175 = tpu.memref_slice %arg8[%sub3A_55, %dma_start3A_173, %dma_start3A_174] : memref<2x8x128xi32, #tpu.memory_space<vmem>> -> memref<1x1x128xi32, #tpu.memory_space<vmem>>
        %dma_start3A_176 = tpu.memref_squeeze %dma_start3A_175 : memref<1x1x128xi32, #tpu.memory_space<vmem>> -> memref<128xi32, #tpu.memory_space<vmem>>
        %dma_start3A_177 = arith.constant 0 : i32
        %dma_start3A_178 = arith.constant 0 : i32
        %dma_start3A_179 = tpu.memref_slice %arg2[%dma_start3A_177, %dma_start3A_178] : memref<10000x128xf32, #tpu.memory_space<hbm>> -> memref<10000x128xf32, #tpu.memory_space<hbm>>
        tpu.enqueue_indirect_dma source(%dma_start3A_179 : memref<10000x128xf32, #tpu.memory_space<hbm>>) target(%arg10 : memref<128x128xf32, #tpu.memory_space<vmem>>) offsets(%dma_start3A_176 : memref<128xi32, #tpu.memory_space<vmem>>) semaphore(%arg13 : memref<!tpu.dma_semaphore, #tpu.memory_space<semaphore_mem>>)
      } else {
      }
      %dma_wait3A_155 = arith.constant 7 : i32
      %dma_wait3A_156 = arith.constant 0 : i32
      %dma_wait3A_157 = tpu.memref_slice %arg8[%rem3A_54, %dma_wait3A_155, %dma_wait3A_156] : memref<2x8x128xi32, #tpu.memory_space<vmem>> -> memref<1x1x128xi32, #tpu.memory_space<vmem>>
      %dma_wait3A_158 = tpu.memref_squeeze %dma_wait3A_157 : memref<1x1x128xi32, #tpu.memory_space<vmem>> -> memref<128xi32, #tpu.memory_space<vmem>>
      %dma_wait3A_159 = arith.constant 0 : i32
      %dma_wait3A_160 = arith.constant 0 : i32
      %dma_wait3A_161 = tpu.memref_slice %arg2[%dma_wait3A_159, %dma_wait3A_160] : memref<10000x128xf32, #tpu.memory_space<hbm>> -> memref<10000x128xf32, #tpu.memory_space<hbm>>
      tpu.wait_indirect_dma semaphore(%arg14 : memref<!tpu.dma_semaphore, #tpu.memory_space<semaphore_mem>>) src(%dma_wait3A_161 : memref<10000x128xf32, #tpu.memory_space<hbm>>) dst(%arg11 : memref<128x128xf32, #tpu.memory_space<vmem>>)
      %run_scoped3A_162 = arith.constant 7 : i32
      "tpu.region"() ({
        %run_scoped3A_173 = tpu.sem_alloc : memref<!tpu.dma_semaphore, #tpu.memory_space<semaphore_mem>>
        %dma_start3A_174 = arith.constant 0 : i32
        %dma_start3A_175 = tpu.memref_slice %arg9[%rem3A_54, %run_scoped3A_162, %dma_start3A_174] : memref<2x8x128xi32, #tpu.memory_space<vmem>> -> memref<1x1x128xi32, #tpu.memory_space<vmem>>
        %dma_start3A_176 = tpu.memref_squeeze %dma_start3A_175 : memref<1x1x128xi32, #tpu.memory_space<vmem>> -> memref<128xi32, #tpu.memory_space<vmem>>
        %dma_start3A_177 = arith.constant 0 : i32
        %dma_start3A_178 = arith.constant 0 : i32
        %dma_start3A_179 = tpu.memref_slice %arg12[%dma_start3A_177, %dma_start3A_178] : memref<10240x128xf32, #tpu.memory_space<vmem_shared>> -> memref<10240x128xf32, #tpu.memory_space<vmem_shared>>
        tpu.enqueue_indirect_dma source(%arg11 : memref<128x128xf32, #tpu.memory_space<vmem>>) target(%dma_start3A_179 : memref<10240x128xf32, #tpu.memory_space<vmem_shared>>) offsets(%dma_start3A_176 : memref<128xi32, #tpu.memory_space<vmem>>) semaphore(%run_scoped3A_173 : memref<!tpu.dma_semaphore, #tpu.memory_space<semaphore_mem>>) {add = true}
        %dma_wait3A_180 = arith.constant 0 : i32
        %dma_wait3A_181 = tpu.memref_slice %arg9[%rem3A_54, %run_scoped3A_162, %dma_wait3A_180] : memref<2x8x128xi32, #tpu.memory_space<vmem>> -> memref<1x1x128xi32, #tpu.memory_space<vmem>>
        %dma_wait3A_182 = tpu.memref_squeeze %dma_wait3A_181 : memref<1x1x128xi32, #tpu.memory_space<vmem>> -> memref<128xi32, #tpu.memory_space<vmem>>
        %dma_wait3A_183 = arith.constant 0 : i32
        %dma_wait3A_184 = arith.constant 0 : i32
        %dma_wait3A_185 = tpu.memref_slice %arg12[%dma_wait3A_183, %dma_wait3A_184] : memref<10240x128xf32, #tpu.memory_space<vmem_shared>> -> memref<10240x128xf32, #tpu.memory_space<vmem_shared>>
        tpu.wait_indirect_dma semaphore(%run_scoped3A_173 : memref<!tpu.dma_semaphore, #tpu.memory_space<semaphore_mem>>) src(%arg11 : memref<128x128xf32, #tpu.memory_space<vmem>>) dst(%dma_wait3A_185 : memref<10240x128xf32, #tpu.memory_space<vmem_shared>>)
        tpu.yield
      }) : () -> ()
      %lt3A_163 = arith.constant 9 : i32
      %lt3A_164 = arith.cmpi slt, %scan3A_53, %lt3A_163 : i32
      %convert_element_type3A_165 = arith.extui %lt3A_164 : i1 to i32
      %cond3A_166 = arith.constant 0 : i32
      %cond3A_167 = arith.cmpi ne, %convert_element_type3A_165, %cond3A_166 : i32
      scf.if %cond3A_167 {
        %dma_start3A_173 = arith.constant 1 : i32
        %dma_start3A_174 = arith.constant 0 : i32
        %dma_start3A_175 = tpu.memref_slice %arg8[%sub3A_55, %dma_start3A_173, %dma_start3A_174] : memref<2x8x128xi32, #tpu.memory_space<vmem>> -> memref<1x1x128xi32, #tpu.memory_space<vmem>>
        %dma_start3A_176 = tpu.memref_squeeze %dma_start3A_175 : memref<1x1x128xi32, #tpu.memory_space<vmem>> -> memref<128xi32, #tpu.memory_space<vmem>>
        %dma_start3A_177 = arith.constant 0 : i32
        %dma_start3A_178 = arith.constant 0 : i32
        %dma_start3A_179 = tpu.memref_slice %arg2[%dma_start3A_177, %dma_start3A_178] : memref<10000x128xf32, #tpu.memory_space<hbm>> -> memref<10000x128xf32, #tpu.memory_space<hbm>>
        tpu.enqueue_indirect_dma source(%dma_start3A_179 : memref<10000x128xf32, #tpu.memory_space<hbm>>) target(%arg11 : memref<128x128xf32, #tpu.memory_space<vmem>>) offsets(%dma_start3A_176 : memref<128xi32, #tpu.memory_space<vmem>>) semaphore(%arg14 : memref<!tpu.dma_semaphore, #tpu.memory_space<semaphore_mem>>)
      } else {
      }
      %lt3A_168 = arith.constant 8 : i32
      %lt3A_169 = arith.cmpi slt, %scan3A_53, %lt3A_168 : i32
      %convert_element_type3A_170 = arith.extui %lt3A_169 : i1 to i32
      %cond3A_171 = arith.constant 0 : i32
      %cond3A_172 = arith.cmpi ne, %convert_element_type3A_170, %cond3A_171 : i32
      scf.if %cond3A_172 {
        %add3A_173 = arith.constant 2 : i32
        %add3A_174 = arith.addi %scan3A_53, %add3A_173 : i32
        "tpu.region"() ({
          %run_scoped3A_177 = tpu.sem_alloc : memref<!tpu.dma_semaphore, #tpu.memory_space<semaphore_mem>>
          %dma_start3A_178 = arith.constant 0 : i32
          %dma_start3A_179 = arith.constant 0 : i32
          %dma_start3A_180 = tpu.memref_slice %arg8[%rem3A_54, %dma_start3A_178, %dma_start3A_179] : memref<2x8x128xi32, #tpu.memory_space<vmem>> -> memref<1x8x128xi32, #tpu.memory_space<vmem>>
          %dma_start3A_181 = tpu.memref_squeeze %dma_start3A_180 : memref<1x8x128xi32, #tpu.memory_space<vmem>> -> memref<8x128xi32, #tpu.memory_space<vmem>>
          %dma_start3A_182 = arith.constant 0 : i32
          %dma_start3A_183 = arith.constant 0 : i32
          %dma_start3A_184 = tpu.memref_slice %arg4[%add3A, %add3A_174, %dma_start3A_182, %dma_start3A_183] : memref<32x10x8x128xi32, #tpu.memory_space<hbm>> -> memref<1x1x8x128xi32, #tpu.memory_space<hbm>>
          %dma_start3A_185 = tpu.memref_squeeze %dma_start3A_184 : memref<1x1x8x128xi32, #tpu.memory_space<hbm>> -> memref<8x128xi32, #tpu.memory_space<hbm>>
          %dma_start3A_186 = arith.constant 0 : i32
          %dma_start3A_187 = arith.constant 0 : i32
          %dma_start3A_188 = tpu.memref_slice %arg8[%rem3A_54, %dma_start3A_186, %dma_start3A_187] : memref<2x8x128xi32, #tpu.memory_space<vmem>> -> memref<1x8x128xi32, #tpu.memory_space<vmem>>
          %dma_start3A_189 = tpu.memref_squeeze %dma_start3A_188 : memref<1x8x128xi32, #tpu.memory_space<vmem>> -> memref<8x128xi32, #tpu.memory_space<vmem>>
          %dma_start3A_190 = arith.constant 0 : i32
          %dma_start3A_191 = arith.constant 0 : i32
          %dma_start3A_192 = tpu.memref_slice %arg4[%add3A, %add3A_174, %dma_start3A_190, %dma_start3A_191] : memref<32x10x8x128xi32, #tpu.memory_space<hbm>> -> memref<1x1x8x128xi32, #tpu.memory_space<hbm>>
          %dma_start3A_193 = tpu.memref_squeeze %dma_start3A_192 : memref<1x1x8x128xi32, #tpu.memory_space<hbm>> -> memref<8x128xi32, #tpu.memory_space<hbm>>
          tpu.enqueue_dma source(%dma_start3A_193 : memref<8x128xi32, #tpu.memory_space<hbm>>) target(%dma_start3A_189 : memref<8x128xi32, #tpu.memory_space<vmem>>) target_semaphore(%run_scoped3A_177 : memref<!tpu.dma_semaphore, #tpu.memory_space<semaphore_mem>>)
          %dma_wait3A_194 = arith.constant 0 : i32
          %dma_wait3A_195 = arith.constant 0 : i32
          %dma_wait3A_196 = tpu.memref_slice %arg8[%rem3A_54, %dma_wait3A_194, %dma_wait3A_195] : memref<2x8x128xi32, #tpu.memory_space<vmem>> -> memref<1x8x128xi32, #tpu.memory_space<vmem>>
          %dma_wait3A_197 = tpu.memref_squeeze %dma_wait3A_196 : memref<1x8x128xi32, #tpu.memory_space<vmem>> -> memref<8x128xi32, #tpu.memory_space<vmem>>
          %dma_wait3A_198 = arith.constant 0 : i32
          %dma_wait3A_199 = arith.constant 0 : i32
          %dma_wait3A_200 = tpu.memref_slice %arg4[%add3A, %add3A_174, %dma_wait3A_198, %dma_wait3A_199] : memref<32x10x8x128xi32, #tpu.memory_space<hbm>> -> memref<1x1x8x128xi32, #tpu.memory_space<hbm>>
          %dma_wait3A_201 = tpu.memref_squeeze %dma_wait3A_200 : memref<1x1x8x128xi32, #tpu.memory_space<hbm>> -> memref<8x128xi32, #tpu.memory_space<hbm>>
          %dma_wait3A_202 = arith.constant 0 : i32
          %dma_wait3A_203 = arith.constant 0 : i32
          %dma_wait3A_204 = tpu.memref_slice %arg8[%rem3A_54, %dma_wait3A_202, %dma_wait3A_203] : memref<2x8x128xi32, #tpu.memory_space<vmem>> -> memref<1x8x128xi32, #tpu.memory_space<vmem>>
          %dma_wait3A_205 = tpu.memref_squeeze %dma_wait3A_204 : memref<1x8x128xi32, #tpu.memory_space<vmem>> -> memref<8x128xi32, #tpu.memory_space<vmem>>
          %dma_wait3A_206 = arith.constant 0 : i32
          %dma_wait3A_207 = arith.constant 0 : i32
          %dma_wait3A_208 = tpu.memref_slice %arg4[%add3A, %add3A_174, %dma_wait3A_206, %dma_wait3A_207] : memref<32x10x8x128xi32, #tpu.memory_space<hbm>> -> memref<1x1x8x128xi32, #tpu.memory_space<hbm>>
          %dma_wait3A_209 = tpu.memref_squeeze %dma_wait3A_208 : memref<1x1x8x128xi32, #tpu.memory_space<hbm>> -> memref<8x128xi32, #tpu.memory_space<hbm>>
          tpu.wait_dma2 semaphore(%run_scoped3A_177 : memref<!tpu.dma_semaphore, #tpu.memory_space<semaphore_mem>>) src(%dma_wait3A_209 : memref<8x128xi32, #tpu.memory_space<hbm>>) dst(%dma_wait3A_205 : memref<8x128xi32, #tpu.memory_space<vmem>>)
          tpu.yield
        }) : () -> ()
        %add3A_175 = arith.constant 2 : i32
        %add3A_176 = arith.addi %scan3A_53, %add3A_175 : i32
        "tpu.region"() ({
          %run_scoped3A_177 = tpu.sem_alloc : memref<!tpu.dma_semaphore, #tpu.memory_space<semaphore_mem>>
          %dma_start3A_178 = arith.constant 0 : i32
          %dma_start3A_179 = arith.constant 0 : i32
          %dma_start3A_180 = tpu.memref_slice %arg9[%rem3A_54, %dma_start3A_178, %dma_start3A_179] : memref<2x8x128xi32, #tpu.memory_space<vmem>> -> memref<1x8x128xi32, #tpu.memory_space<vmem>>
          %dma_start3A_181 = tpu.memref_squeeze %dma_start3A_180 : memref<1x8x128xi32, #tpu.memory_space<vmem>> -> memref<8x128xi32, #tpu.memory_space<vmem>>
          %dma_start3A_182 = arith.constant 0 : i32
          %dma_start3A_183 = arith.constant 0 : i32
          %dma_start3A_184 = tpu.memref_slice %arg5[%add3A, %add3A_176, %dma_start3A_182, %dma_start3A_183] : memref<32x10x8x128xi32, #tpu.memory_space<hbm>> -> memref<1x1x8x128xi32, #tpu.memory_space<hbm>>
          %dma_start3A_185 = tpu.memref_squeeze %dma_start3A_184 : memref<1x1x8x128xi32, #tpu.memory_space<hbm>> -> memref<8x128xi32, #tpu.memory_space<hbm>>
          %dma_start3A_186 = arith.constant 0 : i32
          %dma_start3A_187 = arith.constant 0 : i32
          %dma_start3A_188 = tpu.memref_slice %arg9[%rem3A_54, %dma_start3A_186, %dma_start3A_187] : memref<2x8x128xi32, #tpu.memory_space<vmem>> -> memref<1x8x128xi32, #tpu.memory_space<vmem>>
          %dma_start3A_189 = tpu.memref_squeeze %dma_start3A_188 : memref<1x8x128xi32, #tpu.memory_space<vmem>> -> memref<8x128xi32, #tpu.memory_space<vmem>>
          %dma_start3A_190 = arith.constant 0 : i32
          %dma_start3A_191 = arith.constant 0 : i32
          %dma_start3A_192 = tpu.memref_slice %arg5[%add3A, %add3A_176, %dma_start3A_190, %dma_start3A_191] : memref<32x10x8x128xi32, #tpu.memory_space<hbm>> -> memref<1x1x8x128xi32, #tpu.memory_space<hbm>>
          %dma_start3A_193 = tpu.memref_squeeze %dma_start3A_192 : memref<1x1x8x128xi32, #tpu.memory_space<hbm>> -> memref<8x128xi32, #tpu.memory_space<hbm>>
          tpu.enqueue_dma source(%dma_start3A_193 : memref<8x128xi32, #tpu.memory_space<hbm>>) target(%dma_start3A_189 : memref<8x128xi32, #tpu.memory_space<vmem>>) target_semaphore(%run_scoped3A_177 : memref<!tpu.dma_semaphore, #tpu.memory_space<semaphore_mem>>)
          %dma_wait3A_194 = arith.constant 0 : i32
          %dma_wait3A_195 = arith.constant 0 : i32
          %dma_wait3A_196 = tpu.memref_slice %arg9[%rem3A_54, %dma_wait3A_194, %dma_wait3A_195] : memref<2x8x128xi32, #tpu.memory_space<vmem>> -> memref<1x8x128xi32, #tpu.memory_space<vmem>>
          %dma_wait3A_197 = tpu.memref_squeeze %dma_wait3A_196 : memref<1x8x128xi32, #tpu.memory_space<vmem>> -> memref<8x128xi32, #tpu.memory_space<vmem>>
          %dma_wait3A_198 = arith.constant 0 : i32
          %dma_wait3A_199 = arith.constant 0 : i32
          %dma_wait3A_200 = tpu.memref_slice %arg5[%add3A, %add3A_176, %dma_wait3A_198, %dma_wait3A_199] : memref<32x10x8x128xi32, #tpu.memory_space<hbm>> -> memref<1x1x8x128xi32, #tpu.memory_space<hbm>>
          %dma_wait3A_201 = tpu.memref_squeeze %dma_wait3A_200 : memref<1x1x8x128xi32, #tpu.memory_space<hbm>> -> memref<8x128xi32, #tpu.memory_space<hbm>>
          %dma_wait3A_202 = arith.constant 0 : i32
          %dma_wait3A_203 = arith.constant 0 : i32
          %dma_wait3A_204 = tpu.memref_slice %arg9[%rem3A_54, %dma_wait3A_202, %dma_wait3A_203] : memref<2x8x128xi32, #tpu.memory_space<vmem>> -> memref<1x8x128xi32, #tpu.memory_space<vmem>>
          %dma_wait3A_205 = tpu.memref_squeeze %dma_wait3A_204 : memref<1x8x128xi32, #tpu.memory_space<vmem>> -> memref<8x128xi32, #tpu.memory_space<vmem>>
          %dma_wait3A_206 = arith.constant 0 : i32
          %dma_wait3A_207 = arith.constant 0 : i32
          %dma_wait3A_208 = tpu.memref_slice %arg5[%add3A, %add3A_176, %dma_wait3A_206, %dma_wait3A_207] : memref<32x10x8x128xi32, #tpu.memory_space<hbm>> -> memref<1x1x8x128xi32, #tpu.memory_space<hbm>>
          %dma_wait3A_209 = tpu.memref_squeeze %dma_wait3A_208 : memref<1x1x8x128xi32, #tpu.memory_space<hbm>> -> memref<8x128xi32, #tpu.memory_space<hbm>>
          tpu.wait_dma2 semaphore(%run_scoped3A_177 : memref<!tpu.dma_semaphore, #tpu.memory_space<semaphore_mem>>) src(%dma_wait3A_209 : memref<8x128xi32, #tpu.memory_space<hbm>>) dst(%dma_wait3A_205 : memref<8x128xi32, #tpu.memory_space<vmem>>)
          tpu.yield
        }) : () -> ()
      } else {
      }
    }
    %scan3A_47 = arith.constant 10 : i32
    %barrier3A_48 = arith.constant 0 : index
    tpu.barrier barrier_id(%barrier3A_48)
    %mul3A_49 = arith.constant 640 : i32
    %mul3A_50 = arith.muli %arg1, %mul3A_49 : i32
    %mul3A_51 = arith.constant 640 : i32
    %mul3A_52 = arith.muli %arg1, %mul3A_51 : i32
    "tpu.region"() ({
      %run_scoped3A_53 = tpu.sem_alloc : memref<!tpu.dma_semaphore, #tpu.memory_space<semaphore_mem>>
      %dma_start3A_54 = arith.constant 0 : i32
      %dma_start3A_55 = tpu.memref_slice %arg7[%arg0, %mul3A_52, %dma_start3A_54] : memref<2x10240x128xf32, #tpu.memory_space<hbm>> -> memref<1x640x128xf32, #tpu.memory_space<hbm>>
      %dma_start3A_56 = tpu.memref_squeeze %dma_start3A_55 : memref<1x640x128xf32, #tpu.memory_space<hbm>> -> memref<640x128xf32, #tpu.memory_space<hbm>>
      %dma_start3A_57 = arith.constant 0 : i32
      %dma_start3A_58 = tpu.memref_slice %arg12[%mul3A_50, %dma_start3A_57] : memref<10240x128xf32, #tpu.memory_space<vmem_shared>> -> memref<640x128xf32, #tpu.memory_space<vmem_shared>>
      tpu.enqueue_dma source(%dma_start3A_58 : memref<640x128xf32, #tpu.memory_space<vmem_shared>>) target(%dma_start3A_56 : memref<640x128xf32, #tpu.memory_space<hbm>>) target_semaphore(%run_scoped3A_53 : memref<!tpu.dma_semaphore, #tpu.memory_space<semaphore_mem>>)
      %dma_wait3A = arith.constant 0 : i32
      %dma_wait3A_59 = tpu.memref_slice %arg7[%arg0, %mul3A_52, %dma_wait3A] : memref<2x10240x128xf32, #tpu.memory_space<hbm>> -> memref<1x640x128xf32, #tpu.memory_space<hbm>>
      %dma_wait3A_60 = tpu.memref_squeeze %dma_wait3A_59 : memref<1x640x128xf32, #tpu.memory_space<hbm>> -> memref<640x128xf32, #tpu.memory_space<hbm>>
      %dma_wait3A_61 = arith.constant 0 : i32
      %dma_wait3A_62 = tpu.memref_slice %arg12[%mul3A_50, %dma_wait3A_61] : memref<10240x128xf32, #tpu.memory_space<vmem_shared>> -> memref<640x128xf32, #tpu.memory_space<vmem_shared>>
      tpu.wait_dma2 semaphore(%run_scoped3A_53 : memref<!tpu.dma_semaphore, #tpu.memory_space<semaphore_mem>>) src(%dma_wait3A_62 : memref<640x128xf32, #tpu.memory_space<vmem_shared>>) dst(%dma_wait3A_60 : memref<640x128xf32, #tpu.memory_space<hbm>>)
      tpu.yield
    }) : () -> ()
    return
  }
}

#map = affine_map<(d0, d1) -> (0, 0, 0)>
#map1 = affine_map<(d0, d1) -> (0, 0)>
module attributes {stable_mosaic.version = 14 : i64} {
  func.func @degk(%arg0: i32, %arg1: i32, %arg2: memref<32x80x128xi32, #tpu.memory_space<hbm>>, %arg3: memref<128x128xf32, #tpu.memory_space<hbm>>, %arg4: memref<128x128xf32, #tpu.memory_space<hbm>>, %arg5: memref<2x10240x128xf32, #tpu.memory_space<hbm>>, %arg6: memref<80x128xi32, #tpu.memory_space<vmem>>, %arg7: memref<128x128xf32, #tpu.memory_space<vmem>>, %arg8: memref<10240x128xf32, #tpu.memory_space<vmem_shared>>) attributes {dimension_semantics = [#tpu.dimension_semantics<core_parallel>, #tpu.dimension_semantics<subcore_parallel>], iteration_bounds = array<i64: 2, 16>, scalar_prefetch = 0 : i64, scratch_operands = 3 : i64, tpu.core_type = #tpu.core_type<sc_vector_subcore>, window_params = [{transform_indices = #map}, {transform_indices = #map1}, {transform_indices = #map1}, {transform_indices = #map}]} {
    %mul3A = arith.constant 16 : i32
    %mul3A_0 = arith.muli %arg0, %mul3A : i32
    %add3A = arith.addi %mul3A_0, %arg1 : i32
    "tpu.region"() ({
      %run_scoped3A = tpu.sem_alloc : memref<!tpu.dma_semaphore, #tpu.memory_space<semaphore_mem>>
      %dma_start3A = arith.constant 0 : i32
      %dma_start3A_31 = arith.constant 0 : i32
      %dma_start3A_32 = tpu.memref_slice %arg2[%add3A, %dma_start3A, %dma_start3A_31] : memref<32x80x128xi32, #tpu.memory_space<hbm>> -> memref<1x80x128xi32, #tpu.memory_space<hbm>>
      %dma_start3A_33 = tpu.memref_squeeze %dma_start3A_32 : memref<1x80x128xi32, #tpu.memory_space<hbm>> -> memref<80x128xi32, #tpu.memory_space<hbm>>
      %dma_start3A_34 = arith.constant 0 : i32
      %dma_start3A_35 = arith.constant 0 : i32
      %dma_start3A_36 = tpu.memref_slice %arg2[%add3A, %dma_start3A_34, %dma_start3A_35] : memref<32x80x128xi32, #tpu.memory_space<hbm>> -> memref<1x80x128xi32, #tpu.memory_space<hbm>>
      %dma_start3A_37 = tpu.memref_squeeze %dma_start3A_36 : memref<1x80x128xi32, #tpu.memory_space<hbm>> -> memref<80x128xi32, #tpu.memory_space<hbm>>
      tpu.enqueue_dma source(%dma_start3A_37 : memref<80x128xi32, #tpu.memory_space<hbm>>) target(%arg6 : memref<80x128xi32, #tpu.memory_space<vmem>>) target_semaphore(%run_scoped3A : memref<!tpu.dma_semaphore, #tpu.memory_space<semaphore_mem>>)
      %dma_wait3A = arith.constant 0 : i32
      %dma_wait3A_38 = arith.constant 0 : i32
      %dma_wait3A_39 = tpu.memref_slice %arg2[%add3A, %dma_wait3A, %dma_wait3A_38] : memref<32x80x128xi32, #tpu.memory_space<hbm>> -> memref<1x80x128xi32, #tpu.memory_space<hbm>>
      %dma_wait3A_40 = tpu.memref_squeeze %dma_wait3A_39 : memref<1x80x128xi32, #tpu.memory_space<hbm>> -> memref<80x128xi32, #tpu.memory_space<hbm>>
      %dma_wait3A_41 = arith.constant 0 : i32
      %dma_wait3A_42 = arith.constant 0 : i32
      %dma_wait3A_43 = tpu.memref_slice %arg2[%add3A, %dma_wait3A_41, %dma_wait3A_42] : memref<32x80x128xi32, #tpu.memory_space<hbm>> -> memref<1x80x128xi32, #tpu.memory_space<hbm>>
      %dma_wait3A_44 = tpu.memref_squeeze %dma_wait3A_43 : memref<1x80x128xi32, #tpu.memory_space<hbm>> -> memref<80x128xi32, #tpu.memory_space<hbm>>
      tpu.wait_dma2 semaphore(%run_scoped3A : memref<!tpu.dma_semaphore, #tpu.memory_space<semaphore_mem>>) src(%dma_wait3A_44 : memref<80x128xi32, #tpu.memory_space<hbm>>) dst(%arg6 : memref<80x128xi32, #tpu.memory_space<vmem>>)
      tpu.yield
    }) : () -> ()
    "tpu.region"() ({
      %run_scoped3A = tpu.sem_alloc : memref<!tpu.dma_semaphore, #tpu.memory_space<semaphore_mem>>
      tpu.enqueue_dma source(%arg3 : memref<128x128xf32, #tpu.memory_space<hbm>>) target(%arg7 : memref<128x128xf32, #tpu.memory_space<vmem>>) target_semaphore(%run_scoped3A : memref<!tpu.dma_semaphore, #tpu.memory_space<semaphore_mem>>)
      tpu.wait_dma2 semaphore(%run_scoped3A : memref<!tpu.dma_semaphore, #tpu.memory_space<semaphore_mem>>) src(%arg3 : memref<128x128xf32, #tpu.memory_space<hbm>>) dst(%arg7 : memref<128x128xf32, #tpu.memory_space<vmem>>)
      tpu.yield
    }) : () -> ()
    %mul3A_1 = arith.constant 640 : i32
    %mul3A_2 = arith.muli %arg1, %mul3A_1 : i32
    %add3A_3 = arith.constant 0 : i32
    %add3A_4 = arith.addi %mul3A_2, %add3A_3 : i32
    "tpu.region"() ({
      %run_scoped3A = tpu.sem_alloc : memref<!tpu.dma_semaphore, #tpu.memory_space<semaphore_mem>>
      %dma_start3A = arith.constant 0 : i32
      %dma_start3A_31 = tpu.memref_slice %arg8[%add3A_4, %dma_start3A] : memref<10240x128xf32, #tpu.memory_space<vmem_shared>> -> memref<128x128xf32, #tpu.memory_space<vmem_shared>>
      tpu.enqueue_dma source(%arg4 : memref<128x128xf32, #tpu.memory_space<hbm>>) target(%dma_start3A_31 : memref<128x128xf32, #tpu.memory_space<vmem_shared>>) target_semaphore(%run_scoped3A : memref<!tpu.dma_semaphore, #tpu.memory_space<semaphore_mem>>)
      %dma_wait3A = arith.constant 0 : i32
      %dma_wait3A_32 = tpu.memref_slice %arg8[%add3A_4, %dma_wait3A] : memref<10240x128xf32, #tpu.memory_space<vmem_shared>> -> memref<128x128xf32, #tpu.memory_space<vmem_shared>>
      tpu.wait_dma2 semaphore(%run_scoped3A : memref<!tpu.dma_semaphore, #tpu.memory_space<semaphore_mem>>) src(%arg4 : memref<128x128xf32, #tpu.memory_space<hbm>>) dst(%dma_wait3A_32 : memref<128x128xf32, #tpu.memory_space<vmem_shared>>)
      tpu.yield
    }) : () -> ()
    %mul3A_5 = arith.constant 640 : i32
    %mul3A_6 = arith.muli %arg1, %mul3A_5 : i32
    %add3A_7 = arith.constant 128 : i32
    %add3A_8 = arith.addi %mul3A_6, %add3A_7 : i32
    "tpu.region"() ({
      %run_scoped3A = tpu.sem_alloc : memref<!tpu.dma_semaphore, #tpu.memory_space<semaphore_mem>>
      %dma_start3A = arith.constant 0 : i32
      %dma_start3A_31 = tpu.memref_slice %arg8[%add3A_8, %dma_start3A] : memref<10240x128xf32, #tpu.memory_space<vmem_shared>> -> memref<128x128xf32, #tpu.memory_space<vmem_shared>>
      tpu.enqueue_dma source(%arg4 : memref<128x128xf32, #tpu.memory_space<hbm>>) target(%dma_start3A_31 : memref<128x128xf32, #tpu.memory_space<vmem_shared>>) target_semaphore(%run_scoped3A : memref<!tpu.dma_semaphore, #tpu.memory_space<semaphore_mem>>)
      %dma_wait3A = arith.constant 0 : i32
      %dma_wait3A_32 = tpu.memref_slice %arg8[%add3A_8, %dma_wait3A] : memref<10240x128xf32, #tpu.memory_space<vmem_shared>> -> memref<128x128xf32, #tpu.memory_space<vmem_shared>>
      tpu.wait_dma2 semaphore(%run_scoped3A : memref<!tpu.dma_semaphore, #tpu.memory_space<semaphore_mem>>) src(%arg4 : memref<128x128xf32, #tpu.memory_space<hbm>>) dst(%dma_wait3A_32 : memref<128x128xf32, #tpu.memory_space<vmem_shared>>)
      tpu.yield
    }) : () -> ()
    %mul3A_9 = arith.constant 640 : i32
    %mul3A_10 = arith.muli %arg1, %mul3A_9 : i32
    %add3A_11 = arith.constant 256 : i32
    %add3A_12 = arith.addi %mul3A_10, %add3A_11 : i32
    "tpu.region"() ({
      %run_scoped3A = tpu.sem_alloc : memref<!tpu.dma_semaphore, #tpu.memory_space<semaphore_mem>>
      %dma_start3A = arith.constant 0 : i32
      %dma_start3A_31 = tpu.memref_slice %arg8[%add3A_12, %dma_start3A] : memref<10240x128xf32, #tpu.memory_space<vmem_shared>> -> memref<128x128xf32, #tpu.memory_space<vmem_shared>>
      tpu.enqueue_dma source(%arg4 : memref<128x128xf32, #tpu.memory_space<hbm>>) target(%dma_start3A_31 : memref<128x128xf32, #tpu.memory_space<vmem_shared>>) target_semaphore(%run_scoped3A : memref<!tpu.dma_semaphore, #tpu.memory_space<semaphore_mem>>)
      %dma_wait3A = arith.constant 0 : i32
      %dma_wait3A_32 = tpu.memref_slice %arg8[%add3A_12, %dma_wait3A] : memref<10240x128xf32, #tpu.memory_space<vmem_shared>> -> memref<128x128xf32, #tpu.memory_space<vmem_shared>>
      tpu.wait_dma2 semaphore(%run_scoped3A : memref<!tpu.dma_semaphore, #tpu.memory_space<semaphore_mem>>) src(%arg4 : memref<128x128xf32, #tpu.memory_space<hbm>>) dst(%dma_wait3A_32 : memref<128x128xf32, #tpu.memory_space<vmem_shared>>)
      tpu.yield
    }) : () -> ()
    %mul3A_13 = arith.constant 640 : i32
    %mul3A_14 = arith.muli %arg1, %mul3A_13 : i32
    %add3A_15 = arith.constant 384 : i32
    %add3A_16 = arith.addi %mul3A_14, %add3A_15 : i32
    "tpu.region"() ({
      %run_scoped3A = tpu.sem_alloc : memref<!tpu.dma_semaphore, #tpu.memory_space<semaphore_mem>>
      %dma_start3A = arith.constant 0 : i32
      %dma_start3A_31 = tpu.memref_slice %arg8[%add3A_16, %dma_start3A] : memref<10240x128xf32, #tpu.memory_space<vmem_shared>> -> memref<128x128xf32, #tpu.memory_space<vmem_shared>>
      tpu.enqueue_dma source(%arg4 : memref<128x128xf32, #tpu.memory_space<hbm>>) target(%dma_start3A_31 : memref<128x128xf32, #tpu.memory_space<vmem_shared>>) target_semaphore(%run_scoped3A : memref<!tpu.dma_semaphore, #tpu.memory_space<semaphore_mem>>)
      %dma_wait3A = arith.constant 0 : i32
      %dma_wait3A_32 = tpu.memref_slice %arg8[%add3A_16, %dma_wait3A] : memref<10240x128xf32, #tpu.memory_space<vmem_shared>> -> memref<128x128xf32, #tpu.memory_space<vmem_shared>>
      tpu.wait_dma2 semaphore(%run_scoped3A : memref<!tpu.dma_semaphore, #tpu.memory_space<semaphore_mem>>) src(%arg4 : memref<128x128xf32, #tpu.memory_space<hbm>>) dst(%dma_wait3A_32 : memref<128x128xf32, #tpu.memory_space<vmem_shared>>)
      tpu.yield
    }) : () -> ()
    %mul3A_17 = arith.constant 640 : i32
    %mul3A_18 = arith.muli %arg1, %mul3A_17 : i32
    %add3A_19 = arith.constant 512 : i32
    %add3A_20 = arith.addi %mul3A_18, %add3A_19 : i32
    "tpu.region"() ({
      %run_scoped3A = tpu.sem_alloc : memref<!tpu.dma_semaphore, #tpu.memory_space<semaphore_mem>>
      %dma_start3A = arith.constant 0 : i32
      %dma_start3A_31 = tpu.memref_slice %arg8[%add3A_20, %dma_start3A] : memref<10240x128xf32, #tpu.memory_space<vmem_shared>> -> memref<128x128xf32, #tpu.memory_space<vmem_shared>>
      tpu.enqueue_dma source(%arg4 : memref<128x128xf32, #tpu.memory_space<hbm>>) target(%dma_start3A_31 : memref<128x128xf32, #tpu.memory_space<vmem_shared>>) target_semaphore(%run_scoped3A : memref<!tpu.dma_semaphore, #tpu.memory_space<semaphore_mem>>)
      %dma_wait3A = arith.constant 0 : i32
      %dma_wait3A_32 = tpu.memref_slice %arg8[%add3A_20, %dma_wait3A] : memref<10240x128xf32, #tpu.memory_space<vmem_shared>> -> memref<128x128xf32, #tpu.memory_space<vmem_shared>>
      tpu.wait_dma2 semaphore(%run_scoped3A : memref<!tpu.dma_semaphore, #tpu.memory_space<semaphore_mem>>) src(%arg4 : memref<128x128xf32, #tpu.memory_space<hbm>>) dst(%dma_wait3A_32 : memref<128x128xf32, #tpu.memory_space<vmem_shared>>)
      tpu.yield
    }) : () -> ()
    %barrier3A = arith.constant 0 : index
    tpu.barrier barrier_id(%barrier3A)
    %scan3A = arith.constant 0 : i32
    %scan3A_21 = arith.constant 0 : i32
    %scan3A_22 = arith.constant 80 : i32
    %scan3A_23 = arith.addi %scan3A_21, %scan3A_22 : i32
    %scan3A_24 = arith.constant 1 : i32
    scf.for %scan3A_31 = %scan3A_21 to %scan3A_23 step %scan3A_24  : i32 {
      "tpu.region"() ({
        %run_scoped3A = tpu.sem_alloc : memref<!tpu.dma_semaphore, #tpu.memory_space<semaphore_mem>>
        %dma_start3A = arith.constant 0 : i32
        %dma_start3A_32 = tpu.memref_slice %arg6[%scan3A_31, %dma_start3A] : memref<80x128xi32, #tpu.memory_space<vmem>> -> memref<1x128xi32, #tpu.memory_space<vmem>>
        %dma_start3A_33 = tpu.memref_squeeze %dma_start3A_32 : memref<1x128xi32, #tpu.memory_space<vmem>> -> memref<128xi32, #tpu.memory_space<vmem>>
        %dma_start3A_34 = arith.constant 0 : i32
        %dma_start3A_35 = arith.constant 0 : i32
        %dma_start3A_36 = tpu.memref_slice %arg8[%dma_start3A_34, %dma_start3A_35] : memref<10240x128xf32, #tpu.memory_space<vmem_shared>> -> memref<10240x128xf32, #tpu.memory_space<vmem_shared>>
        tpu.enqueue_indirect_dma source(%arg7 : memref<128x128xf32, #tpu.memory_space<vmem>>) target(%dma_start3A_36 : memref<10240x128xf32, #tpu.memory_space<vmem_shared>>) offsets(%dma_start3A_33 : memref<128xi32, #tpu.memory_space<vmem>>) semaphore(%run_scoped3A : memref<!tpu.dma_semaphore, #tpu.memory_space<semaphore_mem>>) {add = true}
        %dma_wait3A = arith.constant 0 : i32
        %dma_wait3A_37 = tpu.memref_slice %arg6[%scan3A_31, %dma_wait3A] : memref<80x128xi32, #tpu.memory_space<vmem>> -> memref<1x128xi32, #tpu.memory_space<vmem>>
        %dma_wait3A_38 = tpu.memref_squeeze %dma_wait3A_37 : memref<1x128xi32, #tpu.memory_space<vmem>> -> memref<128xi32, #tpu.memory_space<vmem>>
        %dma_wait3A_39 = arith.constant 0 : i32
        %dma_wait3A_40 = arith.constant 0 : i32
        %dma_wait3A_41 = tpu.memref_slice %arg8[%dma_wait3A_39, %dma_wait3A_40] : memref<10240x128xf32, #tpu.memory_space<vmem_shared>> -> memref<10240x128xf32, #tpu.memory_space<vmem_shared>>
        tpu.wait_indirect_dma semaphore(%run_scoped3A : memref<!tpu.dma_semaphore, #tpu.memory_space<semaphore_mem>>) src(%arg7 : memref<128x128xf32, #tpu.memory_space<vmem>>) dst(%dma_wait3A_41 : memref<10240x128xf32, #tpu.memory_space<vmem_shared>>)
        tpu.yield
      }) : () -> ()
    }
    %scan3A_25 = arith.constant 80 : i32
    %barrier3A_26 = arith.constant 0 : index
    tpu.barrier barrier_id(%barrier3A_26)
    %mul3A_27 = arith.constant 640 : i32
    %mul3A_28 = arith.muli %arg1, %mul3A_27 : i32
    %mul3A_29 = arith.constant 640 : i32
    %mul3A_30 = arith.muli %arg1, %mul3A_29 : i32
    "tpu.region"() ({
      %run_scoped3A = tpu.sem_alloc : memref<!tpu.dma_semaphore, #tpu.memory_space<semaphore_mem>>
      %dma_start3A = arith.constant 0 : i32
      %dma_start3A_31 = tpu.memref_slice %arg5[%arg0, %mul3A_30, %dma_start3A] : memref<2x10240x128xf32, #tpu.memory_space<hbm>> -> memref<1x640x128xf32, #tpu.memory_space<hbm>>
      %dma_start3A_32 = tpu.memref_squeeze %dma_start3A_31 : memref<1x640x128xf32, #tpu.memory_space<hbm>> -> memref<640x128xf32, #tpu.memory_space<hbm>>
      %dma_start3A_33 = arith.constant 0 : i32
      %dma_start3A_34 = tpu.memref_slice %arg8[%mul3A_28, %dma_start3A_33] : memref<10240x128xf32, #tpu.memory_space<vmem_shared>> -> memref<640x128xf32, #tpu.memory_space<vmem_shared>>
      tpu.enqueue_dma source(%dma_start3A_34 : memref<640x128xf32, #tpu.memory_space<vmem_shared>>) target(%dma_start3A_32 : memref<640x128xf32, #tpu.memory_space<hbm>>) target_semaphore(%run_scoped3A : memref<!tpu.dma_semaphore, #tpu.memory_space<semaphore_mem>>)
      %dma_wait3A = arith.constant 0 : i32
      %dma_wait3A_35 = tpu.memref_slice %arg5[%arg0, %mul3A_30, %dma_wait3A] : memref<2x10240x128xf32, #tpu.memory_space<hbm>> -> memref<1x640x128xf32, #tpu.memory_space<hbm>>
      %dma_wait3A_36 = tpu.memref_squeeze %dma_wait3A_35 : memref<1x640x128xf32, #tpu.memory_space<hbm>> -> memref<640x128xf32, #tpu.memory_space<hbm>>
      %dma_wait3A_37 = arith.constant 0 : i32
      %dma_wait3A_38 = tpu.memref_slice %arg8[%mul3A_28, %dma_wait3A_37] : memref<10240x128xf32, #tpu.memory_space<vmem_shared>> -> memref<640x128xf32, #tpu.memory_space<vmem_shared>>
      tpu.wait_dma2 semaphore(%run_scoped3A : memref<!tpu.dma_semaphore, #tpu.memory_space<semaphore_mem>>) src(%dma_wait3A_38 : memref<640x128xf32, #tpu.memory_space<vmem_shared>>) dst(%dma_wait3A_36 : memref<640x128xf32, #tpu.memory_space<hbm>>)
      tpu.yield
    }) : () -> ()
    return
  }
}

#map = affine_map<(d0, d1) -> (0, 0)>
#map1 = affine_map<(d0, d1) -> (0, 0, 0, 0)>
#map2 = affine_map<(d0, d1) -> (0, 0, 0)>
module attributes {stable_mosaic.version = 14 : i64} {
  func.func @sck(%arg0: i32, %arg1: i32, %arg2: memref<10000x128xf32, #tpu.memory_space<hbm>>, %arg3: memref<10000x128xf32, #tpu.memory_space<hbm>>, %arg4: memref<32x10x8x128xi32, #tpu.memory_space<hbm>>, %arg5: memref<32x10x8x128xi32, #tpu.memory_space<hbm>>, %arg6: memref<128x128xf32, #tpu.memory_space<hbm>>, %arg7: memref<2x10240x128xf32, #tpu.memory_space<hbm>>, %arg8: memref<2x8x128xi32, #tpu.memory_space<vmem>>, %arg9: memref<2x8x128xi32, #tpu.memory_space<vmem>>, %arg10: memref<128x128xf32, #tpu.memory_space<vmem>>, %arg11: memref<128x128xf32, #tpu.memory_space<vmem>>, %arg12: memref<10240x128xf32, #tpu.memory_space<vmem_shared>>, %arg13: memref<!tpu.dma_semaphore, #tpu.memory_space<semaphore_mem>>, %arg14: memref<!tpu.dma_semaphore, #tpu.memory_space<semaphore_mem>>) attributes {dimension_semantics = [#tpu.dimension_semantics<core_parallel>, #tpu.dimension_semantics<subcore_parallel>], iteration_bounds = array<i64: 2, 16>, scalar_prefetch = 0 : i64, scratch_operands = 7 : i64, tpu.core_type = #tpu.core_type<sc_vector_subcore>, window_params = [{transform_indices = #map}, {transform_indices = #map}, {transform_indices = #map1}, {transform_indices = #map1}, {transform_indices = #map}, {transform_indices = #map2}]} {
    %mul3A = arith.constant 16 : i32
    %mul3A_0 = arith.muli %arg0, %mul3A : i32
    %add3A = arith.addi %mul3A_0, %arg1 : i32
    %run_scoped3A = arith.constant 0 : i32
    %run_scoped3A_1 = arith.constant 0 : i32
    "tpu.region"() ({
      %run_scoped3A_53 = tpu.sem_alloc : memref<!tpu.dma_semaphore, #tpu.memory_space<semaphore_mem>>
      %dma_start3A_54 = arith.constant 0 : i32
      %dma_start3A_55 = arith.constant 0 : i32
      %dma_start3A_56 = tpu.memref_slice %arg8[%run_scoped3A_1, %dma_start3A_54, %dma_start3A_55] : memref<2x8x128xi32, #tpu.memory_space<vmem>> -> memref<1x8x128xi32, #tpu.memory_space<vmem>>
      %dma_start3A_57 = tpu.memref_squeeze %dma_start3A_56 : memref<1x8x128xi32, #tpu.memory_space<vmem>> -> memref<8x128xi32, #tpu.memory_space<vmem>>
      %dma_start3A_58 = arith.constant 0 : i32
      %dma_start3A_59 = arith.constant 0 : i32
      %dma_start3A_60 = tpu.memref_slice %arg4[%add3A, %run_scoped3A, %dma_start3A_58, %dma_start3A_59] : memref<32x10x8x128xi32, #tpu.memory_space<hbm>> -> memref<1x1x8x128xi32, #tpu.memory_space<hbm>>
      %dma_start3A_61 = tpu.memref_squeeze %dma_start3A_60 : memref<1x1x8x128xi32, #tpu.memory_space<hbm>> -> memref<8x128xi32, #tpu.memory_space<hbm>>
      %dma_start3A_62 = arith.constant 0 : i32
      %dma_start3A_63 = arith.constant 0 : i32
      %dma_start3A_64 = tpu.memref_slice %arg8[%run_scoped3A_1, %dma_start3A_62, %dma_start3A_63] : memref<2x8x128xi32, #tpu.memory_space<vmem>> -> memref<1x8x128xi32, #tpu.memory_space<vmem>>
      %dma_start3A_65 = tpu.memref_squeeze %dma_start3A_64 : memref<1x8x128xi32, #tpu.memory_space<vmem>> -> memref<8x128xi32, #tpu.memory_space<vmem>>
      %dma_start3A_66 = arith.constant 0 : i32
      %dma_start3A_67 = arith.constant 0 : i32
      %dma_start3A_68 = tpu.memref_slice %arg4[%add3A, %run_scoped3A, %dma_start3A_66, %dma_start3A_67] : memref<32x10x8x128xi32, #tpu.memory_space<hbm>> -> memref<1x1x8x128xi32, #tpu.memory_space<hbm>>
      %dma_start3A_69 = tpu.memref_squeeze %dma_start3A_68 : memref<1x1x8x128xi32, #tpu.memory_space<hbm>> -> memref<8x128xi32, #tpu.memory_space<hbm>>
      tpu.enqueue_dma source(%dma_start3A_69 : memref<8x128xi32, #tpu.memory_space<hbm>>) target(%dma_start3A_65 : memref<8x128xi32, #tpu.memory_space<vmem>>) target_semaphore(%run_scoped3A_53 : memref<!tpu.dma_semaphore, #tpu.memory_space<semaphore_mem>>)
      %dma_wait3A = arith.constant 0 : i32
      %dma_wait3A_70 = arith.constant 0 : i32
      %dma_wait3A_71 = tpu.memref_slice %arg8[%run_scoped3A_1, %dma_wait3A, %dma_wait3A_70] : memref<2x8x128xi32, #tpu.memory_space<vmem>> -> memref<1x8x128xi32, #tpu.memory_space<vmem>>
      %dma_wait3A_72 = tpu.memref_squeeze %dma_wait3A_71 : memref<1x8x128xi32, #tpu.memory_space<vmem>> -> memref<8x128xi32, #tpu.memory_space<vmem>>
      %dma_wait3A_73 = arith.constant 0 : i32
      %dma_wait3A_74 = arith.constant 0 : i32
      %dma_wait3A_75 = tpu.memref_slice %arg4[%add3A, %run_scoped3A, %dma_wait3A_73, %dma_wait3A_74] : memref<32x10x8x128xi32, #tpu.memory_space<hbm>> -> memref<1x1x8x128xi32, #tpu.memory_space<hbm>>
      %dma_wait3A_76 = tpu.memref_squeeze %dma_wait3A_75 : memref<1x1x8x128xi32, #tpu.memory_space<hbm>> -> memref<8x128xi32, #tpu.memory_space<hbm>>
      %dma_wait3A_77 = arith.constant 0 : i32
      %dma_wait3A_78 = arith.constant 0 : i32
      %dma_wait3A_79 = tpu.memref_slice %arg8[%run_scoped3A_1, %dma_wait3A_77, %dma_wait3A_78] : memref<2x8x128xi32, #tpu.memory_space<vmem>> -> memref<1x8x128xi32, #tpu.memory_space<vmem>>
      %dma_wait3A_80 = tpu.memref_squeeze %dma_wait3A_79 : memref<1x8x128xi32, #tpu.memory_space<vmem>> -> memref<8x128xi32, #tpu.memory_space<vmem>>
      %dma_wait3A_81 = arith.constant 0 : i32
      %dma_wait3A_82 = arith.constant 0 : i32
      %dma_wait3A_83 = tpu.memref_slice %arg4[%add3A, %run_scoped3A, %dma_wait3A_81, %dma_wait3A_82] : memref<32x10x8x128xi32, #tpu.memory_space<hbm>> -> memref<1x1x8x128xi32, #tpu.memory_space<hbm>>
      %dma_wait3A_84 = tpu.memref_squeeze %dma_wait3A_83 : memref<1x1x8x128xi32, #tpu.memory_space<hbm>> -> memref<8x128xi32, #tpu.memory_space<hbm>>
      tpu.wait_dma2 semaphore(%run_scoped3A_53 : memref<!tpu.dma_semaphore, #tpu.memory_space<semaphore_mem>>) src(%dma_wait3A_84 : memref<8x128xi32, #tpu.memory_space<hbm>>) dst(%dma_wait3A_80 : memref<8x128xi32, #tpu.memory_space<vmem>>)
      tpu.yield
    }) : () -> ()
    %run_scoped3A_2 = arith.constant 0 : i32
    %run_scoped3A_3 = arith.constant 0 : i32
    "tpu.region"() ({
      %run_scoped3A_53 = tpu.sem_alloc : memref<!tpu.dma_semaphore, #tpu.memory_space<semaphore_mem>>
      %dma_start3A_54 = arith.constant 0 : i32
      %dma_start3A_55 = arith.constant 0 : i32
      %dma_start3A_56 = tpu.memref_slice %arg9[%run_scoped3A_3, %dma_start3A_54, %dma_start3A_55] : memref<2x8x128xi32, #tpu.memory_space<vmem>> -> memref<1x8x128xi32, #tpu.memory_space<vmem>>
      %dma_start3A_57 = tpu.memref_squeeze %dma_start3A_56 : memref<1x8x128xi32, #tpu.memory_space<vmem>> -> memref<8x128xi32, #tpu.memory_space<vmem>>
      %dma_start3A_58 = arith.constant 0 : i32
      %dma_start3A_59 = arith.constant 0 : i32
      %dma_start3A_60 = tpu.memref_slice %arg5[%add3A, %run_scoped3A_2, %dma_start3A_58, %dma_start3A_59] : memref<32x10x8x128xi32, #tpu.memory_space<hbm>> -> memref<1x1x8x128xi32, #tpu.memory_space<hbm>>
      %dma_start3A_61 = tpu.memref_squeeze %dma_start3A_60 : memref<1x1x8x128xi32, #tpu.memory_space<hbm>> -> memref<8x128xi32, #tpu.memory_space<hbm>>
      %dma_start3A_62 = arith.constant 0 : i32
      %dma_start3A_63 = arith.constant 0 : i32
      %dma_start3A_64 = tpu.memref_slice %arg9[%run_scoped3A_3, %dma_start3A_62, %dma_start3A_63] : memref<2x8x128xi32, #tpu.memory_space<vmem>> -> memref<1x8x128xi32, #tpu.memory_space<vmem>>
      %dma_start3A_65 = tpu.memref_squeeze %dma_start3A_64 : memref<1x8x128xi32, #tpu.memory_space<vmem>> -> memref<8x128xi32, #tpu.memory_space<vmem>>
      %dma_start3A_66 = arith.constant 0 : i32
      %dma_start3A_67 = arith.constant 0 : i32
      %dma_start3A_68 = tpu.memref_slice %arg5[%add3A, %run_scoped3A_2, %dma_start3A_66, %dma_start3A_67] : memref<32x10x8x128xi32, #tpu.memory_space<hbm>> -> memref<1x1x8x128xi32, #tpu.memory_space<hbm>>
      %dma_start3A_69 = tpu.memref_squeeze %dma_start3A_68 : memref<1x1x8x128xi32, #tpu.memory_space<hbm>> -> memref<8x128xi32, #tpu.memory_space<hbm>>
      tpu.enqueue_dma source(%dma_start3A_69 : memref<8x128xi32, #tpu.memory_space<hbm>>) target(%dma_start3A_65 : memref<8x128xi32, #tpu.memory_space<vmem>>) target_semaphore(%run_scoped3A_53 : memref<!tpu.dma_semaphore, #tpu.memory_space<semaphore_mem>>)
      %dma_wait3A = arith.constant 0 : i32
      %dma_wait3A_70 = arith.constant 0 : i32
      %dma_wait3A_71 = tpu.memref_slice %arg9[%run_scoped3A_3, %dma_wait3A, %dma_wait3A_70] : memref<2x8x128xi32, #tpu.memory_space<vmem>> -> memref<1x8x128xi32, #tpu.memory_space<vmem>>
      %dma_wait3A_72 = tpu.memref_squeeze %dma_wait3A_71 : memref<1x8x128xi32, #tpu.memory_space<vmem>> -> memref<8x128xi32, #tpu.memory_space<vmem>>
      %dma_wait3A_73 = arith.constant 0 : i32
      %dma_wait3A_74 = arith.constant 0 : i32
      %dma_wait3A_75 = tpu.memref_slice %arg5[%add3A, %run_scoped3A_2, %dma_wait3A_73, %dma_wait3A_74] : memref<32x10x8x128xi32, #tpu.memory_space<hbm>> -> memref<1x1x8x128xi32, #tpu.memory_space<hbm>>
      %dma_wait3A_76 = tpu.memref_squeeze %dma_wait3A_75 : memref<1x1x8x128xi32, #tpu.memory_space<hbm>> -> memref<8x128xi32, #tpu.memory_space<hbm>>
      %dma_wait3A_77 = arith.constant 0 : i32
      %dma_wait3A_78 = arith.constant 0 : i32
      %dma_wait3A_79 = tpu.memref_slice %arg9[%run_scoped3A_3, %dma_wait3A_77, %dma_wait3A_78] : memref<2x8x128xi32, #tpu.memory_space<vmem>> -> memref<1x8x128xi32, #tpu.memory_space<vmem>>
      %dma_wait3A_80 = tpu.memref_squeeze %dma_wait3A_79 : memref<1x8x128xi32, #tpu.memory_space<vmem>> -> memref<8x128xi32, #tpu.memory_space<vmem>>
      %dma_wait3A_81 = arith.constant 0 : i32
      %dma_wait3A_82 = arith.constant 0 : i32
      %dma_wait3A_83 = tpu.memref_slice %arg5[%add3A, %run_scoped3A_2, %dma_wait3A_81, %dma_wait3A_82] : memref<32x10x8x128xi32, #tpu.memory_space<hbm>> -> memref<1x1x8x128xi32, #tpu.memory_space<hbm>>
      %dma_wait3A_84 = tpu.memref_squeeze %dma_wait3A_83 : memref<1x1x8x128xi32, #tpu.memory_space<hbm>> -> memref<8x128xi32, #tpu.memory_space<hbm>>
      tpu.wait_dma2 semaphore(%run_scoped3A_53 : memref<!tpu.dma_semaphore, #tpu.memory_space<semaphore_mem>>) src(%dma_wait3A_84 : memref<8x128xi32, #tpu.memory_space<hbm>>) dst(%dma_wait3A_80 : memref<8x128xi32, #tpu.memory_space<vmem>>)
      tpu.yield
    }) : () -> ()
    %mul3A_4 = arith.constant 640 : i32
    %mul3A_5 = arith.muli %arg1, %mul3A_4 : i32
    %add3A_6 = arith.constant 0 : i32
    %add3A_7 = arith.addi %mul3A_5, %add3A_6 : i32
    "tpu.region"() ({
      %run_scoped3A_53 = tpu.sem_alloc : memref<!tpu.dma_semaphore, #tpu.memory_space<semaphore_mem>>
      %dma_start3A_54 = arith.constant 0 : i32
      %dma_start3A_55 = tpu.memref_slice %arg12[%add3A_7, %dma_start3A_54] : memref<10240x128xf32, #tpu.memory_space<vmem_shared>> -> memref<128x128xf32, #tpu.memory_space<vmem_shared>>
      tpu.enqueue_dma source(%arg6 : memref<128x128xf32, #tpu.memory_space<hbm>>) target(%dma_start3A_55 : memref<128x128xf32, #tpu.memory_space<vmem_shared>>) target_semaphore(%run_scoped3A_53 : memref<!tpu.dma_semaphore, #tpu.memory_space<semaphore_mem>>)
      %dma_wait3A = arith.constant 0 : i32
      %dma_wait3A_56 = tpu.memref_slice %arg12[%add3A_7, %dma_wait3A] : memref<10240x128xf32, #tpu.memory_space<vmem_shared>> -> memref<128x128xf32, #tpu.memory_space<vmem_shared>>
      tpu.wait_dma2 semaphore(%run_scoped3A_53 : memref<!tpu.dma_semaphore, #tpu.memory_space<semaphore_mem>>) src(%arg6 : memref<128x128xf32, #tpu.memory_space<hbm>>) dst(%dma_wait3A_56 : memref<128x128xf32, #tpu.memory_space<vmem_shared>>)
      tpu.yield
    }) : () -> ()
    %mul3A_8 = arith.constant 640 : i32
    %mul3A_9 = arith.muli %arg1, %mul3A_8 : i32
    %add3A_10 = arith.constant 128 : i32
    %add3A_11 = arith.addi %mul3A_9, %add3A_10 : i32
    "tpu.region"() ({
      %run_scoped3A_53 = tpu.sem_alloc : memref<!tpu.dma_semaphore, #tpu.memory_space<semaphore_mem>>
      %dma_start3A_54 = arith.constant 0 : i32
      %dma_start3A_55 = tpu.memref_slice %arg12[%add3A_11, %dma_start3A_54] : memref<10240x128xf32, #tpu.memory_space<vmem_shared>> -> memref<128x128xf32, #tpu.memory_space<vmem_shared>>
      tpu.enqueue_dma source(%arg6 : memref<128x128xf32, #tpu.memory_space<hbm>>) target(%dma_start3A_55 : memref<128x128xf32, #tpu.memory_space<vmem_shared>>) target_semaphore(%run_scoped3A_53 : memref<!tpu.dma_semaphore, #tpu.memory_space<semaphore_mem>>)
      %dma_wait3A = arith.constant 0 : i32
      %dma_wait3A_56 = tpu.memref_slice %arg12[%add3A_11, %dma_wait3A] : memref<10240x128xf32, #tpu.memory_space<vmem_shared>> -> memref<128x128xf32, #tpu.memory_space<vmem_shared>>
      tpu.wait_dma2 semaphore(%run_scoped3A_53 : memref<!tpu.dma_semaphore, #tpu.memory_space<semaphore_mem>>) src(%arg6 : memref<128x128xf32, #tpu.memory_space<hbm>>) dst(%dma_wait3A_56 : memref<128x128xf32, #tpu.memory_space<vmem_shared>>)
      tpu.yield
    }) : () -> ()
    %mul3A_12 = arith.constant 640 : i32
    %mul3A_13 = arith.muli %arg1, %mul3A_12 : i32
    %add3A_14 = arith.constant 256 : i32
    %add3A_15 = arith.addi %mul3A_13, %add3A_14 : i32
    "tpu.region"() ({
      %run_scoped3A_53 = tpu.sem_alloc : memref<!tpu.dma_semaphore, #tpu.memory_space<semaphore_mem>>
      %dma_start3A_54 = arith.constant 0 : i32
      %dma_start3A_55 = tpu.memref_slice %arg12[%add3A_15, %dma_start3A_54] : memref<10240x128xf32, #tpu.memory_space<vmem_shared>> -> memref<128x128xf32, #tpu.memory_space<vmem_shared>>
      tpu.enqueue_dma source(%arg6 : memref<128x128xf32, #tpu.memory_space<hbm>>) target(%dma_start3A_55 : memref<128x128xf32, #tpu.memory_space<vmem_shared>>) target_semaphore(%run_scoped3A_53 : memref<!tpu.dma_semaphore, #tpu.memory_space<semaphore_mem>>)
      %dma_wait3A = arith.constant 0 : i32
      %dma_wait3A_56 = tpu.memref_slice %arg12[%add3A_15, %dma_wait3A] : memref<10240x128xf32, #tpu.memory_space<vmem_shared>> -> memref<128x128xf32, #tpu.memory_space<vmem_shared>>
      tpu.wait_dma2 semaphore(%run_scoped3A_53 : memref<!tpu.dma_semaphore, #tpu.memory_space<semaphore_mem>>) src(%arg6 : memref<128x128xf32, #tpu.memory_space<hbm>>) dst(%dma_wait3A_56 : memref<128x128xf32, #tpu.memory_space<vmem_shared>>)
      tpu.yield
    }) : () -> ()
    %mul3A_16 = arith.constant 640 : i32
    %mul3A_17 = arith.muli %arg1, %mul3A_16 : i32
    %add3A_18 = arith.constant 384 : i32
    %add3A_19 = arith.addi %mul3A_17, %add3A_18 : i32
    "tpu.region"() ({
      %run_scoped3A_53 = tpu.sem_alloc : memref<!tpu.dma_semaphore, #tpu.memory_space<semaphore_mem>>
      %dma_start3A_54 = arith.constant 0 : i32
      %dma_start3A_55 = tpu.memref_slice %arg12[%add3A_19, %dma_start3A_54] : memref<10240x128xf32, #tpu.memory_space<vmem_shared>> -> memref<128x128xf32, #tpu.memory_space<vmem_shared>>
      tpu.enqueue_dma source(%arg6 : memref<128x128xf32, #tpu.memory_space<hbm>>) target(%dma_start3A_55 : memref<128x128xf32, #tpu.memory_space<vmem_shared>>) target_semaphore(%run_scoped3A_53 : memref<!tpu.dma_semaphore, #tpu.memory_space<semaphore_mem>>)
      %dma_wait3A = arith.constant 0 : i32
      %dma_wait3A_56 = tpu.memref_slice %arg12[%add3A_19, %dma_wait3A] : memref<10240x128xf32, #tpu.memory_space<vmem_shared>> -> memref<128x128xf32, #tpu.memory_space<vmem_shared>>
      tpu.wait_dma2 semaphore(%run_scoped3A_53 : memref<!tpu.dma_semaphore, #tpu.memory_space<semaphore_mem>>) src(%arg6 : memref<128x128xf32, #tpu.memory_space<hbm>>) dst(%dma_wait3A_56 : memref<128x128xf32, #tpu.memory_space<vmem_shared>>)
      tpu.yield
    }) : () -> ()
    %mul3A_20 = arith.constant 640 : i32
    %mul3A_21 = arith.muli %arg1, %mul3A_20 : i32
    %add3A_22 = arith.constant 512 : i32
    %add3A_23 = arith.addi %mul3A_21, %add3A_22 : i32
    "tpu.region"() ({
      %run_scoped3A_53 = tpu.sem_alloc : memref<!tpu.dma_semaphore, #tpu.memory_space<semaphore_mem>>
      %dma_start3A_54 = arith.constant 0 : i32
      %dma_start3A_55 = tpu.memref_slice %arg12[%add3A_23, %dma_start3A_54] : memref<10240x128xf32, #tpu.memory_space<vmem_shared>> -> memref<128x128xf32, #tpu.memory_space<vmem_shared>>
      tpu.enqueue_dma source(%arg6 : memref<128x128xf32, #tpu.memory_space<hbm>>) target(%dma_start3A_55 : memref<128x128xf32, #tpu.memory_space<vmem_shared>>) target_semaphore(%run_scoped3A_53 : memref<!tpu.dma_semaphore, #tpu.memory_space<semaphore_mem>>)
      %dma_wait3A = arith.constant 0 : i32
      %dma_wait3A_56 = tpu.memref_slice %arg12[%add3A_23, %dma_wait3A] : memref<10240x128xf32, #tpu.memory_space<vmem_shared>> -> memref<128x128xf32, #tpu.memory_space<vmem_shared>>
      tpu.wait_dma2 semaphore(%run_scoped3A_53 : memref<!tpu.dma_semaphore, #tpu.memory_space<semaphore_mem>>) src(%arg6 : memref<128x128xf32, #tpu.memory_space<hbm>>) dst(%dma_wait3A_56 : memref<128x128xf32, #tpu.memory_space<vmem_shared>>)
      tpu.yield
    }) : () -> ()
    %barrier3A = arith.constant 0 : index
    tpu.barrier barrier_id(%barrier3A)
    %dma_start3A = arith.constant 0 : i32
    %dma_start3A_24 = arith.constant 0 : i32
    %dma_start3A_25 = arith.constant 0 : i32
    %dma_start3A_26 = tpu.memref_slice %arg8[%dma_start3A, %dma_start3A_24, %dma_start3A_25] : memref<2x8x128xi32, #tpu.memory_space<vmem>> -> memref<1x1x128xi32, #tpu.memory_space<vmem>>
    %dma_start3A_27 = tpu.memref_squeeze %dma_start3A_26 : memref<1x1x128xi32, #tpu.memory_space<vmem>> -> memref<128xi32, #tpu.memory_space<vmem>>
    %dma_start3A_28 = arith.constant 0 : i32
    %dma_start3A_29 = arith.constant 0 : i32
    %dma_start3A_30 = tpu.memref_slice %arg2[%dma_start3A_28, %dma_start3A_29] : memref<10000x128xf32, #tpu.memory_space<hbm>> -> memref<10000x128xf32, #tpu.memory_space<hbm>>
    tpu.enqueue_indirect_dma source(%dma_start3A_30 : memref<10000x128xf32, #tpu.memory_space<hbm>>) target(%arg10 : memref<128x128xf32, #tpu.memory_space<vmem>>) offsets(%dma_start3A_27 : memref<128xi32, #tpu.memory_space<vmem>>) semaphore(%arg13 : memref<!tpu.dma_semaphore, #tpu.memory_space<semaphore_mem>>)
    %dma_start3A_31 = arith.constant 0 : i32
    %dma_start3A_32 = arith.constant 1 : i32
    %dma_start3A_33 = arith.constant 0 : i32
    %dma_start3A_34 = tpu.memref_slice %arg8[%dma_start3A_31, %dma_start3A_32, %dma_start3A_33] : memref<2x8x128xi32, #tpu.memory_space<vmem>> -> memref<1x1x128xi32, #tpu.memory_space<vmem>>
    %dma_start3A_35 = tpu.memref_squeeze %dma_start3A_34 : memref<1x1x128xi32, #tpu.memory_space<vmem>> -> memref<128xi32, #tpu.memory_space<vmem>>
    %dma_start3A_36 = arith.constant 0 : i32
    %dma_start3A_37 = arith.constant 0 : i32
    %dma_start3A_38 = tpu.memref_slice %arg2[%dma_start3A_36, %dma_start3A_37] : memref<10000x128xf32, #tpu.memory_space<hbm>> -> memref<10000x128xf32, #tpu.memory_space<hbm>>
    tpu.enqueue_indirect_dma source(%dma_start3A_38 : memref<10000x128xf32, #tpu.memory_space<hbm>>) target(%arg11 : memref<128x128xf32, #tpu.memory_space<vmem>>) offsets(%dma_start3A_35 : memref<128xi32, #tpu.memory_space<vmem>>) semaphore(%arg14 : memref<!tpu.dma_semaphore, #tpu.memory_space<semaphore_mem>>)
    %run_scoped3A_39 = arith.constant 1 : i32
    %run_scoped3A_40 = arith.constant 1 : i32
    "tpu.region"() ({
      %run_scoped3A_53 = tpu.sem_alloc : memref<!tpu.dma_semaphore, #tpu.memory_space<semaphore_mem>>
      %dma_start3A_54 = arith.constant 0 : i32
      %dma_start3A_55 = arith.constant 0 : i32
      %dma_start3A_56 = tpu.memref_slice %arg8[%run_scoped3A_40, %dma_start3A_54, %dma_start3A_55] : memref<2x8x128xi32, #tpu.memory_space<vmem>> -> memref<1x8x128xi32, #tpu.memory_space<vmem>>
      %dma_start3A_57 = tpu.memref_squeeze %dma_start3A_56 : memref<1x8x128xi32, #tpu.memory_space<vmem>> -> memref<8x128xi32, #tpu.memory_space<vmem>>
      %dma_start3A_58 = arith.constant 0 : i32
      %dma_start3A_59 = arith.constant 0 : i32
      %dma_start3A_60 = tpu.memref_slice %arg4[%add3A, %run_scoped3A_39, %dma_start3A_58, %dma_start3A_59] : memref<32x10x8x128xi32, #tpu.memory_space<hbm>> -> memref<1x1x8x128xi32, #tpu.memory_space<hbm>>
      %dma_start3A_61 = tpu.memref_squeeze %dma_start3A_60 : memref<1x1x8x128xi32, #tpu.memory_space<hbm>> -> memref<8x128xi32, #tpu.memory_space<hbm>>
      %dma_start3A_62 = arith.constant 0 : i32
      %dma_start3A_63 = arith.constant 0 : i32
      %dma_start3A_64 = tpu.memref_slice %arg8[%run_scoped3A_40, %dma_start3A_62, %dma_start3A_63] : memref<2x8x128xi32, #tpu.memory_space<vmem>> -> memref<1x8x128xi32, #tpu.memory_space<vmem>>
      %dma_start3A_65 = tpu.memref_squeeze %dma_start3A_64 : memref<1x8x128xi32, #tpu.memory_space<vmem>> -> memref<8x128xi32, #tpu.memory_space<vmem>>
      %dma_start3A_66 = arith.constant 0 : i32
      %dma_start3A_67 = arith.constant 0 : i32
      %dma_start3A_68 = tpu.memref_slice %arg4[%add3A, %run_scoped3A_39, %dma_start3A_66, %dma_start3A_67] : memref<32x10x8x128xi32, #tpu.memory_space<hbm>> -> memref<1x1x8x128xi32, #tpu.memory_space<hbm>>
      %dma_start3A_69 = tpu.memref_squeeze %dma_start3A_68 : memref<1x1x8x128xi32, #tpu.memory_space<hbm>> -> memref<8x128xi32, #tpu.memory_space<hbm>>
      tpu.enqueue_dma source(%dma_start3A_69 : memref<8x128xi32, #tpu.memory_space<hbm>>) target(%dma_start3A_65 : memref<8x128xi32, #tpu.memory_space<vmem>>) target_semaphore(%run_scoped3A_53 : memref<!tpu.dma_semaphore, #tpu.memory_space<semaphore_mem>>)
      %dma_wait3A = arith.constant 0 : i32
      %dma_wait3A_70 = arith.constant 0 : i32
      %dma_wait3A_71 = tpu.memref_slice %arg8[%run_scoped3A_40, %dma_wait3A, %dma_wait3A_70] : memref<2x8x128xi32, #tpu.memory_space<vmem>> -> memref<1x8x128xi32, #tpu.memory_space<vmem>>
      %dma_wait3A_72 = tpu.memref_squeeze %dma_wait3A_71 : memref<1x8x128xi32, #tpu.memory_space<vmem>> -> memref<8x128xi32, #tpu.memory_space<vmem>>
      %dma_wait3A_73 = arith.constant 0 : i32
      %dma_wait3A_74 = arith.constant 0 : i32
      %dma_wait3A_75 = tpu.memref_slice %arg4[%add3A, %run_scoped3A_39, %dma_wait3A_73, %dma_wait3A_74] : memref<32x10x8x128xi32, #tpu.memory_space<hbm>> -> memref<1x1x8x128xi32, #tpu.memory_space<hbm>>
      %dma_wait3A_76 = tpu.memref_squeeze %dma_wait3A_75 : memref<1x1x8x128xi32, #tpu.memory_space<hbm>> -> memref<8x128xi32, #tpu.memory_space<hbm>>
      %dma_wait3A_77 = arith.constant 0 : i32
      %dma_wait3A_78 = arith.constant 0 : i32
      %dma_wait3A_79 = tpu.memref_slice %arg8[%run_scoped3A_40, %dma_wait3A_77, %dma_wait3A_78] : memref<2x8x128xi32, #tpu.memory_space<vmem>> -> memref<1x8x128xi32, #tpu.memory_space<vmem>>
      %dma_wait3A_80 = tpu.memref_squeeze %dma_wait3A_79 : memref<1x8x128xi32, #tpu.memory_space<vmem>> -> memref<8x128xi32, #tpu.memory_space<vmem>>
      %dma_wait3A_81 = arith.constant 0 : i32
      %dma_wait3A_82 = arith.constant 0 : i32
      %dma_wait3A_83 = tpu.memref_slice %arg4[%add3A, %run_scoped3A_39, %dma_wait3A_81, %dma_wait3A_82] : memref<32x10x8x128xi32, #tpu.memory_space<hbm>> -> memref<1x1x8x128xi32, #tpu.memory_space<hbm>>
      %dma_wait3A_84 = tpu.memref_squeeze %dma_wait3A_83 : memref<1x1x8x128xi32, #tpu.memory_space<hbm>> -> memref<8x128xi32, #tpu.memory_space<hbm>>
      tpu.wait_dma2 semaphore(%run_scoped3A_53 : memref<!tpu.dma_semaphore, #tpu.memory_space<semaphore_mem>>) src(%dma_wait3A_84 : memref<8x128xi32, #tpu.memory_space<hbm>>) dst(%dma_wait3A_80 : memref<8x128xi32, #tpu.memory_space<vmem>>)
      tpu.yield
    }) : () -> ()
    %run_scoped3A_41 = arith.constant 1 : i32
    %run_scoped3A_42 = arith.constant 1 : i32
    "tpu.region"() ({
      %run_scoped3A_53 = tpu.sem_alloc : memref<!tpu.dma_semaphore, #tpu.memory_space<semaphore_mem>>
      %dma_start3A_54 = arith.constant 0 : i32
      %dma_start3A_55 = arith.constant 0 : i32
      %dma_start3A_56 = tpu.memref_slice %arg9[%run_scoped3A_42, %dma_start3A_54, %dma_start3A_55] : memref<2x8x128xi32, #tpu.memory_space<vmem>> -> memref<1x8x128xi32, #tpu.memory_space<vmem>>
      %dma_start3A_57 = tpu.memref_squeeze %dma_start3A_56 : memref<1x8x128xi32, #tpu.memory_space<vmem>> -> memref<8x128xi32, #tpu.memory_space<vmem>>
      %dma_start3A_58 = arith.constant 0 : i32
      %dma_start3A_59 = arith.constant 0 : i32
      %dma_start3A_60 = tpu.memref_slice %arg5[%add3A, %run_scoped3A_41, %dma_start3A_58, %dma_start3A_59] : memref<32x10x8x128xi32, #tpu.memory_space<hbm>> -> memref<1x1x8x128xi32, #tpu.memory_space<hbm>>
      %dma_start3A_61 = tpu.memref_squeeze %dma_start3A_60 : memref<1x1x8x128xi32, #tpu.memory_space<hbm>> -> memref<8x128xi32, #tpu.memory_space<hbm>>
      %dma_start3A_62 = arith.constant 0 : i32
      %dma_start3A_63 = arith.constant 0 : i32
      %dma_start3A_64 = tpu.memref_slice %arg9[%run_scoped3A_42, %dma_start3A_62, %dma_start3A_63] : memref<2x8x128xi32, #tpu.memory_space<vmem>> -> memref<1x8x128xi32, #tpu.memory_space<vmem>>
      %dma_start3A_65 = tpu.memref_squeeze %dma_start3A_64 : memref<1x8x128xi32, #tpu.memory_space<vmem>> -> memref<8x128xi32, #tpu.memory_space<vmem>>
      %dma_start3A_66 = arith.constant 0 : i32
      %dma_start3A_67 = arith.constant 0 : i32
      %dma_start3A_68 = tpu.memref_slice %arg5[%add3A, %run_scoped3A_41, %dma_start3A_66, %dma_start3A_67] : memref<32x10x8x128xi32, #tpu.memory_space<hbm>> -> memref<1x1x8x128xi32, #tpu.memory_space<hbm>>
      %dma_start3A_69 = tpu.memref_squeeze %dma_start3A_68 : memref<1x1x8x128xi32, #tpu.memory_space<hbm>> -> memref<8x128xi32, #tpu.memory_space<hbm>>
      tpu.enqueue_dma source(%dma_start3A_69 : memref<8x128xi32, #tpu.memory_space<hbm>>) target(%dma_start3A_65 : memref<8x128xi32, #tpu.memory_space<vmem>>) target_semaphore(%run_scoped3A_53 : memref<!tpu.dma_semaphore, #tpu.memory_space<semaphore_mem>>)
      %dma_wait3A = arith.constant 0 : i32
      %dma_wait3A_70 = arith.constant 0 : i32
      %dma_wait3A_71 = tpu.memref_slice %arg9[%run_scoped3A_42, %dma_wait3A, %dma_wait3A_70] : memref<2x8x128xi32, #tpu.memory_space<vmem>> -> memref<1x8x128xi32, #tpu.memory_space<vmem>>
      %dma_wait3A_72 = tpu.memref_squeeze %dma_wait3A_71 : memref<1x8x128xi32, #tpu.memory_space<vmem>> -> memref<8x128xi32, #tpu.memory_space<vmem>>
      %dma_wait3A_73 = arith.constant 0 : i32
      %dma_wait3A_74 = arith.constant 0 : i32
      %dma_wait3A_75 = tpu.memref_slice %arg5[%add3A, %run_scoped3A_41, %dma_wait3A_73, %dma_wait3A_74] : memref<32x10x8x128xi32, #tpu.memory_space<hbm>> -> memref<1x1x8x128xi32, #tpu.memory_space<hbm>>
      %dma_wait3A_76 = tpu.memref_squeeze %dma_wait3A_75 : memref<1x1x8x128xi32, #tpu.memory_space<hbm>> -> memref<8x128xi32, #tpu.memory_space<hbm>>
      %dma_wait3A_77 = arith.constant 0 : i32
      %dma_wait3A_78 = arith.constant 0 : i32
      %dma_wait3A_79 = tpu.memref_slice %arg9[%run_scoped3A_42, %dma_wait3A_77, %dma_wait3A_78] : memref<2x8x128xi32, #tpu.memory_space<vmem>> -> memref<1x8x128xi32, #tpu.memory_space<vmem>>
      %dma_wait3A_80 = tpu.memref_squeeze %dma_wait3A_79 : memref<1x8x128xi32, #tpu.memory_space<vmem>> -> memref<8x128xi32, #tpu.memory_space<vmem>>
      %dma_wait3A_81 = arith.constant 0 : i32
      %dma_wait3A_82 = arith.constant 0 : i32
      %dma_wait3A_83 = tpu.memref_slice %arg5[%add3A, %run_scoped3A_41, %dma_wait3A_81, %dma_wait3A_82] : memref<32x10x8x128xi32, #tpu.memory_space<hbm>> -> memref<1x1x8x128xi32, #tpu.memory_space<hbm>>
      %dma_wait3A_84 = tpu.memref_squeeze %dma_wait3A_83 : memref<1x1x8x128xi32, #tpu.memory_space<hbm>> -> memref<8x128xi32, #tpu.memory_space<hbm>>
      tpu.wait_dma2 semaphore(%run_scoped3A_53 : memref<!tpu.dma_semaphore, #tpu.memory_space<semaphore_mem>>) src(%dma_wait3A_84 : memref<8x128xi32, #tpu.memory_space<hbm>>) dst(%dma_wait3A_80 : memref<8x128xi32, #tpu.memory_space<vmem>>)
      tpu.yield
    }) : () -> ()
    %scan3A = arith.constant 0 : i32
    %scan3A_43 = arith.constant 0 : i32
    %scan3A_44 = arith.constant 10 : i32
    %scan3A_45 = arith.addi %scan3A_43, %scan3A_44 : i32
    %scan3A_46 = arith.constant 1 : i32
    scf.for %scan3A_53 = %scan3A_43 to %scan3A_45 step %scan3A_46  : i32 {
      %rem3A = arith.constant 2 : i32
      %rem3A_54 = arith.remsi %scan3A_53, %rem3A : i32
      %sub3A = arith.constant 1 : i32
      %sub3A_55 = arith.subi %sub3A, %rem3A_54 : i32
      %dma_wait3A = arith.constant 0 : i32
      %dma_wait3A_56 = arith.constant 0 : i32
      %dma_wait3A_57 = tpu.memref_slice %arg8[%rem3A_54, %dma_wait3A, %dma_wait3A_56] : memref<2x8x128xi32, #tpu.memory_space<vmem>> -> memref<1x1x128xi32, #tpu.memory_space<vmem>>
      %dma_wait3A_58 = tpu.memref_squeeze %dma_wait3A_57 : memref<1x1x128xi32, #tpu.memory_space<vmem>> -> memref<128xi32, #tpu.memory_space<vmem>>
      %dma_wait3A_59 = arith.constant 0 : i32
      %dma_wait3A_60 = arith.constant 0 : i32
      %dma_wait3A_61 = tpu.memref_slice %arg2[%dma_wait3A_59, %dma_wait3A_60] : memref<10000x128xf32, #tpu.memory_space<hbm>> -> memref<10000x128xf32, #tpu.memory_space<hbm>>
      tpu.wait_indirect_dma semaphore(%arg13 : memref<!tpu.dma_semaphore, #tpu.memory_space<semaphore_mem>>) src(%dma_wait3A_61 : memref<10000x128xf32, #tpu.memory_space<hbm>>) dst(%arg10 : memref<128x128xf32, #tpu.memory_space<vmem>>)
      %run_scoped3A_62 = arith.constant 0 : i32
      "tpu.region"() ({
        %run_scoped3A_173 = tpu.sem_alloc : memref<!tpu.dma_semaphore, #tpu.memory_space<semaphore_mem>>
        %dma_start3A_174 = arith.constant 0 : i32
        %dma_start3A_175 = tpu.memref_slice %arg9[%rem3A_54, %run_scoped3A_62, %dma_start3A_174] : memref<2x8x128xi32, #tpu.memory_space<vmem>> -> memref<1x1x128xi32, #tpu.memory_space<vmem>>
        %dma_start3A_176 = tpu.memref_squeeze %dma_start3A_175 : memref<1x1x128xi32, #tpu.memory_space<vmem>> -> memref<128xi32, #tpu.memory_space<vmem>>
        %dma_start3A_177 = arith.constant 0 : i32
        %dma_start3A_178 = arith.constant 0 : i32
        %dma_start3A_179 = tpu.memref_slice %arg12[%dma_start3A_177, %dma_start3A_178] : memref<10240x128xf32, #tpu.memory_space<vmem_shared>> -> memref<10240x128xf32, #tpu.memory_space<vmem_shared>>
        tpu.enqueue_indirect_dma source(%arg10 : memref<128x128xf32, #tpu.memory_space<vmem>>) target(%dma_start3A_179 : memref<10240x128xf32, #tpu.memory_space<vmem_shared>>) offsets(%dma_start3A_176 : memref<128xi32, #tpu.memory_space<vmem>>) semaphore(%run_scoped3A_173 : memref<!tpu.dma_semaphore, #tpu.memory_space<semaphore_mem>>) {add = true}
        %dma_wait3A_180 = arith.constant 0 : i32
        %dma_wait3A_181 = tpu.memref_slice %arg9[%rem3A_54, %run_scoped3A_62, %dma_wait3A_180] : memref<2x8x128xi32, #tpu.memory_space<vmem>> -> memref<1x1x128xi32, #tpu.memory_space<vmem>>
        %dma_wait3A_182 = tpu.memref_squeeze %dma_wait3A_181 : memref<1x1x128xi32, #tpu.memory_space<vmem>> -> memref<128xi32, #tpu.memory_space<vmem>>
        %dma_wait3A_183 = arith.constant 0 : i32
        %dma_wait3A_184 = arith.constant 0 : i32
        %dma_wait3A_185 = tpu.memref_slice %arg12[%dma_wait3A_183, %dma_wait3A_184] : memref<10240x128xf32, #tpu.memory_space<vmem_shared>> -> memref<10240x128xf32, #tpu.memory_space<vmem_shared>>
        tpu.wait_indirect_dma semaphore(%run_scoped3A_173 : memref<!tpu.dma_semaphore, #tpu.memory_space<semaphore_mem>>) src(%arg10 : memref<128x128xf32, #tpu.memory_space<vmem>>) dst(%dma_wait3A_185 : memref<10240x128xf32, #tpu.memory_space<vmem_shared>>)
        tpu.yield
      }) : () -> ()
      %dma_start3A_63 = arith.constant 2 : i32
      %dma_start3A_64 = arith.constant 0 : i32
      %dma_start3A_65 = tpu.memref_slice %arg8[%rem3A_54, %dma_start3A_63, %dma_start3A_64] : memref<2x8x128xi32, #tpu.memory_space<vmem>> -> memref<1x1x128xi32, #tpu.memory_space<vmem>>
      %dma_start3A_66 = tpu.memref_squeeze %dma_start3A_65 : memref<1x1x128xi32, #tpu.memory_space<vmem>> -> memref<128xi32, #tpu.memory_space<vmem>>
      %dma_start3A_67 = arith.constant 0 : i32
      %dma_start3A_68 = arith.constant 0 : i32
      %dma_start3A_69 = tpu.memref_slice %arg2[%dma_start3A_67, %dma_start3A_68] : memref<10000x128xf32, #tpu.memory_space<hbm>> -> memref<10000x128xf32, #tpu.memory_space<hbm>>
      tpu.enqueue_indirect_dma source(%dma_start3A_69 : memref<10000x128xf32, #tpu.memory_space<hbm>>) target(%arg10 : memref<128x128xf32, #tpu.memory_space<vmem>>) offsets(%dma_start3A_66 : memref<128xi32, #tpu.memory_space<vmem>>) semaphore(%arg13 : memref<!tpu.dma_semaphore, #tpu.memory_space<semaphore_mem>>)
      %dma_wait3A_70 = arith.constant 1 : i32
      %dma_wait3A_71 = arith.constant 0 : i32
      %dma_wait3A_72 = tpu.memref_slice %arg8[%rem3A_54, %dma_wait3A_70, %dma_wait3A_71] : memref<2x8x128xi32, #tpu.memory_space<vmem>> -> memref<1x1x128xi32, #tpu.memory_space<vmem>>
      %dma_wait3A_73 = tpu.memref_squeeze %dma_wait3A_72 : memref<1x1x128xi32, #tpu.memory_space<vmem>> -> memref<128xi32, #tpu.memory_space<vmem>>
      %dma_wait3A_74 = arith.constant 0 : i32
      %dma_wait3A_75 = arith.constant 0 : i32
      %dma_wait3A_76 = tpu.memref_slice %arg2[%dma_wait3A_74, %dma_wait3A_75] : memref<10000x128xf32, #tpu.memory_space<hbm>> -> memref<10000x128xf32, #tpu.memory_space<hbm>>
      tpu.wait_indirect_dma semaphore(%arg14 : memref<!tpu.dma_semaphore, #tpu.memory_space<semaphore_mem>>) src(%dma_wait3A_76 : memref<10000x128xf32, #tpu.memory_space<hbm>>) dst(%arg11 : memref<128x128xf32, #tpu.memory_space<vmem>>)
      %run_scoped3A_77 = arith.constant 1 : i32
      "tpu.region"() ({
        %run_scoped3A_173 = tpu.sem_alloc : memref<!tpu.dma_semaphore, #tpu.memory_space<semaphore_mem>>
        %dma_start3A_174 = arith.constant 0 : i32
        %dma_start3A_175 = tpu.memref_slice %arg9[%rem3A_54, %run_scoped3A_77, %dma_start3A_174] : memref<2x8x128xi32, #tpu.memory_space<vmem>> -> memref<1x1x128xi32, #tpu.memory_space<vmem>>
        %dma_start3A_176 = tpu.memref_squeeze %dma_start3A_175 : memref<1x1x128xi32, #tpu.memory_space<vmem>> -> memref<128xi32, #tpu.memory_space<vmem>>
        %dma_start3A_177 = arith.constant 0 : i32
        %dma_start3A_178 = arith.constant 0 : i32
        %dma_start3A_179 = tpu.memref_slice %arg12[%dma_start3A_177, %dma_start3A_178] : memref<10240x128xf32, #tpu.memory_space<vmem_shared>> -> memref<10240x128xf32, #tpu.memory_space<vmem_shared>>
        tpu.enqueue_indirect_dma source(%arg11 : memref<128x128xf32, #tpu.memory_space<vmem>>) target(%dma_start3A_179 : memref<10240x128xf32, #tpu.memory_space<vmem_shared>>) offsets(%dma_start3A_176 : memref<128xi32, #tpu.memory_space<vmem>>) semaphore(%run_scoped3A_173 : memref<!tpu.dma_semaphore, #tpu.memory_space<semaphore_mem>>) {add = true}
        %dma_wait3A_180 = arith.constant 0 : i32
        %dma_wait3A_181 = tpu.memref_slice %arg9[%rem3A_54, %run_scoped3A_77, %dma_wait3A_180] : memref<2x8x128xi32, #tpu.memory_space<vmem>> -> memref<1x1x128xi32, #tpu.memory_space<vmem>>
        %dma_wait3A_182 = tpu.memref_squeeze %dma_wait3A_181 : memref<1x1x128xi32, #tpu.memory_space<vmem>> -> memref<128xi32, #tpu.memory_space<vmem>>
        %dma_wait3A_183 = arith.constant 0 : i32
        %dma_wait3A_184 = arith.constant 0 : i32
        %dma_wait3A_185 = tpu.memref_slice %arg12[%dma_wait3A_183, %dma_wait3A_184] : memref<10240x128xf32, #tpu.memory_space<vmem_shared>> -> memref<10240x128xf32, #tpu.memory_space<vmem_shared>>
        tpu.wait_indirect_dma semaphore(%run_scoped3A_173 : memref<!tpu.dma_semaphore, #tpu.memory_space<semaphore_mem>>) src(%arg11 : memref<128x128xf32, #tpu.memory_space<vmem>>) dst(%dma_wait3A_185 : memref<10240x128xf32, #tpu.memory_space<vmem_shared>>)
        tpu.yield
      }) : () -> ()
      %dma_start3A_78 = arith.constant 3 : i32
      %dma_start3A_79 = arith.constant 0 : i32
      %dma_start3A_80 = tpu.memref_slice %arg8[%rem3A_54, %dma_start3A_78, %dma_start3A_79] : memref<2x8x128xi32, #tpu.memory_space<vmem>> -> memref<1x1x128xi32, #tpu.memory_space<vmem>>
      %dma_start3A_81 = tpu.memref_squeeze %dma_start3A_80 : memref<1x1x128xi32, #tpu.memory_space<vmem>> -> memref<128xi32, #tpu.memory_space<vmem>>
      %dma_start3A_82 = arith.constant 0 : i32
      %dma_start3A_83 = arith.constant 0 : i32
      %dma_start3A_84 = tpu.memref_slice %arg2[%dma_start3A_82, %dma_start3A_83] : memref<10000x128xf32, #tpu.memory_space<hbm>> -> memref<10000x128xf32, #tpu.memory_space<hbm>>
      tpu.enqueue_indirect_dma source(%dma_start3A_84 : memref<10000x128xf32, #tpu.memory_space<hbm>>) target(%arg11 : memref<128x128xf32, #tpu.memory_space<vmem>>) offsets(%dma_start3A_81 : memref<128xi32, #tpu.memory_space<vmem>>) semaphore(%arg14 : memref<!tpu.dma_semaphore, #tpu.memory_space<semaphore_mem>>)
      %dma_wait3A_85 = arith.constant 2 : i32
      %dma_wait3A_86 = arith.constant 0 : i32
      %dma_wait3A_87 = tpu.memref_slice %arg8[%rem3A_54, %dma_wait3A_85, %dma_wait3A_86] : memref<2x8x128xi32, #tpu.memory_space<vmem>> -> memref<1x1x128xi32, #tpu.memory_space<vmem>>
      %dma_wait3A_88 = tpu.memref_squeeze %dma_wait3A_87 : memref<1x1x128xi32, #tpu.memory_space<vmem>> -> memref<128xi32, #tpu.memory_space<vmem>>
      %dma_wait3A_89 = arith.constant 0 : i32
      %dma_wait3A_90 = arith.constant 0 : i32
      %dma_wait3A_91 = tpu.memref_slice %arg2[%dma_wait3A_89, %dma_wait3A_90] : memref<10000x128xf32, #tpu.memory_space<hbm>> -> memref<10000x128xf32, #tpu.memory_space<hbm>>
      tpu.wait_indirect_dma semaphore(%arg13 : memref<!tpu.dma_semaphore, #tpu.memory_space<semaphore_mem>>) src(%dma_wait3A_91 : memref<10000x128xf32, #tpu.memory_space<hbm>>) dst(%arg10 : memref<128x128xf32, #tpu.memory_space<vmem>>)
      %run_scoped3A_92 = arith.constant 2 : i32
      "tpu.region"() ({
        %run_scoped3A_173 = tpu.sem_alloc : memref<!tpu.dma_semaphore, #tpu.memory_space<semaphore_mem>>
        %dma_start3A_174 = arith.constant 0 : i32
        %dma_start3A_175 = tpu.memref_slice %arg9[%rem3A_54, %run_scoped3A_92, %dma_start3A_174] : memref<2x8x128xi32, #tpu.memory_space<vmem>> -> memref<1x1x128xi32, #tpu.memory_space<vmem>>
        %dma_start3A_176 = tpu.memref_squeeze %dma_start3A_175 : memref<1x1x128xi32, #tpu.memory_space<vmem>> -> memref<128xi32, #tpu.memory_space<vmem>>
        %dma_start3A_177 = arith.constant 0 : i32
        %dma_start3A_178 = arith.constant 0 : i32
        %dma_start3A_179 = tpu.memref_slice %arg12[%dma_start3A_177, %dma_start3A_178] : memref<10240x128xf32, #tpu.memory_space<vmem_shared>> -> memref<10240x128xf32, #tpu.memory_space<vmem_shared>>
        tpu.enqueue_indirect_dma source(%arg10 : memref<128x128xf32, #tpu.memory_space<vmem>>) target(%dma_start3A_179 : memref<10240x128xf32, #tpu.memory_space<vmem_shared>>) offsets(%dma_start3A_176 : memref<128xi32, #tpu.memory_space<vmem>>) semaphore(%run_scoped3A_173 : memref<!tpu.dma_semaphore, #tpu.memory_space<semaphore_mem>>) {add = true}
        %dma_wait3A_180 = arith.constant 0 : i32
        %dma_wait3A_181 = tpu.memref_slice %arg9[%rem3A_54, %run_scoped3A_92, %dma_wait3A_180] : memref<2x8x128xi32, #tpu.memory_space<vmem>> -> memref<1x1x128xi32, #tpu.memory_space<vmem>>
        %dma_wait3A_182 = tpu.memref_squeeze %dma_wait3A_181 : memref<1x1x128xi32, #tpu.memory_space<vmem>> -> memref<128xi32, #tpu.memory_space<vmem>>
        %dma_wait3A_183 = arith.constant 0 : i32
        %dma_wait3A_184 = arith.constant 0 : i32
        %dma_wait3A_185 = tpu.memref_slice %arg12[%dma_wait3A_183, %dma_wait3A_184] : memref<10240x128xf32, #tpu.memory_space<vmem_shared>> -> memref<10240x128xf32, #tpu.memory_space<vmem_shared>>
        tpu.wait_indirect_dma semaphore(%run_scoped3A_173 : memref<!tpu.dma_semaphore, #tpu.memory_space<semaphore_mem>>) src(%arg10 : memref<128x128xf32, #tpu.memory_space<vmem>>) dst(%dma_wait3A_185 : memref<10240x128xf32, #tpu.memory_space<vmem_shared>>)
        tpu.yield
      }) : () -> ()
      %dma_start3A_93 = arith.constant 4 : i32
      %dma_start3A_94 = arith.constant 0 : i32
      %dma_start3A_95 = tpu.memref_slice %arg8[%rem3A_54, %dma_start3A_93, %dma_start3A_94] : memref<2x8x128xi32, #tpu.memory_space<vmem>> -> memref<1x1x128xi32, #tpu.memory_space<vmem>>
      %dma_start3A_96 = tpu.memref_squeeze %dma_start3A_95 : memref<1x1x128xi32, #tpu.memory_space<vmem>> -> memref<128xi32, #tpu.memory_space<vmem>>
      %dma_start3A_97 = arith.constant 0 : i32
      %dma_start3A_98 = arith.constant 0 : i32
      %dma_start3A_99 = tpu.memref_slice %arg2[%dma_start3A_97, %dma_start3A_98] : memref<10000x128xf32, #tpu.memory_space<hbm>> -> memref<10000x128xf32, #tpu.memory_space<hbm>>
      tpu.enqueue_indirect_dma source(%dma_start3A_99 : memref<10000x128xf32, #tpu.memory_space<hbm>>) target(%arg10 : memref<128x128xf32, #tpu.memory_space<vmem>>) offsets(%dma_start3A_96 : memref<128xi32, #tpu.memory_space<vmem>>) semaphore(%arg13 : memref<!tpu.dma_semaphore, #tpu.memory_space<semaphore_mem>>)
      %dma_wait3A_100 = arith.constant 3 : i32
      %dma_wait3A_101 = arith.constant 0 : i32
      %dma_wait3A_102 = tpu.memref_slice %arg8[%rem3A_54, %dma_wait3A_100, %dma_wait3A_101] : memref<2x8x128xi32, #tpu.memory_space<vmem>> -> memref<1x1x128xi32, #tpu.memory_space<vmem>>
      %dma_wait3A_103 = tpu.memref_squeeze %dma_wait3A_102 : memref<1x1x128xi32, #tpu.memory_space<vmem>> -> memref<128xi32, #tpu.memory_space<vmem>>
      %dma_wait3A_104 = arith.constant 0 : i32
      %dma_wait3A_105 = arith.constant 0 : i32
      %dma_wait3A_106 = tpu.memref_slice %arg2[%dma_wait3A_104, %dma_wait3A_105] : memref<10000x128xf32, #tpu.memory_space<hbm>> -> memref<10000x128xf32, #tpu.memory_space<hbm>>
      tpu.wait_indirect_dma semaphore(%arg14 : memref<!tpu.dma_semaphore, #tpu.memory_space<semaphore_mem>>) src(%dma_wait3A_106 : memref<10000x128xf32, #tpu.memory_space<hbm>>) dst(%arg11 : memref<128x128xf32, #tpu.memory_space<vmem>>)
      %run_scoped3A_107 = arith.constant 3 : i32
      "tpu.region"() ({
        %run_scoped3A_173 = tpu.sem_alloc : memref<!tpu.dma_semaphore, #tpu.memory_space<semaphore_mem>>
        %dma_start3A_174 = arith.constant 0 : i32
        %dma_start3A_175 = tpu.memref_slice %arg9[%rem3A_54, %run_scoped3A_107, %dma_start3A_174] : memref<2x8x128xi32, #tpu.memory_space<vmem>> -> memref<1x1x128xi32, #tpu.memory_space<vmem>>
        %dma_start3A_176 = tpu.memref_squeeze %dma_start3A_175 : memref<1x1x128xi32, #tpu.memory_space<vmem>> -> memref<128xi32, #tpu.memory_space<vmem>>
        %dma_start3A_177 = arith.constant 0 : i32
        %dma_start3A_178 = arith.constant 0 : i32
        %dma_start3A_179 = tpu.memref_slice %arg12[%dma_start3A_177, %dma_start3A_178] : memref<10240x128xf32, #tpu.memory_space<vmem_shared>> -> memref<10240x128xf32, #tpu.memory_space<vmem_shared>>
        tpu.enqueue_indirect_dma source(%arg11 : memref<128x128xf32, #tpu.memory_space<vmem>>) target(%dma_start3A_179 : memref<10240x128xf32, #tpu.memory_space<vmem_shared>>) offsets(%dma_start3A_176 : memref<128xi32, #tpu.memory_space<vmem>>) semaphore(%run_scoped3A_173 : memref<!tpu.dma_semaphore, #tpu.memory_space<semaphore_mem>>) {add = true}
        %dma_wait3A_180 = arith.constant 0 : i32
        %dma_wait3A_181 = tpu.memref_slice %arg9[%rem3A_54, %run_scoped3A_107, %dma_wait3A_180] : memref<2x8x128xi32, #tpu.memory_space<vmem>> -> memref<1x1x128xi32, #tpu.memory_space<vmem>>
        %dma_wait3A_182 = tpu.memref_squeeze %dma_wait3A_181 : memref<1x1x128xi32, #tpu.memory_space<vmem>> -> memref<128xi32, #tpu.memory_space<vmem>>
        %dma_wait3A_183 = arith.constant 0 : i32
        %dma_wait3A_184 = arith.constant 0 : i32
        %dma_wait3A_185 = tpu.memref_slice %arg12[%dma_wait3A_183, %dma_wait3A_184] : memref<10240x128xf32, #tpu.memory_space<vmem_shared>> -> memref<10240x128xf32, #tpu.memory_space<vmem_shared>>
        tpu.wait_indirect_dma semaphore(%run_scoped3A_173 : memref<!tpu.dma_semaphore, #tpu.memory_space<semaphore_mem>>) src(%arg11 : memref<128x128xf32, #tpu.memory_space<vmem>>) dst(%dma_wait3A_185 : memref<10240x128xf32, #tpu.memory_space<vmem_shared>>)
        tpu.yield
      }) : () -> ()
      %dma_start3A_108 = arith.constant 5 : i32
      %dma_start3A_109 = arith.constant 0 : i32
      %dma_start3A_110 = tpu.memref_slice %arg8[%rem3A_54, %dma_start3A_108, %dma_start3A_109] : memref<2x8x128xi32, #tpu.memory_space<vmem>> -> memref<1x1x128xi32, #tpu.memory_space<vmem>>
      %dma_start3A_111 = tpu.memref_squeeze %dma_start3A_110 : memref<1x1x128xi32, #tpu.memory_space<vmem>> -> memref<128xi32, #tpu.memory_space<vmem>>
      %dma_start3A_112 = arith.constant 0 : i32
      %dma_start3A_113 = arith.constant 0 : i32
      %dma_start3A_114 = tpu.memref_slice %arg2[%dma_start3A_112, %dma_start3A_113] : memref<10000x128xf32, #tpu.memory_space<hbm>> -> memref<10000x128xf32, #tpu.memory_space<hbm>>
      tpu.enqueue_indirect_dma source(%dma_start3A_114 : memref<10000x128xf32, #tpu.memory_space<hbm>>) target(%arg11 : memref<128x128xf32, #tpu.memory_space<vmem>>) offsets(%dma_start3A_111 : memref<128xi32, #tpu.memory_space<vmem>>) semaphore(%arg14 : memref<!tpu.dma_semaphore, #tpu.memory_space<semaphore_mem>>)
      %dma_wait3A_115 = arith.constant 4 : i32
      %dma_wait3A_116 = arith.constant 0 : i32
      %dma_wait3A_117 = tpu.memref_slice %arg8[%rem3A_54, %dma_wait3A_115, %dma_wait3A_116] : memref<2x8x128xi32, #tpu.memory_space<vmem>> -> memref<1x1x128xi32, #tpu.memory_space<vmem>>
      %dma_wait3A_118 = tpu.memref_squeeze %dma_wait3A_117 : memref<1x1x128xi32, #tpu.memory_space<vmem>> -> memref<128xi32, #tpu.memory_space<vmem>>
      %dma_wait3A_119 = arith.constant 0 : i32
      %dma_wait3A_120 = arith.constant 0 : i32
      %dma_wait3A_121 = tpu.memref_slice %arg2[%dma_wait3A_119, %dma_wait3A_120] : memref<10000x128xf32, #tpu.memory_space<hbm>> -> memref<10000x128xf32, #tpu.memory_space<hbm>>
      tpu.wait_indirect_dma semaphore(%arg13 : memref<!tpu.dma_semaphore, #tpu.memory_space<semaphore_mem>>) src(%dma_wait3A_121 : memref<10000x128xf32, #tpu.memory_space<hbm>>) dst(%arg10 : memref<128x128xf32, #tpu.memory_space<vmem>>)
      %run_scoped3A_122 = arith.constant 4 : i32
      "tpu.region"() ({
        %run_scoped3A_173 = tpu.sem_alloc : memref<!tpu.dma_semaphore, #tpu.memory_space<semaphore_mem>>
        %dma_start3A_174 = arith.constant 0 : i32
        %dma_start3A_175 = tpu.memref_slice %arg9[%rem3A_54, %run_scoped3A_122, %dma_start3A_174] : memref<2x8x128xi32, #tpu.memory_space<vmem>> -> memref<1x1x128xi32, #tpu.memory_space<vmem>>
        %dma_start3A_176 = tpu.memref_squeeze %dma_start3A_175 : memref<1x1x128xi32, #tpu.memory_space<vmem>> -> memref<128xi32, #tpu.memory_space<vmem>>
        %dma_start3A_177 = arith.constant 0 : i32
        %dma_start3A_178 = arith.constant 0 : i32
        %dma_start3A_179 = tpu.memref_slice %arg12[%dma_start3A_177, %dma_start3A_178] : memref<10240x128xf32, #tpu.memory_space<vmem_shared>> -> memref<10240x128xf32, #tpu.memory_space<vmem_shared>>
        tpu.enqueue_indirect_dma source(%arg10 : memref<128x128xf32, #tpu.memory_space<vmem>>) target(%dma_start3A_179 : memref<10240x128xf32, #tpu.memory_space<vmem_shared>>) offsets(%dma_start3A_176 : memref<128xi32, #tpu.memory_space<vmem>>) semaphore(%run_scoped3A_173 : memref<!tpu.dma_semaphore, #tpu.memory_space<semaphore_mem>>) {add = true}
        %dma_wait3A_180 = arith.constant 0 : i32
        %dma_wait3A_181 = tpu.memref_slice %arg9[%rem3A_54, %run_scoped3A_122, %dma_wait3A_180] : memref<2x8x128xi32, #tpu.memory_space<vmem>> -> memref<1x1x128xi32, #tpu.memory_space<vmem>>
        %dma_wait3A_182 = tpu.memref_squeeze %dma_wait3A_181 : memref<1x1x128xi32, #tpu.memory_space<vmem>> -> memref<128xi32, #tpu.memory_space<vmem>>
        %dma_wait3A_183 = arith.constant 0 : i32
        %dma_wait3A_184 = arith.constant 0 : i32
        %dma_wait3A_185 = tpu.memref_slice %arg12[%dma_wait3A_183, %dma_wait3A_184] : memref<10240x128xf32, #tpu.memory_space<vmem_shared>> -> memref<10240x128xf32, #tpu.memory_space<vmem_shared>>
        tpu.wait_indirect_dma semaphore(%run_scoped3A_173 : memref<!tpu.dma_semaphore, #tpu.memory_space<semaphore_mem>>) src(%arg10 : memref<128x128xf32, #tpu.memory_space<vmem>>) dst(%dma_wait3A_185 : memref<10240x128xf32, #tpu.memory_space<vmem_shared>>)
        tpu.yield
      }) : () -> ()
      %dma_start3A_123 = arith.constant 6 : i32
      %dma_start3A_124 = arith.constant 0 : i32
      %dma_start3A_125 = tpu.memref_slice %arg8[%rem3A_54, %dma_start3A_123, %dma_start3A_124] : memref<2x8x128xi32, #tpu.memory_space<vmem>> -> memref<1x1x128xi32, #tpu.memory_space<vmem>>
      %dma_start3A_126 = tpu.memref_squeeze %dma_start3A_125 : memref<1x1x128xi32, #tpu.memory_space<vmem>> -> memref<128xi32, #tpu.memory_space<vmem>>
      %dma_start3A_127 = arith.constant 0 : i32
      %dma_start3A_128 = arith.constant 0 : i32
      %dma_start3A_129 = tpu.memref_slice %arg2[%dma_start3A_127, %dma_start3A_128] : memref<10000x128xf32, #tpu.memory_space<hbm>> -> memref<10000x128xf32, #tpu.memory_space<hbm>>
      tpu.enqueue_indirect_dma source(%dma_start3A_129 : memref<10000x128xf32, #tpu.memory_space<hbm>>) target(%arg10 : memref<128x128xf32, #tpu.memory_space<vmem>>) offsets(%dma_start3A_126 : memref<128xi32, #tpu.memory_space<vmem>>) semaphore(%arg13 : memref<!tpu.dma_semaphore, #tpu.memory_space<semaphore_mem>>)
      %dma_wait3A_130 = arith.constant 5 : i32
      %dma_wait3A_131 = arith.constant 0 : i32
      %dma_wait3A_132 = tpu.memref_slice %arg8[%rem3A_54, %dma_wait3A_130, %dma_wait3A_131] : memref<2x8x128xi32, #tpu.memory_space<vmem>> -> memref<1x1x128xi32, #tpu.memory_space<vmem>>
      %dma_wait3A_133 = tpu.memref_squeeze %dma_wait3A_132 : memref<1x1x128xi32, #tpu.memory_space<vmem>> -> memref<128xi32, #tpu.memory_space<vmem>>
      %dma_wait3A_134 = arith.constant 0 : i32
      %dma_wait3A_135 = arith.constant 0 : i32
      %dma_wait3A_136 = tpu.memref_slice %arg2[%dma_wait3A_134, %dma_wait3A_135] : memref<10000x128xf32, #tpu.memory_space<hbm>> -> memref<10000x128xf32, #tpu.memory_space<hbm>>
      tpu.wait_indirect_dma semaphore(%arg14 : memref<!tpu.dma_semaphore, #tpu.memory_space<semaphore_mem>>) src(%dma_wait3A_136 : memref<10000x128xf32, #tpu.memory_space<hbm>>) dst(%arg11 : memref<128x128xf32, #tpu.memory_space<vmem>>)
      %run_scoped3A_137 = arith.constant 5 : i32
      "tpu.region"() ({
        %run_scoped3A_173 = tpu.sem_alloc : memref<!tpu.dma_semaphore, #tpu.memory_space<semaphore_mem>>
        %dma_start3A_174 = arith.constant 0 : i32
        %dma_start3A_175 = tpu.memref_slice %arg9[%rem3A_54, %run_scoped3A_137, %dma_start3A_174] : memref<2x8x128xi32, #tpu.memory_space<vmem>> -> memref<1x1x128xi32, #tpu.memory_space<vmem>>
        %dma_start3A_176 = tpu.memref_squeeze %dma_start3A_175 : memref<1x1x128xi32, #tpu.memory_space<vmem>> -> memref<128xi32, #tpu.memory_space<vmem>>
        %dma_start3A_177 = arith.constant 0 : i32
        %dma_start3A_178 = arith.constant 0 : i32
        %dma_start3A_179 = tpu.memref_slice %arg12[%dma_start3A_177, %dma_start3A_178] : memref<10240x128xf32, #tpu.memory_space<vmem_shared>> -> memref<10240x128xf32, #tpu.memory_space<vmem_shared>>
        tpu.enqueue_indirect_dma source(%arg11 : memref<128x128xf32, #tpu.memory_space<vmem>>) target(%dma_start3A_179 : memref<10240x128xf32, #tpu.memory_space<vmem_shared>>) offsets(%dma_start3A_176 : memref<128xi32, #tpu.memory_space<vmem>>) semaphore(%run_scoped3A_173 : memref<!tpu.dma_semaphore, #tpu.memory_space<semaphore_mem>>) {add = true}
        %dma_wait3A_180 = arith.constant 0 : i32
        %dma_wait3A_181 = tpu.memref_slice %arg9[%rem3A_54, %run_scoped3A_137, %dma_wait3A_180] : memref<2x8x128xi32, #tpu.memory_space<vmem>> -> memref<1x1x128xi32, #tpu.memory_space<vmem>>
        %dma_wait3A_182 = tpu.memref_squeeze %dma_wait3A_181 : memref<1x1x128xi32, #tpu.memory_space<vmem>> -> memref<128xi32, #tpu.memory_space<vmem>>
        %dma_wait3A_183 = arith.constant 0 : i32
        %dma_wait3A_184 = arith.constant 0 : i32
        %dma_wait3A_185 = tpu.memref_slice %arg12[%dma_wait3A_183, %dma_wait3A_184] : memref<10240x128xf32, #tpu.memory_space<vmem_shared>> -> memref<10240x128xf32, #tpu.memory_space<vmem_shared>>
        tpu.wait_indirect_dma semaphore(%run_scoped3A_173 : memref<!tpu.dma_semaphore, #tpu.memory_space<semaphore_mem>>) src(%arg11 : memref<128x128xf32, #tpu.memory_space<vmem>>) dst(%dma_wait3A_185 : memref<10240x128xf32, #tpu.memory_space<vmem_shared>>)
        tpu.yield
      }) : () -> ()
      %dma_start3A_138 = arith.constant 7 : i32
      %dma_start3A_139 = arith.constant 0 : i32
      %dma_start3A_140 = tpu.memref_slice %arg8[%rem3A_54, %dma_start3A_138, %dma_start3A_139] : memref<2x8x128xi32, #tpu.memory_space<vmem>> -> memref<1x1x128xi32, #tpu.memory_space<vmem>>
      %dma_start3A_141 = tpu.memref_squeeze %dma_start3A_140 : memref<1x1x128xi32, #tpu.memory_space<vmem>> -> memref<128xi32, #tpu.memory_space<vmem>>
      %dma_start3A_142 = arith.constant 0 : i32
      %dma_start3A_143 = arith.constant 0 : i32
      %dma_start3A_144 = tpu.memref_slice %arg2[%dma_start3A_142, %dma_start3A_143] : memref<10000x128xf32, #tpu.memory_space<hbm>> -> memref<10000x128xf32, #tpu.memory_space<hbm>>
      tpu.enqueue_indirect_dma source(%dma_start3A_144 : memref<10000x128xf32, #tpu.memory_space<hbm>>) target(%arg11 : memref<128x128xf32, #tpu.memory_space<vmem>>) offsets(%dma_start3A_141 : memref<128xi32, #tpu.memory_space<vmem>>) semaphore(%arg14 : memref<!tpu.dma_semaphore, #tpu.memory_space<semaphore_mem>>)
      %dma_wait3A_145 = arith.constant 6 : i32
      %dma_wait3A_146 = arith.constant 0 : i32
      %dma_wait3A_147 = tpu.memref_slice %arg8[%rem3A_54, %dma_wait3A_145, %dma_wait3A_146] : memref<2x8x128xi32, #tpu.memory_space<vmem>> -> memref<1x1x128xi32, #tpu.memory_space<vmem>>
      %dma_wait3A_148 = tpu.memref_squeeze %dma_wait3A_147 : memref<1x1x128xi32, #tpu.memory_space<vmem>> -> memref<128xi32, #tpu.memory_space<vmem>>
      %dma_wait3A_149 = arith.constant 0 : i32
      %dma_wait3A_150 = arith.constant 0 : i32
      %dma_wait3A_151 = tpu.memref_slice %arg2[%dma_wait3A_149, %dma_wait3A_150] : memref<10000x128xf32, #tpu.memory_space<hbm>> -> memref<10000x128xf32, #tpu.memory_space<hbm>>
      tpu.wait_indirect_dma semaphore(%arg13 : memref<!tpu.dma_semaphore, #tpu.memory_space<semaphore_mem>>) src(%dma_wait3A_151 : memref<10000x128xf32, #tpu.memory_space<hbm>>) dst(%arg10 : memref<128x128xf32, #tpu.memory_space<vmem>>)
      %run_scoped3A_152 = arith.constant 6 : i32
      "tpu.region"() ({
        %run_scoped3A_173 = tpu.sem_alloc : memref<!tpu.dma_semaphore, #tpu.memory_space<semaphore_mem>>
        %dma_start3A_174 = arith.constant 0 : i32
        %dma_start3A_175 = tpu.memref_slice %arg9[%rem3A_54, %run_scoped3A_152, %dma_start3A_174] : memref<2x8x128xi32, #tpu.memory_space<vmem>> -> memref<1x1x128xi32, #tpu.memory_space<vmem>>
        %dma_start3A_176 = tpu.memref_squeeze %dma_start3A_175 : memref<1x1x128xi32, #tpu.memory_space<vmem>> -> memref<128xi32, #tpu.memory_space<vmem>>
        %dma_start3A_177 = arith.constant 0 : i32
        %dma_start3A_178 = arith.constant 0 : i32
        %dma_start3A_179 = tpu.memref_slice %arg12[%dma_start3A_177, %dma_start3A_178] : memref<10240x128xf32, #tpu.memory_space<vmem_shared>> -> memref<10240x128xf32, #tpu.memory_space<vmem_shared>>
        tpu.enqueue_indirect_dma source(%arg10 : memref<128x128xf32, #tpu.memory_space<vmem>>) target(%dma_start3A_179 : memref<10240x128xf32, #tpu.memory_space<vmem_shared>>) offsets(%dma_start3A_176 : memref<128xi32, #tpu.memory_space<vmem>>) semaphore(%run_scoped3A_173 : memref<!tpu.dma_semaphore, #tpu.memory_space<semaphore_mem>>) {add = true}
        %dma_wait3A_180 = arith.constant 0 : i32
        %dma_wait3A_181 = tpu.memref_slice %arg9[%rem3A_54, %run_scoped3A_152, %dma_wait3A_180] : memref<2x8x128xi32, #tpu.memory_space<vmem>> -> memref<1x1x128xi32, #tpu.memory_space<vmem>>
        %dma_wait3A_182 = tpu.memref_squeeze %dma_wait3A_181 : memref<1x1x128xi32, #tpu.memory_space<vmem>> -> memref<128xi32, #tpu.memory_space<vmem>>
        %dma_wait3A_183 = arith.constant 0 : i32
        %dma_wait3A_184 = arith.constant 0 : i32
        %dma_wait3A_185 = tpu.memref_slice %arg12[%dma_wait3A_183, %dma_wait3A_184] : memref<10240x128xf32, #tpu.memory_space<vmem_shared>> -> memref<10240x128xf32, #tpu.memory_space<vmem_shared>>
        tpu.wait_indirect_dma semaphore(%run_scoped3A_173 : memref<!tpu.dma_semaphore, #tpu.memory_space<semaphore_mem>>) src(%arg10 : memref<128x128xf32, #tpu.memory_space<vmem>>) dst(%dma_wait3A_185 : memref<10240x128xf32, #tpu.memory_space<vmem_shared>>)
        tpu.yield
      }) : () -> ()
      %lt3A = arith.constant 9 : i32
      %lt3A_153 = arith.cmpi slt, %scan3A_53, %lt3A : i32
      %convert_element_type3A = arith.extui %lt3A_153 : i1 to i32
      %cond3A = arith.constant 0 : i32
      %cond3A_154 = arith.cmpi ne, %convert_element_type3A, %cond3A : i32
      scf.if %cond3A_154 {
        %dma_start3A_173 = arith.constant 0 : i32
        %dma_start3A_174 = arith.constant 0 : i32
        %dma_start3A_175 = tpu.memref_slice %arg8[%sub3A_55, %dma_start3A_173, %dma_start3A_174] : memref<2x8x128xi32, #tpu.memory_space<vmem>> -> memref<1x1x128xi32, #tpu.memory_space<vmem>>
        %dma_start3A_176 = tpu.memref_squeeze %dma_start3A_175 : memref<1x1x128xi32, #tpu.memory_space<vmem>> -> memref<128xi32, #tpu.memory_space<vmem>>
        %dma_start3A_177 = arith.constant 0 : i32
        %dma_start3A_178 = arith.constant 0 : i32
        %dma_start3A_179 = tpu.memref_slice %arg2[%dma_start3A_177, %dma_start3A_178] : memref<10000x128xf32, #tpu.memory_space<hbm>> -> memref<10000x128xf32, #tpu.memory_space<hbm>>
        tpu.enqueue_indirect_dma source(%dma_start3A_179 : memref<10000x128xf32, #tpu.memory_space<hbm>>) target(%arg10 : memref<128x128xf32, #tpu.memory_space<vmem>>) offsets(%dma_start3A_176 : memref<128xi32, #tpu.memory_space<vmem>>) semaphore(%arg13 : memref<!tpu.dma_semaphore, #tpu.memory_space<semaphore_mem>>)
      } else {
      }
      %dma_wait3A_155 = arith.constant 7 : i32
      %dma_wait3A_156 = arith.constant 0 : i32
      %dma_wait3A_157 = tpu.memref_slice %arg8[%rem3A_54, %dma_wait3A_155, %dma_wait3A_156] : memref<2x8x128xi32, #tpu.memory_space<vmem>> -> memref<1x1x128xi32, #tpu.memory_space<vmem>>
      %dma_wait3A_158 = tpu.memref_squeeze %dma_wait3A_157 : memref<1x1x128xi32, #tpu.memory_space<vmem>> -> memref<128xi32, #tpu.memory_space<vmem>>
      %dma_wait3A_159 = arith.constant 0 : i32
      %dma_wait3A_160 = arith.constant 0 : i32
      %dma_wait3A_161 = tpu.memref_slice %arg2[%dma_wait3A_159, %dma_wait3A_160] : memref<10000x128xf32, #tpu.memory_space<hbm>> -> memref<10000x128xf32, #tpu.memory_space<hbm>>
      tpu.wait_indirect_dma semaphore(%arg14 : memref<!tpu.dma_semaphore, #tpu.memory_space<semaphore_mem>>) src(%dma_wait3A_161 : memref<10000x128xf32, #tpu.memory_space<hbm>>) dst(%arg11 : memref<128x128xf32, #tpu.memory_space<vmem>>)
      %run_scoped3A_162 = arith.constant 7 : i32
      "tpu.region"() ({
        %run_scoped3A_173 = tpu.sem_alloc : memref<!tpu.dma_semaphore, #tpu.memory_space<semaphore_mem>>
        %dma_start3A_174 = arith.constant 0 : i32
        %dma_start3A_175 = tpu.memref_slice %arg9[%rem3A_54, %run_scoped3A_162, %dma_start3A_174] : memref<2x8x128xi32, #tpu.memory_space<vmem>> -> memref<1x1x128xi32, #tpu.memory_space<vmem>>
        %dma_start3A_176 = tpu.memref_squeeze %dma_start3A_175 : memref<1x1x128xi32, #tpu.memory_space<vmem>> -> memref<128xi32, #tpu.memory_space<vmem>>
        %dma_start3A_177 = arith.constant 0 : i32
        %dma_start3A_178 = arith.constant 0 : i32
        %dma_start3A_179 = tpu.memref_slice %arg12[%dma_start3A_177, %dma_start3A_178] : memref<10240x128xf32, #tpu.memory_space<vmem_shared>> -> memref<10240x128xf32, #tpu.memory_space<vmem_shared>>
        tpu.enqueue_indirect_dma source(%arg11 : memref<128x128xf32, #tpu.memory_space<vmem>>) target(%dma_start3A_179 : memref<10240x128xf32, #tpu.memory_space<vmem_shared>>) offsets(%dma_start3A_176 : memref<128xi32, #tpu.memory_space<vmem>>) semaphore(%run_scoped3A_173 : memref<!tpu.dma_semaphore, #tpu.memory_space<semaphore_mem>>) {add = true}
        %dma_wait3A_180 = arith.constant 0 : i32
        %dma_wait3A_181 = tpu.memref_slice %arg9[%rem3A_54, %run_scoped3A_162, %dma_wait3A_180] : memref<2x8x128xi32, #tpu.memory_space<vmem>> -> memref<1x1x128xi32, #tpu.memory_space<vmem>>
        %dma_wait3A_182 = tpu.memref_squeeze %dma_wait3A_181 : memref<1x1x128xi32, #tpu.memory_space<vmem>> -> memref<128xi32, #tpu.memory_space<vmem>>
        %dma_wait3A_183 = arith.constant 0 : i32
        %dma_wait3A_184 = arith.constant 0 : i32
        %dma_wait3A_185 = tpu.memref_slice %arg12[%dma_wait3A_183, %dma_wait3A_184] : memref<10240x128xf32, #tpu.memory_space<vmem_shared>> -> memref<10240x128xf32, #tpu.memory_space<vmem_shared>>
        tpu.wait_indirect_dma semaphore(%run_scoped3A_173 : memref<!tpu.dma_semaphore, #tpu.memory_space<semaphore_mem>>) src(%arg11 : memref<128x128xf32, #tpu.memory_space<vmem>>) dst(%dma_wait3A_185 : memref<10240x128xf32, #tpu.memory_space<vmem_shared>>)
        tpu.yield
      }) : () -> ()
      %lt3A_163 = arith.constant 9 : i32
      %lt3A_164 = arith.cmpi slt, %scan3A_53, %lt3A_163 : i32
      %convert_element_type3A_165 = arith.extui %lt3A_164 : i1 to i32
      %cond3A_166 = arith.constant 0 : i32
      %cond3A_167 = arith.cmpi ne, %convert_element_type3A_165, %cond3A_166 : i32
      scf.if %cond3A_167 {
        %dma_start3A_173 = arith.constant 1 : i32
        %dma_start3A_174 = arith.constant 0 : i32
        %dma_start3A_175 = tpu.memref_slice %arg8[%sub3A_55, %dma_start3A_173, %dma_start3A_174] : memref<2x8x128xi32, #tpu.memory_space<vmem>> -> memref<1x1x128xi32, #tpu.memory_space<vmem>>
        %dma_start3A_176 = tpu.memref_squeeze %dma_start3A_175 : memref<1x1x128xi32, #tpu.memory_space<vmem>> -> memref<128xi32, #tpu.memory_space<vmem>>
        %dma_start3A_177 = arith.constant 0 : i32
        %dma_start3A_178 = arith.constant 0 : i32
        %dma_start3A_179 = tpu.memref_slice %arg2[%dma_start3A_177, %dma_start3A_178] : memref<10000x128xf32, #tpu.memory_space<hbm>> -> memref<10000x128xf32, #tpu.memory_space<hbm>>
        tpu.enqueue_indirect_dma source(%dma_start3A_179 : memref<10000x128xf32, #tpu.memory_space<hbm>>) target(%arg11 : memref<128x128xf32, #tpu.memory_space<vmem>>) offsets(%dma_start3A_176 : memref<128xi32, #tpu.memory_space<vmem>>) semaphore(%arg14 : memref<!tpu.dma_semaphore, #tpu.memory_space<semaphore_mem>>)
      } else {
      }
      %lt3A_168 = arith.constant 8 : i32
      %lt3A_169 = arith.cmpi slt, %scan3A_53, %lt3A_168 : i32
      %convert_element_type3A_170 = arith.extui %lt3A_169 : i1 to i32
      %cond3A_171 = arith.constant 0 : i32
      %cond3A_172 = arith.cmpi ne, %convert_element_type3A_170, %cond3A_171 : i32
      scf.if %cond3A_172 {
        %add3A_173 = arith.constant 2 : i32
        %add3A_174 = arith.addi %scan3A_53, %add3A_173 : i32
        "tpu.region"() ({
          %run_scoped3A_177 = tpu.sem_alloc : memref<!tpu.dma_semaphore, #tpu.memory_space<semaphore_mem>>
          %dma_start3A_178 = arith.constant 0 : i32
          %dma_start3A_179 = arith.constant 0 : i32
          %dma_start3A_180 = tpu.memref_slice %arg8[%rem3A_54, %dma_start3A_178, %dma_start3A_179] : memref<2x8x128xi32, #tpu.memory_space<vmem>> -> memref<1x8x128xi32, #tpu.memory_space<vmem>>
          %dma_start3A_181 = tpu.memref_squeeze %dma_start3A_180 : memref<1x8x128xi32, #tpu.memory_space<vmem>> -> memref<8x128xi32, #tpu.memory_space<vmem>>
          %dma_start3A_182 = arith.constant 0 : i32
          %dma_start3A_183 = arith.constant 0 : i32
          %dma_start3A_184 = tpu.memref_slice %arg4[%add3A, %add3A_174, %dma_start3A_182, %dma_start3A_183] : memref<32x10x8x128xi32, #tpu.memory_space<hbm>> -> memref<1x1x8x128xi32, #tpu.memory_space<hbm>>
          %dma_start3A_185 = tpu.memref_squeeze %dma_start3A_184 : memref<1x1x8x128xi32, #tpu.memory_space<hbm>> -> memref<8x128xi32, #tpu.memory_space<hbm>>
          %dma_start3A_186 = arith.constant 0 : i32
          %dma_start3A_187 = arith.constant 0 : i32
          %dma_start3A_188 = tpu.memref_slice %arg8[%rem3A_54, %dma_start3A_186, %dma_start3A_187] : memref<2x8x128xi32, #tpu.memory_space<vmem>> -> memref<1x8x128xi32, #tpu.memory_space<vmem>>
          %dma_start3A_189 = tpu.memref_squeeze %dma_start3A_188 : memref<1x8x128xi32, #tpu.memory_space<vmem>> -> memref<8x128xi32, #tpu.memory_space<vmem>>
          %dma_start3A_190 = arith.constant 0 : i32
          %dma_start3A_191 = arith.constant 0 : i32
          %dma_start3A_192 = tpu.memref_slice %arg4[%add3A, %add3A_174, %dma_start3A_190, %dma_start3A_191] : memref<32x10x8x128xi32, #tpu.memory_space<hbm>> -> memref<1x1x8x128xi32, #tpu.memory_space<hbm>>
          %dma_start3A_193 = tpu.memref_squeeze %dma_start3A_192 : memref<1x1x8x128xi32, #tpu.memory_space<hbm>> -> memref<8x128xi32, #tpu.memory_space<hbm>>
          tpu.enqueue_dma source(%dma_start3A_193 : memref<8x128xi32, #tpu.memory_space<hbm>>) target(%dma_start3A_189 : memref<8x128xi32, #tpu.memory_space<vmem>>) target_semaphore(%run_scoped3A_177 : memref<!tpu.dma_semaphore, #tpu.memory_space<semaphore_mem>>)
          %dma_wait3A_194 = arith.constant 0 : i32
          %dma_wait3A_195 = arith.constant 0 : i32
          %dma_wait3A_196 = tpu.memref_slice %arg8[%rem3A_54, %dma_wait3A_194, %dma_wait3A_195] : memref<2x8x128xi32, #tpu.memory_space<vmem>> -> memref<1x8x128xi32, #tpu.memory_space<vmem>>
          %dma_wait3A_197 = tpu.memref_squeeze %dma_wait3A_196 : memref<1x8x128xi32, #tpu.memory_space<vmem>> -> memref<8x128xi32, #tpu.memory_space<vmem>>
          %dma_wait3A_198 = arith.constant 0 : i32
          %dma_wait3A_199 = arith.constant 0 : i32
          %dma_wait3A_200 = tpu.memref_slice %arg4[%add3A, %add3A_174, %dma_wait3A_198, %dma_wait3A_199] : memref<32x10x8x128xi32, #tpu.memory_space<hbm>> -> memref<1x1x8x128xi32, #tpu.memory_space<hbm>>
          %dma_wait3A_201 = tpu.memref_squeeze %dma_wait3A_200 : memref<1x1x8x128xi32, #tpu.memory_space<hbm>> -> memref<8x128xi32, #tpu.memory_space<hbm>>
          %dma_wait3A_202 = arith.constant 0 : i32
          %dma_wait3A_203 = arith.constant 0 : i32
          %dma_wait3A_204 = tpu.memref_slice %arg8[%rem3A_54, %dma_wait3A_202, %dma_wait3A_203] : memref<2x8x128xi32, #tpu.memory_space<vmem>> -> memref<1x8x128xi32, #tpu.memory_space<vmem>>
          %dma_wait3A_205 = tpu.memref_squeeze %dma_wait3A_204 : memref<1x8x128xi32, #tpu.memory_space<vmem>> -> memref<8x128xi32, #tpu.memory_space<vmem>>
          %dma_wait3A_206 = arith.constant 0 : i32
          %dma_wait3A_207 = arith.constant 0 : i32
          %dma_wait3A_208 = tpu.memref_slice %arg4[%add3A, %add3A_174, %dma_wait3A_206, %dma_wait3A_207] : memref<32x10x8x128xi32, #tpu.memory_space<hbm>> -> memref<1x1x8x128xi32, #tpu.memory_space<hbm>>
          %dma_wait3A_209 = tpu.memref_squeeze %dma_wait3A_208 : memref<1x1x8x128xi32, #tpu.memory_space<hbm>> -> memref<8x128xi32, #tpu.memory_space<hbm>>
          tpu.wait_dma2 semaphore(%run_scoped3A_177 : memref<!tpu.dma_semaphore, #tpu.memory_space<semaphore_mem>>) src(%dma_wait3A_209 : memref<8x128xi32, #tpu.memory_space<hbm>>) dst(%dma_wait3A_205 : memref<8x128xi32, #tpu.memory_space<vmem>>)
          tpu.yield
        }) : () -> ()
        %add3A_175 = arith.constant 2 : i32
        %add3A_176 = arith.addi %scan3A_53, %add3A_175 : i32
        "tpu.region"() ({
          %run_scoped3A_177 = tpu.sem_alloc : memref<!tpu.dma_semaphore, #tpu.memory_space<semaphore_mem>>
          %dma_start3A_178 = arith.constant 0 : i32
          %dma_start3A_179 = arith.constant 0 : i32
          %dma_start3A_180 = tpu.memref_slice %arg9[%rem3A_54, %dma_start3A_178, %dma_start3A_179] : memref<2x8x128xi32, #tpu.memory_space<vmem>> -> memref<1x8x128xi32, #tpu.memory_space<vmem>>
          %dma_start3A_181 = tpu.memref_squeeze %dma_start3A_180 : memref<1x8x128xi32, #tpu.memory_space<vmem>> -> memref<8x128xi32, #tpu.memory_space<vmem>>
          %dma_start3A_182 = arith.constant 0 : i32
          %dma_start3A_183 = arith.constant 0 : i32
          %dma_start3A_184 = tpu.memref_slice %arg5[%add3A, %add3A_176, %dma_start3A_182, %dma_start3A_183] : memref<32x10x8x128xi32, #tpu.memory_space<hbm>> -> memref<1x1x8x128xi32, #tpu.memory_space<hbm>>
          %dma_start3A_185 = tpu.memref_squeeze %dma_start3A_184 : memref<1x1x8x128xi32, #tpu.memory_space<hbm>> -> memref<8x128xi32, #tpu.memory_space<hbm>>
          %dma_start3A_186 = arith.constant 0 : i32
          %dma_start3A_187 = arith.constant 0 : i32
          %dma_start3A_188 = tpu.memref_slice %arg9[%rem3A_54, %dma_start3A_186, %dma_start3A_187] : memref<2x8x128xi32, #tpu.memory_space<vmem>> -> memref<1x8x128xi32, #tpu.memory_space<vmem>>
          %dma_start3A_189 = tpu.memref_squeeze %dma_start3A_188 : memref<1x8x128xi32, #tpu.memory_space<vmem>> -> memref<8x128xi32, #tpu.memory_space<vmem>>
          %dma_start3A_190 = arith.constant 0 : i32
          %dma_start3A_191 = arith.constant 0 : i32
          %dma_start3A_192 = tpu.memref_slice %arg5[%add3A, %add3A_176, %dma_start3A_190, %dma_start3A_191] : memref<32x10x8x128xi32, #tpu.memory_space<hbm>> -> memref<1x1x8x128xi32, #tpu.memory_space<hbm>>
          %dma_start3A_193 = tpu.memref_squeeze %dma_start3A_192 : memref<1x1x8x128xi32, #tpu.memory_space<hbm>> -> memref<8x128xi32, #tpu.memory_space<hbm>>
          tpu.enqueue_dma source(%dma_start3A_193 : memref<8x128xi32, #tpu.memory_space<hbm>>) target(%dma_start3A_189 : memref<8x128xi32, #tpu.memory_space<vmem>>) target_semaphore(%run_scoped3A_177 : memref<!tpu.dma_semaphore, #tpu.memory_space<semaphore_mem>>)
          %dma_wait3A_194 = arith.constant 0 : i32
          %dma_wait3A_195 = arith.constant 0 : i32
          %dma_wait3A_196 = tpu.memref_slice %arg9[%rem3A_54, %dma_wait3A_194, %dma_wait3A_195] : memref<2x8x128xi32, #tpu.memory_space<vmem>> -> memref<1x8x128xi32, #tpu.memory_space<vmem>>
          %dma_wait3A_197 = tpu.memref_squeeze %dma_wait3A_196 : memref<1x8x128xi32, #tpu.memory_space<vmem>> -> memref<8x128xi32, #tpu.memory_space<vmem>>
          %dma_wait3A_198 = arith.constant 0 : i32
          %dma_wait3A_199 = arith.constant 0 : i32
          %dma_wait3A_200 = tpu.memref_slice %arg5[%add3A, %add3A_176, %dma_wait3A_198, %dma_wait3A_199] : memref<32x10x8x128xi32, #tpu.memory_space<hbm>> -> memref<1x1x8x128xi32, #tpu.memory_space<hbm>>
          %dma_wait3A_201 = tpu.memref_squeeze %dma_wait3A_200 : memref<1x1x8x128xi32, #tpu.memory_space<hbm>> -> memref<8x128xi32, #tpu.memory_space<hbm>>
          %dma_wait3A_202 = arith.constant 0 : i32
          %dma_wait3A_203 = arith.constant 0 : i32
          %dma_wait3A_204 = tpu.memref_slice %arg9[%rem3A_54, %dma_wait3A_202, %dma_wait3A_203] : memref<2x8x128xi32, #tpu.memory_space<vmem>> -> memref<1x8x128xi32, #tpu.memory_space<vmem>>
          %dma_wait3A_205 = tpu.memref_squeeze %dma_wait3A_204 : memref<1x8x128xi32, #tpu.memory_space<vmem>> -> memref<8x128xi32, #tpu.memory_space<vmem>>
          %dma_wait3A_206 = arith.constant 0 : i32
          %dma_wait3A_207 = arith.constant 0 : i32
          %dma_wait3A_208 = tpu.memref_slice %arg5[%add3A, %add3A_176, %dma_wait3A_206, %dma_wait3A_207] : memref<32x10x8x128xi32, #tpu.memory_space<hbm>> -> memref<1x1x8x128xi32, #tpu.memory_space<hbm>>
          %dma_wait3A_209 = tpu.memref_squeeze %dma_wait3A_208 : memref<1x1x8x128xi32, #tpu.memory_space<hbm>> -> memref<8x128xi32, #tpu.memory_space<hbm>>
          tpu.wait_dma2 semaphore(%run_scoped3A_177 : memref<!tpu.dma_semaphore, #tpu.memory_space<semaphore_mem>>) src(%dma_wait3A_209 : memref<8x128xi32, #tpu.memory_space<hbm>>) dst(%dma_wait3A_205 : memref<8x128xi32, #tpu.memory_space<vmem>>)
          tpu.yield
        }) : () -> ()
      } else {
      }
    }
    %scan3A_47 = arith.constant 10 : i32
    %barrier3A_48 = arith.constant 0 : index
    tpu.barrier barrier_id(%barrier3A_48)
    %mul3A_49 = arith.constant 640 : i32
    %mul3A_50 = arith.muli %arg1, %mul3A_49 : i32
    %mul3A_51 = arith.constant 640 : i32
    %mul3A_52 = arith.muli %arg1, %mul3A_51 : i32
    "tpu.region"() ({
      %run_scoped3A_53 = tpu.sem_alloc : memref<!tpu.dma_semaphore, #tpu.memory_space<semaphore_mem>>
      %dma_start3A_54 = arith.constant 0 : i32
      %dma_start3A_55 = tpu.memref_slice %arg7[%arg0, %mul3A_52, %dma_start3A_54] : memref<2x10240x128xf32, #tpu.memory_space<hbm>> -> memref<1x640x128xf32, #tpu.memory_space<hbm>>
      %dma_start3A_56 = tpu.memref_squeeze %dma_start3A_55 : memref<1x640x128xf32, #tpu.memory_space<hbm>> -> memref<640x128xf32, #tpu.memory_space<hbm>>
      %dma_start3A_57 = arith.constant 0 : i32
      %dma_start3A_58 = tpu.memref_slice %arg12[%mul3A_50, %dma_start3A_57] : memref<10240x128xf32, #tpu.memory_space<vmem_shared>> -> memref<640x128xf32, #tpu.memory_space<vmem_shared>>
      tpu.enqueue_dma source(%dma_start3A_58 : memref<640x128xf32, #tpu.memory_space<vmem_shared>>) target(%dma_start3A_56 : memref<640x128xf32, #tpu.memory_space<hbm>>) target_semaphore(%run_scoped3A_53 : memref<!tpu.dma_semaphore, #tpu.memory_space<semaphore_mem>>)
      %dma_wait3A = arith.constant 0 : i32
      %dma_wait3A_59 = tpu.memref_slice %arg7[%arg0, %mul3A_52, %dma_wait3A] : memref<2x10240x128xf32, #tpu.memory_space<hbm>> -> memref<1x640x128xf32, #tpu.memory_space<hbm>>
      %dma_wait3A_60 = tpu.memref_squeeze %dma_wait3A_59 : memref<1x640x128xf32, #tpu.memory_space<hbm>> -> memref<640x128xf32, #tpu.memory_space<hbm>>
      %dma_wait3A_61 = arith.constant 0 : i32
      %dma_wait3A_62 = tpu.memref_slice %arg12[%mul3A_50, %dma_wait3A_61] : memref<10240x128xf32, #tpu.memory_space<vmem_shared>> -> memref<640x128xf32, #tpu.memory_space<vmem_shared>>
      tpu.wait_dma2 semaphore(%run_scoped3A_53 : memref<!tpu.dma_semaphore, #tpu.memory_space<semaphore_mem>>) src(%dma_wait3A_62 : memref<640x128xf32, #tpu.memory_space<vmem_shared>>) dst(%dma_wait3A_60 : memref<640x128xf32, #tpu.memory_space<hbm>>)
      tpu.yield
    }) : () -> ()
    return
  }
}

module attributes {stable_mosaic.version = 14 : i64} {
  func.func @_mid1_body(%arg0: i32, %arg1: memref<2x1000x128xf32, #tpu.memory_space<vmem>>, %arg2: memref<1000x128xf32, #tpu.memory_space<vmem>>, %arg3: memref<1000x1xf32, #tpu.memory_space<vmem>>, %arg4: memref<1x64xf32, #tpu.memory_space<vmem>>, %arg5: memref<64x128xf32, #tpu.memory_space<vmem>>, %arg6: memref<1000x128xf32, #tpu.memory_space<vmem>>) attributes {dimension_semantics = [#tpu.dimension_semantics<arbitrary>], iteration_bounds = array<i64: 10>, scalar_prefetch = 0 : i64, scratch_operands = 0 : i64, tpu.core_type = #tpu.core_type<tc>, window_params = [{transform_indices = @transform_0, window_bounds = array<i64: 2, 1000, 128>}, {transform_indices = @transform_1, window_bounds = array<i64: 1000, 128>}, {transform_indices = @transform_2, window_bounds = array<i64: 1000, 1>}, {pipeline_mode = #tpu.pipeline_mode<synchronous>, transform_indices = @transform_3, window_bounds = array<i64: 1, 64>}, {pipeline_mode = #tpu.pipeline_mode<synchronous>, transform_indices = @transform_4, window_bounds = array<i64: 64, 128>}, {transform_indices = @transform_5, window_bounds = array<i64: 1000, 128>}]} {
    %get3A = arith.constant 0 : index
    %get3A_0 = arith.constant 0 : index
    %get3A_1 = vector.load %arg3[%get3A, %get3A_0] : memref<1000x1xf32, #tpu.memory_space<vmem>>, vector<1000x1xf32>
    %get3A_2 = arith.constant 0 : index
    %get3A_3 = arith.constant 0 : index
    %get3A_4 = arith.constant 0 : index
    %get3A_5 = vector.load %arg1[%get3A_2, %get3A_3, %get3A_4] : memref<2x1000x128xf32, #tpu.memory_space<vmem>>, vector<1x1000x128xf32>
    %get3A_6 = vector.shape_cast %get3A_5 : vector<1x1000x128xf32> to vector<1000x128xf32>
    %get3A_7 = arith.constant 1 : index
    %get3A_8 = arith.constant 0 : index
    %get3A_9 = arith.constant 0 : index
    %get3A_10 = vector.load %arg1[%get3A_7, %get3A_8, %get3A_9] : memref<2x1000x128xf32, #tpu.memory_space<vmem>>, vector<1x1000x128xf32>
    %get3A_11 = vector.shape_cast %get3A_10 : vector<1x1000x128xf32> to vector<1000x128xf32>
    %add3A = arith.addf %get3A_6, %get3A_11 : vector<1000x128xf32>
    %get3A_12 = arith.constant 0 : index
    %get3A_13 = arith.constant 0 : index
    %get3A_14 = vector.load %arg2[%get3A_12, %get3A_13] : memref<1000x128xf32, #tpu.memory_space<vmem>>, vector<1000x128xf32>
    %add3A_15 = arith.addf %add3A, %get3A_14 : vector<1000x128xf32>
    %slice3A = vector.extract_strided_slice %add3A_15 {offsets = [0, 0], sizes = [1000, 64], strides = [1, 1]} : vector<1000x128xf32> to vector<1000x64xf32>
    %mul3A = vector.broadcast %get3A_1 : vector<1000x1xf32> to vector<1000x64xf32>
    %mul3A_16 = arith.mulf %mul3A, %slice3A : vector<1000x64xf32>
    %get3A_17 = arith.constant 0 : index
    %get3A_18 = arith.constant 0 : index
    %get3A_19 = vector.load %arg4[%get3A_17, %get3A_18] : memref<1x64xf32, #tpu.memory_space<vmem>>, vector<1x64xf32>
    %add3A_20 = vector.broadcast %get3A_19 : vector<1x64xf32> to vector<1000x64xf32>
    %add3A_21 = arith.addf %mul3A_16, %add3A_20 : vector<1000x64xf32>
    %max3A = arith.constant 0.000000e+00 : f32
    %max3A_22 = vector.broadcast %max3A : f32 to vector<1000x64xf32>
    %max3A_23 = arith.maximumf %add3A_21, %max3A_22 : vector<1000x64xf32>
    %get3A_24 = arith.constant 0 : index
    %get3A_25 = arith.constant 0 : index
    %get3A_26 = vector.load %arg5[%get3A_24, %get3A_25] : memref<64x128xf32, #tpu.memory_space<vmem>>, vector<64x128xf32>
    %dot_general3A = arith.constant dense<0.000000e+00> : vector<1000x128xf32>
    %dot_general3A_27 = tpu.matmul %max3A_23, %get3A_26, %dot_general3A {dimension_numbers = #tpu.dot_dimension_numbers<[1], [0], [0], [1], [0, 0, 1, 1], [], []>, transpose_lhs_hint = false} : vector<1000x64xf32>, vector<64x128xf32>, vector<1000x128xf32> -> vector<1000x128xf32>
    %mul3A_28 = vector.broadcast %get3A_1 : vector<1000x1xf32> to vector<1000x128xf32>
    %mul3A_29 = arith.mulf %dot_general3A_27, %mul3A_28 : vector<1000x128xf32>
    %swap3A = arith.constant 0 : index
    %swap3A_30 = arith.constant 0 : index
    %swap3A_31 = vector.load %arg6[%swap3A, %swap3A_30] : memref<1000x128xf32, #tpu.memory_space<vmem>>, vector<1000x128xf32>
    tpu.vector_store %arg6[%swap3A, %swap3A_30], %mul3A_29 {strides = array<i32>} : memref<1000x128xf32, #tpu.memory_space<vmem>>, vector<1000x128xf32>,
    return
  }
  func.func @transform_0(%arg0: i32) -> (i32, i32, i32) {
    %c0_i32 = arith.constant 0 : i32
    %c0_i32_0 = arith.constant 0 : i32
    %c0_i32_1 = arith.constant 0 : i32
    return %c0_i32, %arg0, %c0_i32_0 : i32, i32, i32
  }
  func.func @transform_1(%arg0: i32) -> (i32, i32) {
    %c0_i32 = arith.constant 0 : i32
    %c0_i32_0 = arith.constant 0 : i32
    return %arg0, %c0_i32 : i32, i32
  }
  func.func @transform_2(%arg0: i32) -> (i32, i32) {
    %c0_i32 = arith.constant 0 : i32
    %c0_i32_0 = arith.constant 0 : i32
    return %arg0, %c0_i32 : i32, i32
  }
  func.func @transform_3(%arg0: i32) -> (i32, i32) {
    %c0_i32 = arith.constant 0 : i32
    %c0_i32_0 = arith.constant 0 : i32
    %c0_i32_1 = arith.constant 0 : i32
    return %c0_i32, %c0_i32_0 : i32, i32
  }
  func.func @transform_4(%arg0: i32) -> (i32, i32) {
    %c0_i32 = arith.constant 0 : i32
    %c0_i32_0 = arith.constant 0 : i32
    %c0_i32_1 = arith.constant 0 : i32
    return %c0_i32, %c0_i32_0 : i32, i32
  }
  func.func @transform_5(%arg0: i32) -> (i32, i32) {
    %c0_i32 = arith.constant 0 : i32
    %c0_i32_0 = arith.constant 0 : i32
    return %arg0, %c0_i32 : i32, i32
  }
}

module attributes {stable_mosaic.version = 14 : i64} {
  func.func @_pre_body(%arg0: i32, %arg1: memref<1000x128xf32, #tpu.memory_space<vmem>>, %arg2: memref<128x64xf32, #tpu.memory_space<vmem>>, %arg3: memref<2x1000x128xf32, #tpu.memory_space<vmem>>, %arg4: memref<1000x128xf32, #tpu.memory_space<vmem>>, %arg5: memref<1000x1xf32, #tpu.memory_space<vmem>>) attributes {dimension_semantics = [#tpu.dimension_semantics<arbitrary>], iteration_bounds = array<i64: 10>, scalar_prefetch = 0 : i64, scratch_operands = 0 : i64, tpu.core_type = #tpu.core_type<tc>, window_params = [{transform_indices = @transform_0, window_bounds = array<i64: 1000, 128>}, {pipeline_mode = #tpu.pipeline_mode<synchronous>, transform_indices = @transform_1, window_bounds = array<i64: 128, 64>}, {transform_indices = @transform_2, window_bounds = array<i64: 2, 1000, 128>}, {transform_indices = @transform_3, window_bounds = array<i64: 1000, 128>}, {transform_indices = @transform_4, window_bounds = array<i64: 1000, 1>}]} {
    %get3A = arith.constant 0 : index
    %get3A_0 = arith.constant 0 : index
    %get3A_1 = arith.constant 0 : index
    %get3A_2 = vector.load %arg3[%get3A, %get3A_0, %get3A_1] : memref<2x1000x128xf32, #tpu.memory_space<vmem>>, vector<1x1000x128xf32>
    %get3A_3 = vector.shape_cast %get3A_2 : vector<1x1000x128xf32> to vector<1000x128xf32>
    %get3A_4 = arith.constant 1 : index
    %get3A_5 = arith.constant 0 : index
    %get3A_6 = arith.constant 0 : index
    %get3A_7 = vector.load %arg3[%get3A_4, %get3A_5, %get3A_6] : memref<2x1000x128xf32, #tpu.memory_space<vmem>>, vector<1x1000x128xf32>
    %get3A_8 = vector.shape_cast %get3A_7 : vector<1x1000x128xf32> to vector<1000x128xf32>
    %add3A = arith.addf %get3A_3, %get3A_8 : vector<1000x128xf32>
    %slice3A = vector.extract_strided_slice %add3A {offsets = [0, 0], sizes = [1000, 1], strides = [1, 1]} : vector<1000x128xf32> to vector<1000x1xf32>
    %add3A_9 = arith.constant 1.000000e+00 : f32
    %add3A_10 = vector.broadcast %add3A_9 : f32 to vector<1000x1xf32>
    %add3A_11 = arith.addf %slice3A, %add3A_10 : vector<1000x1xf32>
    %rsqrt3A = math.rsqrt %add3A_11 : vector<1000x1xf32>
    %get3A_12 = arith.constant 0 : index
    %get3A_13 = arith.constant 0 : index
    %get3A_14 = vector.load %arg1[%get3A_12, %get3A_13] : memref<1000x128xf32, #tpu.memory_space<vmem>>, vector<1000x128xf32>
    %get3A_15 = arith.constant 0 : index
    %get3A_16 = arith.constant 0 : index
    %get3A_17 = vector.load %arg2[%get3A_15, %get3A_16] : memref<128x64xf32, #tpu.memory_space<vmem>>, vector<128x64xf32>
    %dot_general3A = arith.constant dense<0.000000e+00> : vector<1000x64xf32>
    %dot_general3A_18 = tpu.matmul %get3A_14, %get3A_17, %dot_general3A {dimension_numbers = #tpu.dot_dimension_numbers<[1], [0], [0], [1], [0, 0, 1, 1], [], []>, transpose_lhs_hint = false} : vector<1000x128xf32>, vector<128x64xf32>, vector<1000x64xf32> -> vector<1000x64xf32>
    %mul3A = vector.broadcast %rsqrt3A : vector<1000x1xf32> to vector<1000x64xf32>
    %mul3A_19 = arith.mulf %dot_general3A_18, %mul3A : vector<1000x64xf32>
    %broadcast_in_dim3A = arith.constant 0.000000e+00 : f32
    %broadcast_in_dim3A_20 = vector.broadcast %broadcast_in_dim3A : f32 to vector<1000x64xf32>
    %concatenate3A = tpu.concatenate %mul3A_19, %broadcast_in_dim3A_20 in 1 : vector<1000x64xf32>, vector<1000x64xf32> -> vector<1000x128xf32>
    %swap3A = arith.constant 0 : index
    %swap3A_21 = arith.constant 0 : index
    %swap3A_22 = vector.load %arg4[%swap3A, %swap3A_21] : memref<1000x128xf32, #tpu.memory_space<vmem>>, vector<1000x128xf32>
    tpu.vector_store %arg4[%swap3A, %swap3A_21], %concatenate3A {strides = array<i32>} : memref<1000x128xf32, #tpu.memory_space<vmem>>, vector<1000x128xf32>,
    %swap3A_23 = arith.constant 0 : index
    %swap3A_24 = arith.constant 0 : index
    %swap3A_25 = vector.load %arg5[%swap3A_23, %swap3A_24] : memref<1000x1xf32, #tpu.memory_space<vmem>>, vector<1000x1xf32>
    tpu.vector_store %arg5[%swap3A_23, %swap3A_24], %rsqrt3A {strides = array<i32>} : memref<1000x1xf32, #tpu.memory_space<vmem>>, vector<1000x1xf32>,
    return
  }
  func.func @transform_0(%arg0: i32) -> (i32, i32) {
    %c0_i32 = arith.constant 0 : i32
    %c0_i32_0 = arith.constant 0 : i32
    return %arg0, %c0_i32 : i32, i32
  }
  func.func @transform_1(%arg0: i32) -> (i32, i32) {
    %c0_i32 = arith.constant 0 : i32
    %c0_i32_0 = arith.constant 0 : i32
    %c0_i32_1 = arith.constant 0 : i32
    return %c0_i32, %c0_i32_0 : i32, i32
  }
  func.func @transform_2(%arg0: i32) -> (i32, i32, i32) {
    %c0_i32 = arith.constant 0 : i32
    %c0_i32_0 = arith.constant 0 : i32
    %c0_i32_1 = arith.constant 0 : i32
    return %c0_i32, %arg0, %c0_i32_0 : i32, i32, i32
  }
  func.func @transform_3(%arg0: i32) -> (i32, i32) {
    %c0_i32 = arith.constant 0 : i32
    %c0_i32_0 = arith.constant 0 : i32
    return %arg0, %c0_i32 : i32, i32
  }
  func.func @transform_4(%arg0: i32) -> (i32, i32) {
    %c0_i32 = arith.constant 0 : i32
    %c0_i32_0 = arith.constant 0 : i32
    return %arg0, %c0_i32 : i32, i32
  }
}

module attributes {stable_mosaic.version = 14 : i64} {
  func.func @_mid2_body(%arg0: i32, %arg1: memref<2x1000x128xf32, #tpu.memory_space<vmem>>, %arg2: memref<1000x128xf32, #tpu.memory_space<vmem>>, %arg3: memref<1000x1xf32, #tpu.memory_space<vmem>>, %arg4: memref<1x128xf32, #tpu.memory_space<vmem>>, %arg5: memref<128x256xf32, #tpu.memory_space<vmem>>, %arg6: memref<1000x128xf32, #tpu.memory_space<vmem>>, %arg7: memref<1000x128xf32, #tpu.memory_space<vmem>>) attributes {dimension_semantics = [#tpu.dimension_semantics<arbitrary>], iteration_bounds = array<i64: 10>, scalar_prefetch = 0 : i64, scratch_operands = 0 : i64, tpu.core_type = #tpu.core_type<tc>, window_params = [{transform_indices = @transform_0, window_bounds = array<i64: 2, 1000, 128>}, {transform_indices = @transform_1, window_bounds = array<i64: 1000, 128>}, {transform_indices = @transform_2, window_bounds = array<i64: 1000, 1>}, {pipeline_mode = #tpu.pipeline_mode<synchronous>, transform_indices = @transform_3, window_bounds = array<i64: 1, 128>}, {pipeline_mode = #tpu.pipeline_mode<synchronous>, transform_indices = @transform_4, window_bounds = array<i64: 128, 256>}, {transform_indices = @transform_5, window_bounds = array<i64: 1000, 128>}, {transform_indices = @transform_6, window_bounds = array<i64: 1000, 128>}]} {
    %get3A = arith.constant 0 : index
    %get3A_0 = arith.constant 0 : index
    %get3A_1 = vector.load %arg3[%get3A, %get3A_0] : memref<1000x1xf32, #tpu.memory_space<vmem>>, vector<1000x1xf32>
    %get3A_2 = arith.constant 0 : index
    %get3A_3 = arith.constant 0 : index
    %get3A_4 = arith.constant 0 : index
    %get3A_5 = vector.load %arg1[%get3A_2, %get3A_3, %get3A_4] : memref<2x1000x128xf32, #tpu.memory_space<vmem>>, vector<1x1000x128xf32>
    %get3A_6 = vector.shape_cast %get3A_5 : vector<1x1000x128xf32> to vector<1000x128xf32>
    %get3A_7 = arith.constant 1 : index
    %get3A_8 = arith.constant 0 : index
    %get3A_9 = arith.constant 0 : index
    %get3A_10 = vector.load %arg1[%get3A_7, %get3A_8, %get3A_9] : memref<2x1000x128xf32, #tpu.memory_space<vmem>>, vector<1x1000x128xf32>
    %get3A_11 = vector.shape_cast %get3A_10 : vector<1x1000x128xf32> to vector<1000x128xf32>
    %add3A = arith.addf %get3A_6, %get3A_11 : vector<1000x128xf32>
    %get3A_12 = arith.constant 0 : index
    %get3A_13 = arith.constant 0 : index
    %get3A_14 = vector.load %arg2[%get3A_12, %get3A_13] : memref<1000x128xf32, #tpu.memory_space<vmem>>, vector<1000x128xf32>
    %add3A_15 = arith.addf %add3A, %get3A_14 : vector<1000x128xf32>
    %mul3A = vector.broadcast %get3A_1 : vector<1000x1xf32> to vector<1000x128xf32>
    %mul3A_16 = arith.mulf %mul3A, %add3A_15 : vector<1000x128xf32>
    %get3A_17 = arith.constant 0 : index
    %get3A_18 = arith.constant 0 : index
    %get3A_19 = vector.load %arg4[%get3A_17, %get3A_18] : memref<1x128xf32, #tpu.memory_space<vmem>>, vector<1x128xf32>
    %add3A_20 = vector.broadcast %get3A_19 : vector<1x128xf32> to vector<1000x128xf32>
    %add3A_21 = arith.addf %mul3A_16, %add3A_20 : vector<1000x128xf32>
    %max3A = arith.constant 0.000000e+00 : f32
    %max3A_22 = vector.broadcast %max3A : f32 to vector<1000x128xf32>
    %max3A_23 = arith.maximumf %add3A_21, %max3A_22 : vector<1000x128xf32>
    %get3A_24 = arith.constant 0 : index
    %get3A_25 = arith.constant 0 : index
    %get3A_26 = vector.load %arg5[%get3A_24, %get3A_25] : memref<128x256xf32, #tpu.memory_space<vmem>>, vector<128x256xf32>
    %dot_general3A = arith.constant dense<0.000000e+00> : vector<1000x256xf32>
    %dot_general3A_27 = tpu.matmul %max3A_23, %get3A_26, %dot_general3A {dimension_numbers = #tpu.dot_dimension_numbers<[1], [0], [0], [1], [0, 0, 1, 1], [], []>, transpose_lhs_hint = false} : vector<1000x128xf32>, vector<128x256xf32>, vector<1000x256xf32> -> vector<1000x256xf32>
    %mul3A_28 = vector.broadcast %get3A_1 : vector<1000x1xf32> to vector<1000x256xf32>
    %mul3A_29 = arith.mulf %dot_general3A_27, %mul3A_28 : vector<1000x256xf32>
    %slice3A = vector.extract_strided_slice %mul3A_29 {offsets = [0, 0], sizes = [1000, 128], strides = [1, 1]} : vector<1000x256xf32> to vector<1000x128xf32>
    %swap3A = arith.constant 0 : index
    %swap3A_30 = arith.constant 0 : index
    %swap3A_31 = vector.load %arg6[%swap3A, %swap3A_30] : memref<1000x128xf32, #tpu.memory_space<vmem>>, vector<1000x128xf32>
    tpu.vector_store %arg6[%swap3A, %swap3A_30], %slice3A {strides = array<i32>} : memref<1000x128xf32, #tpu.memory_space<vmem>>, vector<1000x128xf32>,
    %slice3A_32 = vector.extract_strided_slice %mul3A_29 {offsets = [0, 128], sizes = [1000, 128], strides = [1, 1]} : vector<1000x256xf32> to vector<1000x128xf32>
    %swap3A_33 = arith.constant 0 : index
    %swap3A_34 = arith.constant 0 : index
    %swap3A_35 = vector.load %arg7[%swap3A_33, %swap3A_34] : memref<1000x128xf32, #tpu.memory_space<vmem>>, vector<1000x128xf32>
    tpu.vector_store %arg7[%swap3A_33, %swap3A_34], %slice3A_32 {strides = array<i32>} : memref<1000x128xf32, #tpu.memory_space<vmem>>, vector<1000x128xf32>,
    return
  }
  func.func @transform_0(%arg0: i32) -> (i32, i32, i32) {
    %c0_i32 = arith.constant 0 : i32
    %c0_i32_0 = arith.constant 0 : i32
    %c0_i32_1 = arith.constant 0 : i32
    return %c0_i32, %arg0, %c0_i32_0 : i32, i32, i32
  }
  func.func @transform_1(%arg0: i32) -> (i32, i32) {
    %c0_i32 = arith.constant 0 : i32
    %c0_i32_0 = arith.constant 0 : i32
    return %arg0, %c0_i32 : i32, i32
  }
  func.func @transform_2(%arg0: i32) -> (i32, i32) {
    %c0_i32 = arith.constant 0 : i32
    %c0_i32_0 = arith.constant 0 : i32
    return %arg0, %c0_i32 : i32, i32
  }
  func.func @transform_3(%arg0: i32) -> (i32, i32) {
    %c0_i32 = arith.constant 0 : i32
    %c0_i32_0 = arith.constant 0 : i32
    %c0_i32_1 = arith.constant 0 : i32
    return %c0_i32, %c0_i32_0 : i32, i32
  }
  func.func @transform_4(%arg0: i32) -> (i32, i32) {
    %c0_i32 = arith.constant 0 : i32
    %c0_i32_0 = arith.constant 0 : i32
    %c0_i32_1 = arith.constant 0 : i32
    return %c0_i32, %c0_i32_0 : i32, i32
  }
  func.func @transform_5(%arg0: i32) -> (i32, i32) {
    %c0_i32 = arith.constant 0 : i32
    %c0_i32_0 = arith.constant 0 : i32
    return %arg0, %c0_i32 : i32, i32
  }
  func.func @transform_6(%arg0: i32) -> (i32, i32) {
    %c0_i32 = arith.constant 0 : i32
    %c0_i32_0 = arith.constant 0 : i32
    return %arg0, %c0_i32 : i32, i32
  }
}

module attributes {stable_mosaic.version = 14 : i64} {
  func.func @_post_body(%arg0: i32, %arg1: memref<2x1000x128xf32, #tpu.memory_space<vmem>>, %arg2: memref<1000x128xf32, #tpu.memory_space<vmem>>, %arg3: memref<1000x128xf32, #tpu.memory_space<vmem>>, %arg4: memref<1000x1xf32, #tpu.memory_space<vmem>>, %arg5: memref<1x256xf32, #tpu.memory_space<vmem>>, %arg6: memref<1000x1xi32, #tpu.memory_space<vmem>>, %arg7: memref<256x128xf32, #tpu.memory_space<vmem>>, %arg8: memref<1x128xf32, #tpu.memory_space<vmem>>, %arg9: memref<1x128xf32, #tpu.memory_space<vmem>>, %arg10: memref<1x128xf32, #tpu.memory_space<vmem>>, %arg11: memref<128x1xf32, #tpu.memory_space<vmem>>, %arg12: memref<1x1xf32, #tpu.memory_space<vmem>>, %arg13: memref<64x1xf32, #tpu.memory_space<vmem>>, %arg14: memref<64x256xf32, #tpu.memory_space<vmem>>) attributes {dimension_semantics = [#tpu.dimension_semantics<arbitrary>], iteration_bounds = array<i64: 10>, scalar_prefetch = 0 : i64, scratch_operands = 1 : i64, tpu.core_type = #tpu.core_type<tc>, window_params = [{transform_indices = @transform_0, window_bounds = array<i64: 2, 1000, 128>}, {transform_indices = @transform_1, window_bounds = array<i64: 1000, 128>}, {transform_indices = @transform_2, window_bounds = array<i64: 1000, 128>}, {transform_indices = @transform_3, window_bounds = array<i64: 1000, 1>}, {pipeline_mode = #tpu.pipeline_mode<synchronous>, transform_indices = @transform_4, window_bounds = array<i64: 1, 256>}, {transform_indices = @transform_5, window_bounds = array<i64: 1000, 1>}, {pipeline_mode = #tpu.pipeline_mode<synchronous>, transform_indices = @transform_6, window_bounds = array<i64: 256, 128>}, {pipeline_mode = #tpu.pipeline_mode<synchronous>, transform_indices = @transform_7, window_bounds = array<i64: 1, 128>}, {pipeline_mode = #tpu.pipeline_mode<synchronous>, transform_indices = @transform_8, window_bounds = array<i64: 1, 128>}, {pipeline_mode = #tpu.pipeline_mode<synchronous>, transform_indices = @transform_9, window_bounds = array<i64: 1, 128>}, {pipeline_mode = #tpu.pipeline_mode<synchronous>, transform_indices = @transform_10, window_bounds = array<i64: 128, 1>}, {pipeline_mode = #tpu.pipeline_mode<synchronous>, transform_indices = @transform_11, window_bounds = array<i64: 1, 1>}, {pipeline_mode = #tpu.pipeline_mode<synchronous>, transform_indices = @transform_12, window_bounds = array<i64: 64, 1>}]} {
    %eq3A = arith.constant 0 : i32
    %eq3A_0 = arith.cmpi eq, %arg0, %eq3A : i32
    %convert_element_type3A = arith.extui %eq3A_0 : i1 to i32
    %cond3A = arith.constant 0 : i32
    %cond3A_1 = arith.cmpi ne, %convert_element_type3A, %cond3A : i32
    scf.if %cond3A_1 {
      %broadcast_in_dim3A = arith.constant 0xFF800000 : f32
      %broadcast_in_dim3A_55 = vector.broadcast %broadcast_in_dim3A : f32 to vector<64x256xf32>
      %swap3A = arith.constant 0 : index
      %swap3A_56 = arith.constant 0 : index
      %swap3A_57 = vector.load %arg14[%swap3A, %swap3A_56] : memref<64x256xf32, #tpu.memory_space<vmem>>, vector<64x256xf32>
      tpu.vector_store %arg14[%swap3A, %swap3A_56], %broadcast_in_dim3A_55 {strides = array<i32>} : memref<64x256xf32, #tpu.memory_space<vmem>>, vector<64x256xf32>,
    } else {
    }
    %get3A = arith.constant 0 : index
    %get3A_2 = arith.constant 0 : index
    %get3A_3 = vector.load %arg4[%get3A, %get3A_2] : memref<1000x1xf32, #tpu.memory_space<vmem>>, vector<1000x1xf32>
    %get3A_4 = arith.constant 0 : index
    %get3A_5 = arith.constant 0 : index
    %get3A_6 = arith.constant 0 : index
    %get3A_7 = vector.load %arg1[%get3A_4, %get3A_5, %get3A_6] : memref<2x1000x128xf32, #tpu.memory_space<vmem>>, vector<1x1000x128xf32>
    %get3A_8 = vector.shape_cast %get3A_7 : vector<1x1000x128xf32> to vector<1000x128xf32>
    %get3A_9 = arith.constant 0 : index
    %get3A_10 = arith.constant 0 : index
    %get3A_11 = vector.load %arg2[%get3A_9, %get3A_10] : memref<1000x128xf32, #tpu.memory_space<vmem>>, vector<1000x128xf32>
    %add3A = arith.addf %get3A_8, %get3A_11 : vector<1000x128xf32>
    %get3A_12 = arith.constant 1 : index
    %get3A_13 = arith.constant 0 : index
    %get3A_14 = arith.constant 0 : index
    %get3A_15 = vector.load %arg1[%get3A_12, %get3A_13, %get3A_14] : memref<2x1000x128xf32, #tpu.memory_space<vmem>>, vector<1x1000x128xf32>
    %get3A_16 = vector.shape_cast %get3A_15 : vector<1x1000x128xf32> to vector<1000x128xf32>
    %get3A_17 = arith.constant 0 : index
    %get3A_18 = arith.constant 0 : index
    %get3A_19 = vector.load %arg3[%get3A_17, %get3A_18] : memref<1000x128xf32, #tpu.memory_space<vmem>>, vector<1000x128xf32>
    %add3A_20 = arith.addf %get3A_16, %get3A_19 : vector<1000x128xf32>
    %concatenate3A = tpu.concatenate %add3A, %add3A_20 in 1 : vector<1000x128xf32>, vector<1000x128xf32> -> vector<1000x256xf32>
    %mul3A = vector.broadcast %get3A_3 : vector<1000x1xf32> to vector<1000x256xf32>
    %mul3A_21 = arith.mulf %mul3A, %concatenate3A : vector<1000x256xf32>
    %get3A_22 = arith.constant 0 : index
    %get3A_23 = arith.constant 0 : index
    %get3A_24 = vector.load %arg5[%get3A_22, %get3A_23] : memref<1x256xf32, #tpu.memory_space<vmem>>, vector<1x256xf32>
    %add3A_25 = vector.broadcast %get3A_24 : vector<1x256xf32> to vector<1000x256xf32>
    %add3A_26 = arith.addf %mul3A_21, %add3A_25 : vector<1000x256xf32>
    %max3A = arith.constant 0.000000e+00 : f32
    %max3A_27 = vector.broadcast %max3A : f32 to vector<1000x256xf32>
    %max3A_28 = arith.maximumf %add3A_26, %max3A_27 : vector<1000x256xf32>
    %get3A_29 = arith.constant 0 : index
    %get3A_30 = arith.constant 0 : index
    %get3A_31 = vector.load %arg6[%get3A_29, %get3A_30] : memref<1000x1xi32, #tpu.memory_space<vmem>>, vector<1000x1xi32>
    %reduce_min3A = vector.shape_cast %get3A_31 : vector<1000x1xi32> to vector<1x1000x1xi32>
    %reduce_min3A_32 = arith.constant dense<2147483647> : vector<1xi32>
    %reduce_min3A_33 = vector.multi_reduction <minsi>, %reduce_min3A, %reduce_min3A_32 [1, 2] : vector<1x1000x1xi32> to vector<1xi32>
    %reduce_min3A_34 = vector.shape_cast %reduce_min3A_33 : vector<1xi32> to vector<1x1x1xi32>
    %reduce_min3A_35 = vector.extract %reduce_min3A_34[0, 0, 0] : i32 from vector<1x1x1xi32>
    %reduce_max3A = vector.shape_cast %get3A_31 : vector<1000x1xi32> to vector<1x1000x1xi32>
    %reduce_max3A_36 = arith.constant dense<-2147483648> : vector<1xi32>
    %reduce_max3A_37 = vector.multi_reduction <maxsi>, %reduce_max3A, %reduce_max3A_36 [1, 2] : vector<1x1000x1xi32> to vector<1xi32>
    %reduce_max3A_38 = vector.shape_cast %reduce_max3A_37 : vector<1xi32> to vector<1x1x1xi32>
    %reduce_max3A_39 = vector.extract %reduce_max3A_38[0, 0, 0] : i32 from vector<1x1x1xi32>
    %add3A_40 = arith.constant 1 : i32
    %add3A_41 = arith.addi %reduce_max3A_39, %add3A_40 : i32
    %while3A = arith.constant 0 : i32
    %while3A_42 = arith.subi %add3A_41, %reduce_min3A_35 : i32
    %while3A_43 = arith.addi %reduce_min3A_35, %while3A_42 : i32
    %while3A_44 = arith.constant 1 : i32
    %while3A_45 = arith.divsi %while3A_42, %while3A_44 : i32
    %while3A_46 = arith.muli %while3A_45, %while3A_44 : i32
    %while3A_47 = arith.addi %reduce_min3A_35, %while3A_46 : i32
    %while3A_48 = arith.constant 1 : i32
    scf.for %while3A_55 = %reduce_min3A_35 to %while3A_47 step %while3A_48  : i32 {
      %eq3A_56 = vector.broadcast %while3A_55 : i32 to vector<1000x1xi32>
      %eq3A_57 = arith.cmpi eq, %get3A_31, %eq3A_56 : vector<1000x1xi32>
      %jit3A = arith.constant 0xFF800000 : f32
      %broadcast_in_dim3A = vector.shape_cast %eq3A_57 : vector<1000x1xi1> to vector<1000x1xi1>
      %broadcast_in_dim3A_58 = vector.broadcast %broadcast_in_dim3A : vector<1000x1xi1> to vector<1000x256xi1>
      %broadcast_in_dim3A_59 = vector.broadcast %jit3A : f32 to vector<1000x256xf32>
      %select_n3A = arith.select %broadcast_in_dim3A_58, %max3A_28, %broadcast_in_dim3A_59 : vector<1000x256xi1>, vector<1000x256xf32>
      %reduce_max3A_60 = arith.constant dense<0xFF800000> : vector<256xf32>
      %reduce_max3A_61 = vector.multi_reduction <maximumf>, %select_n3A, %reduce_max3A_60 [0] : vector<1000x256xf32> to vector<256xf32>
      %get3A_62 = arith.index_cast %while3A_55 : i32 to index
      %get3A_63 = arith.constant 0 : index
      %get3A_64 = vector.load %arg14[%get3A_62, %get3A_63] : memref<64x256xf32, #tpu.memory_space<vmem>>, vector<1x256xf32>
      %broadcast_in_dim3A_65 = vector.shape_cast %reduce_max3A_61 : vector<256xf32> to vector<1x256xf32>
      %max3A_66 = arith.maximumf %get3A_64, %broadcast_in_dim3A_65 : vector<1x256xf32>
      %swap3A = arith.index_cast %while3A_55 : i32 to index
      %swap3A_67 = arith.constant 0 : index
      %swap3A_68 = vector.load %arg14[%swap3A, %swap3A_67] : memref<64x256xf32, #tpu.memory_space<vmem>>, vector<1x256xf32>
      tpu.vector_store %arg14[%swap3A, %swap3A_67], %max3A_66 {strides = array<i32>} : memref<64x256xf32, #tpu.memory_space<vmem>>, vector<1x256xf32>,
    }
    %while3A_49 = arith.constant 1 : i32
    scf.for %while3A_55 = %while3A_47 to %while3A_43 step %while3A_49  : i32 {
      %eq3A_56 = vector.broadcast %while3A_55 : i32 to vector<1000x1xi32>
      %eq3A_57 = arith.cmpi eq, %get3A_31, %eq3A_56 : vector<1000x1xi32>
      %jit3A = arith.constant 0xFF800000 : f32
      %broadcast_in_dim3A = vector.shape_cast %eq3A_57 : vector<1000x1xi1> to vector<1000x1xi1>
      %broadcast_in_dim3A_58 = vector.broadcast %broadcast_in_dim3A : vector<1000x1xi1> to vector<1000x256xi1>
      %broadcast_in_dim3A_59 = vector.broadcast %jit3A : f32 to vector<1000x256xf32>
      %select_n3A = arith.select %broadcast_in_dim3A_58, %max3A_28, %broadcast_in_dim3A_59 : vector<1000x256xi1>, vector<1000x256xf32>
      %reduce_max3A_60 = arith.constant dense<0xFF800000> : vector<256xf32>
      %reduce_max3A_61 = vector.multi_reduction <maximumf>, %select_n3A, %reduce_max3A_60 [0] : vector<1000x256xf32> to vector<256xf32>
      %get3A_62 = arith.index_cast %while3A_55 : i32 to index
      %get3A_63 = arith.constant 0 : index
      %get3A_64 = vector.load %arg14[%get3A_62, %get3A_63] : memref<64x256xf32, #tpu.memory_space<vmem>>, vector<1x256xf32>
      %broadcast_in_dim3A_65 = vector.shape_cast %reduce_max3A_61 : vector<256xf32> to vector<1x256xf32>
      %max3A_66 = arith.maximumf %get3A_64, %broadcast_in_dim3A_65 : vector<1x256xf32>
      %swap3A = arith.index_cast %while3A_55 : i32 to index
      %swap3A_67 = arith.constant 0 : index
      %swap3A_68 = vector.load %arg14[%swap3A, %swap3A_67] : memref<64x256xf32, #tpu.memory_space<vmem>>, vector<1x256xf32>
      tpu.vector_store %arg14[%swap3A, %swap3A_67], %max3A_66 {strides = array<i32>} : memref<64x256xf32, #tpu.memory_space<vmem>>, vector<1x256xf32>,
    }
    %eq3A_50 = arith.constant 9 : i32
    %eq3A_51 = arith.cmpi eq, %arg0, %eq3A_50 : i32
    %convert_element_type3A_52 = arith.extui %eq3A_51 : i1 to i32
    %cond3A_53 = arith.constant 0 : i32
    %cond3A_54 = arith.cmpi ne, %convert_element_type3A_52, %cond3A_53 : i32
    scf.if %cond3A_54 {
      %get3A_55 = arith.constant 0 : index
      %get3A_56 = arith.constant 0 : index
      %get3A_57 = vector.load %arg14[%get3A_55, %get3A_56] : memref<64x256xf32, #tpu.memory_space<vmem>>, vector<64x256xf32>
      %gt3A = arith.constant -3.000000e+38 : f32
      %gt3A_58 = vector.broadcast %gt3A : f32 to vector<64x256xf32>
      %gt3A_59 = arith.cmpf ogt, %get3A_57, %gt3A_58 : vector<64x256xf32>
      %jit3A = arith.constant 0.000000e+00 : f32
      %broadcast_in_dim3A = vector.broadcast %jit3A : f32 to vector<64x256xf32>
      %select_n3A = arith.select %gt3A_59, %get3A_57, %broadcast_in_dim3A : vector<64x256xi1>, vector<64x256xf32>
      %get3A_60 = arith.constant 0 : index
      %get3A_61 = arith.constant 0 : index
      %get3A_62 = vector.load %arg7[%get3A_60, %get3A_61] : memref<256x128xf32, #tpu.memory_space<vmem>>, vector<256x128xf32>
      %dot_general3A = arith.constant dense<0.000000e+00> : vector<64x128xf32>
      %dot_general3A_63 = tpu.matmul %select_n3A, %get3A_62, %dot_general3A {dimension_numbers = #tpu.dot_dimension_numbers<[1], [0], [0], [1], [0, 0, 1, 1], [], []>, transpose_lhs_hint = false} : vector<64x256xf32>, vector<256x128xf32>, vector<64x128xf32> -> vector<64x128xf32>
      %get3A_64 = arith.constant 0 : index
      %get3A_65 = arith.constant 0 : index
      %get3A_66 = vector.load %arg8[%get3A_64, %get3A_65] : memref<1x128xf32, #tpu.memory_space<vmem>>, vector<1x128xf32>
      %add3A_67 = vector.broadcast %get3A_66 : vector<1x128xf32> to vector<64x128xf32>
      %add3A_68 = arith.addf %dot_general3A_63, %add3A_67 : vector<64x128xf32>
      %max3A_69 = arith.constant 0.000000e+00 : f32
      %max3A_70 = vector.broadcast %max3A_69 : f32 to vector<64x128xf32>
      %max3A_71 = arith.maximumf %add3A_68, %max3A_70 : vector<64x128xf32>
      %get3A_72 = arith.constant 0 : index
      %get3A_73 = arith.constant 0 : index
      %get3A_74 = vector.load %arg9[%get3A_72, %get3A_73] : memref<1x128xf32, #tpu.memory_space<vmem>>, vector<1x128xf32>
      %mul3A_75 = arith.constant 0.999994993 : f32
      %mul3A_76 = vector.broadcast %mul3A_75 : f32 to vector<64x128xf32>
      %mul3A_77 = arith.mulf %max3A_71, %mul3A_76 : vector<64x128xf32>
      %mul3A_78 = vector.broadcast %get3A_74 : vector<1x128xf32> to vector<64x128xf32>
      %mul3A_79 = arith.mulf %mul3A_78, %mul3A_77 : vector<64x128xf32>
      %get3A_80 = arith.constant 0 : index
      %get3A_81 = arith.constant 0 : index
      %get3A_82 = vector.load %arg10[%get3A_80, %get3A_81] : memref<1x128xf32, #tpu.memory_space<vmem>>, vector<1x128xf32>
      %add3A_83 = vector.broadcast %get3A_82 : vector<1x128xf32> to vector<64x128xf32>
      %add3A_84 = arith.addf %mul3A_79, %add3A_83 : vector<64x128xf32>
      %get3A_85 = arith.constant 0 : index
      %get3A_86 = arith.constant 0 : index
      %get3A_87 = vector.load %arg11[%get3A_85, %get3A_86] : memref<128x1xf32, #tpu.memory_space<vmem>>, vector<128x1xf32>
      %dot_general3A_88 = arith.constant dense<0.000000e+00> : vector<64x1xf32>
      %dot_general3A_89 = tpu.matmul %add3A_84, %get3A_87, %dot_general3A_88 {dimension_numbers = #tpu.dot_dimension_numbers<[1], [0], [0], [1], [0, 0, 1, 1], [], []>, transpose_lhs_hint = false} : vector<64x128xf32>, vector<128x1xf32>, vector<64x1xf32> -> vector<64x1xf32>
      %get3A_90 = arith.constant 0 : index
      %get3A_91 = arith.constant 0 : index
      %get3A_92 = vector.load %arg12[%get3A_90, %get3A_91] : memref<1x1xf32, #tpu.memory_space<vmem>>, vector<1x1xf32>
      %add3A_93 = vector.broadcast %get3A_92 : vector<1x1xf32> to vector<64x1xf32>
      %add3A_94 = arith.addf %dot_general3A_89, %add3A_93 : vector<64x1xf32>
      %swap3A = arith.constant 0 : index
      %swap3A_95 = arith.constant 0 : index
      %swap3A_96 = vector.load %arg13[%swap3A, %swap3A_95] : memref<64x1xf32, #tpu.memory_space<vmem>>, vector<64x1xf32>
      tpu.vector_store %arg13[%swap3A, %swap3A_95], %add3A_94 {strides = array<i32>} : memref<64x1xf32, #tpu.memory_space<vmem>>, vector<64x1xf32>,
    } else {
    }
    return
  }
  func.func @transform_0(%arg0: i32) -> (i32, i32, i32) {
    %c0_i32 = arith.constant 0 : i32
    %c0_i32_0 = arith.constant 0 : i32
    %c0_i32_1 = arith.constant 0 : i32
    return %c0_i32, %arg0, %c0_i32_0 : i32, i32, i32
  }
  func.func @transform_1(%arg0: i32) -> (i32, i32) {
    %c0_i32 = arith.constant 0 : i32
    %c0_i32_0 = arith.constant 0 : i32
    return %arg0, %c0_i32 : i32, i32
  }
  func.func @transform_2(%arg0: i32) -> (i32, i32) {
    %c0_i32 = arith.constant 0 : i32
    %c0_i32_0 = arith.constant 0 : i32
    return %arg0, %c0_i32 : i32, i32
  }
  func.func @transform_3(%arg0: i32) -> (i32, i32) {
    %c0_i32 = arith.constant 0 : i32
    %c0_i32_0 = arith.constant 0 : i32
    return %arg0, %c0_i32 : i32, i32
  }
  func.func @transform_4(%arg0: i32) -> (i32, i32) {
    %c0_i32 = arith.constant 0 : i32
    %c0_i32_0 = arith.constant 0 : i32
    %c0_i32_1 = arith.constant 0 : i32
    return %c0_i32, %c0_i32_0 : i32, i32
  }
  func.func @transform_5(%arg0: i32) -> (i32, i32) {
    %c0_i32 = arith.constant 0 : i32
    %c0_i32_0 = arith.constant 0 : i32
    return %arg0, %c0_i32 : i32, i32
  }
  func.func @transform_6(%arg0: i32) -> (i32, i32) {
    %c0_i32 = arith.constant 0 : i32
    %c0_i32_0 = arith.constant 0 : i32
    %c0_i32_1 = arith.constant 0 : i32
    return %c0_i32, %c0_i32_0 : i32, i32
  }
  func.func @transform_7(%arg0: i32) -> (i32, i32) {
    %c0_i32 = arith.constant 0 : i32
    %c0_i32_0 = arith.constant 0 : i32
    %c0_i32_1 = arith.constant 0 : i32
    return %c0_i32, %c0_i32_0 : i32, i32
  }
  func.func @transform_8(%arg0: i32) -> (i32, i32) {
    %c0_i32 = arith.constant 0 : i32
    %c0_i32_0 = arith.constant 0 : i32
    %c0_i32_1 = arith.constant 0 : i32
    return %c0_i32, %c0_i32_0 : i32, i32
  }
  func.func @transform_9(%arg0: i32) -> (i32, i32) {
    %c0_i32 = arith.constant 0 : i32
    %c0_i32_0 = arith.constant 0 : i32
    %c0_i32_1 = arith.constant 0 : i32
    return %c0_i32, %c0_i32_0 : i32, i32
  }
  func.func @transform_10(%arg0: i32) -> (i32, i32) {
    %c0_i32 = arith.constant 0 : i32
    %c0_i32_0 = arith.constant 0 : i32
    %c0_i32_1 = arith.constant 0 : i32
    return %c0_i32, %c0_i32_0 : i32, i32
  }
  func.func @transform_11(%arg0: i32) -> (i32, i32) {
    %c0_i32 = arith.constant 0 : i32
    %c0_i32_0 = arith.constant 0 : i32
    %c0_i32_1 = arith.constant 0 : i32
    return %c0_i32, %c0_i32_0 : i32, i32
  }
  func.func @transform_12(%arg0: i32) -> (i32, i32) {
    %c0_i32 = arith.constant 0 : i32
    %c0_i32_0 = arith.constant 0 : i32
    %c0_i32_1 = arith.constant 0 : i32
    return %c0_i32, %c0_i32_0 : i32, i32
  }
}

</mosaic_0001>

<sc_bundles>
// kernel: kernel.10.cloned.1.call-start
scs
__scs_entry_jumppad:
0x0: {  	(pc) =	sbr.rel $0x88, $3  }
0x1: {  	(tag) =	ssettag $0x0;
	lr =	simm.s32 $0x1  }
0x2: {  	[smem:$0x3F92] =	sst lr;
	_ =	strace $0xD0000000  }
0x3: {  	_ = 	snop  }
0x4: {  	_ = 	snop  }
0x5: {  	_ = 	snop  }
0x6: {  	_ = 	snop  }
0x7: {  	_ = 	snop  }
__scs_overlays_trampoline_lowered:
0x8: {  	[smem:$0x3FA1] =	sst s0  }
0x9: {  	[smem:$0x3FA2] =	sst s1  }
0xa: {  	[smem:$0x3FA3] =	sst s2  }
0xb: {  	[smem:$0x3FA4] =	sst s3  }
0xc: {  	[smem:$0x3FA5] =	sst s4  }
0xd: {  	[smem:$0x3FA6] =	sst s5  }
0xe: {  	[smem:$0x3FA7] =	sst s6  }
0xf: {  	[smem:$0x3FA8] =	sst s7  }
0x10: {  	[smem:$0x3FA9] =	sst s8  }
0x11: {  	[smem:$0x3FAA] =	sst s9;
	s0 =	simm.s32 @!p0 $0x0  }
0x12: {  	s1 =	sld [smem:$0x3F90];
	s0 =	simm.s32 @p0 $0x1  }
0x13: {  	[smem:$0x3FAB] =	sst s0;
	s0 =	simm.s32 @!p1 $0x0  }
0x14: {  	s2 =	sld [smem:$0x3F8F];
	s0 =	simm.s32 @p1 $0x1  }
0x15: {  	[smem:$0x3FAC] =	sst s0;
	s0 =	simm.s32 @!p2 $0x0  }
0x16: {  	s3 =	sld [smem:$0x3FDB];
	s0 =	simm.s32 @p2 $0x1  }
0x17: {  	s4 =	simm.s32 $0x1BF5;
	[smem:$0x3FAE] =	sst s0  }
0x18: {  	s0 =	sld [smem:$0x3F91];
	_ =	swait.ge [sflag:s4], $0x0  }
0x19: {  	s7 =	sld [smem:$0x3F92]  }
0x1a: {  	s8 =	sadd.s32 $0xFFFFE003, lr  }
0x1b: {  	s9 =	sadd.s32 $0xFFFFFEF7, lr;
	s5 =	simm.s32 $0xFFFFFFFF;
	p2 =	slt.u32 s8, $0xFFFFF086  }
0x1c: {  	p1 =	slt.u32 s9, $0xF7A;
	s5 =	simm.s32 @!p2 $0x0  }
0x1d: {  	s5 =	simm.s32 @p1 $0x1;
	p0 =	seq.s32 s7, s2  }
0x1e: {  	s7 =	smul.u32 @!p0 $0xF7A, s2;
	p2 =	seq.s32 @!p0 s5, $0x0  }
0x1f: {  	s9 =	smul.u32 $0xF7A, s1;
	s8 =	simm.s32 @!p0 $0x1BF5;
	p2 =	por !p2, p0  }
0x20: {  	[sflag:s8] =	ssyncset.s32 @!p0 $0xFFFFF086;
	s6 =	sadd.s32 @!p0 s3, s7;
	s7 =	simm.s32 @!p0 $0x108  }
0x21: {  	s3 =	sadd.s32 s3, s9;
	s6 =	sadd.s32 @!p0 $0x88, s6;
	s7 =	simm.s32 @p2 $0x1082  }
0x22: {  	[simem:s7], [sflag:s8] =	dma.local @!p0 [hbm:s6], $0xF7A  }
0x23: {  	s9 =	sor.u32 $0xD0000000, s2;
	s6 =	simm.s32 $0x108;
	_ =	swait.ge @!p0 [sflag:s8], $0x0  }
0x24: {  	s3 =	sadd.s32 $0x88, s3;
	s6 =	simm.s32 @!p1 $0x1082;
	[sflag:s4] =	ssyncset.s32 $0xFFFFF086  }
0x25: {  	[simem:s6], [sflag:s4] =	dma.local [hbm:s3], $0xF7A  }
0x26: {  	[smem:$0x3F92] =	sst s1;
	(tag) =	ssettag s2;
	_ =	strace s9  }
0x27: {  	s1 =	sld [smem:$0x3FA2]  }
0x28: {  	s2 =	sld [smem:$0x3FA3]  }
0x29: {  	s4 =	sld [smem:$0x3FA5]  }
0x2a: {  	p0 =	seq.s32 s5, $0x0;
	s5 =	sld [smem:$0x3FA6]  }
0x2b: {  	s6 =	sld [smem:$0x3FA7]  }
0x2c: {  	s7 =	sld [smem:$0x3FA8]  }
0x2d: {  	s3 =	simm.s32 $0x108;
	s8 =	sld [smem:$0x3FA9]  }
0x2e: {  	s3 =	simm.s32 @!p0 $0x1082;
	s9 =	sld [smem:$0x3FAA]  }
0x2f: {  	lr =	sadd.s32 s0, s3;
	s0 =	sld [smem:$0x3FA1]  }
0x30: {  	s3 =	sld [smem:$0x3FA4]  }
0x31: {  	[smem:$0x3FAD] =	sst s10  }
0x32: {  	s10 =	sld [smem:$0x3FAB];
	_ =	sdelay $0x3  }
0x33: {  	p0 =	seq.s32 s10, $0x1;
	s10 =	sld [smem:$0x3FAD];
	_ =	sdelay $0x3  }
0x34: {  	[smem:$0x3FAD] =	sst s10  }
0x35: {  	s10 =	sld [smem:$0x3FAC];
	_ =	sdelay $0x3  }
0x36: {  	p1 =	seq.s32 s10, $0x1;
	s10 =	sld [smem:$0x3FAD];
	_ =	sdelay $0x3  }
0x37: {  	[smem:$0x3FAD] =	sst s10  }
0x38: {  	s10 =	sld [smem:$0x3FAE]  }
0x39: {  	_ = 	snop;
	(pc) =	sbr.ind lr, $3  }
0x3a: {  	_ = 	snop  }
0x3b: {  	_ = 	snop  }
0x3c: {  	p2 =	seq.s32 s10, $0x1;
	s10 =	sld [smem:$0x3FAD]  }
0x3d: {  	_ =	shalt  }
0x3e: {  	_ =	shalt  }
0x3f: {  	_ =	shalt  }
0x40: {  	_ =	shalt  }
0x41: {  	_ =	shalt  }
0x42: {  	_ =	shalt  }
0x43: {  	_ =	shalt  }
0x44: {  	_ =	shalt  }
0x45: {  	_ =	shalt  }
0x46: {  	_ =	shalt  }
0x47: {  	_ =	shalt  }
0x48: {  	_ =	shalt  }
0x49: {  	_ =	shalt  }
0x4a: {  	_ =	shalt  }
0x4b: {  	_ =	shalt  }
0x4c: {  	_ =	shalt  }
0x4d: {  	_ =	shalt  }
0x4e: {  	_ =	shalt  }
0x4f: {  	_ =	shalt  }
0x50: {  	_ =	shalt  }
0x51: {  	_ =	shalt  }
0x52: {  	_ =	shalt  }
0x53: {  	_ =	shalt  }
0x54: {  	_ =	shalt  }
0x55: {  	_ =	shalt  }
0x56: {  	_ =	shalt  }
0x57: {  	_ =	shalt  }
0x58: {  	_ =	shalt  }
0x59: {  	_ =	shalt  }
0x5a: {  	_ =	shalt  }
0x5b: {  	_ =	shalt  }
0x5c: {  	_ =	shalt  }
0x5d: {  	_ =	shalt  }
0x5e: {  	_ =	shalt  }
0x5f: {  	_ =	shalt  }
0x60: {  	_ =	shalt  }
0x61: {  	_ =	shalt  }
0x62: {  	_ =	shalt  }
0x63: {  	_ =	shalt  }
0x64: {  	_ =	shalt  }
0x65: {  	_ =	shalt  }
0x66: {  	_ =	shalt  }
0x67: {  	_ =	shalt  }
0x68: {  	_ =	shalt  }
0x69: {  	_ =	shalt  }
0x6a: {  	_ =	shalt  }
0x6b: {  	_ =	shalt  }
0x6c: {  	_ =	shalt  }
0x6d: {  	_ =	shalt  }
0x6e: {  	_ =	shalt  }
0x6f: {  	_ =	shalt  }
0x70: {  	_ =	shalt  }
0x71: {  	_ =	shalt  }
0x72: {  	_ =	shalt  }
0x73: {  	_ =	shalt  }
0x74: {  	_ =	shalt  }
0x75: {  	_ =	shalt  }
0x76: {  	_ =	shalt  }
0x77: {  	_ =	shalt  }
0x78: {  	_ =	shalt  }
0x79: {  	_ =	shalt  }
0x7a: {  	_ =	shalt  }
0x7b: {  	_ =	shalt  }
0x7c: {  	_ =	shalt  }
0x7d: {  	_ =	shalt  }
0x7e: {  	_ =	shalt  }
0x7f: {  	_ =	shalt  }
0x80: {  	_ =	shalt  }
0x81: {  	_ =	shalt  }
0x82: {  	_ =	shalt  }
0x83: {  	_ =	shalt  }
0x84: {  	_ =	shalt  }
0x85: {  	_ =	shalt  }
0x86: {  	_ =	shalt  }
0x87: {  	_ =	shalt  }
.Lfunc_end0:
.L_simem_size_0:
called_computation_lowered:
.L_overlay_start_0:
0x88: {  	s2 =	sld [smem:$0x3FD9]  }
0x89: {  	s3 =	sld [smem:$0x3FFE];
	_ =	sdelay $0x1  }
0x8a: {  	s1 =	srdreg.scid  }
0x8b: {  	s0 =	sand.u32 $0x1, s1  }
0x8c: {  	s16 =	sshll.u32 s0, $0xA;
	s2 =	sadd.s32 s3, s2  }
0x8d: {  	s2 =	sadd.s32 s2, s16  }
0x8e: {  	[smem:$0x3FB9] =	sst s2  }
0x8f: {  	_ = 	snop  }
0x90: {  	(tm) =	ssettm $0x1  }
0x91: {  	s17 =	sld [smem:$0x3FFB];
	_ =	sdelay $0x3  }
0x92: {  	_ =	strace s17  }
0x93: {  	s2 =	sld [smem:$0x3FFC];
	_ =	sdelay $0x3  }
0x94: {  	_ =	strace s2  }
0x95: {  	s2 =	sld [smem:$0x3FFD];
	_ =	sdelay $0x3  }
0x96: {  	_ =	strace s2  }
0x97: {  	_ =	strace $0x8FFFFFFF  }
0x98: {  	s18 =	sld [smem:$0x3FDB];
	_ =	sdelay $0x1  }
0x99: {  	s19 =	simm.s32 $_scs_section_size  }
0x9a: {  	s4 =	simm.s32 $_size__tile_overlayer_lowered;
	s5 =	simm.s32 $_tile_overlayer_lowered  }
0x9b: {  	s22 =	simm.s32 $0x1BFF;
	s21 =	sshll.u32 s5, $0x1;
	s2 =	sadd.s32 s19, s18  }
0x9c: {  	s6 =	simm.s32 $0x0;
	s20 =	sshll.u32 s4, $0x1;
	s4 =	sadd.s32 s21, s2  }
0x9d: {  	[timem:s6], [sflag:s22] =	dma.local [hbm:s4], s20  }
0x9e: {  	_ =	swait.ge [sflag:s22], s20  }
0x9f: {  	s3 =	ssub.s32 $0x0, s20;
	[sflag:s22] =	ssyncset.done $0x0  }
0xa0: {  	[sflag:s22] =	ssyncadd.s32 s3;
	_ =	sdelay $0x1  }
0xa1: {  	s23 =	simm.s32 $0x1B8B  }
0xa2: {  	_ =	swait.ge [sflag:s23], $0x1  }
0xa3: {  	[sflag:s23] =	ssyncset.done $0x0  }
0xa4: {  	s25 =	simm.s32 $0x1B8E;
	s24 =	sld [smem:$0x3FFE];
	[sflag:s23] =	ssyncadd.s32 $0xFFFFFFFF  }
0xa5: {  	s26 =	simm.s32 $execute0_lowered;
	[smem:$0x3FD2] =	sst s25  }
0xa6: {  	s4 =	sshll.u32 s26, $0x1;
	_ =	strace $0x80000046;
	[dreg:$0x1] =	wrdreg $0xFFFFFFFF  }
0xa7: {  	s28 =	simm.s32 $_size_execute0_lowered;
	s2 =	sadd.s32 s2, s4;
	[dreg:$0x0] =	wrdreg $0x0  }
0xa8: {  	s4 =	sshll.u32 s28, $0x1;
	[dreg:$0x2] =	wrdreg s2  }
0xa9: {  	[dreg:$0x3] =	wrdreg s4  }
0xaa: {  	[dreg:$0x4] =	wrdreg $0xC0  }
0xab: {  	_ =	task [dreg:s6], $0x5FFFF  }
0xac: {  	[dreg:$0x1] =	wrdreg $0xFFFFFFFF  }
0xad: {  	[dreg:$0x0] =	wrdreg $0x60  }
0xae: {  	[dreg:$0x2] =	wrdreg s24  }
0xaf: {  	[dreg:$0x3] =	wrdreg $0x68000  }
0xb0: {  	[dreg:$0x4] =	wrdreg $0x9  }
0xb1: {  	_ =	task.clear_ibuf [dreg:s6], $0x5FFFF;
	_ =	strace $0x90000046  }
0xb2: {  	s29 =	simm.s32 $0x9;
	_ =	strace $0x80000048  }
0xb3: {  	_ =	swait.ge [sflag:s29], $0x1  }
0xb4: {  	[sflag:s29] =	ssyncadd.s32 $0xFFFFFFFF  }
0xb5: {  	_ =	strace $0x90000048  }
0xb6: {  	_ =	sfence  }
0xb7: {  	s30 =	sld [smem:$0x0];
	_ =	sdelay $0x2  }
0xb8: {  	s31 =	sshll.u32 s1, $0xD;
	s1 =	sshrl.u32 s1, $0x2  }
0xb9: {  	s3 =	sand.u32 $0x4000, s31;
	s1 =	sadd.s32 s1, s30  }
0xba: {  	s0 =	sor.u32 s3, s0;
	s1 =	sshll.u32 s1, $0x11  }
0xbb: {  	s0 =	sor.u32 s1, s0  }
0xbc: {  	s0 =	sadd.s32 $0x8F2B, s0  }
0xbd: {  	[sflag:s0] =	ssyncadd.remote.s32 $0x1  }
0xbe: {  	_ =	sfence.sel $0xFFFF  }
0xbf: {  	[dreg:$0x0] =	wrdreg $0xFFFFFFFF;
	(pc) =	sbr.abs _section_cstart, $3  }
0xc0: {  	[dreg:$0x1] =	wrdreg $0xFFFFFFFF  }
0xc1: {  	_ =	task.clear_ibuf [dreg:s6], $0x2FFFF;
	_ =	strace $0x9FFFFFFF  }
0xc2: {  	(tm) =	ssettm $0x7FFFFFFF  }
0xc3: {  	_ =	shalt  }
tec
execute0_lowered:
.L_overlay_start_1:
0x0: {  	(tag) =	ssettag $0x1  }
0x1: {  	s0 =	srdreg.scid;
	s7 =	rddreg [dreg:$0x0]  }
0x2: {  	s2 =	rddreg [dreg:$0x1];
	s3 =	simm.s32 $0x0;
	s6 =	sand.u32 $0x1, s0  }
0x3: {  	s17 =	simm.s32 $0x80;
	s0 =	stileid.u32;
	s8 =	smul.u32 $0x140000, s6  }
0x4: {  	s18 =	simm.s32 $0x0;
	[smem:$0x7FF] =	sst s3;
	s9 =	smul.u32 $0x14000, s0  }
0x5: {  	s5 =	sadd.s32 $0xD600, s7;
	s1 =	sshll.u32 s6, $0x4;
	s11 =	smul.u32 $0x50000, s0  }
0x6: {  	s6 =	ssub.s32 $0x2, s6;
	s31 =	sshll.u32 s0, $0x6;
	s4 =	sor.u32 s0, s1  }
0x7: {  	s1 =	rddreg [dreg:$0x2];
	_ =	strace $0x80000047;
	s29 =	sshrl.u32 s6, $0x1  }
0x8: {  	s4 =	smul.u32 $0x500, s4;
	s8 =	sadd.s32 s9, s8;
	s11 =	sshrl.u32 s11, $0x2  }
0x9: {  	s30 =	ssub.s32 s6, s29;
	s9 =	simm.s32 $0x1;
	s8 =	sshrl.u32 s8, $0x3  }
0xa: {  	s12 =	sadd.s32 s11, s2;
	s11 =	sor.u32 $0x1C01, s31;
	s10 =	sadd.s32 s4, s7  }
0xb: {  	s4 =	sadd.s32 $0xDE00, s7;
	s7 =	sadd.s32 s8, s7;
	s13 =	sadd.s32 $0x4000, s12  }
0xc: {  	s14 =	sadd.s32 $0x8000, s12;
	s15 =	sadd.s32 $0xC000, s12;
	s16 =	sadd.s32 $0x10000, s12  }
0xd: {  	s8 =	smax.u32 s30, $0x1;
	s12 =	sshrl.u32 s12, $0x3;
	s6 =	sadd.s32 $0x3600, s10  }
0xe: {  	s7 =	sadd.s32 $0xE600, s7;
	s10 =	simm.s32 $0x2800;
	s13 =	sshrl.u32 s13, $0x3  }
0xf: {  	s14 =	sshrl.u32 s14, $0x3;
	s15 =	sshrl.u32 s15, $0x3;
	s16 =	sshrl.u32 s16, $0x3  }
.LBB2_1:
0x10: {  	[tilespmem:s3], [sflag:$0x1] =	stream.linear.gather [hbm4b:s6+s3], $0x2800, $0x38;
	[tilespmem:$0x1A800] =	vst v63  }
0x11: {  	_ =	swait.ge [sflag:s9], $0x2800  }
0x12: {  	[sflag:s9] =	ssyncset.done $0x0  }
0x13: {  	[sflag:s9] =	ssyncadd.s32 $0xFFFFD800  }
0x14: {  	[tilespmem:s10], [sflag:$0x1] =	stream.linear.gather [hbm4b:s4+s3], $0x4000, $0x38;
	[tilespmem:$0x1A800] =	vst v63  }
0x15: {  	_ =	swait.ge [sflag:s9], $0x4000  }
0x16: {  	[sflag:s9] =	ssyncset.done $0x0  }
0x17: {  	[sflag:s9] =	ssyncadd.s32 $0xFFFFC000  }
0x18: {  	[spmem:s12], [sflag:s11] =	dma.local [hbm:s5], $0x800  }
0x19: {  	_ =	swait.ge [sflag:s9], $0x800  }
0x1a: {  	[sflag:s9] =	ssyncset.done $0x0  }
0x1b: {  	[sflag:s9] =	ssyncadd.s32 $0xFFFFF800  }
0x1c: {  	[spmem:s13], [sflag:s11] =	dma.local [hbm:s5], $0x800  }
0x1d: {  	_ =	swait.ge [sflag:s9], $0x800  }
0x1e: {  	[sflag:s9] =	ssyncset.done $0x0  }
0x1f: {  	[sflag:s9] =	ssyncadd.s32 $0xFFFFF800  }
0x20: {  	[spmem:s14], [sflag:s11] =	dma.local [hbm:s5], $0x800  }
0x21: {  	_ =	swait.ge [sflag:s9], $0x800  }
0x22: {  	[sflag:s9] =	ssyncset.done $0x0  }
0x23: {  	[sflag:s9] =	ssyncadd.s32 $0xFFFFF800  }
0x24: {  	[spmem:s15], [sflag:s11] =	dma.local [hbm:s5], $0x800  }
0x25: {  	_ =	swait.ge [sflag:s9], $0x800  }
0x26: {  	[sflag:s9] =	ssyncset.done $0x0  }
0x27: {  	[sflag:s9] =	ssyncadd.s32 $0xFFFFF800  }
0x28: {  	[spmem:s16], [sflag:s11] =	dma.local [hbm:s5], $0x800  }
0x29: {  	_ =	swait.ge [sflag:s9], $0x800  }
0x2a: {  	[sflag:s9] =	ssyncset.done $0x0  }
0x2b: {  	[sflag:s9] =	ssyncadd.s32 $0xFFFFF800  }
0x2c: {  	s19 =	simm.s32 $0x0;
	[bflag:$0x0] =	sbarrier.arrive $0xFFFF  }
0x2d: {  	[spmem:s2] =	stream.indirect.scatter.add.f32 [tilespmem:s10], [sflag:$0x1], $0x80, s19, s17, $0xb8;
	[tilespmem:$0x1A800] =	vst v63  }
0x2e: {  	_ =	swait.ge [sflag:s9], $0x4000  }
0x2f: {  	s19 =	simm.s32 $0x200;
	[sflag:s9] =	ssyncset.done $0x0  }
.LBB2_2:
0x30: {  	s20 =	sshra.s32 s19, $0x2;
	[sflag:s9] =	ssyncadd.s32 $0xFFFFC000;
	p0 =	sne.s32 s19, $0x9E00  }
0x31: {  	[spmem:s2] =	stream.indirect.scatter.add.f32 [tilespmem:s10], [sflag:$0x1], $0x80, s20, s17, $0xb8;
	[tilespmem:$0x1A800] =	vst v63  }
.Ltmp0:
0x32: {  	_ = 	snop;
	(pc) =	sbr.rel @p0 .LBB2_2-.Ltmp0, $4  }
0x33: {  	_ = 	snop  }
0x34: {  	s19 =	sadd.s32 $0x200, s19  }
0x35: {  	_ =	swait.ge [sflag:s9], $0x4000  }
0x36: {  	[sflag:s9] =	ssyncset.done $0x0  }
0x37: {  	s18 =	sadd.s32 $0x1, s18  }
0x38: {  	[sflag:s9] =	ssyncadd.s32 $0xFFFFC000;
	p0 =	sne.s32 s18, s8  }
.Ltmp1:
0x39: {  	[bflag:$0x0] =	sbarrier.arrive $0xFFFF;
	(pc) =	sbr.rel @p0 .LBB2_1-.Ltmp1, $4  }
0x3a: {  	[hbm:s7], [sflag:s11] =	dma.local [spmem:s12], $0x2800  }
0x3b: {  	_ =	swait.ge [sflag:s9], $0x2800  }
0x3c: {  	[sflag:s9] =	ssyncset.done $0x0  }
0x3d: {  	[sflag:s9] =	ssyncadd.s32 $0xFFFFD800  }
0x3e: {  	_ =	sfence.sel $0x180000  }
0x3f: {  	[bflag:$0x0] =	sbarrier.arrive $0xFFFF  }
0x40: {  	p0 =	sne.s32 s0, $0x0;
	_ =	strace $0x90000047  }
0x41: {  	s0 =	sadd.s32 @!p0 $0x100000, s1;
	[bflag:$0x2] =	sbarrier.arrive $0xFFFF  }
0x42: {  	[sflag:s0] =	ssyncadd.tile.s32 @!p0 $0x1;
	_ =	shalt  }
.Lfunc_end2:
_tile_overlayer_lowered:
.L_overlay_start_2:
0x43: {  	(tag) =	ssettag $0x2  }
0x44: {  	s0 =	rddreg [dreg:$0x0];
	s2 =	stileid.u32  }
0x45: {  	s1 =	rddreg [dreg:$0x1];
	p0 =	sne.s32 s2, $0x0  }
0x46: {  	s3 =	rddreg [dreg:$0x2];
	[bflag:$0x3] =	sbarrier.arrive $0xFFFF;
	s2 =	simm.s32 @!p0 $0x1C01  }
0x47: {  	[timem:s3], [sflag:s2] =	dma.local @!p0 [hbm:s0], s1  }
0x48: {  	s0 =	simm.s32 @!p0 $0x1  }
0x49: {  	_ =	swait.ge @!p0 [sflag:s0], s1  }
0x4a: {  	s1 =	ssub.s32 @!p0 $0x0, s1;
	[sflag:s0] =	ssyncset.done @!p0 $0x0  }
0x4b: {  	[sflag:s0] =	ssyncadd.s32 @!p0 s1  }
0x4c: {  	[bflag:$0x3] =	sbarrier.arrive $0xFFFF  }
0x4d: {  	_ =	shalt  }

// kernel: kernel.13.cloned.1.call-start
scs
__scs_entry_jumppad:
0x0: {  	(pc) =	sbr.rel $0x88, $3  }
0x1: {  	(tag) =	ssettag $0x0;
	lr =	simm.s32 $0x1  }
0x2: {  	[smem:$0x3F92] =	sst lr;
	_ =	strace $0xD0000000  }
0x3: {  	_ = 	snop  }
0x4: {  	_ = 	snop  }
0x5: {  	_ = 	snop  }
0x6: {  	_ = 	snop  }
0x7: {  	_ = 	snop  }
__scs_overlays_trampoline_lowered:
0x8: {  	[smem:$0x3FA1] =	sst s0  }
0x9: {  	[smem:$0x3FA2] =	sst s1  }
0xa: {  	[smem:$0x3FA3] =	sst s2  }
0xb: {  	[smem:$0x3FA4] =	sst s3  }
0xc: {  	[smem:$0x3FA5] =	sst s4  }
0xd: {  	[smem:$0x3FA6] =	sst s5  }
0xe: {  	[smem:$0x3FA7] =	sst s6  }
0xf: {  	[smem:$0x3FA8] =	sst s7  }
0x10: {  	[smem:$0x3FA9] =	sst s8  }
0x11: {  	[smem:$0x3FAA] =	sst s9;
	s0 =	simm.s32 @!p0 $0x0  }
0x12: {  	s1 =	sld [smem:$0x3F90];
	s0 =	simm.s32 @p0 $0x1  }
0x13: {  	[smem:$0x3FAB] =	sst s0;
	s0 =	simm.s32 @!p1 $0x0  }
0x14: {  	s2 =	sld [smem:$0x3F8F];
	s0 =	simm.s32 @p1 $0x1  }
0x15: {  	[smem:$0x3FAC] =	sst s0;
	s0 =	simm.s32 @!p2 $0x0  }
0x16: {  	s3 =	sld [smem:$0x3FDB];
	s0 =	simm.s32 @p2 $0x1  }
0x17: {  	s4 =	simm.s32 $0x1BF5;
	[smem:$0x3FAE] =	sst s0  }
0x18: {  	s0 =	sld [smem:$0x3F91];
	_ =	swait.ge [sflag:s4], $0x0  }
0x19: {  	s7 =	sld [smem:$0x3F92]  }
0x1a: {  	s8 =	sadd.s32 $0xFFFFE003, lr  }
0x1b: {  	s9 =	sadd.s32 $0xFFFFFEF7, lr;
	s5 =	simm.s32 $0xFFFFFFFF;
	p2 =	slt.u32 s8, $0xFFFFF086  }
0x1c: {  	p1 =	slt.u32 s9, $0xF7A;
	s5 =	simm.s32 @!p2 $0x0  }
0x1d: {  	s5 =	simm.s32 @p1 $0x1;
	p0 =	seq.s32 s7, s2  }
0x1e: {  	s7 =	smul.u32 @!p0 $0xF7A, s2;
	p2 =	seq.s32 @!p0 s5, $0x0  }
0x1f: {  	s9 =	smul.u32 $0xF7A, s1;
	s8 =	simm.s32 @!p0 $0x1BF5;
	p2 =	por !p2, p0  }
0x20: {  	[sflag:s8] =	ssyncset.s32 @!p0 $0xFFFFF086;
	s6 =	sadd.s32 @!p0 s3, s7;
	s7 =	simm.s32 @!p0 $0x108  }
0x21: {  	s3 =	sadd.s32 s3, s9;
	s6 =	sadd.s32 @!p0 $0x88, s6;
	s7 =	simm.s32 @p2 $0x1082  }
0x22: {  	[simem:s7], [sflag:s8] =	dma.local @!p0 [hbm:s6], $0xF7A  }
0x23: {  	s9 =	sor.u32 $0xD0000000, s2;
	s6 =	simm.s32 $0x108;
	_ =	swait.ge @!p0 [sflag:s8], $0x0  }
0x24: {  	s3 =	sadd.s32 $0x88, s3;
	s6 =	simm.s32 @!p1 $0x1082;
	[sflag:s4] =	ssyncset.s32 $0xFFFFF086  }
0x25: {  	[simem:s6], [sflag:s4] =	dma.local [hbm:s3], $0xF7A  }
0x26: {  	[smem:$0x3F92] =	sst s1;
	(tag) =	ssettag s2;
	_ =	strace s9  }
0x27: {  	s1 =	sld [smem:$0x3FA2]  }
0x28: {  	s2 =	sld [smem:$0x3FA3]  }
0x29: {  	s4 =	sld [smem:$0x3FA5]  }
0x2a: {  	p0 =	seq.s32 s5, $0x0;
	s5 =	sld [smem:$0x3FA6]  }
0x2b: {  	s6 =	sld [smem:$0x3FA7]  }
0x2c: {  	s7 =	sld [smem:$0x3FA8]  }
0x2d: {  	s3 =	simm.s32 $0x108;
	s8 =	sld [smem:$0x3FA9]  }
0x2e: {  	s3 =	simm.s32 @!p0 $0x1082;
	s9 =	sld [smem:$0x3FAA]  }
0x2f: {  	lr =	sadd.s32 s0, s3;
	s0 =	sld [smem:$0x3FA1]  }
0x30: {  	s3 =	sld [smem:$0x3FA4]  }
0x31: {  	[smem:$0x3FAD] =	sst s10  }
0x32: {  	s10 =	sld [smem:$0x3FAB];
	_ =	sdelay $0x3  }
0x33: {  	p0 =	seq.s32 s10, $0x1;
	s10 =	sld [smem:$0x3FAD];
	_ =	sdelay $0x3  }
0x34: {  	[smem:$0x3FAD] =	sst s10  }
0x35: {  	s10 =	sld [smem:$0x3FAC];
	_ =	sdelay $0x3  }
0x36: {  	p1 =	seq.s32 s10, $0x1;
	s10 =	sld [smem:$0x3FAD];
	_ =	sdelay $0x3  }
0x37: {  	[smem:$0x3FAD] =	sst s10  }
0x38: {  	s10 =	sld [smem:$0x3FAE]  }
0x39: {  	_ = 	snop;
	(pc) =	sbr.ind lr, $3  }
0x3a: {  	_ = 	snop  }
0x3b: {  	_ = 	snop  }
0x3c: {  	p2 =	seq.s32 s10, $0x1;
	s10 =	sld [smem:$0x3FAD]  }
0x3d: {  	_ =	shalt  }
0x3e: {  	_ =	shalt  }
0x3f: {  	_ =	shalt  }
0x40: {  	_ =	shalt  }
0x41: {  	_ =	shalt  }
0x42: {  	_ =	shalt  }
0x43: {  	_ =	shalt  }
0x44: {  	_ =	shalt  }
0x45: {  	_ =	shalt  }
0x46: {  	_ =	shalt  }
0x47: {  	_ =	shalt  }
0x48: {  	_ =	shalt  }
0x49: {  	_ =	shalt  }
0x4a: {  	_ =	shalt  }
0x4b: {  	_ =	shalt  }
0x4c: {  	_ =	shalt  }
0x4d: {  	_ =	shalt  }
0x4e: {  	_ =	shalt  }
0x4f: {  	_ =	shalt  }
0x50: {  	_ =	shalt  }
0x51: {  	_ =	shalt  }
0x52: {  	_ =	shalt  }
0x53: {  	_ =	shalt  }
0x54: {  	_ =	shalt  }
0x55: {  	_ =	shalt  }
0x56: {  	_ =	shalt  }
0x57: {  	_ =	shalt  }
0x58: {  	_ =	shalt  }
0x59: {  	_ =	shalt  }
0x5a: {  	_ =	shalt  }
0x5b: {  	_ =	shalt  }
0x5c: {  	_ =	shalt  }
0x5d: {  	_ =	shalt  }
0x5e: {  	_ =	shalt  }
0x5f: {  	_ =	shalt  }
0x60: {  	_ =	shalt  }
0x61: {  	_ =	shalt  }
0x62: {  	_ =	shalt  }
0x63: {  	_ =	shalt  }
0x64: {  	_ =	shalt  }
0x65: {  	_ =	shalt  }
0x66: {  	_ =	shalt  }
0x67: {  	_ =	shalt  }
0x68: {  	_ =	shalt  }
0x69: {  	_ =	shalt  }
0x6a: {  	_ =	shalt  }
0x6b: {  	_ =	shalt  }
0x6c: {  	_ =	shalt  }
0x6d: {  	_ =	shalt  }
0x6e: {  	_ =	shalt  }
0x6f: {  	_ =	shalt  }
0x70: {  	_ =	shalt  }
0x71: {  	_ =	shalt  }
0x72: {  	_ =	shalt  }
0x73: {  	_ =	shalt  }
0x74: {  	_ =	shalt  }
0x75: {  	_ =	shalt  }
0x76: {  	_ =	shalt  }
0x77: {  	_ =	shalt  }
0x78: {  	_ =	shalt  }
0x79: {  	_ =	shalt  }
0x7a: {  	_ =	shalt  }
0x7b: {  	_ =	shalt  }
0x7c: {  	_ =	shalt  }
0x7d: {  	_ =	shalt  }
0x7e: {  	_ =	shalt  }
0x7f: {  	_ =	shalt  }
0x80: {  	_ =	shalt  }
0x81: {  	_ =	shalt  }
0x82: {  	_ =	shalt  }
0x83: {  	_ =	shalt  }
0x84: {  	_ =	shalt  }
0x85: {  	_ =	shalt  }
0x86: {  	_ =	shalt  }
0x87: {  	_ =	shalt  }
.Lfunc_end0:
.L_simem_size_0:
called_computation.1_lowered:
.L_overlay_start_0:
0x88: {  	s2 =	sld [smem:$0x3FD9]  }
0x89: {  	s3 =	sld [smem:$0x3FFE];
	_ =	sdelay $0x1  }
0x8a: {  	s1 =	srdreg.scid  }
0x8b: {  	s0 =	sand.u32 $0x1, s1  }
0x8c: {  	s16 =	sshll.u32 s0, $0xA;
	s2 =	sadd.s32 s3, s2  }
0x8d: {  	s2 =	sadd.s32 s2, s16  }
0x8e: {  	[smem:$0x3FB9] =	sst s2  }
0x8f: {  	_ = 	snop  }
0x90: {  	(tm) =	ssettm $0x1  }
0x91: {  	s17 =	sld [smem:$0x3FFB];
	_ =	sdelay $0x3  }
0x92: {  	_ =	strace s17  }
0x93: {  	s2 =	sld [smem:$0x3FFC];
	_ =	sdelay $0x3  }
0x94: {  	_ =	strace s2  }
0x95: {  	s2 =	sld [smem:$0x3FFD];
	_ =	sdelay $0x3  }
0x96: {  	_ =	strace s2  }
0x97: {  	_ =	strace $0x8FFFFFFF  }
0x98: {  	s18 =	sld [smem:$0x3FDB];
	_ =	sdelay $0x1  }
0x99: {  	s19 =	simm.s32 $_scs_section_size  }
0x9a: {  	s4 =	simm.s32 $_size__tile_overlayer_lowered;
	s5 =	simm.s32 $_tile_overlayer_lowered  }
0x9b: {  	s22 =	simm.s32 $0x1BFF;
	s21 =	sshll.u32 s5, $0x1;
	s2 =	sadd.s32 s19, s18  }
0x9c: {  	s6 =	simm.s32 $0x0;
	s20 =	sshll.u32 s4, $0x1;
	s4 =	sadd.s32 s21, s2  }
0x9d: {  	[timem:s6], [sflag:s22] =	dma.local [hbm:s4], s20  }
0x9e: {  	_ =	swait.ge [sflag:s22], s20  }
0x9f: {  	s3 =	ssub.s32 $0x0, s20;
	[sflag:s22] =	ssyncset.done $0x0  }
0xa0: {  	[sflag:s22] =	ssyncadd.s32 s3;
	_ =	sdelay $0x1  }
0xa1: {  	s23 =	simm.s32 $0x1B8B  }
0xa2: {  	_ =	swait.ge [sflag:s23], $0x1  }
0xa3: {  	[sflag:s23] =	ssyncset.done $0x0  }
0xa4: {  	s25 =	simm.s32 $0x1B8E;
	s24 =	sld [smem:$0x3FFE];
	[sflag:s23] =	ssyncadd.s32 $0xFFFFFFFF  }
0xa5: {  	s26 =	simm.s32 $execute0_lowered;
	[smem:$0x3FD2] =	sst s25  }
0xa6: {  	s4 =	sshll.u32 s26, $0x1;
	_ =	strace $0x80000049;
	[dreg:$0x1] =	wrdreg $0xFFFFFFFF  }
0xa7: {  	s28 =	simm.s32 $_size_execute0_lowered;
	s2 =	sadd.s32 s2, s4;
	[dreg:$0x0] =	wrdreg $0x0  }
0xa8: {  	s4 =	sshll.u32 s28, $0x1;
	[dreg:$0x2] =	wrdreg s2  }
0xa9: {  	[dreg:$0x3] =	wrdreg s4  }
0xaa: {  	[dreg:$0x4] =	wrdreg $0xC0  }
0xab: {  	_ =	task [dreg:s6], $0x5FFFF  }
0xac: {  	[dreg:$0x1] =	wrdreg $0xFFFFFFFF  }
0xad: {  	[dreg:$0x0] =	wrdreg $0x60  }
0xae: {  	[dreg:$0x2] =	wrdreg s24  }
0xaf: {  	[dreg:$0x3] =	wrdreg $0x90000  }
0xb0: {  	[dreg:$0x4] =	wrdreg $0x9  }
0xb1: {  	_ =	task.clear_ibuf [dreg:s6], $0x5FFFF;
	_ =	strace $0x90000049  }
0xb2: {  	s29 =	simm.s32 $0x9;
	_ =	strace $0x8000004B  }
0xb3: {  	_ =	swait.ge [sflag:s29], $0x1  }
0xb4: {  	[sflag:s29] =	ssyncadd.s32 $0xFFFFFFFF  }
0xb5: {  	_ =	strace $0x9000004B  }
0xb6: {  	_ =	sfence  }
0xb7: {  	s30 =	sld [smem:$0x0];
	_ =	sdelay $0x2  }
0xb8: {  	s31 =	sshll.u32 s1, $0xD;
	s1 =	sshrl.u32 s1, $0x2  }
0xb9: {  	s3 =	sand.u32 $0x4000, s31;
	s1 =	sadd.s32 s1, s30  }
0xba: {  	s0 =	sor.u32 s3, s0;
	s1 =	sshll.u32 s1, $0x11  }
0xbb: {  	s0 =	sor.u32 s1, s0  }
0xbc: {  	s0 =	sadd.s32 $0x8F2B, s0  }
0xbd: {  	[sflag:s0] =	ssyncadd.remote.s32 $0x1  }
0xbe: {  	_ =	sfence.sel $0xFFFF  }
0xbf: {  	[dreg:$0x0] =	wrdreg $0xFFFFFFFF;
	(pc) =	sbr.abs _section_cstart, $3  }
0xc0: {  	[dreg:$0x1] =	wrdreg $0xFFFFFFFF  }
0xc1: {  	_ =	task.clear_ibuf [dreg:s6], $0x2FFFF;
	_ =	strace $0x9FFFFFFF  }
0xc2: {  	(tm) =	ssettm $0x7FFFFFFF  }
0xc3: {  	_ =	shalt  }
tec
execute0_lowered:
.L_overlay_start_1:
0x0: {  	(tag) =	ssettag $0x1  }
0x1: {  	s0 =	rddreg [dreg:$0x0]  }
0x2: {  	s1 =	rddreg [dreg:$0x1];
	s2 =	simm.s32 $0x0  }
0x3: {  	s3 =	srdreg.scid;
	s16 =	stileid.u32;
	s14 =	simm.s32 $0x3  }
0x4: {  	s28 =	simm.s32 $0x1;
	s29 =	simm.s32 $0x4;
	s30 =	simm.s32 $0x2  }
0x5: {  	s31 =	simm.s32 $0x0;
	[smem:$0x7FF] =	sst s2;
	s6 =	smul.u32 $0x14000, s16  }
0x6: {  	s3 =	sand.u32 $0x1, s3;
	s4 =	sadd.s32 $0xDE00, s0;
	s10 =	smul.u32 $0x50000, s16  }
0x7: {  	s12 =	sadd.s32 $0x5E600, s0;
	s13 =	sadd.s32 $0x3600, s0;
	s22 =	smul.u32 $0x2800, s16  }
0x8: {  	s26 =	sshll.u32 s16, $0x6;
	_ =	strace $0x8000004A;
	s5 =	smul.u32 $0x140000, s3  }
0x9: {  	s7 =	sshll.u32 s3, $0x4;
	s15 =	ssub.s32 $0x2, s3;
	s3 =	smul.u32 $0x28000, s3  }
0xa: {  	s7 =	sor.u32 s16, s7;
	s9 =	sshrl.u32 s15, $0x1;
	s20 =	sshrl.u32 s10, $0x2  }
0xb: {  	s16 =	sor.u32 $0x1C03, s26;
	s5 =	sadd.s32 s6, s5;
	s7 =	smul.u32 $0x2800, s7  }
0xc: {  	s6 =	ssub.s32 s15, s9;
	s15 =	sadd.s32 s20, s1;
	s3 =	sadd.s32 s22, s3  }
0xd: {  	s22 =	simm.s32 $0x80;
	s8 =	sshrl.u32 s5, $0x3;
	s5 =	sadd.s32 $0xD600, s0  }
0xe: {  	s18 =	sadd.s32 $0x4000, s15;
	s19 =	sadd.s32 $0x8000, s15;
	s20 =	sadd.s32 $0xC000, s15  }
0xf: {  	s3 =	sadd.s32 $0x800, s3;
	s11 =	smax.u32 s6, $0x1;
	s0 =	sadd.s32 s8, s0  }
0x10: {  	s17 =	sshrl.u32 s7, $0x3;
	s25 =	sshrl.u32 s3, $0x3;
	s18 =	sshrl.u32 s18, $0x3  }
0x11: {  	s19 =	sshrl.u32 s19, $0x3;
	s20 =	sshrl.u32 s20, $0x3;
	s21 =	sadd.s32 s12, s17  }
.Ltmp0:
0x12: {  	s23 =	sadd.s32 s13, s17;
	s24 =	sor.u32 $0x80, s17;
	(pc) =	sbr.rel .LBB2_1-.Ltmp0, $4  }
0x13: {  	s10 =	sadd.s32 $0x68600, s0;
	s3 =	sadd.s32 s25, s13;
	[dreg:$0x3] =	wrdreg s21  }
0x14: {  	s0 =	sadd.s32 s25, s12;
	s17 =	sshrl.u32 s15, $0x3;
	[dreg:$0x4] =	wrdreg s23  }
0x15: {  	s21 =	sadd.s32 $0x10000, s15;
	s8 =	sadd.s32 s12, s24;
	s9 =	sadd.s32 s13, s24  }
0x16: {  	s23 =	simm.s32 $0x1000;
	s24 =	simm.s32 $0x5000;
	s21 =	sshrl.u32 s21, $0x3  }
.LBB2_3:
0x17: {  	_ =	swait.ge [sflag:s30], $0x4000  }
0x18: {  	[sflag:s30] =	ssyncset.done $0x0  }
0x19: {  	s6 =	sor.u32 $0x800, s6;
	[sflag:s30] =	ssyncadd.s32 $0xFFFFC000  }
0x1a: {  	[spmem:s1] =	stream.indirect.scatter.add.f32 [tilespmem:s24], [sflag:$0x4], $0x80, s6, s22, $0xb8;
	[tilespmem:$0x1D000] =	vst v63  }
0x1b: {  	_ =	swait.ge [sflag:s29], $0x4000  }
0x1c: {  	[sflag:s29] =	ssyncset.done $0x0  }
0x1d: {  	[sflag:s29] =	ssyncadd.s32 $0xFFFFC000  }
.LBB2_5:
0x1e: {  	s31 =	sadd.s32 $0x1, s31  }
0x1f: {  	p0 =	sne.s32 s31, s11  }
.Ltmp1:
0x20: {  	[bflag:$0x0] =	sbarrier.arrive $0xFFFF;
	(pc) =	sbr.rel @!p0 .LBB2_6-.Ltmp1, $4  }
0x21: {  	[hbm:s10], [sflag:s16] =	dma.local [spmem:s17], $0x2800  }
0x22: {  	_ =	swait.ge [sflag:s14], $0x2800  }
0x23: {  	[sflag:s14] =	ssyncset.done $0x0  }
0x24: {  	[sflag:s14] =	ssyncadd.s32 $0xFFFFD800  }
.LBB2_1:
0x25: {  	s6 =	rddreg [dreg:$0x3]  }
0x26: {  	[tilespmem:s2], [sflag:$0x3] =	stream.linear.gather [hbm4b:s6+s2], $0x400, $0x38;
	[tilespmem:$0x1D000] =	vst v63  }
0x27: {  	_ =	swait.ge [sflag:s14], $0x400  }
0x28: {  	[sflag:s14] =	ssyncset.done $0x0  }
0x29: {  	s7 =	simm.s32 $0x800;
	s15 =	rddreg [dreg:$0x4];
	[sflag:s14] =	ssyncadd.s32 $0xFFFFFC00  }
0x2a: {  	[tilespmem:s7], [sflag:$0x3] =	stream.linear.gather [hbm4b:s15+s2], $0x400, $0x38;
	[tilespmem:$0x1D000] =	vst v63  }
0x2b: {  	_ =	swait.ge [sflag:s14], $0x400  }
0x2c: {  	[sflag:s14] =	ssyncset.done $0x0  }
0x2d: {  	[sflag:s14] =	ssyncadd.s32 $0xFFFFFC00  }
0x2e: {  	[spmem:s17], [sflag:s16] =	dma.local [hbm:s5], $0x800  }
0x2f: {  	_ =	swait.ge [sflag:s14], $0x800  }
0x30: {  	[sflag:s14] =	ssyncset.done $0x0  }
0x31: {  	[sflag:s14] =	ssyncadd.s32 $0xFFFFF800  }
0x32: {  	[spmem:s18], [sflag:s16] =	dma.local [hbm:s5], $0x800  }
0x33: {  	_ =	swait.ge [sflag:s14], $0x800  }
0x34: {  	[sflag:s14] =	ssyncset.done $0x0  }
0x35: {  	[sflag:s14] =	ssyncadd.s32 $0xFFFFF800  }
0x36: {  	[spmem:s19], [sflag:s16] =	dma.local [hbm:s5], $0x800  }
0x37: {  	_ =	swait.ge [sflag:s14], $0x800  }
0x38: {  	[sflag:s14] =	ssyncset.done $0x0  }
0x39: {  	[sflag:s14] =	ssyncadd.s32 $0xFFFFF800  }
0x3a: {  	[spmem:s20], [sflag:s16] =	dma.local [hbm:s5], $0x800  }
0x3b: {  	_ =	swait.ge [sflag:s14], $0x800  }
0x3c: {  	[sflag:s14] =	ssyncset.done $0x0  }
0x3d: {  	[sflag:s14] =	ssyncadd.s32 $0xFFFFF800  }
0x3e: {  	[spmem:s21], [sflag:s16] =	dma.local [hbm:s5], $0x800  }
0x3f: {  	_ =	swait.ge [sflag:s14], $0x800  }
0x40: {  	[sflag:s14] =	ssyncset.done $0x0  }
0x41: {  	[sflag:s14] =	ssyncadd.s32 $0xFFFFF800  }
0x42: {  	[bflag:$0x0] =	sbarrier.arrive $0xFFFF  }
0x43: {  	[tilespmem:s23], [sflag:$0x1] =	stream.indirect.gather [hbm4b:s4+s22], $0x80, s2, s22, $0xb8;
	[tilespmem:$0x1D000] =	vst v63  }
0x44: {  	_ = 	snop  }
0x45: {  	[tilespmem:s24], [sflag:$0x2] =	stream.indirect.gather [hbm4b:s4+s22], $0x80, s22, s22, $0xb8;
	[tilespmem:$0x1D000] =	vst v63  }
0x46: {  	s25 =	simm.s32 $0x400  }
0x47: {  	[tilespmem:s25], [sflag:$0x3] =	stream.linear.gather [hbm4b:s8+s2], $0x400, $0x38;
	[tilespmem:$0x1D000] =	vst v63  }
0x48: {  	_ =	swait.ge [sflag:s14], $0x400  }
0x49: {  	[sflag:s14] =	ssyncset.done $0x0  }
0x4a: {  	s26 =	simm.s32 $0xC00;
	[sflag:s14] =	ssyncadd.s32 $0xFFFFFC00  }
0x4b: {  	[tilespmem:s26], [sflag:$0x3] =	stream.linear.gather [hbm4b:s9+s2], $0x400, $0x38;
	[tilespmem:$0x1D000] =	vst v63  }
0x4c: {  	_ =	swait.ge [sflag:s14], $0x400  }
0x4d: {  	s13 =	smov.u32 s0;
	[sflag:s14] =	ssyncset.done $0x0  }
0x4e: {  	s12 =	smov.u32 s3;
	s15 =	simm.s32 $0x0;
	[sflag:s14] =	ssyncadd.s32 $0xFFFFFC00  }
.LBB2_2:
0x4f: {  	s6 =	sand.u32 $0x1, s15;
	_ =	swait.ge [sflag:s28], $0x4000  }
0x50: {  	[sflag:s28] =	ssyncset.done $0x0;
	s26 =	sshll.u32 s6, $0xA  }
0x51: {  	[sflag:s28] =	ssyncadd.s32 $0xFFFFC000;
	s25 =	sor.u32 $0x800, s26  }
0x52: {  	[spmem:s1] =	stream.indirect.scatter.add.f32 [tilespmem:s23], [sflag:$0x4], $0x80, s25, s22, $0xb8;
	[tilespmem:$0x1D000] =	vst v63  }
0x53: {  	_ =	swait.ge [sflag:s29], $0x4000  }
0x54: {  	[sflag:s29] =	ssyncset.done $0x0  }
0x55: {  	s6 =	sor.u32 $0x100, s26;
	[sflag:s29] =	ssyncadd.s32 $0xFFFFC000  }
0x56: {  	[tilespmem:s23], [sflag:$0x1] =	stream.indirect.gather [hbm4b:s4+s22], $0x80, s6, s22, $0xb8;
	[tilespmem:$0x1D000] =	vst v63  }
0x57: {  	_ =	swait.ge [sflag:s30], $0x4000  }
0x58: {  	[sflag:s30] =	ssyncset.done $0x0  }
0x59: {  	s7 =	sor.u32 $0x880, s26;
	[sflag:s30] =	ssyncadd.s32 $0xFFFFC000  }
0x5a: {  	[spmem:s1] =	stream.indirect.scatter.add.f32 [tilespmem:s24], [sflag:$0x4], $0x80, s7, s22, $0xb8;
	[tilespmem:$0x1D000] =	vst v63  }
0x5b: {  	_ =	swait.ge [sflag:s29], $0x4000  }
0x5c: {  	[sflag:s29] =	ssyncset.done $0x0  }
0x5d: {  	s7 =	sor.u32 $0x180, s26;
	[sflag:s29] =	ssyncadd.s32 $0xFFFFC000  }
0x5e: {  	[tilespmem:s24], [sflag:$0x2] =	stream.indirect.gather [hbm4b:s4+s22], $0x80, s7, s22, $0xb8;
	[tilespmem:$0x1D000] =	vst v63  }
0x5f: {  	_ =	swait.ge [sflag:s28], $0x4000  }
0x60: {  	[sflag:s28] =	ssyncset.done $0x0  }
0x61: {  	s7 =	sor.u32 $0x900, s26;
	[sflag:s28] =	ssyncadd.s32 $0xFFFFC000  }
0x62: {  	[spmem:s1] =	stream.indirect.scatter.add.f32 [tilespmem:s23], [sflag:$0x4], $0x80, s7, s22, $0xb8;
	[tilespmem:$0x1D000] =	vst v63  }
0x63: {  	_ =	swait.ge [sflag:s29], $0x4000  }
0x64: {  	[sflag:s29] =	ssyncset.done $0x0  }
0x65: {  	s7 =	sor.u32 $0x200, s26;
	[sflag:s29] =	ssyncadd.s32 $0xFFFFC000  }
0x66: {  	[tilespmem:s23], [sflag:$0x1] =	stream.indirect.gather [hbm4b:s4+s22], $0x80, s7, s22, $0xb8;
	[tilespmem:$0x1D000] =	vst v63  }
0x67: {  	_ =	swait.ge [sflag:s30], $0x4000  }
0x68: {  	[sflag:s30] =	ssyncset.done $0x0  }
0x69: {  	s7 =	sor.u32 $0x980, s26;
	[sflag:s30] =	ssyncadd.s32 $0xFFFFC000  }
0x6a: {  	[spmem:s1] =	stream.indirect.scatter.add.f32 [tilespmem:s24], [sflag:$0x4], $0x80, s7, s22, $0xb8;
	[tilespmem:$0x1D000] =	vst v63  }
0x6b: {  	_ =	swait.ge [sflag:s29], $0x4000  }
0x6c: {  	[sflag:s29] =	ssyncset.done $0x0  }
0x6d: {  	s7 =	sor.u32 $0x280, s26;
	[sflag:s29] =	ssyncadd.s32 $0xFFFFC000  }
0x6e: {  	[tilespmem:s24], [sflag:$0x2] =	stream.indirect.gather [hbm4b:s4+s22], $0x80, s7, s22, $0xb8;
	[tilespmem:$0x1D000] =	vst v63  }
0x6f: {  	_ =	swait.ge [sflag:s28], $0x4000  }
0x70: {  	[sflag:s28] =	ssyncset.done $0x0  }
0x71: {  	s7 =	sor.u32 $0xA00, s26;
	[sflag:s28] =	ssyncadd.s32 $0xFFFFC000  }
0x72: {  	[spmem:s1] =	stream.indirect.scatter.add.f32 [tilespmem:s23], [sflag:$0x4], $0x80, s7, s22, $0xb8;
	[tilespmem:$0x1D000] =	vst v63  }
0x73: {  	_ =	swait.ge [sflag:s29], $0x4000  }
0x74: {  	[sflag:s29] =	ssyncset.done $0x0  }
0x75: {  	s7 =	sor.u32 $0x300, s26;
	[sflag:s29] =	ssyncadd.s32 $0xFFFFC000  }
0x76: {  	[tilespmem:s23], [sflag:$0x1] =	stream.indirect.gather [hbm4b:s4+s22], $0x80, s7, s22, $0xb8;
	[tilespmem:$0x1D000] =	vst v63  }
0x77: {  	_ =	swait.ge [sflag:s30], $0x4000  }
0x78: {  	[sflag:s30] =	ssyncset.done $0x0  }
0x79: {  	s7 =	sor.u32 $0xA80, s26;
	[sflag:s30] =	ssyncadd.s32 $0xFFFFC000  }
0x7a: {  	[spmem:s1] =	stream.indirect.scatter.add.f32 [tilespmem:s24], [sflag:$0x4], $0x80, s7, s22, $0xb8;
	[tilespmem:$0x1D000] =	vst v63  }
0x7b: {  	_ =	swait.ge [sflag:s29], $0x4000  }
0x7c: {  	[sflag:s29] =	ssyncset.done $0x0  }
0x7d: {  	s6 =	sor.u32 $0x380, s26;
	[sflag:s29] =	ssyncadd.s32 $0xFFFFC000  }
0x7e: {  	[tilespmem:s24], [sflag:$0x2] =	stream.indirect.gather [hbm4b:s4+s22], $0x80, s6, s22, $0xb8;
	[tilespmem:$0x1D000] =	vst v63  }
0x7f: {  	_ =	swait.ge [sflag:s28], $0x4000  }
0x80: {  	p0 =	sne.s32 s15, $0x9;
	[sflag:s28] =	ssyncset.done $0x0  }
.Ltmp2:
0x81: {  	s7 =	sor.u32 $0xB00, s26;
	[sflag:s28] =	ssyncadd.s32 $0xFFFFC000;
	(pc) =	sbr.rel @!p0 .LBB2_3-.Ltmp2, $4  }
0x82: {  	[spmem:s1] =	stream.indirect.scatter.add.f32 [tilespmem:s23], [sflag:$0x4], $0x80, s7, s22, $0xb8;
	[tilespmem:$0x1D000] =	vst v63  }
0x83: {  	_ =	swait.ge [sflag:s29], $0x4000  }
0x84: {  	[sflag:s29] =	ssyncset.done $0x0  }
0x85: {  	[sflag:s29] =	ssyncadd.s32 $0xFFFFC000  }
0x86: {  	s7 =	sxor.u32 $0x400, s26  }
0x87: {  	[tilespmem:s23], [sflag:$0x1] =	stream.indirect.gather [hbm4b:s4+s22], $0x80, s7, s22, $0xb8;
	[tilespmem:$0x1D000] =	vst v63  }
0x88: {  	_ =	swait.ge [sflag:s30], $0x4000  }
0x89: {  	[sflag:s30] =	ssyncset.done $0x0  }
0x8a: {  	s6 =	sor.u32 $0x800, s6;
	[sflag:s30] =	ssyncadd.s32 $0xFFFFC000  }
0x8b: {  	[spmem:s1] =	stream.indirect.scatter.add.f32 [tilespmem:s24], [sflag:$0x4], $0x80, s6, s22, $0xb8;
	[tilespmem:$0x1D000] =	vst v63  }
0x8c: {  	_ =	swait.ge [sflag:s29], $0x4000  }
0x8d: {  	[sflag:s29] =	ssyncset.done $0x0  }
0x8e: {  	p0 =	sgt.u32 s15, $0x7;
	s7 =	sor.u32 $0x80, s7;
	[sflag:s29] =	ssyncadd.s32 $0xFFFFC000  }
0x8f: {  	[tilespmem:s24], [sflag:$0x2] =	stream.indirect.gather [hbm4b:s4+s22], $0x80, s7, s22, $0xb8;
	[tilespmem:$0x1D000] =	vst v63  }
0x90: {  	s6 =	simm.s32 @!p0 $0x0;
	s7 =	simm.s32 @!p0 $0x4  }
0x91: {  	[tilespmem:s26], [sflag:$0x4] =	stream.linear.gather @!p0 [hbm4b:s13+s6], $0x400, $0x38;
	[tilespmem:$0x1D000] =	vst v63  }
0x92: {  	_ =	swait.ge @!p0 [sflag:s7], $0x400  }
0x93: {  	s15 =	sadd.s32 $0x1, s15;
	[sflag:s7] =	ssyncset.done @!p0 $0x0  }
0x94: {  	p1 =	sne.s32 s15, $0xA;
	[sflag:s7] =	ssyncadd.s32 @!p0 $0xFFFFFC00  }
0x95: {  	[tilespmem:s25], [sflag:$0x3] =	stream.linear.gather @!p0 [hbm4b:s12+s6], $0x400, $0x38;
	[tilespmem:$0x1D000] =	vst v63  }
.Ltmp3:
0x96: {  	_ = 	snop;
	(pc) =	sbr.rel @p1 .LBB2_2-.Ltmp3, $4  }
.Ltmp4:
0x97: {  	s6 =	simm.s32 @!p0 $0x3;
	(pc) =	sbr.rel @!p1 .LBB2_5-.Ltmp4, $4  }
0x98: {  	_ =	swait.ge @!p0 [sflag:s6], $0x400  }
0x99: {  	[sflag:s6] =	ssyncset.done @!p0 $0x0  }
0x9a: {  	s13 =	sadd.s32 $0x80, s13;
	s12 =	sadd.s32 $0x80, s12;
	[sflag:s6] =	ssyncadd.s32 @!p0 $0xFFFFFC00  }
0x9b: {  	_ = 	snop  }
.LBB2_6:
0x9c: {  	_ =	sfence.sel $0x180000  }
0x9d: {  	[bflag:$0x0] =	sbarrier.arrive $0xFFFF  }
0x9e: {  	_ =	strace $0x9000004A  }
0x9f: {  	s0 =	stileid.u32;
	[bflag:$0x2] =	sbarrier.arrive $0xFFFF  }
0xa0: {  	p0 =	sne.s32 s0, $0x0;
	s0 =	rddreg [dreg:$0x2]  }
0xa1: {  	s0 =	sadd.s32 @!p0 $0x100000, s0  }
0xa2: {  	[sflag:s0] =	ssyncadd.tile.s32 @!p0 $0x1;
	_ =	shalt  }
.Lfunc_end2:
_tile_overlayer_lowered:
.L_overlay_start_2:
0xa3: {  	(tag) =	ssettag $0x2  }
0xa4: {  	s0 =	rddreg [dreg:$0x0];
	s2 =	stileid.u32  }
0xa5: {  	s1 =	rddreg [dreg:$0x1];
	p0 =	sne.s32 s2, $0x0  }
0xa6: {  	s3 =	rddreg [dreg:$0x2];
	[bflag:$0x3] =	sbarrier.arrive $0xFFFF;
	s2 =	simm.s32 @!p0 $0x1C03  }
0xa7: {  	[timem:s3], [sflag:s2] =	dma.local @!p0 [hbm:s0], s1  }
0xa8: {  	s0 =	simm.s32 @!p0 $0x3  }
0xa9: {  	_ =	swait.ge @!p0 [sflag:s0], s1  }
0xaa: {  	s1 =	ssub.s32 @!p0 $0x0, s1;
	[sflag:s0] =	ssyncset.done @!p0 $0x0  }
0xab: {  	[sflag:s0] =	ssyncadd.s32 @!p0 s1  }
0xac: {  	[bflag:$0x3] =	sbarrier.arrive $0xFFFF  }
0xad: {  	_ =	shalt  }

// kernel: kernel.16.cloned.1.call-start
scs
__scs_entry_jumppad:
0x0: {  	(pc) =	sbr.rel $0x88, $3  }
0x1: {  	(tag) =	ssettag $0x0;
	lr =	simm.s32 $0x1  }
0x2: {  	[smem:$0x3F92] =	sst lr;
	_ =	strace $0xD0000000  }
0x3: {  	_ = 	snop  }
0x4: {  	_ = 	snop  }
0x5: {  	_ = 	snop  }
0x6: {  	_ = 	snop  }
0x7: {  	_ = 	snop  }
__scs_overlays_trampoline_lowered:
0x8: {  	[smem:$0x3FA1] =	sst s0  }
0x9: {  	[smem:$0x3FA2] =	sst s1  }
0xa: {  	[smem:$0x3FA3] =	sst s2  }
0xb: {  	[smem:$0x3FA4] =	sst s3  }
0xc: {  	[smem:$0x3FA5] =	sst s4  }
0xd: {  	[smem:$0x3FA6] =	sst s5  }
0xe: {  	[smem:$0x3FA7] =	sst s6  }
0xf: {  	[smem:$0x3FA8] =	sst s7  }
0x10: {  	[smem:$0x3FA9] =	sst s8  }
0x11: {  	[smem:$0x3FAA] =	sst s9;
	s0 =	simm.s32 @!p0 $0x0  }
0x12: {  	s1 =	sld [smem:$0x3F90];
	s0 =	simm.s32 @p0 $0x1  }
0x13: {  	[smem:$0x3FAB] =	sst s0;
	s0 =	simm.s32 @!p1 $0x0  }
0x14: {  	s2 =	sld [smem:$0x3F8F];
	s0 =	simm.s32 @p1 $0x1  }
0x15: {  	[smem:$0x3FAC] =	sst s0;
	s0 =	simm.s32 @!p2 $0x0  }
0x16: {  	s3 =	sld [smem:$0x3FDB];
	s0 =	simm.s32 @p2 $0x1  }
0x17: {  	s4 =	simm.s32 $0x1BF5;
	[smem:$0x3FAE] =	sst s0  }
0x18: {  	s0 =	sld [smem:$0x3F91];
	_ =	swait.ge [sflag:s4], $0x0  }
0x19: {  	s7 =	sld [smem:$0x3F92]  }
0x1a: {  	s8 =	sadd.s32 $0xFFFFE003, lr  }
0x1b: {  	s9 =	sadd.s32 $0xFFFFFEF7, lr;
	s5 =	simm.s32 $0xFFFFFFFF;
	p2 =	slt.u32 s8, $0xFFFFF086  }
0x1c: {  	p1 =	slt.u32 s9, $0xF7A;
	s5 =	simm.s32 @!p2 $0x0  }
0x1d: {  	s5 =	simm.s32 @p1 $0x1;
	p0 =	seq.s32 s7, s2  }
0x1e: {  	s7 =	smul.u32 @!p0 $0xF7A, s2;
	p2 =	seq.s32 @!p0 s5, $0x0  }
0x1f: {  	s9 =	smul.u32 $0xF7A, s1;
	s8 =	simm.s32 @!p0 $0x1BF5;
	p2 =	por !p2, p0  }
0x20: {  	[sflag:s8] =	ssyncset.s32 @!p0 $0xFFFFF086;
	s6 =	sadd.s32 @!p0 s3, s7;
	s7 =	simm.s32 @!p0 $0x108  }
0x21: {  	s3 =	sadd.s32 s3, s9;
	s6 =	sadd.s32 @!p0 $0x88, s6;
	s7 =	simm.s32 @p2 $0x1082  }
0x22: {  	[simem:s7], [sflag:s8] =	dma.local @!p0 [hbm:s6], $0xF7A  }
0x23: {  	s9 =	sor.u32 $0xD0000000, s2;
	s6 =	simm.s32 $0x108;
	_ =	swait.ge @!p0 [sflag:s8], $0x0  }
0x24: {  	s3 =	sadd.s32 $0x88, s3;
	s6 =	simm.s32 @!p1 $0x1082;
	[sflag:s4] =	ssyncset.s32 $0xFFFFF086  }
0x25: {  	[simem:s6], [sflag:s4] =	dma.local [hbm:s3], $0xF7A  }
0x26: {  	[smem:$0x3F92] =	sst s1;
	(tag) =	ssettag s2;
	_ =	strace s9  }
0x27: {  	s1 =	sld [smem:$0x3FA2]  }
0x28: {  	s2 =	sld [smem:$0x3FA3]  }
0x29: {  	s4 =	sld [smem:$0x3FA5]  }
0x2a: {  	p0 =	seq.s32 s5, $0x0;
	s5 =	sld [smem:$0x3FA6]  }
0x2b: {  	s6 =	sld [smem:$0x3FA7]  }
0x2c: {  	s7 =	sld [smem:$0x3FA8]  }
0x2d: {  	s3 =	simm.s32 $0x108;
	s8 =	sld [smem:$0x3FA9]  }
0x2e: {  	s3 =	simm.s32 @!p0 $0x1082;
	s9 =	sld [smem:$0x3FAA]  }
0x2f: {  	lr =	sadd.s32 s0, s3;
	s0 =	sld [smem:$0x3FA1]  }
0x30: {  	s3 =	sld [smem:$0x3FA4]  }
0x31: {  	[smem:$0x3FAD] =	sst s10  }
0x32: {  	s10 =	sld [smem:$0x3FAB];
	_ =	sdelay $0x3  }
0x33: {  	p0 =	seq.s32 s10, $0x1;
	s10 =	sld [smem:$0x3FAD];
	_ =	sdelay $0x3  }
0x34: {  	[smem:$0x3FAD] =	sst s10  }
0x35: {  	s10 =	sld [smem:$0x3FAC];
	_ =	sdelay $0x3  }
0x36: {  	p1 =	seq.s32 s10, $0x1;
	s10 =	sld [smem:$0x3FAD];
	_ =	sdelay $0x3  }
0x37: {  	[smem:$0x3FAD] =	sst s10  }
0x38: {  	s10 =	sld [smem:$0x3FAE]  }
0x39: {  	_ = 	snop;
	(pc) =	sbr.ind lr, $3  }
0x3a: {  	_ = 	snop  }
0x3b: {  	_ = 	snop  }
0x3c: {  	p2 =	seq.s32 s10, $0x1;
	s10 =	sld [smem:$0x3FAD]  }
0x3d: {  	_ =	shalt  }
0x3e: {  	_ =	shalt  }
0x3f: {  	_ =	shalt  }
0x40: {  	_ =	shalt  }
0x41: {  	_ =	shalt  }
0x42: {  	_ =	shalt  }
0x43: {  	_ =	shalt  }
0x44: {  	_ =	shalt  }
0x45: {  	_ =	shalt  }
0x46: {  	_ =	shalt  }
0x47: {  	_ =	shalt  }
0x48: {  	_ =	shalt  }
0x49: {  	_ =	shalt  }
0x4a: {  	_ =	shalt  }
0x4b: {  	_ =	shalt  }
0x4c: {  	_ =	shalt  }
0x4d: {  	_ =	shalt  }
0x4e: {  	_ =	shalt  }
0x4f: {  	_ =	shalt  }
0x50: {  	_ =	shalt  }
0x51: {  	_ =	shalt  }
0x52: {  	_ =	shalt  }
0x53: {  	_ =	shalt  }
0x54: {  	_ =	shalt  }
0x55: {  	_ =	shalt  }
0x56: {  	_ =	shalt  }
0x57: {  	_ =	shalt  }
0x58: {  	_ =	shalt  }
0x59: {  	_ =	shalt  }
0x5a: {  	_ =	shalt  }
0x5b: {  	_ =	shalt  }
0x5c: {  	_ =	shalt  }
0x5d: {  	_ =	shalt  }
0x5e: {  	_ =	shalt  }
0x5f: {  	_ =	shalt  }
0x60: {  	_ =	shalt  }
0x61: {  	_ =	shalt  }
0x62: {  	_ =	shalt  }
0x63: {  	_ =	shalt  }
0x64: {  	_ =	shalt  }
0x65: {  	_ =	shalt  }
0x66: {  	_ =	shalt  }
0x67: {  	_ =	shalt  }
0x68: {  	_ =	shalt  }
0x69: {  	_ =	shalt  }
0x6a: {  	_ =	shalt  }
0x6b: {  	_ =	shalt  }
0x6c: {  	_ =	shalt  }
0x6d: {  	_ =	shalt  }
0x6e: {  	_ =	shalt  }
0x6f: {  	_ =	shalt  }
0x70: {  	_ =	shalt  }
0x71: {  	_ =	shalt  }
0x72: {  	_ =	shalt  }
0x73: {  	_ =	shalt  }
0x74: {  	_ =	shalt  }
0x75: {  	_ =	shalt  }
0x76: {  	_ =	shalt  }
0x77: {  	_ =	shalt  }
0x78: {  	_ =	shalt  }
0x79: {  	_ =	shalt  }
0x7a: {  	_ =	shalt  }
0x7b: {  	_ =	shalt  }
0x7c: {  	_ =	shalt  }
0x7d: {  	_ =	shalt  }
0x7e: {  	_ =	shalt  }
0x7f: {  	_ =	shalt  }
0x80: {  	_ =	shalt  }
0x81: {  	_ =	shalt  }
0x82: {  	_ =	shalt  }
0x83: {  	_ =	shalt  }
0x84: {  	_ =	shalt  }
0x85: {  	_ =	shalt  }
0x86: {  	_ =	shalt  }
0x87: {  	_ =	shalt  }
.Lfunc_end0:
.L_simem_size_0:
called_computation.2_lowered:
.L_overlay_start_0:
0x88: {  	s2 =	sld [smem:$0x3FD9]  }
0x89: {  	s3 =	sld [smem:$0x3FFE];
	_ =	sdelay $0x1  }
0x8a: {  	s1 =	srdreg.scid  }
0x8b: {  	s0 =	sand.u32 $0x1, s1  }
0x8c: {  	s16 =	sshll.u32 s0, $0xA;
	s2 =	sadd.s32 s3, s2  }
0x8d: {  	s2 =	sadd.s32 s2, s16  }
0x8e: {  	[smem:$0x3FB9] =	sst s2  }
0x8f: {  	_ = 	snop  }
0x90: {  	(tm) =	ssettm $0x1  }
0x91: {  	s17 =	sld [smem:$0x3FFB];
	_ =	sdelay $0x3  }
0x92: {  	_ =	strace s17  }
0x93: {  	s2 =	sld [smem:$0x3FFC];
	_ =	sdelay $0x3  }
0x94: {  	_ =	strace s2  }
0x95: {  	s2 =	sld [smem:$0x3FFD];
	_ =	sdelay $0x3  }
0x96: {  	_ =	strace s2  }
0x97: {  	_ =	strace $0x8FFFFFFF  }
0x98: {  	s18 =	sld [smem:$0x3FDB];
	_ =	sdelay $0x1  }
0x99: {  	s19 =	simm.s32 $_scs_section_size  }
0x9a: {  	s4 =	simm.s32 $_size__tile_overlayer_lowered;
	s5 =	simm.s32 $_tile_overlayer_lowered  }
0x9b: {  	s22 =	simm.s32 $0x1BFF;
	s21 =	sshll.u32 s5, $0x1;
	s2 =	sadd.s32 s19, s18  }
0x9c: {  	s6 =	simm.s32 $0x0;
	s20 =	sshll.u32 s4, $0x1;
	s4 =	sadd.s32 s21, s2  }
0x9d: {  	[timem:s6], [sflag:s22] =	dma.local [hbm:s4], s20  }
0x9e: {  	_ =	swait.ge [sflag:s22], s20  }
0x9f: {  	s3 =	ssub.s32 $0x0, s20;
	[sflag:s22] =	ssyncset.done $0x0  }
0xa0: {  	[sflag:s22] =	ssyncadd.s32 s3;
	_ =	sdelay $0x1  }
0xa1: {  	s23 =	simm.s32 $0x1B8B  }
0xa2: {  	_ =	swait.ge [sflag:s23], $0x1  }
0xa3: {  	[sflag:s23] =	ssyncset.done $0x0  }
0xa4: {  	s25 =	simm.s32 $0x1B8E;
	s24 =	sld [smem:$0x3FFE];
	[sflag:s23] =	ssyncadd.s32 $0xFFFFFFFF  }
0xa5: {  	s26 =	simm.s32 $execute0_lowered;
	[smem:$0x3FD2] =	sst s25  }
0xa6: {  	s4 =	sshll.u32 s26, $0x1;
	_ =	strace $0x8000004C;
	[dreg:$0x1] =	wrdreg $0xFFFFFFFF  }
0xa7: {  	s28 =	simm.s32 $_size_execute0_lowered;
	s2 =	sadd.s32 s2, s4;
	[dreg:$0x0] =	wrdreg $0x0  }
0xa8: {  	s4 =	sshll.u32 s28, $0x1;
	[dreg:$0x2] =	wrdreg s2  }
0xa9: {  	[dreg:$0x3] =	wrdreg s4  }
0xaa: {  	[dreg:$0x4] =	wrdreg $0xC0  }
0xab: {  	_ =	task [dreg:s6], $0x5FFFF  }
0xac: {  	[dreg:$0x1] =	wrdreg $0xFFFFFFFF  }
0xad: {  	[dreg:$0x0] =	wrdreg $0x60  }
0xae: {  	[dreg:$0x2] =	wrdreg s24  }
0xaf: {  	[dreg:$0x3] =	wrdreg $0x90000  }
0xb0: {  	[dreg:$0x4] =	wrdreg $0x9  }
0xb1: {  	_ =	task.clear_ibuf [dreg:s6], $0x5FFFF;
	_ =	strace $0x9000004C  }
0xb2: {  	s29 =	simm.s32 $0x9;
	_ =	strace $0x8000004E  }
0xb3: {  	_ =	swait.ge [sflag:s29], $0x1  }
0xb4: {  	[sflag:s29] =	ssyncadd.s32 $0xFFFFFFFF  }
0xb5: {  	_ =	strace $0x9000004E  }
0xb6: {  	_ =	sfence  }
0xb7: {  	s30 =	sld [smem:$0x0];
	_ =	sdelay $0x2  }
0xb8: {  	s31 =	sshll.u32 s1, $0xD;
	s1 =	sshrl.u32 s1, $0x2  }
0xb9: {  	s3 =	sand.u32 $0x4000, s31;
	s1 =	sadd.s32 s1, s30  }
0xba: {  	s0 =	sor.u32 s3, s0;
	s1 =	sshll.u32 s1, $0x11  }
0xbb: {  	s0 =	sor.u32 s1, s0  }
0xbc: {  	s0 =	sadd.s32 $0x8F2B, s0  }
0xbd: {  	[sflag:s0] =	ssyncadd.remote.s32 $0x1  }
0xbe: {  	_ =	sfence.sel $0xFFFF  }
0xbf: {  	[dreg:$0x0] =	wrdreg $0xFFFFFFFF;
	(pc) =	sbr.abs _section_cstart, $3  }
0xc0: {  	[dreg:$0x1] =	wrdreg $0xFFFFFFFF  }
0xc1: {  	_ =	task.clear_ibuf [dreg:s6], $0x2FFFF;
	_ =	strace $0x9FFFFFFF  }
0xc2: {  	(tm) =	ssettm $0x7FFFFFFF  }
0xc3: {  	_ =	shalt  }
tec
execute0_lowered:
.L_overlay_start_1:
0x0: {  	(tag) =	ssettag $0x1  }
0x1: {  	s0 =	rddreg [dreg:$0x0]  }
0x2: {  	s1 =	rddreg [dreg:$0x1];
	s2 =	simm.s32 $0x0  }
0x3: {  	s3 =	srdreg.scid;
	s16 =	stileid.u32;
	s14 =	simm.s32 $0x3  }
0x4: {  	s28 =	simm.s32 $0x1;
	s29 =	simm.s32 $0x4;
	s30 =	simm.s32 $0x2  }
0x5: {  	s31 =	simm.s32 $0x0;
	[smem:$0x7FF] =	sst s2;
	s6 =	smul.u32 $0x14000, s16  }
0x6: {  	s3 =	sand.u32 $0x1, s3;
	s4 =	sadd.s32 $0xDE00, s0;
	s10 =	smul.u32 $0x50000, s16  }
0x7: {  	s12 =	sadd.s32 $0x5E600, s0;
	s13 =	sadd.s32 $0x3600, s0;
	s22 =	smul.u32 $0x2800, s16  }
0x8: {  	s26 =	sshll.u32 s16, $0x6;
	_ =	strace $0x8000004D;
	s5 =	smul.u32 $0x140000, s3  }
0x9: {  	s7 =	sshll.u32 s3, $0x4;
	s15 =	ssub.s32 $0x2, s3;
	s3 =	smul.u32 $0x28000, s3  }
0xa: {  	s7 =	sor.u32 s16, s7;
	s9 =	sshrl.u32 s15, $0x1;
	s20 =	sshrl.u32 s10, $0x2  }
0xb: {  	s16 =	sor.u32 $0x1C03, s26;
	s5 =	sadd.s32 s6, s5;
	s7 =	smul.u32 $0x2800, s7  }
0xc: {  	s6 =	ssub.s32 s15, s9;
	s15 =	sadd.s32 s20, s1;
	s3 =	sadd.s32 s22, s3  }
0xd: {  	s22 =	simm.s32 $0x80;
	s8 =	sshrl.u32 s5, $0x3;
	s5 =	sadd.s32 $0xD600, s0  }
0xe: {  	s18 =	sadd.s32 $0x4000, s15;
	s19 =	sadd.s32 $0x8000, s15;
	s20 =	sadd.s32 $0xC000, s15  }
0xf: {  	s3 =	sadd.s32 $0x800, s3;
	s11 =	smax.u32 s6, $0x1;
	s0 =	sadd.s32 s8, s0  }
0x10: {  	s17 =	sshrl.u32 s7, $0x3;
	s25 =	sshrl.u32 s3, $0x3;
	s18 =	sshrl.u32 s18, $0x3  }
0x11: {  	s19 =	sshrl.u32 s19, $0x3;
	s20 =	sshrl.u32 s20, $0x3;
	s21 =	sadd.s32 s12, s17  }
.Ltmp0:
0x12: {  	s23 =	sadd.s32 s13, s17;
	s24 =	sor.u32 $0x80, s17;
	(pc) =	sbr.rel .LBB2_1-.Ltmp0, $4  }
0x13: {  	s10 =	sadd.s32 $0x68600, s0;
	s3 =	sadd.s32 s25, s13;
	[dreg:$0x3] =	wrdreg s21  }
0x14: {  	s0 =	sadd.s32 s25, s12;
	s17 =	sshrl.u32 s15, $0x3;
	[dreg:$0x4] =	wrdreg s23  }
0x15: {  	s21 =	sadd.s32 $0x10000, s15;
	s8 =	sadd.s32 s12, s24;
	s9 =	sadd.s32 s13, s24  }
0x16: {  	s23 =	simm.s32 $0x1000;
	s24 =	simm.s32 $0x5000;
	s21 =	sshrl.u32 s21, $0x3  }
.LBB2_3:
0x17: {  	_ =	swait.ge [sflag:s30], $0x4000  }
0x18: {  	[sflag:s30] =	ssyncset.done $0x0  }
0x19: {  	s6 =	sor.u32 $0x800, s6;
	[sflag:s30] =	ssyncadd.s32 $0xFFFFC000  }
0x1a: {  	[spmem:s1] =	stream.indirect.scatter.add.f32 [tilespmem:s24], [sflag:$0x4], $0x80, s6, s22, $0xb8;
	[tilespmem:$0x1D000] =	vst v63  }
0x1b: {  	_ =	swait.ge [sflag:s29], $0x4000  }
0x1c: {  	[sflag:s29] =	ssyncset.done $0x0  }
0x1d: {  	[sflag:s29] =	ssyncadd.s32 $0xFFFFC000  }
.LBB2_5:
0x1e: {  	s31 =	sadd.s32 $0x1, s31  }
0x1f: {  	p0 =	sne.s32 s31, s11  }
.Ltmp1:
0x20: {  	[bflag:$0x0] =	sbarrier.arrive $0xFFFF;
	(pc) =	sbr.rel @!p0 .LBB2_6-.Ltmp1, $4  }
0x21: {  	[hbm:s10], [sflag:s16] =	dma.local [spmem:s17], $0x2800  }
0x22: {  	_ =	swait.ge [sflag:s14], $0x2800  }
0x23: {  	[sflag:s14] =	ssyncset.done $0x0  }
0x24: {  	[sflag:s14] =	ssyncadd.s32 $0xFFFFD800  }
.LBB2_1:
0x25: {  	s6 =	rddreg [dreg:$0x3]  }
0x26: {  	[tilespmem:s2], [sflag:$0x3] =	stream.linear.gather [hbm4b:s6+s2], $0x400, $0x38;
	[tilespmem:$0x1D000] =	vst v63  }
0x27: {  	_ =	swait.ge [sflag:s14], $0x400  }
0x28: {  	[sflag:s14] =	ssyncset.done $0x0  }
0x29: {  	s7 =	simm.s32 $0x800;
	s15 =	rddreg [dreg:$0x4];
	[sflag:s14] =	ssyncadd.s32 $0xFFFFFC00  }
0x2a: {  	[tilespmem:s7], [sflag:$0x3] =	stream.linear.gather [hbm4b:s15+s2], $0x400, $0x38;
	[tilespmem:$0x1D000] =	vst v63  }
0x2b: {  	_ =	swait.ge [sflag:s14], $0x400  }
0x2c: {  	[sflag:s14] =	ssyncset.done $0x0  }
0x2d: {  	[sflag:s14] =	ssyncadd.s32 $0xFFFFFC00  }
0x2e: {  	[spmem:s17], [sflag:s16] =	dma.local [hbm:s5], $0x800  }
0x2f: {  	_ =	swait.ge [sflag:s14], $0x800  }
0x30: {  	[sflag:s14] =	ssyncset.done $0x0  }
0x31: {  	[sflag:s14] =	ssyncadd.s32 $0xFFFFF800  }
0x32: {  	[spmem:s18], [sflag:s16] =	dma.local [hbm:s5], $0x800  }
0x33: {  	_ =	swait.ge [sflag:s14], $0x800  }
0x34: {  	[sflag:s14] =	ssyncset.done $0x0  }
0x35: {  	[sflag:s14] =	ssyncadd.s32 $0xFFFFF800  }
0x36: {  	[spmem:s19], [sflag:s16] =	dma.local [hbm:s5], $0x800  }
0x37: {  	_ =	swait.ge [sflag:s14], $0x800  }
0x38: {  	[sflag:s14] =	ssyncset.done $0x0  }
0x39: {  	[sflag:s14] =	ssyncadd.s32 $0xFFFFF800  }
0x3a: {  	[spmem:s20], [sflag:s16] =	dma.local [hbm:s5], $0x800  }
0x3b: {  	_ =	swait.ge [sflag:s14], $0x800  }
0x3c: {  	[sflag:s14] =	ssyncset.done $0x0  }
0x3d: {  	[sflag:s14] =	ssyncadd.s32 $0xFFFFF800  }
0x3e: {  	[spmem:s21], [sflag:s16] =	dma.local [hbm:s5], $0x800  }
0x3f: {  	_ =	swait.ge [sflag:s14], $0x800  }
0x40: {  	[sflag:s14] =	ssyncset.done $0x0  }
0x41: {  	[sflag:s14] =	ssyncadd.s32 $0xFFFFF800  }
0x42: {  	[bflag:$0x0] =	sbarrier.arrive $0xFFFF  }
0x43: {  	[tilespmem:s23], [sflag:$0x1] =	stream.indirect.gather [hbm4b:s4+s22], $0x80, s2, s22, $0xb8;
	[tilespmem:$0x1D000] =	vst v63  }
0x44: {  	_ = 	snop  }
0x45: {  	[tilespmem:s24], [sflag:$0x2] =	stream.indirect.gather [hbm4b:s4+s22], $0x80, s22, s22, $0xb8;
	[tilespmem:$0x1D000] =	vst v63  }
0x46: {  	s25 =	simm.s32 $0x400  }
0x47: {  	[tilespmem:s25], [sflag:$0x3] =	stream.linear.gather [hbm4b:s8+s2], $0x400, $0x38;
	[tilespmem:$0x1D000] =	vst v63  }
0x48: {  	_ =	swait.ge [sflag:s14], $0x400  }
0x49: {  	[sflag:s14] =	ssyncset.done $0x0  }
0x4a: {  	s26 =	simm.s32 $0xC00;
	[sflag:s14] =	ssyncadd.s32 $0xFFFFFC00  }
0x4b: {  	[tilespmem:s26], [sflag:$0x3] =	stream.linear.gather [hbm4b:s9+s2], $0x400, $0x38;
	[tilespmem:$0x1D000] =	vst v63  }
0x4c: {  	_ =	swait.ge [sflag:s14], $0x400  }
0x4d: {  	s13 =	smov.u32 s0;
	[sflag:s14] =	ssyncset.done $0x0  }
0x4e: {  	s12 =	smov.u32 s3;
	s15 =	simm.s32 $0x0;
	[sflag:s14] =	ssyncadd.s32 $0xFFFFFC00  }
.LBB2_2:
0x4f: {  	s6 =	sand.u32 $0x1, s15;
	_ =	swait.ge [sflag:s28], $0x4000  }
0x50: {  	[sflag:s28] =	ssyncset.done $0x0;
	s26 =	sshll.u32 s6, $0xA  }
0x51: {  	[sflag:s28] =	ssyncadd.s32 $0xFFFFC000;
	s25 =	sor.u32 $0x800, s26  }
0x52: {  	[spmem:s1] =	stream.indirect.scatter.add.f32 [tilespmem:s23], [sflag:$0x4], $0x80, s25, s22, $0xb8;
	[tilespmem:$0x1D000] =	vst v63  }
0x53: {  	_ =	swait.ge [sflag:s29], $0x4000  }
0x54: {  	[sflag:s29] =	ssyncset.done $0x0  }
0x55: {  	s6 =	sor.u32 $0x100, s26;
	[sflag:s29] =	ssyncadd.s32 $0xFFFFC000  }
0x56: {  	[tilespmem:s23], [sflag:$0x1] =	stream.indirect.gather [hbm4b:s4+s22], $0x80, s6, s22, $0xb8;
	[tilespmem:$0x1D000] =	vst v63  }
0x57: {  	_ =	swait.ge [sflag:s30], $0x4000  }
0x58: {  	[sflag:s30] =	ssyncset.done $0x0  }
0x59: {  	s7 =	sor.u32 $0x880, s26;
	[sflag:s30] =	ssyncadd.s32 $0xFFFFC000  }
0x5a: {  	[spmem:s1] =	stream.indirect.scatter.add.f32 [tilespmem:s24], [sflag:$0x4], $0x80, s7, s22, $0xb8;
	[tilespmem:$0x1D000] =	vst v63  }
0x5b: {  	_ =	swait.ge [sflag:s29], $0x4000  }
0x5c: {  	[sflag:s29] =	ssyncset.done $0x0  }
0x5d: {  	s7 =	sor.u32 $0x180, s26;
	[sflag:s29] =	ssyncadd.s32 $0xFFFFC000  }
0x5e: {  	[tilespmem:s24], [sflag:$0x2] =	stream.indirect.gather [hbm4b:s4+s22], $0x80, s7, s22, $0xb8;
	[tilespmem:$0x1D000] =	vst v63  }
0x5f: {  	_ =	swait.ge [sflag:s28], $0x4000  }
0x60: {  	[sflag:s28] =	ssyncset.done $0x0  }
0x61: {  	s7 =	sor.u32 $0x900, s26;
	[sflag:s28] =	ssyncadd.s32 $0xFFFFC000  }
0x62: {  	[spmem:s1] =	stream.indirect.scatter.add.f32 [tilespmem:s23], [sflag:$0x4], $0x80, s7, s22, $0xb8;
	[tilespmem:$0x1D000] =	vst v63  }
0x63: {  	_ =	swait.ge [sflag:s29], $0x4000  }
0x64: {  	[sflag:s29] =	ssyncset.done $0x0  }
0x65: {  	s7 =	sor.u32 $0x200, s26;
	[sflag:s29] =	ssyncadd.s32 $0xFFFFC000  }
0x66: {  	[tilespmem:s23], [sflag:$0x1] =	stream.indirect.gather [hbm4b:s4+s22], $0x80, s7, s22, $0xb8;
	[tilespmem:$0x1D000] =	vst v63  }
0x67: {  	_ =	swait.ge [sflag:s30], $0x4000  }
0x68: {  	[sflag:s30] =	ssyncset.done $0x0  }
0x69: {  	s7 =	sor.u32 $0x980, s26;
	[sflag:s30] =	ssyncadd.s32 $0xFFFFC000  }
0x6a: {  	[spmem:s1] =	stream.indirect.scatter.add.f32 [tilespmem:s24], [sflag:$0x4], $0x80, s7, s22, $0xb8;
	[tilespmem:$0x1D000] =	vst v63  }
0x6b: {  	_ =	swait.ge [sflag:s29], $0x4000  }
0x6c: {  	[sflag:s29] =	ssyncset.done $0x0  }
0x6d: {  	s7 =	sor.u32 $0x280, s26;
	[sflag:s29] =	ssyncadd.s32 $0xFFFFC000  }
0x6e: {  	[tilespmem:s24], [sflag:$0x2] =	stream.indirect.gather [hbm4b:s4+s22], $0x80, s7, s22, $0xb8;
	[tilespmem:$0x1D000] =	vst v63  }
0x6f: {  	_ =	swait.ge [sflag:s28], $0x4000  }
0x70: {  	[sflag:s28] =	ssyncset.done $0x0  }
0x71: {  	s7 =	sor.u32 $0xA00, s26;
	[sflag:s28] =	ssyncadd.s32 $0xFFFFC000  }
0x72: {  	[spmem:s1] =	stream.indirect.scatter.add.f32 [tilespmem:s23], [sflag:$0x4], $0x80, s7, s22, $0xb8;
	[tilespmem:$0x1D000] =	vst v63  }
0x73: {  	_ =	swait.ge [sflag:s29], $0x4000  }
0x74: {  	[sflag:s29] =	ssyncset.done $0x0  }
0x75: {  	s7 =	sor.u32 $0x300, s26;
	[sflag:s29] =	ssyncadd.s32 $0xFFFFC000  }
0x76: {  	[tilespmem:s23], [sflag:$0x1] =	stream.indirect.gather [hbm4b:s4+s22], $0x80, s7, s22, $0xb8;
	[tilespmem:$0x1D000] =	vst v63  }
0x77: {  	_ =	swait.ge [sflag:s30], $0x4000  }
0x78: {  	[sflag:s30] =	ssyncset.done $0x0  }
0x79: {  	s7 =	sor.u32 $0xA80, s26;
	[sflag:s30] =	ssyncadd.s32 $0xFFFFC000  }
0x7a: {  	[spmem:s1] =	stream.indirect.scatter.add.f32 [tilespmem:s24], [sflag:$0x4], $0x80, s7, s22, $0xb8;
	[tilespmem:$0x1D000] =	vst v63  }
0x7b: {  	_ =	swait.ge [sflag:s29], $0x4000  }
0x7c: {  	[sflag:s29] =	ssyncset.done $0x0  }
0x7d: {  	s6 =	sor.u32 $0x380, s26;
	[sflag:s29] =	ssyncadd.s32 $0xFFFFC000  }
0x7e: {  	[tilespmem:s24], [sflag:$0x2] =	stream.indirect.gather [hbm4b:s4+s22], $0x80, s6, s22, $0xb8;
	[tilespmem:$0x1D000] =	vst v63  }
0x7f: {  	_ =	swait.ge [sflag:s28], $0x4000  }
0x80: {  	p0 =	sne.s32 s15, $0x9;
	[sflag:s28] =	ssyncset.done $0x0  }
.Ltmp2:
0x81: {  	s7 =	sor.u32 $0xB00, s26;
	[sflag:s28] =	ssyncadd.s32 $0xFFFFC000;
	(pc) =	sbr.rel @!p0 .LBB2_3-.Ltmp2, $4  }
0x82: {  	[spmem:s1] =	stream.indirect.scatter.add.f32 [tilespmem:s23], [sflag:$0x4], $0x80, s7, s22, $0xb8;
	[tilespmem:$0x1D000] =	vst v63  }
0x83: {  	_ =	swait.ge [sflag:s29], $0x4000  }
0x84: {  	[sflag:s29] =	ssyncset.done $0x0  }
0x85: {  	[sflag:s29] =	ssyncadd.s32 $0xFFFFC000  }
0x86: {  	s7 =	sxor.u32 $0x400, s26  }
0x87: {  	[tilespmem:s23], [sflag:$0x1] =	stream.indirect.gather [hbm4b:s4+s22], $0x80, s7, s22, $0xb8;
	[tilespmem:$0x1D000] =	vst v63  }
0x88: {  	_ =	swait.ge [sflag:s30], $0x4000  }
0x89: {  	[sflag:s30] =	ssyncset.done $0x0  }
0x8a: {  	s6 =	sor.u32 $0x800, s6;
	[sflag:s30] =	ssyncadd.s32 $0xFFFFC000  }
0x8b: {  	[spmem:s1] =	stream.indirect.scatter.add.f32 [tilespmem:s24], [sflag:$0x4], $0x80, s6, s22, $0xb8;
	[tilespmem:$0x1D000] =	vst v63  }
0x8c: {  	_ =	swait.ge [sflag:s29], $0x4000  }
0x8d: {  	[sflag:s29] =	ssyncset.done $0x0  }
0x8e: {  	p0 =	sgt.u32 s15, $0x7;
	s7 =	sor.u32 $0x80, s7;
	[sflag:s29] =	ssyncadd.s32 $0xFFFFC000  }
0x8f: {  	[tilespmem:s24], [sflag:$0x2] =	stream.indirect.gather [hbm4b:s4+s22], $0x80, s7, s22, $0xb8;
	[tilespmem:$0x1D000] =	vst v63  }
0x90: {  	s6 =	simm.s32 @!p0 $0x0;
	s7 =	simm.s32 @!p0 $0x4  }
0x91: {  	[tilespmem:s26], [sflag:$0x4] =	stream.linear.gather @!p0 [hbm4b:s13+s6], $0x400, $0x38;
	[tilespmem:$0x1D000] =	vst v63  }
0x92: {  	_ =	swait.ge @!p0 [sflag:s7], $0x400  }
0x93: {  	s15 =	sadd.s32 $0x1, s15;
	[sflag:s7] =	ssyncset.done @!p0 $0x0  }
0x94: {  	p1 =	sne.s32 s15, $0xA;
	[sflag:s7] =	ssyncadd.s32 @!p0 $0xFFFFFC00  }
0x95: {  	[tilespmem:s25], [sflag:$0x3] =	stream.linear.gather @!p0 [hbm4b:s12+s6], $0x400, $0x38;
	[tilespmem:$0x1D000] =	vst v63  }
.Ltmp3:
0x96: {  	_ = 	snop;
	(pc) =	sbr.rel @p1 .LBB2_2-.Ltmp3, $4  }
.Ltmp4:
0x97: {  	s6 =	simm.s32 @!p0 $0x3;
	(pc) =	sbr.rel @!p1 .LBB2_5-.Ltmp4, $4  }
0x98: {  	_ =	swait.ge @!p0 [sflag:s6], $0x400  }
0x99: {  	[sflag:s6] =	ssyncset.done @!p0 $0x0  }
0x9a: {  	s13 =	sadd.s32 $0x80, s13;
	s12 =	sadd.s32 $0x80, s12;
	[sflag:s6] =	ssyncadd.s32 @!p0 $0xFFFFFC00  }
0x9b: {  	_ = 	snop  }
.LBB2_6:
0x9c: {  	_ =	sfence.sel $0x180000  }
0x9d: {  	[bflag:$0x0] =	sbarrier.arrive $0xFFFF  }
0x9e: {  	_ =	strace $0x9000004D  }
0x9f: {  	s0 =	stileid.u32;
	[bflag:$0x2] =	sbarrier.arrive $0xFFFF  }
0xa0: {  	p0 =	sne.s32 s0, $0x0;
	s0 =	rddreg [dreg:$0x2]  }
0xa1: {  	s0 =	sadd.s32 @!p0 $0x100000, s0  }
0xa2: {  	[sflag:s0] =	ssyncadd.tile.s32 @!p0 $0x1;
	_ =	shalt  }
.Lfunc_end2:
_tile_overlayer_lowered:
.L_overlay_start_2:
0xa3: {  	(tag) =	ssettag $0x2  }
0xa4: {  	s0 =	rddreg [dreg:$0x0];
	s2 =	stileid.u32  }
0xa5: {  	s1 =	rddreg [dreg:$0x1];
	p0 =	sne.s32 s2, $0x0  }
0xa6: {  	s3 =	rddreg [dreg:$0x2];
	[bflag:$0x3] =	sbarrier.arrive $0xFFFF;
	s2 =	simm.s32 @!p0 $0x1C03  }
0xa7: {  	[timem:s3], [sflag:s2] =	dma.local @!p0 [hbm:s0], s1  }
0xa8: {  	s0 =	simm.s32 @!p0 $0x3  }
0xa9: {  	_ =	swait.ge @!p0 [sflag:s0], s1  }
0xaa: {  	s1 =	ssub.s32 @!p0 $0x0, s1;
	[sflag:s0] =	ssyncset.done @!p0 $0x0  }
0xab: {  	[sflag:s0] =	ssyncadd.s32 @!p0 s1  }
0xac: {  	[bflag:$0x3] =	sbarrier.arrive $0xFFFF  }
0xad: {  	_ =	shalt  }

// kernel: kernel.19.cloned.1.call-start
scs
__scs_entry_jumppad:
0x0: {  	(pc) =	sbr.rel $0x88, $3  }
0x1: {  	(tag) =	ssettag $0x0;
	lr =	simm.s32 $0x1  }
0x2: {  	[smem:$0x3F92] =	sst lr;
	_ =	strace $0xD0000000  }
0x3: {  	_ = 	snop  }
0x4: {  	_ = 	snop  }
0x5: {  	_ = 	snop  }
0x6: {  	_ = 	snop  }
0x7: {  	_ = 	snop  }
__scs_overlays_trampoline_lowered:
0x8: {  	[smem:$0x3FA1] =	sst s0  }
0x9: {  	[smem:$0x3FA2] =	sst s1  }
0xa: {  	[smem:$0x3FA3] =	sst s2  }
0xb: {  	[smem:$0x3FA4] =	sst s3  }
0xc: {  	[smem:$0x3FA5] =	sst s4  }
0xd: {  	[smem:$0x3FA6] =	sst s5  }
0xe: {  	[smem:$0x3FA7] =	sst s6  }
0xf: {  	[smem:$0x3FA8] =	sst s7  }
0x10: {  	[smem:$0x3FA9] =	sst s8  }
0x11: {  	[smem:$0x3FAA] =	sst s9;
	s0 =	simm.s32 @!p0 $0x0  }
0x12: {  	s1 =	sld [smem:$0x3F90];
	s0 =	simm.s32 @p0 $0x1  }
0x13: {  	[smem:$0x3FAB] =	sst s0;
	s0 =	simm.s32 @!p1 $0x0  }
0x14: {  	s2 =	sld [smem:$0x3F8F];
	s0 =	simm.s32 @p1 $0x1  }
0x15: {  	[smem:$0x3FAC] =	sst s0;
	s0 =	simm.s32 @!p2 $0x0  }
0x16: {  	s3 =	sld [smem:$0x3FDB];
	s0 =	simm.s32 @p2 $0x1  }
0x17: {  	s4 =	simm.s32 $0x1BF5;
	[smem:$0x3FAE] =	sst s0  }
0x18: {  	s0 =	sld [smem:$0x3F91];
	_ =	swait.ge [sflag:s4], $0x0  }
0x19: {  	s7 =	sld [smem:$0x3F92]  }
0x1a: {  	s8 =	sadd.s32 $0xFFFFE003, lr  }
0x1b: {  	s9 =	sadd.s32 $0xFFFFFEF7, lr;
	s5 =	simm.s32 $0xFFFFFFFF;
	p2 =	slt.u32 s8, $0xFFFFF086  }
0x1c: {  	p1 =	slt.u32 s9, $0xF7A;
	s5 =	simm.s32 @!p2 $0x0  }
0x1d: {  	s5 =	simm.s32 @p1 $0x1;
	p0 =	seq.s32 s7, s2  }
0x1e: {  	s7 =	smul.u32 @!p0 $0xF7A, s2;
	p2 =	seq.s32 @!p0 s5, $0x0  }
0x1f: {  	s9 =	smul.u32 $0xF7A, s1;
	s8 =	simm.s32 @!p0 $0x1BF5;
	p2 =	por !p2, p0  }
0x20: {  	[sflag:s8] =	ssyncset.s32 @!p0 $0xFFFFF086;
	s6 =	sadd.s32 @!p0 s3, s7;
	s7 =	simm.s32 @!p0 $0x108  }
0x21: {  	s3 =	sadd.s32 s3, s9;
	s6 =	sadd.s32 @!p0 $0x88, s6;
	s7 =	simm.s32 @p2 $0x1082  }
0x22: {  	[simem:s7], [sflag:s8] =	dma.local @!p0 [hbm:s6], $0xF7A  }
0x23: {  	s9 =	sor.u32 $0xD0000000, s2;
	s6 =	simm.s32 $0x108;
	_ =	swait.ge @!p0 [sflag:s8], $0x0  }
0x24: {  	s3 =	sadd.s32 $0x88, s3;
	s6 =	simm.s32 @!p1 $0x1082;
	[sflag:s4] =	ssyncset.s32 $0xFFFFF086  }
0x25: {  	[simem:s6], [sflag:s4] =	dma.local [hbm:s3], $0xF7A  }
0x26: {  	[smem:$0x3F92] =	sst s1;
	(tag) =	ssettag s2;
	_ =	strace s9  }
0x27: {  	s1 =	sld [smem:$0x3FA2]  }
0x28: {  	s2 =	sld [smem:$0x3FA3]  }
0x29: {  	s4 =	sld [smem:$0x3FA5]  }
0x2a: {  	p0 =	seq.s32 s5, $0x0;
	s5 =	sld [smem:$0x3FA6]  }
0x2b: {  	s6 =	sld [smem:$0x3FA7]  }
0x2c: {  	s7 =	sld [smem:$0x3FA8]  }
0x2d: {  	s3 =	simm.s32 $0x108;
	s8 =	sld [smem:$0x3FA9]  }
0x2e: {  	s3 =	simm.s32 @!p0 $0x1082;
	s9 =	sld [smem:$0x3FAA]  }
0x2f: {  	lr =	sadd.s32 s0, s3;
	s0 =	sld [smem:$0x3FA1]  }
0x30: {  	s3 =	sld [smem:$0x3FA4]  }
0x31: {  	[smem:$0x3FAD] =	sst s10  }
0x32: {  	s10 =	sld [smem:$0x3FAB];
	_ =	sdelay $0x3  }
0x33: {  	p0 =	seq.s32 s10, $0x1;
	s10 =	sld [smem:$0x3FAD];
	_ =	sdelay $0x3  }
0x34: {  	[smem:$0x3FAD] =	sst s10  }
0x35: {  	s10 =	sld [smem:$0x3FAC];
	_ =	sdelay $0x3  }
0x36: {  	p1 =	seq.s32 s10, $0x1;
	s10 =	sld [smem:$0x3FAD];
	_ =	sdelay $0x3  }
0x37: {  	[smem:$0x3FAD] =	sst s10  }
0x38: {  	s10 =	sld [smem:$0x3FAE]  }
0x39: {  	_ = 	snop;
	(pc) =	sbr.ind lr, $3  }
0x3a: {  	_ = 	snop  }
0x3b: {  	_ = 	snop  }
0x3c: {  	p2 =	seq.s32 s10, $0x1;
	s10 =	sld [smem:$0x3FAD]  }
0x3d: {  	_ =	shalt  }
0x3e: {  	_ =	shalt  }
0x3f: {  	_ =	shalt  }
0x40: {  	_ =	shalt  }
0x41: {  	_ =	shalt  }
0x42: {  	_ =	shalt  }
0x43: {  	_ =	shalt  }
0x44: {  	_ =	shalt  }
0x45: {  	_ =	shalt  }
0x46: {  	_ =	shalt  }
0x47: {  	_ =	shalt  }
0x48: {  	_ =	shalt  }
0x49: {  	_ =	shalt  }
0x4a: {  	_ =	shalt  }
0x4b: {  	_ =	shalt  }
0x4c: {  	_ =	shalt  }
0x4d: {  	_ =	shalt  }
0x4e: {  	_ =	shalt  }
0x4f: {  	_ =	shalt  }
0x50: {  	_ =	shalt  }
0x51: {  	_ =	shalt  }
0x52: {  	_ =	shalt  }
0x53: {  	_ =	shalt  }
0x54: {  	_ =	shalt  }
0x55: {  	_ =	shalt  }
0x56: {  	_ =	shalt  }
0x57: {  	_ =	shalt  }
0x58: {  	_ =	shalt  }
0x59: {  	_ =	shalt  }
0x5a: {  	_ =	shalt  }
0x5b: {  	_ =	shalt  }
0x5c: {  	_ =	shalt  }
0x5d: {  	_ =	shalt  }
0x5e: {  	_ =	shalt  }
0x5f: {  	_ =	shalt  }
0x60: {  	_ =	shalt  }
0x61: {  	_ =	shalt  }
0x62: {  	_ =	shalt  }
0x63: {  	_ =	shalt  }
0x64: {  	_ =	shalt  }
0x65: {  	_ =	shalt  }
0x66: {  	_ =	shalt  }
0x67: {  	_ =	shalt  }
0x68: {  	_ =	shalt  }
0x69: {  	_ =	shalt  }
0x6a: {  	_ =	shalt  }
0x6b: {  	_ =	shalt  }
0x6c: {  	_ =	shalt  }
0x6d: {  	_ =	shalt  }
0x6e: {  	_ =	shalt  }
0x6f: {  	_ =	shalt  }
0x70: {  	_ =	shalt  }
0x71: {  	_ =	shalt  }
0x72: {  	_ =	shalt  }
0x73: {  	_ =	shalt  }
0x74: {  	_ =	shalt  }
0x75: {  	_ =	shalt  }
0x76: {  	_ =	shalt  }
0x77: {  	_ =	shalt  }
0x78: {  	_ =	shalt  }
0x79: {  	_ =	shalt  }
0x7a: {  	_ =	shalt  }
0x7b: {  	_ =	shalt  }
0x7c: {  	_ =	shalt  }
0x7d: {  	_ =	shalt  }
0x7e: {  	_ =	shalt  }
0x7f: {  	_ =	shalt  }
0x80: {  	_ =	shalt  }
0x81: {  	_ =	shalt  }
0x82: {  	_ =	shalt  }
0x83: {  	_ =	shalt  }
0x84: {  	_ =	shalt  }
0x85: {  	_ =	shalt  }
0x86: {  	_ =	shalt  }
0x87: {  	_ =	shalt  }
.Lfunc_end0:
.L_simem_size_0:
called_computation.3_lowered:
.L_overlay_start_0:
0x88: {  	s2 =	sld [smem:$0x3FD9]  }
0x89: {  	s3 =	sld [smem:$0x3FFE];
	_ =	sdelay $0x1  }
0x8a: {  	s1 =	srdreg.scid  }
0x8b: {  	s0 =	sand.u32 $0x1, s1  }
0x8c: {  	s16 =	sshll.u32 s0, $0xA;
	s2 =	sadd.s32 s3, s2  }
0x8d: {  	s2 =	sadd.s32 s2, s16  }
0x8e: {  	[smem:$0x3FB9] =	sst s2  }
0x8f: {  	_ = 	snop  }
0x90: {  	(tm) =	ssettm $0x1  }
0x91: {  	s17 =	sld [smem:$0x3FFB];
	_ =	sdelay $0x3  }
0x92: {  	_ =	strace s17  }
0x93: {  	s2 =	sld [smem:$0x3FFC];
	_ =	sdelay $0x3  }
0x94: {  	_ =	strace s2  }
0x95: {  	s2 =	sld [smem:$0x3FFD];
	_ =	sdelay $0x3  }
0x96: {  	_ =	strace s2  }
0x97: {  	_ =	strace $0x8FFFFFFF  }
0x98: {  	s18 =	sld [smem:$0x3FDB];
	_ =	sdelay $0x1  }
0x99: {  	s19 =	simm.s32 $_scs_section_size  }
0x9a: {  	s4 =	simm.s32 $_size__tile_overlayer_lowered;
	s5 =	simm.s32 $_tile_overlayer_lowered  }
0x9b: {  	s22 =	simm.s32 $0x1BFF;
	s21 =	sshll.u32 s5, $0x1;
	s2 =	sadd.s32 s19, s18  }
0x9c: {  	s6 =	simm.s32 $0x0;
	s20 =	sshll.u32 s4, $0x1;
	s4 =	sadd.s32 s21, s2  }
0x9d: {  	[timem:s6], [sflag:s22] =	dma.local [hbm:s4], s20  }
0x9e: {  	_ =	swait.ge [sflag:s22], s20  }
0x9f: {  	s3 =	ssub.s32 $0x0, s20;
	[sflag:s22] =	ssyncset.done $0x0  }
0xa0: {  	[sflag:s22] =	ssyncadd.s32 s3;
	_ =	sdelay $0x1  }
0xa1: {  	s23 =	simm.s32 $0x1B8B  }
0xa2: {  	_ =	swait.ge [sflag:s23], $0x1  }
0xa3: {  	[sflag:s23] =	ssyncset.done $0x0  }
0xa4: {  	s25 =	simm.s32 $0x1B8E;
	s24 =	sld [smem:$0x3FFE];
	[sflag:s23] =	ssyncadd.s32 $0xFFFFFFFF  }
0xa5: {  	s26 =	simm.s32 $execute0_lowered;
	[smem:$0x3FD2] =	sst s25  }
0xa6: {  	s4 =	sshll.u32 s26, $0x1;
	_ =	strace $0x8000004F;
	[dreg:$0x1] =	wrdreg $0xFFFFFFFF  }
0xa7: {  	s28 =	simm.s32 $_size_execute0_lowered;
	s2 =	sadd.s32 s2, s4;
	[dreg:$0x0] =	wrdreg $0x0  }
0xa8: {  	s4 =	sshll.u32 s28, $0x1;
	[dreg:$0x2] =	wrdreg s2  }
0xa9: {  	[dreg:$0x3] =	wrdreg s4  }
0xaa: {  	[dreg:$0x4] =	wrdreg $0xC0  }
0xab: {  	_ =	task [dreg:s6], $0x5FFFF  }
0xac: {  	[dreg:$0x1] =	wrdreg $0xFFFFFFFF  }
0xad: {  	[dreg:$0x0] =	wrdreg $0x60  }
0xae: {  	[dreg:$0x2] =	wrdreg s24  }
0xaf: {  	[dreg:$0x3] =	wrdreg $0x90000  }
0xb0: {  	[dreg:$0x4] =	wrdreg $0x9  }
0xb1: {  	_ =	task.clear_ibuf [dreg:s6], $0x5FFFF;
	_ =	strace $0x9000004F  }
0xb2: {  	s29 =	simm.s32 $0x9;
	_ =	strace $0x80000051  }
0xb3: {  	_ =	swait.ge [sflag:s29], $0x1  }
0xb4: {  	[sflag:s29] =	ssyncadd.s32 $0xFFFFFFFF  }
0xb5: {  	_ =	strace $0x90000051  }
0xb6: {  	_ =	sfence  }
0xb7: {  	s30 =	sld [smem:$0x0];
	_ =	sdelay $0x2  }
0xb8: {  	s31 =	sshll.u32 s1, $0xD;
	s1 =	sshrl.u32 s1, $0x2  }
0xb9: {  	s3 =	sand.u32 $0x4000, s31;
	s1 =	sadd.s32 s1, s30  }
0xba: {  	s0 =	sor.u32 s3, s0;
	s1 =	sshll.u32 s1, $0x11  }
0xbb: {  	s0 =	sor.u32 s1, s0  }
0xbc: {  	s0 =	sadd.s32 $0x8F2B, s0  }
0xbd: {  	[sflag:s0] =	ssyncadd.remote.s32 $0x1  }
0xbe: {  	_ =	sfence.sel $0xFFFF  }
0xbf: {  	[dreg:$0x0] =	wrdreg $0xFFFFFFFF;
	(pc) =	sbr.abs _section_cstart, $3  }
0xc0: {  	[dreg:$0x1] =	wrdreg $0xFFFFFFFF  }
0xc1: {  	_ =	task.clear_ibuf [dreg:s6], $0x2FFFF;
	_ =	strace $0x9FFFFFFF  }
0xc2: {  	(tm) =	ssettm $0x7FFFFFFF  }
0xc3: {  	_ =	shalt  }
tec
execute0_lowered:
.L_overlay_start_1:
0x0: {  	(tag) =	ssettag $0x1  }
0x1: {  	s0 =	rddreg [dreg:$0x0]  }
0x2: {  	s1 =	rddreg [dreg:$0x1]  }
0x3: {  	s2 =	srdreg.scid;
	s3 =	simm.s32 $0x0;
	s17 =	stileid.u32  }
0x4: {  	s14 =	simm.s32 $0xDE00;
	s28 =	simm.s32 $0x1;
	s5 =	smul.u32 $0x14000, s17  }
0x5: {  	s29 =	simm.s32 $0x4;
	s30 =	simm.s32 $0x2;
	s20 =	smul.u32 $0x5000, s17  }
0x6: {  	s31 =	simm.s32 $0x0;
	s2 =	sand.u32 $0x1, s2;
	s8 =	smul.u32 $0x50000, s17  }
0x7: {  	[smem:$0x7FF] =	sst s3;
	s11 =	sadd.s32 $0x5E600, s0;
	s25 =	smul.u32 $0xA00, s17  }
0x8: {  	s12 =	sadd.s32 $0x3600, s0;
	s26 =	sshll.u32 s17, $0x6;
	s4 =	smul.u32 $0x140000, s2  }
0x9: {  	_ =	strace $0x80000050;
	s7 =	ssub.s32 $0x2, s2;
	p0 =	seq.s32 s2, $0x0  }
0xa: {  	s21 =	sshrl.u32 s7, $0x1;
	s22 =	sshrl.u32 s20, $0x3;
	s8 =	sshrl.u32 s8, $0x2  }
0xb: {  	s14 =	simm.s32 @!p0 $0x35000;
	s16 =	sadd.s32 s25, s11;
	s4 =	sadd.s32 s5, s4  }
0xc: {  	s10 =	ssub.s32 s7, s21;
	s5 =	sadd.s32 s11, s22;
	s23 =	sadd.s32 s12, s22  }
0xd: {  	s13 =	sadd.s32 s8, s1;
	s24 =	sor.u32 $0x80, s22;
	s22 =	simm.s32 $0x80  }
0xe: {  	s6 =	sshrl.u32 s4, $0x3;
	s4 =	sadd.s32 $0xD600, s0;
	[dreg:$0x3] =	wrdreg s5  }
0xf: {  	[dreg:$0x4] =	wrdreg s23;
	s15 =	sadd.s32 $0x4000, s13;
	s19 =	sadd.s32 $0x8000, s13  }
0x10: {  	s20 =	sadd.s32 $0xC000, s13;
	s21 =	sadd.s32 $0x10000, s13;
	s7 =	sadd.s32 s11, s24  }
0x11: {  	s8 =	sadd.s32 s12, s24;
	s10 =	smax.u32 s10, $0x1;
	s12 =	sadd.s32 s25, s12  }
.Ltmp0:
0x12: {  	s11 =	sadd.s32 s14, s0;
	s14 =	simm.s32 $0x3;
	(pc) =	sbr.rel .LBB2_1-.Ltmp0, $4  }
0x13: {  	s17 =	sshrl.u32 s13, $0x3;
	s23 =	simm.s32 $0x1000;
	s24 =	simm.s32 $0x5000  }
0x14: {  	s9 =	sadd.s32 s6, s0;
	s2 =	sadd.s32 $0x100, s12;
	s0 =	sadd.s32 $0x100, s16  }
0x15: {  	s16 =	sor.u32 $0x1C03, s26;
	s18 =	sshrl.u32 s15, $0x3;
	s19 =	sshrl.u32 s19, $0x3  }
0x16: {  	s20 =	sshrl.u32 s20, $0x3;
	s21 =	sshrl.u32 s21, $0x3;
	s9 =	sadd.s32 $0x68600, s9  }
.LBB2_6:
0x17: {  	_ =	swait.ge [sflag:s30], $0x4000  }
0x18: {  	[sflag:s30] =	ssyncset.done $0x0  }
0x19: {  	s5 =	sadd.s32 $0xB80, s25;
	[sflag:s30] =	ssyncadd.s32 $0xFFFFC000  }
0x1a: {  	[spmem:s1] =	stream.indirect.scatter.add.f32 [tilespmem:s24], [sflag:$0x4], $0x80, s5, s22, $0xb8;
	[tilespmem:$0x1D000] =	vst v63  }
0x1b: {  	_ =	swait.ge [sflag:s29], $0x4000  }
0x1c: {  	[sflag:s29] =	ssyncset.done $0x0  }
0x1d: {  	[sflag:s29] =	ssyncadd.s32 $0xFFFFC000  }
.LBB2_4:
0x1e: {  	s31 =	sadd.s32 $0x1, s31  }
0x1f: {  	p0 =	sne.s32 s31, s10  }
.Ltmp1:
0x20: {  	[bflag:$0x0] =	sbarrier.arrive $0xFFFF;
	(pc) =	sbr.rel @!p0 .LBB2_5-.Ltmp1, $4  }
0x21: {  	[hbm:s9], [sflag:s16] =	dma.local [spmem:s17], $0x2800  }
0x22: {  	_ =	swait.ge [sflag:s14], $0x2800  }
0x23: {  	[sflag:s14] =	ssyncset.done $0x0  }
0x24: {  	[sflag:s14] =	ssyncadd.s32 $0xFFFFD800  }
.LBB2_1:
0x25: {  	s5 =	rddreg [dreg:$0x3]  }
0x26: {  	[tilespmem:s3], [sflag:$0x3] =	stream.linear.gather [hbm4b:s5+s3], $0x400, $0x38;
	[tilespmem:$0x1D000] =	vst v63  }
0x27: {  	_ =	swait.ge [sflag:s14], $0x400  }
0x28: {  	[sflag:s14] =	ssyncset.done $0x0  }
0x29: {  	s6 =	simm.s32 $0x800;
	s15 =	rddreg [dreg:$0x4];
	[sflag:s14] =	ssyncadd.s32 $0xFFFFFC00  }
0x2a: {  	[tilespmem:s6], [sflag:$0x3] =	stream.linear.gather [hbm4b:s15+s3], $0x400, $0x38;
	[tilespmem:$0x1D000] =	vst v63  }
0x2b: {  	_ =	swait.ge [sflag:s14], $0x400  }
0x2c: {  	[sflag:s14] =	ssyncset.done $0x0  }
0x2d: {  	[sflag:s14] =	ssyncadd.s32 $0xFFFFFC00  }
0x2e: {  	[spmem:s17], [sflag:s16] =	dma.local [hbm:s4], $0x800  }
0x2f: {  	_ =	swait.ge [sflag:s14], $0x800  }
0x30: {  	[sflag:s14] =	ssyncset.done $0x0  }
0x31: {  	[sflag:s14] =	ssyncadd.s32 $0xFFFFF800  }
0x32: {  	[spmem:s18], [sflag:s16] =	dma.local [hbm:s4], $0x800  }
0x33: {  	_ =	swait.ge [sflag:s14], $0x800  }
0x34: {  	[sflag:s14] =	ssyncset.done $0x0  }
0x35: {  	[sflag:s14] =	ssyncadd.s32 $0xFFFFF800  }
0x36: {  	[spmem:s19], [sflag:s16] =	dma.local [hbm:s4], $0x800  }
0x37: {  	_ =	swait.ge [sflag:s14], $0x800  }
0x38: {  	[sflag:s14] =	ssyncset.done $0x0  }
0x39: {  	[sflag:s14] =	ssyncadd.s32 $0xFFFFF800  }
0x3a: {  	[spmem:s20], [sflag:s16] =	dma.local [hbm:s4], $0x800  }
0x3b: {  	_ =	swait.ge [sflag:s14], $0x800  }
0x3c: {  	[sflag:s14] =	ssyncset.done $0x0  }
0x3d: {  	[sflag:s14] =	ssyncadd.s32 $0xFFFFF800  }
0x3e: {  	[spmem:s21], [sflag:s16] =	dma.local [hbm:s4], $0x800  }
0x3f: {  	_ =	swait.ge [sflag:s14], $0x800  }
0x40: {  	[sflag:s14] =	ssyncset.done $0x0  }
0x41: {  	[sflag:s14] =	ssyncadd.s32 $0xFFFFF800  }
0x42: {  	[bflag:$0x0] =	sbarrier.arrive $0xFFFF  }
0x43: {  	[tilespmem:s23], [sflag:$0x1] =	stream.indirect.gather [hbm4b:s11+s22], $0x80, s3, s22, $0xb8;
	[tilespmem:$0x1D000] =	vst v63  }
0x44: {  	_ = 	snop  }
0x45: {  	[tilespmem:s24], [sflag:$0x2] =	stream.indirect.gather [hbm4b:s11+s22], $0x80, s22, s22, $0xb8;
	[tilespmem:$0x1D000] =	vst v63  }
0x46: {  	s25 =	simm.s32 $0x400  }
0x47: {  	[tilespmem:s25], [sflag:$0x3] =	stream.linear.gather [hbm4b:s7+s3], $0x400, $0x38;
	[tilespmem:$0x1D000] =	vst v63  }
0x48: {  	_ =	swait.ge [sflag:s14], $0x400  }
0x49: {  	[sflag:s14] =	ssyncset.done $0x0  }
0x4a: {  	s26 =	simm.s32 $0xC00;
	[sflag:s14] =	ssyncadd.s32 $0xFFFFFC00  }
0x4b: {  	[tilespmem:s26], [sflag:$0x3] =	stream.linear.gather [hbm4b:s8+s3], $0x400, $0x38;
	[tilespmem:$0x1D000] =	vst v63  }
0x4c: {  	_ =	swait.ge [sflag:s14], $0x400  }
0x4d: {  	s13 =	smov.u32 s0;
	[sflag:s14] =	ssyncset.done $0x0  }
0x4e: {  	s12 =	smov.u32 s2;
	s15 =	simm.s32 $0x0;
	[sflag:s14] =	ssyncadd.s32 $0xFFFFFC00  }
.LBB2_2:
0x4f: {  	s25 =	sand.u32 $0x1, s15;
	_ =	swait.ge [sflag:s28], $0x4000  }
0x50: {  	[sflag:s28] =	ssyncset.done $0x0;
	s25 =	sshll.u32 s25, $0xA  }
0x51: {  	[sflag:s28] =	ssyncadd.s32 $0xFFFFC000;
	s26 =	sor.u32 $0x800, s25  }
0x52: {  	[spmem:s1] =	stream.indirect.scatter.add.f32 [tilespmem:s23], [sflag:$0x4], $0x80, s26, s22, $0xb8;
	[tilespmem:$0x1D000] =	vst v63  }
0x53: {  	_ =	swait.ge [sflag:s29], $0x4000  }
0x54: {  	[sflag:s29] =	ssyncset.done $0x0  }
0x55: {  	s5 =	sor.u32 $0x100, s25;
	[sflag:s29] =	ssyncadd.s32 $0xFFFFC000  }
0x56: {  	[tilespmem:s23], [sflag:$0x1] =	stream.indirect.gather [hbm4b:s11+s22], $0x80, s5, s22, $0xb8;
	[tilespmem:$0x1D000] =	vst v63  }
0x57: {  	_ =	swait.ge [sflag:s30], $0x4000  }
0x58: {  	[sflag:s30] =	ssyncset.done $0x0  }
0x59: {  	s6 =	sor.u32 $0x880, s25;
	[sflag:s30] =	ssyncadd.s32 $0xFFFFC000  }
0x5a: {  	[spmem:s1] =	stream.indirect.scatter.add.f32 [tilespmem:s24], [sflag:$0x4], $0x80, s6, s22, $0xb8;
	[tilespmem:$0x1D000] =	vst v63  }
0x5b: {  	_ =	swait.ge [sflag:s29], $0x4000  }
0x5c: {  	[sflag:s29] =	ssyncset.done $0x0  }
0x5d: {  	s6 =	sor.u32 $0x180, s25;
	[sflag:s29] =	ssyncadd.s32 $0xFFFFC000  }
0x5e: {  	[tilespmem:s24], [sflag:$0x2] =	stream.indirect.gather [hbm4b:s11+s22], $0x80, s6, s22, $0xb8;
	[tilespmem:$0x1D000] =	vst v63  }
0x5f: {  	_ =	swait.ge [sflag:s28], $0x4000  }
0x60: {  	[sflag:s28] =	ssyncset.done $0x0  }
0x61: {  	s6 =	sor.u32 $0x900, s25;
	[sflag:s28] =	ssyncadd.s32 $0xFFFFC000  }
0x62: {  	[spmem:s1] =	stream.indirect.scatter.add.f32 [tilespmem:s23], [sflag:$0x4], $0x80, s6, s22, $0xb8;
	[tilespmem:$0x1D000] =	vst v63  }
0x63: {  	_ =	swait.ge [sflag:s29], $0x4000  }
0x64: {  	[sflag:s29] =	ssyncset.done $0x0  }
0x65: {  	s6 =	sor.u32 $0x200, s25;
	[sflag:s29] =	ssyncadd.s32 $0xFFFFC000  }
0x66: {  	[tilespmem:s23], [sflag:$0x1] =	stream.indirect.gather [hbm4b:s11+s22], $0x80, s6, s22, $0xb8;
	[tilespmem:$0x1D000] =	vst v63  }
0x67: {  	_ =	swait.ge [sflag:s30], $0x4000  }
0x68: {  	[sflag:s30] =	ssyncset.done $0x0  }
0x69: {  	s6 =	sor.u32 $0x980, s25;
	[sflag:s30] =	ssyncadd.s32 $0xFFFFC000  }
0x6a: {  	[spmem:s1] =	stream.indirect.scatter.add.f32 [tilespmem:s24], [sflag:$0x4], $0x80, s6, s22, $0xb8;
	[tilespmem:$0x1D000] =	vst v63  }
0x6b: {  	_ =	swait.ge [sflag:s29], $0x4000  }
0x6c: {  	[sflag:s29] =	ssyncset.done $0x0  }
0x6d: {  	s6 =	sor.u32 $0x280, s25;
	[sflag:s29] =	ssyncadd.s32 $0xFFFFC000  }
0x6e: {  	[tilespmem:s24], [sflag:$0x2] =	stream.indirect.gather [hbm4b:s11+s22], $0x80, s6, s22, $0xb8;
	[tilespmem:$0x1D000] =	vst v63  }
0x6f: {  	_ =	swait.ge [sflag:s28], $0x4000  }
0x70: {  	[sflag:s28] =	ssyncset.done $0x0  }
0x71: {  	s6 =	sor.u32 $0xA00, s25;
	[sflag:s28] =	ssyncadd.s32 $0xFFFFC000  }
0x72: {  	[spmem:s1] =	stream.indirect.scatter.add.f32 [tilespmem:s23], [sflag:$0x4], $0x80, s6, s22, $0xb8;
	[tilespmem:$0x1D000] =	vst v63  }
0x73: {  	_ =	swait.ge [sflag:s29], $0x4000  }
0x74: {  	[sflag:s29] =	ssyncset.done $0x0  }
0x75: {  	s6 =	sor.u32 $0x300, s25;
	[sflag:s29] =	ssyncadd.s32 $0xFFFFC000  }
0x76: {  	[tilespmem:s23], [sflag:$0x1] =	stream.indirect.gather [hbm4b:s11+s22], $0x80, s6, s22, $0xb8;
	[tilespmem:$0x1D000] =	vst v63  }
0x77: {  	_ =	swait.ge [sflag:s30], $0x4000  }
0x78: {  	[sflag:s30] =	ssyncset.done $0x0  }
0x79: {  	s6 =	sor.u32 $0xA80, s25;
	[sflag:s30] =	ssyncadd.s32 $0xFFFFC000  }
0x7a: {  	[spmem:s1] =	stream.indirect.scatter.add.f32 [tilespmem:s24], [sflag:$0x4], $0x80, s6, s22, $0xb8;
	[tilespmem:$0x1D000] =	vst v63  }
0x7b: {  	_ =	swait.ge [sflag:s29], $0x4000  }
0x7c: {  	[sflag:s29] =	ssyncset.done $0x0  }
0x7d: {  	s6 =	sor.u32 $0x380, s25;
	[sflag:s29] =	ssyncadd.s32 $0xFFFFC000  }
0x7e: {  	[tilespmem:s24], [sflag:$0x2] =	stream.indirect.gather [hbm4b:s11+s22], $0x80, s6, s22, $0xb8;
	[tilespmem:$0x1D000] =	vst v63  }
0x7f: {  	_ =	swait.ge [sflag:s28], $0x4000  }
0x80: {  	p0 =	seq.s32 s15, $0x13;
	[sflag:s28] =	ssyncset.done $0x0  }
.Ltmp2:
0x81: {  	s6 =	sor.u32 $0xB00, s25;
	[sflag:s28] =	ssyncadd.s32 $0xFFFFC000;
	(pc) =	sbr.rel @p0 .LBB2_6-.Ltmp2, $4  }
0x82: {  	[spmem:s1] =	stream.indirect.scatter.add.f32 [tilespmem:s23], [sflag:$0x4], $0x80, s6, s22, $0xb8;
	[tilespmem:$0x1D000] =	vst v63  }
0x83: {  	_ =	swait.ge [sflag:s29], $0x4000  }
0x84: {  	[sflag:s29] =	ssyncset.done $0x0  }
0x85: {  	[sflag:s29] =	ssyncadd.s32 $0xFFFFC000  }
0x86: {  	s5 =	sxor.u32 $0x400, s25  }
0x87: {  	[tilespmem:s23], [sflag:$0x1] =	stream.indirect.gather [hbm4b:s11+s22], $0x80, s5, s22, $0xb8;
	[tilespmem:$0x1D000] =	vst v63  }
0x88: {  	_ =	swait.ge [sflag:s30], $0x4000  }
0x89: {  	[sflag:s30] =	ssyncset.done $0x0  }
0x8a: {  	s6 =	sadd.s32 $0xB80, s25;
	[sflag:s30] =	ssyncadd.s32 $0xFFFFC000  }
0x8b: {  	[spmem:s1] =	stream.indirect.scatter.add.f32 [tilespmem:s24], [sflag:$0x4], $0x80, s6, s22, $0xb8;
	[tilespmem:$0x1D000] =	vst v63  }
0x8c: {  	_ =	swait.ge [sflag:s29], $0x4000  }
0x8d: {  	[sflag:s29] =	ssyncset.done $0x0  }
0x8e: {  	p0 =	slt.u32 s15, $0x12;
	s5 =	sor.u32 $0x80, s5;
	[sflag:s29] =	ssyncadd.s32 $0xFFFFC000  }
0x8f: {  	[tilespmem:s24], [sflag:$0x2] =	stream.indirect.gather [hbm4b:s11+s22], $0x80, s5, s22, $0xb8;
	[tilespmem:$0x1D000] =	vst v63  }
0x90: {  	s6 =	simm.s32 @p0 $0x4;
	s5 =	simm.s32 @p0 $0x0  }
0x91: {  	[tilespmem:s25], [sflag:$0x4] =	stream.linear.gather @p0 [hbm4b:s13+s5], $0x400, $0x38;
	[tilespmem:$0x1D000] =	vst v63  }
0x92: {  	_ =	swait.ge @p0 [sflag:s6], $0x400  }
0x93: {  	[sflag:s6] =	ssyncset.done @p0 $0x0  }
0x94: {  	[sflag:s6] =	ssyncadd.s32 @p0 $0xFFFFFC00  }
0x95: {  	[tilespmem:s26], [sflag:$0x3] =	stream.linear.gather @p0 [hbm4b:s12+s5], $0x400, $0x38;
	[tilespmem:$0x1D000] =	vst v63  }
0x96: {  	s5 =	simm.s32 @p0 $0x3  }
0x97: {  	_ =	swait.ge @p0 [sflag:s5], $0x400  }
0x98: {  	s15 =	sadd.s32 $0x1, s15;
	[sflag:s5] =	ssyncset.done @p0 $0x0  }
0x99: {  	[sflag:s5] =	ssyncadd.s32 @p0 $0xFFFFFC00;
	p0 =	sne.s32 s15, $0x14  }
.Ltmp3:
0x9a: {  	_ = 	snop;
	(pc) =	sbr.rel @p0 .LBB2_2-.Ltmp3, $4  }
.Ltmp4:
0x9b: {  	_ = 	snop;
	(pc) =	sbr.rel @!p0 .LBB2_4-.Ltmp4, $4  }
0x9c: {  	_ = 	snop  }
0x9d: {  	_ = 	snop  }
0x9e: {  	s13 =	sadd.s32 $0x80, s13;
	s12 =	sadd.s32 $0x80, s12  }
0x9f: {  	_ = 	snop  }
.LBB2_5:
0xa0: {  	_ =	sfence.sel $0x180000  }
0xa1: {  	[bflag:$0x0] =	sbarrier.arrive $0xFFFF  }
0xa2: {  	_ =	strace $0x90000050  }
0xa3: {  	s0 =	stileid.u32;
	[bflag:$0x2] =	sbarrier.arrive $0xFFFF  }
0xa4: {  	p0 =	sne.s32 s0, $0x0;
	s0 =	rddreg [dreg:$0x2]  }
0xa5: {  	s0 =	sadd.s32 @!p0 $0x100000, s0  }
0xa6: {  	[sflag:s0] =	ssyncadd.tile.s32 @!p0 $0x1;
	_ =	shalt  }
.Lfunc_end2:
_tile_overlayer_lowered:
.L_overlay_start_2:
0xa7: {  	(tag) =	ssettag $0x2  }
0xa8: {  	s0 =	rddreg [dreg:$0x0];
	s2 =	stileid.u32  }
0xa9: {  	s1 =	rddreg [dreg:$0x1];
	p0 =	sne.s32 s2, $0x0  }
0xaa: {  	s3 =	rddreg [dreg:$0x2];
	[bflag:$0x3] =	sbarrier.arrive $0xFFFF;
	s2 =	simm.s32 @!p0 $0x1C03  }
0xab: {  	[timem:s3], [sflag:s2] =	dma.local @!p0 [hbm:s0], s1  }
0xac: {  	s0 =	simm.s32 @!p0 $0x3  }
0xad: {  	_ =	swait.ge @!p0 [sflag:s0], s1  }
0xae: {  	s1 =	ssub.s32 @!p0 $0x0, s1;
	[sflag:s0] =	ssyncset.done @!p0 $0x0  }
0xaf: {  	[sflag:s0] =	ssyncadd.s32 @!p0 s1  }
0xb0: {  	[bflag:$0x3] =	sbarrier.arrive $0xFFFF  }
0xb1: {  	_ =	shalt  }

</sc_bundles>
